<compile_context>
chip_gen: v7x
topology: tpu7x:2x2x1
jax: 0.10.2.dev20260603
libtpu: 0.0.44.dev20260713+nightly
codegen_flags: <defaults>
</compile_context>

<pallas_src>
import jax
import jax.numpy as jnp
from jax import lax
from jax.experimental import pallas as pl
from jax.experimental.pallas import tpu as pltpu
from jax.experimental.pallas import tpu_sc as plsc

N = 10000
E = 160000
IN_DIM = 256
HIDDEN = 512
OUT_DIM = 256
SPE = 64
M = 8
ALPHA = 0.5

NP_ = 10240
RB = 512
GRID = NP_ // RB
NSC = 2
NTILE = 16
TR = NP_ // NTILE
K = 128
NIT = 80
NH = 40
EP = NTILE * NIT * K


def _relu(x):
    return jnp.maximum(x, 0.0)


def _rsqrt_deg(cnt_blk):
    return lax.rsqrt(jnp.maximum(cnt_blk[:, :1], 1.0))


def _dot(a, b):
    return jnp.dot(a, b, preferred_element_type=jnp.float32)



def _embed_body(ev8, evec, se, h, cs, wh, bh,
                pw1, pb1, pw2, pb2, pw3, pb3, pw4, pb4,
                sw1, sb1, sw2, sb2, sw3, sb3, sw4, sb4,
                w1g, out):
    dout = _rsqrt_deg(cs[...])
    x = _relu(_dot(evec[...], pw1[M:, :]) + (_dot(ev8[...], pw1[:M, :]) + pb1[...]))
    x = _relu(_dot(x, pw2[...]) + pb2[...])
    x = _relu(_dot(x, pw3[...]) + pb3[...])
    pe = _dot(x, pw4[...]) + pb4[...]
    x = _relu(_dot(se[...], sw1[...]) + sb1[...])
    x = _relu(_dot(x, sw2[...]) + sb2[...])
    x = _relu(_dot(x, sw3[...]) + sb3[...])
    sev = _dot(x, sw4[...]) + sb4[...]
    spe = (1.0 - ALPHA) * pe + ALPHA * sev
    hh = _dot(h[...], wh[...]) + bh[...]
    hhf = jnp.concatenate([hh, spe], axis=1)
    y = _dot(hhf * dout, w1g[...])
    for c in range(4):
        out[c, :, :] = y[:, c * 128:(c + 1) * 128]


def _full(shape):
    return pl.BlockSpec(shape, lambda i: (0,) * len(shape))


def _embed(hp, ev8, evp, sep, cnt, W_h, b_h, pe_params, se_params, W1g):
    pe_flat, se_flat = [], []
    for (w, b) in pe_params:
        pe_flat += [w, b.reshape(1, -1)]
    for (w, b) in se_params:
        se_flat += [w, b.reshape(1, -1)]
    in_specs = [
        _full((1, M)),
        pl.BlockSpec((RB, M), lambda i: (i, 0)),
        pl.BlockSpec((RB, 16), lambda i: (i, 0)),
        pl.BlockSpec((RB, IN_DIM), lambda i: (i, 0)),
        pl.BlockSpec((RB, 128), lambda i: (i, 0)),
        _full(W_h.shape), _full((1, HIDDEN - SPE)),
    ] + [_full(a.shape) for a in pe_flat] + [_full(a.shape) for a in se_flat] + [
        _full(W1g.shape),
    ]
    return pl.pallas_call(
        _embed_body,
        grid=(GRID,),
        in_specs=in_specs,
        out_specs=pl.BlockSpec((4, RB, 128), lambda i: (0, i, 0)),
        out_shape=jax.ShapeDtypeStruct((4, NP_, 128), jnp.float32),
    )(ev8, evp, sep, hp, cnt, W_h, b_h.reshape(1, -1), *pe_flat, *se_flat, W1g)


def _layer_body(agg, cd, cs, bprev, w, out):
    din = _rsqrt_deg(cd[...])
    dout = _rsqrt_deg(cs[...])
    x = jnp.concatenate([agg[c] for c in range(4)], axis=1)
    x = _relu(x * din + bprev[...]) * dout
    y = _dot(x, w[...])
    for c in range(y.shape[1] // 128):
        out[c, :, :] = y[:, c * 128:(c + 1) * 128]


def _layer(agg4, cnt, b_prev, W):
    co = W.shape[1] // 128
    return pl.pallas_call(
        _layer_body,
        grid=(GRID,),
        in_specs=[
            pl.BlockSpec((4, RB, 128), lambda i: (0, i, 0)),
            pl.BlockSpec((RB, 128), lambda i: (i + GRID, 0)),
            pl.BlockSpec((RB, 128), lambda i: (i, 0)),
            _full((1, HIDDEN)),
            _full(W.shape),
        ],
        out_specs=pl.BlockSpec((co, RB, 128), lambda i: (0, i, 0)),
        out_shape=jax.ShapeDtypeStruct((co, NP_, 128), jnp.float32),
    )(agg4, cnt, cnt, b_prev.reshape(1, -1), W)


def _final_body(agg, cd, b, out):
    din = _rsqrt_deg(cd[...])
    x = jnp.concatenate([agg[c] for c in range(2)], axis=1)
    out[...] = x * din + b[...]


def _final(agg2, cnt, b):
    return pl.pallas_call(
        _final_body,
        grid=(GRID,),
        in_specs=[
            pl.BlockSpec((2, RB, 128), lambda i: (0, i, 0)),
            pl.BlockSpec((RB, 128), lambda i: (i + GRID, 0)),
            _full((1, OUT_DIM)),
        ],
        out_specs=pl.BlockSpec((RB, OUT_DIM), lambda i: (i, 0)),
        out_shape=jax.ShapeDtypeStruct((N, OUT_DIM), jnp.float32),
    )(agg2, cnt, b.reshape(1, -1))



_MESH = plsc.VectorSubcoreMesh(core_axis_name="c", subcore_axis_name="s")


def _bincount_kernel(idx_hbm, ones_hbm, zeros_hbm, cnt_hbm, idx2d, ones_v, acc, sem):
    cid = lax.axis_index("c")
    sid = lax.axis_index("s")
    pltpu.sync_copy(ones_hbm, ones_v)
    pltpu.sync_copy(idx_hbm.at[pl.ds((cid * NTILE + sid) * NIT, NIT)], idx2d)
    pltpu.sync_copy(zeros_hbm, acc.at[pl.ds(sid * TR, TR)])
    plsc.subcore_barrier()

    @pl.loop(0, NIT, step=8)
    def _(j):
        for b in range(8):
            pltpu.async_copy(ones_v, acc.at[idx2d.at[j + b]], sem, add=True)
        for b in range(8):
            pltpu.make_async_copy(ones_v, acc.at[idx2d.at[0]], sem).wait()

    plsc.subcore_barrier()
    pltpu.sync_copy(acc.at[pl.ds(sid * TR, TR)],
                    cnt_hbm.at[pl.ds(cid * NP_ + sid * TR, TR)])


def _bincount(idx2):
    ones = jnp.ones((K, 128), jnp.float32)
    zeros = jnp.zeros((TR, 128), jnp.float32)
    f = pl.kernel(
        _bincount_kernel,
        out_type=jax.ShapeDtypeStruct((2 * NP_, 128), jnp.float32),
        mesh=_MESH,
        scratch_types=[
            pltpu.VMEM((NIT, K), jnp.int32),
            pltpu.VMEM((K, 128), jnp.float32),
            pltpu.VMEM_SHARED((NP_, 128), jnp.float32),
            pltpu.SemaphoreType.DMA,
        ],
    )
    return f(idx2.reshape(2 * NTILE * NIT, K), ones, zeros)


def _make_segsum(C):
    CPC = C // NSC

    def body(srcoff_hbm, dst_hbm, y_hbm, zeros_hbm, out_hbm,
             src2d, dst2d, rows0, rows1, acc, gsem, ssem0, ssem1):
        cid = lax.axis_index("c")
        sid = lax.axis_index("s")
        for k in range(CPC):
            c = cid * CPC + k
            off = c * NP_
            pltpu.sync_copy(zeros_hbm, acc.at[pl.ds(sid * TR, TR)])
            plsc.subcore_barrier()

            for half in range(2):
                hrow = half * NH
                pltpu.sync_copy(
                    srcoff_hbm.at[pl.ds((c * NTILE + sid) * NIT + hrow, NH)],
                    src2d)
                pltpu.sync_copy(dst_hbm.at[pl.ds(sid * NIT + hrow, NH)], dst2d)

                @pl.loop(0, NH, step=2)
                def _(j):
                    @pl.when(j > 0)
                    def _():
                        pltpu.make_async_copy(rows0, acc.at[dst2d.at[0]], ssem0).wait()
                    pltpu.async_copy(y_hbm.at[src2d.at[j]], rows0, gsem).wait()
                    pltpu.async_copy(rows0, acc.at[dst2d.at[j]], ssem0, add=True)

                    @pl.when(j > 1)
                    def _():
                        pltpu.make_async_copy(rows1, acc.at[dst2d.at[0]], ssem1).wait()
                    pltpu.async_copy(y_hbm.at[src2d.at[j + 1]], rows1, gsem).wait()
                    pltpu.async_copy(rows1, acc.at[dst2d.at[j + 1]], ssem1, add=True)

                pltpu.make_async_copy(rows0, acc.at[dst2d.at[0]], ssem0).wait()
                pltpu.make_async_copy(rows1, acc.at[dst2d.at[0]], ssem1).wait()

            plsc.subcore_barrier()
            pltpu.sync_copy(acc.at[pl.ds(sid * TR, TR)],
                            out_hbm.at[pl.ds(off + sid * TR, TR)])

    return pl.kernel(
        body,
        out_type=jax.ShapeDtypeStruct((C * NP_, 128), jnp.float32),
        mesh=_MESH,
        scratch_types=[
            pltpu.VMEM((NH, K), jnp.int32),
            pltpu.VMEM((NH, K), jnp.int32),
            pltpu.VMEM((K, 128), jnp.float32),
            pltpu.VMEM((K, 128), jnp.float32),
            pltpu.VMEM_SHARED((NP_, 128), jnp.float32),
            pltpu.SemaphoreType.DMA,
            pltpu.SemaphoreType.DMA,
            pltpu.SemaphoreType.DMA,
        ],
    )


def _pad_rows(x, rows):
    return jnp.concatenate(
        [x, jnp.zeros((rows - x.shape[0],) + x.shape[1:], x.dtype)], axis=0)


def kernel(h, edge_index, EigVals, EigVecs, SE, W_h, b_h, pe_params, se_params, gc_params):
    src = edge_index[0].astype(jnp.int32)
    dst = edge_index[1].astype(jnp.int32)
    padn = EP - E
    srcp = jnp.concatenate([src, jnp.full((padn,), NP_ - 1, jnp.int32)])
    dstp = jnp.concatenate([dst, jnp.full((padn,), NP_ - 1, jnp.int32)])
    idx2 = jnp.concatenate([srcp, dstp])

    cnt = _bincount(idx2)

    srcoff = jnp.concatenate([srcp + c * NP_ for c in range(4)])

    hp = _pad_rows(h, NP_)
    evp = _pad_rows(EigVecs[:, :M], NP_)
    sep = _pad_rows(SE, NP_)
    ev8 = EigVals[:M].reshape(1, M)

    zeros = jnp.zeros((TR, 128), jnp.float32)
    seg4 = _make_segsum(4)
    seg2 = _make_segsum(2)

    y = _embed(hp, ev8, evp, sep, cnt, W_h, b_h, pe_params, se_params, gc_params[0][0])
    srcoff2d = srcoff.reshape(4 * NTILE * NIT, K)
    dstp2d = dstp.reshape(NTILE * NIT, K)
    agg = seg4(srcoff2d, dstp2d, y.reshape(4 * NP_, 128), zeros)
    for i in (1, 2):
        y = _layer(agg.reshape(4, NP_, 128), cnt, gc_params[i - 1][1], gc_params[i][0])
        agg = seg4(srcoff2d, dstp2d, y.reshape(4 * NP_, 128), zeros)
    y = _layer(agg.reshape(4, NP_, 128), cnt, gc_params[2][1], gc_params[3][0])
    agg = seg2(srcoff2d, dstp2d, y.reshape(2 * NP_, 128), zeros)
    return _final(agg.reshape(2, NP_, 128), cnt, gc_params[3][1])

# --- scband reference (transcript-rebuilt; emitter-appended) ---
"""Pipeline reference for scband-gcnnet-32521492365602 (READ-ONLY COPY).

The authoritative reference and input builder live on the scoring server;
editing this copy changes nothing except your own understanding.
"""

import jax, jax.numpy as jnp
import numpy as np

N = 10000
E = 160000
IN_DIM = 256
HIDDEN = 512
OUT_DIM = 256
SPE = 64
M = 8
K_SE = 16
ALPHA = 0.5
N_LAYERS = 4


def _glorot(key, fan_in, fan_out):
    lim = float(np.sqrt(6.0 / (fan_in + fan_out)))
    return jax.random.uniform(key, (fan_in, fan_out), jnp.float32, -lim, lim)


def _mlp_params(key, dims):
    params = []
    for i in range(len(dims) - 1):
        key, k1 = jax.random.split(key)
        params.append((_glorot(k1, dims[i], dims[i + 1]), jnp.zeros((dims[i + 1],), jnp.float32)))
    return params


def setup_inputs(seed: int = 0):
    key = jax.random.key(seed)
    ks = jax.random.split(key, 12)
    h = jax.random.normal(ks[0], (N, IN_DIM), jnp.float32)
    edge_index = jax.random.randint(ks[1], (2, E), 0, N, jnp.int32)
    EigVals = jax.random.normal(ks[2], (N,), jnp.float32)
    EigVecs = jax.random.normal(ks[3], (N, M), jnp.float32)
    SE = jax.random.normal(ks[4], (N, K_SE), jnp.float32)
    W_h = _glorot(ks[5], IN_DIM, HIDDEN - SPE)
    b_h = jnp.zeros((HIDDEN - SPE,), jnp.float32)
    pe_params = _mlp_params(ks[6], [2 * M, HIDDEN, HIDDEN, HIDDEN, SPE])
    se_params = _mlp_params(ks[7], [K_SE, HIDDEN, HIDDEN, HIDDEN, SPE])
    gc_dims = [HIDDEN] * N_LAYERS + [OUT_DIM]
    gc_params = []
    kk = ks[8]
    for i in range(N_LAYERS):
        kk, k1 = jax.random.split(kk)
        gc_params.append((_glorot(k1, gc_dims[i], gc_dims[i + 1]), jnp.zeros((gc_dims[i + 1],), jnp.float32)))
    return {"h": h, "edge_index": edge_index, "EigVals": EigVals, "EigVecs": EigVecs, "SE": SE,
            "W_h": W_h, "b_h": b_h, "pe_params": pe_params, "se_params": se_params, "gc_params": gc_params}


def _mlp(params, x):
    n = len(params)
    for i, (W, b) in enumerate(params):
        x = x @ W + b
        if i < n - 1:
            x = jax.nn.relu(x)
    return x


def _graph_conv(x, W, b, src, dst, dout, din, act):
    # DGL GraphConv with norm='both': D_out^{-1/2} A^T D_in^{-1/2} semantics
    x = x * dout[:, None]
    x = x @ W
    agg = jax.ops.segment_sum(x[src], dst, num_segments=N)
    agg = agg * din[:, None]
    out = agg + b
    if act:
        out = jax.nn.relu(out)
    return out


def reference(h, edge_index, EigVals, EigVecs, SE, W_h, b_h, pe_params, se_params, gc_params):
    src = edge_index[0]
    dst = edge_index[1]
    dout = jnp.power(jnp.maximum(jnp.bincount(src, length=N).astype(jnp.float32), 1.0), -0.5)
    din = jnp.power(jnp.maximum(jnp.bincount(dst, length=N).astype(jnp.float32), 1.0), -0.5)
    # PE: first m eigvals broadcast to all nodes, concat with first m eigvec cols
    mEigVals = jnp.tile(EigVals[:M][None, :], (N, 1))
    PE_raw = jnp.concatenate([mEigVals, EigVecs[:, :M]], axis=1)
    h_pe = _mlp(pe_params, PE_raw)
    h_se = _mlp(se_params, SE)
    h_spe = (1.0 - ALPHA) * h_pe + ALPHA * h_se  # learn_alpha = False path
    hh = h @ W_h + b_h
    hh = jnp.concatenate([hh, h_spe], axis=1)
    nL = len(gc_params)
    for i, (W, b) in enumerate(gc_params):
        hh = _graph_conv(hh, W, b, src, dst, dout, din, i < nL - 1)
    return hh

if __name__ == "__main__":
    import jax
    _d = setup_inputs()
    print(jax.jit(kernel)(*tuple(_d.values())))

</pallas_src>

<mosaic_0001>
#map = affine_map<(d0, d1) -> (0, 0)>
module attributes {stable_mosaic.version = 14 : i64} {
  func.func @_bincount_kernel(%arg0: i32, %arg1: i32, %arg2: memref<2560x128xi32, #tpu.memory_space<hbm>>, %arg3: memref<128x128xf32, #tpu.memory_space<hbm>>, %arg4: memref<640x128xf32, #tpu.memory_space<hbm>>, %arg5: memref<20480x128xf32, #tpu.memory_space<hbm>>, %arg6: memref<80x128xi32, #tpu.memory_space<vmem>>, %arg7: memref<128x128xf32, #tpu.memory_space<vmem>>, %arg8: memref<10240x128xf32, #tpu.memory_space<vmem_shared>>, %arg9: memref<!tpu.dma_semaphore, #tpu.memory_space<semaphore_mem>>) attributes {dimension_semantics = [#tpu.dimension_semantics<core_parallel>, #tpu.dimension_semantics<subcore_parallel>], iteration_bounds = array<i64: 2, 16>, scalar_prefetch = 0 : i64, scratch_operands = 4 : i64, tpu.core_type = #tpu.core_type<sc_vector_subcore>, window_params = [{transform_indices = #map}, {transform_indices = #map}, {transform_indices = #map}, {transform_indices = #map}]} {
    "tpu.region"() ({
      %run_scoped3A = tpu.sem_alloc : memref<!tpu.dma_semaphore, #tpu.memory_space<semaphore_mem>>
      tpu.enqueue_dma source(%arg3 : memref<128x128xf32, #tpu.memory_space<hbm>>) target(%arg7 : memref<128x128xf32, #tpu.memory_space<vmem>>) target_semaphore(%run_scoped3A : memref<!tpu.dma_semaphore, #tpu.memory_space<semaphore_mem>>)
      tpu.wait_dma2 semaphore(%run_scoped3A : memref<!tpu.dma_semaphore, #tpu.memory_space<semaphore_mem>>) src(%arg3 : memref<128x128xf32, #tpu.memory_space<hbm>>) dst(%arg7 : memref<128x128xf32, #tpu.memory_space<vmem>>)
      tpu.yield
    }) : () -> ()
    %mul3A = arith.constant 16 : i32
    %mul3A_0 = arith.muli %arg0, %mul3A : i32
    %add3A = arith.addi %mul3A_0, %arg1 : i32
    %mul3A_1 = arith.constant 80 : i32
    %mul3A_2 = arith.muli %add3A, %mul3A_1 : i32
    "tpu.region"() ({
      %run_scoped3A = tpu.sem_alloc : memref<!tpu.dma_semaphore, #tpu.memory_space<semaphore_mem>>
      %dma_start3A = arith.constant 0 : i32
      %dma_start3A_17 = tpu.memref_slice %arg2[%mul3A_2, %dma_start3A] : memref<2560x128xi32, #tpu.memory_space<hbm>> -> memref<80x128xi32, #tpu.memory_space<hbm>>
      %dma_start3A_18 = arith.constant 0 : i32
      %dma_start3A_19 = tpu.memref_slice %arg2[%mul3A_2, %dma_start3A_18] : memref<2560x128xi32, #tpu.memory_space<hbm>> -> memref<80x128xi32, #tpu.memory_space<hbm>>
      tpu.enqueue_dma source(%dma_start3A_19 : memref<80x128xi32, #tpu.memory_space<hbm>>) target(%arg6 : memref<80x128xi32, #tpu.memory_space<vmem>>) target_semaphore(%run_scoped3A : memref<!tpu.dma_semaphore, #tpu.memory_space<semaphore_mem>>)
      %dma_wait3A = arith.constant 0 : i32
      %dma_wait3A_20 = tpu.memref_slice %arg2[%mul3A_2, %dma_wait3A] : memref<2560x128xi32, #tpu.memory_space<hbm>> -> memref<80x128xi32, #tpu.memory_space<hbm>>
      %dma_wait3A_21 = arith.constant 0 : i32
      %dma_wait3A_22 = tpu.memref_slice %arg2[%mul3A_2, %dma_wait3A_21] : memref<2560x128xi32, #tpu.memory_space<hbm>> -> memref<80x128xi32, #tpu.memory_space<hbm>>
      tpu.wait_dma2 semaphore(%run_scoped3A : memref<!tpu.dma_semaphore, #tpu.memory_space<semaphore_mem>>) src(%dma_wait3A_22 : memref<80x128xi32, #tpu.memory_space<hbm>>) dst(%arg6 : memref<80x128xi32, #tpu.memory_space<vmem>>)
      tpu.yield
    }) : () -> ()
    %mul3A_3 = arith.constant 640 : i32
    %mul3A_4 = arith.muli %arg1, %mul3A_3 : i32
    "tpu.region"() ({
      %run_scoped3A = tpu.sem_alloc : memref<!tpu.dma_semaphore, #tpu.memory_space<semaphore_mem>>
      %dma_start3A = arith.constant 0 : i32
      %dma_start3A_17 = tpu.memref_slice %arg8[%mul3A_4, %dma_start3A] : memref<10240x128xf32, #tpu.memory_space<vmem_shared>> -> memref<640x128xf32, #tpu.memory_space<vmem_shared>>
      tpu.enqueue_dma source(%arg4 : memref<640x128xf32, #tpu.memory_space<hbm>>) target(%dma_start3A_17 : memref<640x128xf32, #tpu.memory_space<vmem_shared>>) target_semaphore(%run_scoped3A : memref<!tpu.dma_semaphore, #tpu.memory_space<semaphore_mem>>)
      %dma_wait3A = arith.constant 0 : i32
      %dma_wait3A_18 = tpu.memref_slice %arg8[%mul3A_4, %dma_wait3A] : memref<10240x128xf32, #tpu.memory_space<vmem_shared>> -> memref<640x128xf32, #tpu.memory_space<vmem_shared>>
      tpu.wait_dma2 semaphore(%run_scoped3A : memref<!tpu.dma_semaphore, #tpu.memory_space<semaphore_mem>>) src(%arg4 : memref<640x128xf32, #tpu.memory_space<hbm>>) dst(%dma_wait3A_18 : memref<640x128xf32, #tpu.memory_space<vmem_shared>>)
      tpu.yield
    }) : () -> ()
    %barrier3A = arith.constant 0 : index
    tpu.barrier barrier_id(%barrier3A)
    %scan3A = arith.constant 0 : i32
    %scan3A_5 = arith.constant 10 : i32
    %scan3A_6 = arith.addi %scan3A, %scan3A_5 : i32
    %scan3A_7 = arith.constant 1 : i32
    scf.for %scan3A_17 = %scan3A to %scan3A_6 step %scan3A_7  : i32 {
      %mul3A_18 = arith.constant 8 : i32
      %mul3A_19 = arith.muli %scan3A_17, %mul3A_18 : i32
      %add3A_20 = arith.constant 0 : i32
      %add3A_21 = arith.addi %add3A_20, %mul3A_19 : i32
      %add3A_22 = arith.constant 0 : i32
      %add3A_23 = arith.addi %add3A_21, %add3A_22 : i32
      %dma_start3A = arith.constant 0 : i32
      %dma_start3A_24 = tpu.memref_slice %arg6[%add3A_23, %dma_start3A] : memref<80x128xi32, #tpu.memory_space<vmem>> -> memref<1x128xi32, #tpu.memory_space<vmem>>
      %dma_start3A_25 = tpu.memref_squeeze %dma_start3A_24 : memref<1x128xi32, #tpu.memory_space<vmem>> -> memref<128xi32, #tpu.memory_space<vmem>>
      %dma_start3A_26 = arith.constant 0 : i32
      %dma_start3A_27 = arith.constant 0 : i32
      %dma_start3A_28 = tpu.memref_slice %arg8[%dma_start3A_26, %dma_start3A_27] : memref<10240x128xf32, #tpu.memory_space<vmem_shared>> -> memref<10240x128xf32, #tpu.memory_space<vmem_shared>>
      tpu.enqueue_indirect_dma source(%arg7 : memref<128x128xf32, #tpu.memory_space<vmem>>) target(%dma_start3A_28 : memref<10240x128xf32, #tpu.memory_space<vmem_shared>>) offsets(%dma_start3A_25 : memref<128xi32, #tpu.memory_space<vmem>>) semaphore(%arg9 : memref<!tpu.dma_semaphore, #tpu.memory_space<semaphore_mem>>) {add = true}
      %add3A_29 = arith.constant 1 : i32
      %add3A_30 = arith.addi %add3A_21, %add3A_29 : i32
      %dma_start3A_31 = arith.constant 0 : i32
      %dma_start3A_32 = tpu.memref_slice %arg6[%add3A_30, %dma_start3A_31] : memref<80x128xi32, #tpu.memory_space<vmem>> -> memref<1x128xi32, #tpu.memory_space<vmem>>
      %dma_start3A_33 = tpu.memref_squeeze %dma_start3A_32 : memref<1x128xi32, #tpu.memory_space<vmem>> -> memref<128xi32, #tpu.memory_space<vmem>>
      %dma_start3A_34 = arith.constant 0 : i32
      %dma_start3A_35 = arith.constant 0 : i32
      %dma_start3A_36 = tpu.memref_slice %arg8[%dma_start3A_34, %dma_start3A_35] : memref<10240x128xf32, #tpu.memory_space<vmem_shared>> -> memref<10240x128xf32, #tpu.memory_space<vmem_shared>>
      tpu.enqueue_indirect_dma source(%arg7 : memref<128x128xf32, #tpu.memory_space<vmem>>) target(%dma_start3A_36 : memref<10240x128xf32, #tpu.memory_space<vmem_shared>>) offsets(%dma_start3A_33 : memref<128xi32, #tpu.memory_space<vmem>>) semaphore(%arg9 : memref<!tpu.dma_semaphore, #tpu.memory_space<semaphore_mem>>) {add = true}
      %add3A_37 = arith.constant 2 : i32
      %add3A_38 = arith.addi %add3A_21, %add3A_37 : i32
      %dma_start3A_39 = arith.constant 0 : i32
      %dma_start3A_40 = tpu.memref_slice %arg6[%add3A_38, %dma_start3A_39] : memref<80x128xi32, #tpu.memory_space<vmem>> -> memref<1x128xi32, #tpu.memory_space<vmem>>
      %dma_start3A_41 = tpu.memref_squeeze %dma_start3A_40 : memref<1x128xi32, #tpu.memory_space<vmem>> -> memref<128xi32, #tpu.memory_space<vmem>>
      %dma_start3A_42 = arith.constant 0 : i32
      %dma_start3A_43 = arith.constant 0 : i32
      %dma_start3A_44 = tpu.memref_slice %arg8[%dma_start3A_42, %dma_start3A_43] : memref<10240x128xf32, #tpu.memory_space<vmem_shared>> -> memref<10240x128xf32, #tpu.memory_space<vmem_shared>>
      tpu.enqueue_indirect_dma source(%arg7 : memref<128x128xf32, #tpu.memory_space<vmem>>) target(%dma_start3A_44 : memref<10240x128xf32, #tpu.memory_space<vmem_shared>>) offsets(%dma_start3A_41 : memref<128xi32, #tpu.memory_space<vmem>>) semaphore(%arg9 : memref<!tpu.dma_semaphore, #tpu.memory_space<semaphore_mem>>) {add = true}
      %add3A_45 = arith.constant 3 : i32
      %add3A_46 = arith.addi %add3A_21, %add3A_45 : i32
      %dma_start3A_47 = arith.constant 0 : i32
      %dma_start3A_48 = tpu.memref_slice %arg6[%add3A_46, %dma_start3A_47] : memref<80x128xi32, #tpu.memory_space<vmem>> -> memref<1x128xi32, #tpu.memory_space<vmem>>
      %dma_start3A_49 = tpu.memref_squeeze %dma_start3A_48 : memref<1x128xi32, #tpu.memory_space<vmem>> -> memref<128xi32, #tpu.memory_space<vmem>>
      %dma_start3A_50 = arith.constant 0 : i32
      %dma_start3A_51 = arith.constant 0 : i32
      %dma_start3A_52 = tpu.memref_slice %arg8[%dma_start3A_50, %dma_start3A_51] : memref<10240x128xf32, #tpu.memory_space<vmem_shared>> -> memref<10240x128xf32, #tpu.memory_space<vmem_shared>>
      tpu.enqueue_indirect_dma source(%arg7 : memref<128x128xf32, #tpu.memory_space<vmem>>) target(%dma_start3A_52 : memref<10240x128xf32, #tpu.memory_space<vmem_shared>>) offsets(%dma_start3A_49 : memref<128xi32, #tpu.memory_space<vmem>>) semaphore(%arg9 : memref<!tpu.dma_semaphore, #tpu.memory_space<semaphore_mem>>) {add = true}
      %add3A_53 = arith.constant 4 : i32
      %add3A_54 = arith.addi %add3A_21, %add3A_53 : i32
      %dma_start3A_55 = arith.constant 0 : i32
      %dma_start3A_56 = tpu.memref_slice %arg6[%add3A_54, %dma_start3A_55] : memref<80x128xi32, #tpu.memory_space<vmem>> -> memref<1x128xi32, #tpu.memory_space<vmem>>
      %dma_start3A_57 = tpu.memref_squeeze %dma_start3A_56 : memref<1x128xi32, #tpu.memory_space<vmem>> -> memref<128xi32, #tpu.memory_space<vmem>>
      %dma_start3A_58 = arith.constant 0 : i32
      %dma_start3A_59 = arith.constant 0 : i32
      %dma_start3A_60 = tpu.memref_slice %arg8[%dma_start3A_58, %dma_start3A_59] : memref<10240x128xf32, #tpu.memory_space<vmem_shared>> -> memref<10240x128xf32, #tpu.memory_space<vmem_shared>>
      tpu.enqueue_indirect_dma source(%arg7 : memref<128x128xf32, #tpu.memory_space<vmem>>) target(%dma_start3A_60 : memref<10240x128xf32, #tpu.memory_space<vmem_shared>>) offsets(%dma_start3A_57 : memref<128xi32, #tpu.memory_space<vmem>>) semaphore(%arg9 : memref<!tpu.dma_semaphore, #tpu.memory_space<semaphore_mem>>) {add = true}
      %add3A_61 = arith.constant 5 : i32
      %add3A_62 = arith.addi %add3A_21, %add3A_61 : i32
      %dma_start3A_63 = arith.constant 0 : i32
      %dma_start3A_64 = tpu.memref_slice %arg6[%add3A_62, %dma_start3A_63] : memref<80x128xi32, #tpu.memory_space<vmem>> -> memref<1x128xi32, #tpu.memory_space<vmem>>
      %dma_start3A_65 = tpu.memref_squeeze %dma_start3A_64 : memref<1x128xi32, #tpu.memory_space<vmem>> -> memref<128xi32, #tpu.memory_space<vmem>>
      %dma_start3A_66 = arith.constant 0 : i32
      %dma_start3A_67 = arith.constant 0 : i32
      %dma_start3A_68 = tpu.memref_slice %arg8[%dma_start3A_66, %dma_start3A_67] : memref<10240x128xf32, #tpu.memory_space<vmem_shared>> -> memref<10240x128xf32, #tpu.memory_space<vmem_shared>>
      tpu.enqueue_indirect_dma source(%arg7 : memref<128x128xf32, #tpu.memory_space<vmem>>) target(%dma_start3A_68 : memref<10240x128xf32, #tpu.memory_space<vmem_shared>>) offsets(%dma_start3A_65 : memref<128xi32, #tpu.memory_space<vmem>>) semaphore(%arg9 : memref<!tpu.dma_semaphore, #tpu.memory_space<semaphore_mem>>) {add = true}
      %add3A_69 = arith.constant 6 : i32
      %add3A_70 = arith.addi %add3A_21, %add3A_69 : i32
      %dma_start3A_71 = arith.constant 0 : i32
      %dma_start3A_72 = tpu.memref_slice %arg6[%add3A_70, %dma_start3A_71] : memref<80x128xi32, #tpu.memory_space<vmem>> -> memref<1x128xi32, #tpu.memory_space<vmem>>
      %dma_start3A_73 = tpu.memref_squeeze %dma_start3A_72 : memref<1x128xi32, #tpu.memory_space<vmem>> -> memref<128xi32, #tpu.memory_space<vmem>>
      %dma_start3A_74 = arith.constant 0 : i32
      %dma_start3A_75 = arith.constant 0 : i32
      %dma_start3A_76 = tpu.memref_slice %arg8[%dma_start3A_74, %dma_start3A_75] : memref<10240x128xf32, #tpu.memory_space<vmem_shared>> -> memref<10240x128xf32, #tpu.memory_space<vmem_shared>>
      tpu.enqueue_indirect_dma source(%arg7 : memref<128x128xf32, #tpu.memory_space<vmem>>) target(%dma_start3A_76 : memref<10240x128xf32, #tpu.memory_space<vmem_shared>>) offsets(%dma_start3A_73 : memref<128xi32, #tpu.memory_space<vmem>>) semaphore(%arg9 : memref<!tpu.dma_semaphore, #tpu.memory_space<semaphore_mem>>) {add = true}
      %add3A_77 = arith.constant 7 : i32
      %add3A_78 = arith.addi %add3A_21, %add3A_77 : i32
      %dma_start3A_79 = arith.constant 0 : i32
      %dma_start3A_80 = tpu.memref_slice %arg6[%add3A_78, %dma_start3A_79] : memref<80x128xi32, #tpu.memory_space<vmem>> -> memref<1x128xi32, #tpu.memory_space<vmem>>
      %dma_start3A_81 = tpu.memref_squeeze %dma_start3A_80 : memref<1x128xi32, #tpu.memory_space<vmem>> -> memref<128xi32, #tpu.memory_space<vmem>>
      %dma_start3A_82 = arith.constant 0 : i32
      %dma_start3A_83 = arith.constant 0 : i32
      %dma_start3A_84 = tpu.memref_slice %arg8[%dma_start3A_82, %dma_start3A_83] : memref<10240x128xf32, #tpu.memory_space<vmem_shared>> -> memref<10240x128xf32, #tpu.memory_space<vmem_shared>>
      tpu.enqueue_indirect_dma source(%arg7 : memref<128x128xf32, #tpu.memory_space<vmem>>) target(%dma_start3A_84 : memref<10240x128xf32, #tpu.memory_space<vmem_shared>>) offsets(%dma_start3A_81 : memref<128xi32, #tpu.memory_space<vmem>>) semaphore(%arg9 : memref<!tpu.dma_semaphore, #tpu.memory_space<semaphore_mem>>) {add = true}
      %dma_wait3A = arith.constant 0 : i32
      %dma_wait3A_85 = arith.constant 0 : i32
      %dma_wait3A_86 = tpu.memref_slice %arg6[%dma_wait3A, %dma_wait3A_85] : memref<80x128xi32, #tpu.memory_space<vmem>> -> memref<1x128xi32, #tpu.memory_space<vmem>>
      %dma_wait3A_87 = tpu.memref_squeeze %dma_wait3A_86 : memref<1x128xi32, #tpu.memory_space<vmem>> -> memref<128xi32, #tpu.memory_space<vmem>>
      %dma_wait3A_88 = arith.constant 0 : i32
      %dma_wait3A_89 = arith.constant 0 : i32
      %dma_wait3A_90 = tpu.memref_slice %arg8[%dma_wait3A_88, %dma_wait3A_89] : memref<10240x128xf32, #tpu.memory_space<vmem_shared>> -> memref<10240x128xf32, #tpu.memory_space<vmem_shared>>
      tpu.wait_indirect_dma semaphore(%arg9 : memref<!tpu.dma_semaphore, #tpu.memory_space<semaphore_mem>>) src(%arg7 : memref<128x128xf32, #tpu.memory_space<vmem>>) dst(%dma_wait3A_90 : memref<10240x128xf32, #tpu.memory_space<vmem_shared>>)
      %dma_wait3A_91 = arith.constant 0 : i32
      %dma_wait3A_92 = arith.constant 0 : i32
      %dma_wait3A_93 = tpu.memref_slice %arg6[%dma_wait3A_91, %dma_wait3A_92] : memref<80x128xi32, #tpu.memory_space<vmem>> -> memref<1x128xi32, #tpu.memory_space<vmem>>
      %dma_wait3A_94 = tpu.memref_squeeze %dma_wait3A_93 : memref<1x128xi32, #tpu.memory_space<vmem>> -> memref<128xi32, #tpu.memory_space<vmem>>
      %dma_wait3A_95 = arith.constant 0 : i32
      %dma_wait3A_96 = arith.constant 0 : i32
      %dma_wait3A_97 = tpu.memref_slice %arg8[%dma_wait3A_95, %dma_wait3A_96] : memref<10240x128xf32, #tpu.memory_space<vmem_shared>> -> memref<10240x128xf32, #tpu.memory_space<vmem_shared>>
      tpu.wait_indirect_dma semaphore(%arg9 : memref<!tpu.dma_semaphore, #tpu.memory_space<semaphore_mem>>) src(%arg7 : memref<128x128xf32, #tpu.memory_space<vmem>>) dst(%dma_wait3A_97 : memref<10240x128xf32, #tpu.memory_space<vmem_shared>>)
      %dma_wait3A_98 = arith.constant 0 : i32
      %dma_wait3A_99 = arith.constant 0 : i32
      %dma_wait3A_100 = tpu.memref_slice %arg6[%dma_wait3A_98, %dma_wait3A_99] : memref<80x128xi32, #tpu.memory_space<vmem>> -> memref<1x128xi32, #tpu.memory_space<vmem>>
      %dma_wait3A_101 = tpu.memref_squeeze %dma_wait3A_100 : memref<1x128xi32, #tpu.memory_space<vmem>> -> memref<128xi32, #tpu.memory_space<vmem>>
      %dma_wait3A_102 = arith.constant 0 : i32
      %dma_wait3A_103 = arith.constant 0 : i32
      %dma_wait3A_104 = tpu.memref_slice %arg8[%dma_wait3A_102, %dma_wait3A_103] : memref<10240x128xf32, #tpu.memory_space<vmem_shared>> -> memref<10240x128xf32, #tpu.memory_space<vmem_shared>>
      tpu.wait_indirect_dma semaphore(%arg9 : memref<!tpu.dma_semaphore, #tpu.memory_space<semaphore_mem>>) src(%arg7 : memref<128x128xf32, #tpu.memory_space<vmem>>) dst(%dma_wait3A_104 : memref<10240x128xf32, #tpu.memory_space<vmem_shared>>)
      %dma_wait3A_105 = arith.constant 0 : i32
      %dma_wait3A_106 = arith.constant 0 : i32
      %dma_wait3A_107 = tpu.memref_slice %arg6[%dma_wait3A_105, %dma_wait3A_106] : memref<80x128xi32, #tpu.memory_space<vmem>> -> memref<1x128xi32, #tpu.memory_space<vmem>>
      %dma_wait3A_108 = tpu.memref_squeeze %dma_wait3A_107 : memref<1x128xi32, #tpu.memory_space<vmem>> -> memref<128xi32, #tpu.memory_space<vmem>>
      %dma_wait3A_109 = arith.constant 0 : i32
      %dma_wait3A_110 = arith.constant 0 : i32
      %dma_wait3A_111 = tpu.memref_slice %arg8[%dma_wait3A_109, %dma_wait3A_110] : memref<10240x128xf32, #tpu.memory_space<vmem_shared>> -> memref<10240x128xf32, #tpu.memory_space<vmem_shared>>
      tpu.wait_indirect_dma semaphore(%arg9 : memref<!tpu.dma_semaphore, #tpu.memory_space<semaphore_mem>>) src(%arg7 : memref<128x128xf32, #tpu.memory_space<vmem>>) dst(%dma_wait3A_111 : memref<10240x128xf32, #tpu.memory_space<vmem_shared>>)
      %dma_wait3A_112 = arith.constant 0 : i32
      %dma_wait3A_113 = arith.constant 0 : i32
      %dma_wait3A_114 = tpu.memref_slice %arg6[%dma_wait3A_112, %dma_wait3A_113] : memref<80x128xi32, #tpu.memory_space<vmem>> -> memref<1x128xi32, #tpu.memory_space<vmem>>
      %dma_wait3A_115 = tpu.memref_squeeze %dma_wait3A_114 : memref<1x128xi32, #tpu.memory_space<vmem>> -> memref<128xi32, #tpu.memory_space<vmem>>
      %dma_wait3A_116 = arith.constant 0 : i32
      %dma_wait3A_117 = arith.constant 0 : i32
      %dma_wait3A_118 = tpu.memref_slice %arg8[%dma_wait3A_116, %dma_wait3A_117] : memref<10240x128xf32, #tpu.memory_space<vmem_shared>> -> memref<10240x128xf32, #tpu.memory_space<vmem_shared>>
      tpu.wait_indirect_dma semaphore(%arg9 : memref<!tpu.dma_semaphore, #tpu.memory_space<semaphore_mem>>) src(%arg7 : memref<128x128xf32, #tpu.memory_space<vmem>>) dst(%dma_wait3A_118 : memref<10240x128xf32, #tpu.memory_space<vmem_shared>>)
      %dma_wait3A_119 = arith.constant 0 : i32
      %dma_wait3A_120 = arith.constant 0 : i32
      %dma_wait3A_121 = tpu.memref_slice %arg6[%dma_wait3A_119, %dma_wait3A_120] : memref<80x128xi32, #tpu.memory_space<vmem>> -> memref<1x128xi32, #tpu.memory_space<vmem>>
      %dma_wait3A_122 = tpu.memref_squeeze %dma_wait3A_121 : memref<1x128xi32, #tpu.memory_space<vmem>> -> memref<128xi32, #tpu.memory_space<vmem>>
      %dma_wait3A_123 = arith.constant 0 : i32
      %dma_wait3A_124 = arith.constant 0 : i32
      %dma_wait3A_125 = tpu.memref_slice %arg8[%dma_wait3A_123, %dma_wait3A_124] : memref<10240x128xf32, #tpu.memory_space<vmem_shared>> -> memref<10240x128xf32, #tpu.memory_space<vmem_shared>>
      tpu.wait_indirect_dma semaphore(%arg9 : memref<!tpu.dma_semaphore, #tpu.memory_space<semaphore_mem>>) src(%arg7 : memref<128x128xf32, #tpu.memory_space<vmem>>) dst(%dma_wait3A_125 : memref<10240x128xf32, #tpu.memory_space<vmem_shared>>)
      %dma_wait3A_126 = arith.constant 0 : i32
      %dma_wait3A_127 = arith.constant 0 : i32
      %dma_wait3A_128 = tpu.memref_slice %arg6[%dma_wait3A_126, %dma_wait3A_127] : memref<80x128xi32, #tpu.memory_space<vmem>> -> memref<1x128xi32, #tpu.memory_space<vmem>>
      %dma_wait3A_129 = tpu.memref_squeeze %dma_wait3A_128 : memref<1x128xi32, #tpu.memory_space<vmem>> -> memref<128xi32, #tpu.memory_space<vmem>>
      %dma_wait3A_130 = arith.constant 0 : i32
      %dma_wait3A_131 = arith.constant 0 : i32
      %dma_wait3A_132 = tpu.memref_slice %arg8[%dma_wait3A_130, %dma_wait3A_131] : memref<10240x128xf32, #tpu.memory_space<vmem_shared>> -> memref<10240x128xf32, #tpu.memory_space<vmem_shared>>
      tpu.wait_indirect_dma semaphore(%arg9 : memref<!tpu.dma_semaphore, #tpu.memory_space<semaphore_mem>>) src(%arg7 : memref<128x128xf32, #tpu.memory_space<vmem>>) dst(%dma_wait3A_132 : memref<10240x128xf32, #tpu.memory_space<vmem_shared>>)
      %dma_wait3A_133 = arith.constant 0 : i32
      %dma_wait3A_134 = arith.constant 0 : i32
      %dma_wait3A_135 = tpu.memref_slice %arg6[%dma_wait3A_133, %dma_wait3A_134] : memref<80x128xi32, #tpu.memory_space<vmem>> -> memref<1x128xi32, #tpu.memory_space<vmem>>
      %dma_wait3A_136 = tpu.memref_squeeze %dma_wait3A_135 : memref<1x128xi32, #tpu.memory_space<vmem>> -> memref<128xi32, #tpu.memory_space<vmem>>
      %dma_wait3A_137 = arith.constant 0 : i32
      %dma_wait3A_138 = arith.constant 0 : i32
      %dma_wait3A_139 = tpu.memref_slice %arg8[%dma_wait3A_137, %dma_wait3A_138] : memref<10240x128xf32, #tpu.memory_space<vmem_shared>> -> memref<10240x128xf32, #tpu.memory_space<vmem_shared>>
      tpu.wait_indirect_dma semaphore(%arg9 : memref<!tpu.dma_semaphore, #tpu.memory_space<semaphore_mem>>) src(%arg7 : memref<128x128xf32, #tpu.memory_space<vmem>>) dst(%dma_wait3A_139 : memref<10240x128xf32, #tpu.memory_space<vmem_shared>>)
    }
    %scan3A_8 = arith.constant 10 : i32
    %barrier3A_9 = arith.constant 0 : index
    tpu.barrier barrier_id(%barrier3A_9)
    %mul3A_10 = arith.constant 640 : i32
    %mul3A_11 = arith.muli %arg1, %mul3A_10 : i32
    %mul3A_12 = arith.constant 10240 : i32
    %mul3A_13 = arith.muli %arg0, %mul3A_12 : i32
    %mul3A_14 = arith.constant 640 : i32
    %mul3A_15 = arith.muli %arg1, %mul3A_14 : i32
    %add3A_16 = arith.addi %mul3A_13, %mul3A_15 : i32
    "tpu.region"() ({
      %run_scoped3A = tpu.sem_alloc : memref<!tpu.dma_semaphore, #tpu.memory_space<semaphore_mem>>
      %dma_start3A = arith.constant 0 : i32
      %dma_start3A_17 = tpu.memref_slice %arg5[%add3A_16, %dma_start3A] : memref<20480x128xf32, #tpu.memory_space<hbm>> -> memref<640x128xf32, #tpu.memory_space<hbm>>
      %dma_start3A_18 = arith.constant 0 : i32
      %dma_start3A_19 = tpu.memref_slice %arg8[%mul3A_11, %dma_start3A_18] : memref<10240x128xf32, #tpu.memory_space<vmem_shared>> -> memref<640x128xf32, #tpu.memory_space<vmem_shared>>
      tpu.enqueue_dma source(%dma_start3A_19 : memref<640x128xf32, #tpu.memory_space<vmem_shared>>) target(%dma_start3A_17 : memref<640x128xf32, #tpu.memory_space<hbm>>) target_semaphore(%run_scoped3A : memref<!tpu.dma_semaphore, #tpu.memory_space<semaphore_mem>>)
      %dma_wait3A = arith.constant 0 : i32
      %dma_wait3A_20 = tpu.memref_slice %arg5[%add3A_16, %dma_wait3A] : memref<20480x128xf32, #tpu.memory_space<hbm>> -> memref<640x128xf32, #tpu.memory_space<hbm>>
      %dma_wait3A_21 = arith.constant 0 : i32
      %dma_wait3A_22 = tpu.memref_slice %arg8[%mul3A_11, %dma_wait3A_21] : memref<10240x128xf32, #tpu.memory_space<vmem_shared>> -> memref<640x128xf32, #tpu.memory_space<vmem_shared>>
      tpu.wait_dma2 semaphore(%run_scoped3A : memref<!tpu.dma_semaphore, #tpu.memory_space<semaphore_mem>>) src(%dma_wait3A_22 : memref<640x128xf32, #tpu.memory_space<vmem_shared>>) dst(%dma_wait3A_20 : memref<640x128xf32, #tpu.memory_space<hbm>>)
      tpu.yield
    }) : () -> ()
    return
  }
}

#map = affine_map<(d0, d1) -> (0, 0)>
module attributes {stable_mosaic.version = 14 : i64} {
  func.func @body(%arg0: i32, %arg1: i32, %arg2: memref<5120x128xi32, #tpu.memory_space<hbm>>, %arg3: memref<1280x128xi32, #tpu.memory_space<hbm>>, %arg4: memref<40960x128xf32, #tpu.memory_space<hbm>>, %arg5: memref<640x128xf32, #tpu.memory_space<hbm>>, %arg6: memref<40960x128xf32, #tpu.memory_space<hbm>>, %arg7: memref<40x128xi32, #tpu.memory_space<vmem>>, %arg8: memref<40x128xi32, #tpu.memory_space<vmem>>, %arg9: memref<128x128xf32, #tpu.memory_space<vmem>>, %arg10: memref<128x128xf32, #tpu.memory_space<vmem>>, %arg11: memref<10240x128xf32, #tpu.memory_space<vmem_shared>>, %arg12: memref<!tpu.dma_semaphore, #tpu.memory_space<semaphore_mem>>, %arg13: memref<!tpu.dma_semaphore, #tpu.memory_space<semaphore_mem>>, %arg14: memref<!tpu.dma_semaphore, #tpu.memory_space<semaphore_mem>>) attributes {dimension_semantics = [#tpu.dimension_semantics<core_parallel>, #tpu.dimension_semantics<subcore_parallel>], iteration_bounds = array<i64: 2, 16>, scalar_prefetch = 0 : i64, scratch_operands = 8 : i64, tpu.core_type = #tpu.core_type<sc_vector_subcore>, window_params = [{transform_indices = #map}, {transform_indices = #map}, {transform_indices = #map}, {transform_indices = #map}, {transform_indices = #map}]} {
    %mul3A = arith.constant 2 : i32
    %mul3A_0 = arith.muli %arg0, %mul3A : i32
    %add3A = arith.constant 0 : i32
    %add3A_1 = arith.addi %mul3A_0, %add3A : i32
    %mul3A_2 = arith.constant 10240 : i32
    %mul3A_3 = arith.muli %add3A_1, %mul3A_2 : i32
    %mul3A_4 = arith.constant 640 : i32
    %mul3A_5 = arith.muli %arg1, %mul3A_4 : i32
    "tpu.region"() ({
      %run_scoped3A = tpu.sem_alloc : memref<!tpu.dma_semaphore, #tpu.memory_space<semaphore_mem>>
      %dma_start3A = arith.constant 0 : i32
      %dma_start3A_145 = tpu.memref_slice %arg11[%mul3A_5, %dma_start3A] : memref<10240x128xf32, #tpu.memory_space<vmem_shared>> -> memref<640x128xf32, #tpu.memory_space<vmem_shared>>
      tpu.enqueue_dma source(%arg5 : memref<640x128xf32, #tpu.memory_space<hbm>>) target(%dma_start3A_145 : memref<640x128xf32, #tpu.memory_space<vmem_shared>>) target_semaphore(%run_scoped3A : memref<!tpu.dma_semaphore, #tpu.memory_space<semaphore_mem>>)
      %dma_wait3A_146 = arith.constant 0 : i32
      %dma_wait3A_147 = tpu.memref_slice %arg11[%mul3A_5, %dma_wait3A_146] : memref<10240x128xf32, #tpu.memory_space<vmem_shared>> -> memref<640x128xf32, #tpu.memory_space<vmem_shared>>
      tpu.wait_dma2 semaphore(%run_scoped3A : memref<!tpu.dma_semaphore, #tpu.memory_space<semaphore_mem>>) src(%arg5 : memref<640x128xf32, #tpu.memory_space<hbm>>) dst(%dma_wait3A_147 : memref<640x128xf32, #tpu.memory_space<vmem_shared>>)
      tpu.yield
    }) : () -> ()
    %barrier3A = arith.constant 0 : index
    tpu.barrier barrier_id(%barrier3A)
    %mul3A_6 = arith.constant 16 : i32
    %mul3A_7 = arith.muli %add3A_1, %mul3A_6 : i32
    %add3A_8 = arith.addi %mul3A_7, %arg1 : i32
    %mul3A_9 = arith.constant 80 : i32
    %mul3A_10 = arith.muli %add3A_8, %mul3A_9 : i32
    %add3A_11 = arith.constant 0 : i32
    %add3A_12 = arith.addi %mul3A_10, %add3A_11 : i32
    "tpu.region"() ({
      %run_scoped3A = tpu.sem_alloc : memref<!tpu.dma_semaphore, #tpu.memory_space<semaphore_mem>>
      %dma_start3A = arith.constant 0 : i32
      %dma_start3A_145 = tpu.memref_slice %arg2[%add3A_12, %dma_start3A] : memref<5120x128xi32, #tpu.memory_space<hbm>> -> memref<40x128xi32, #tpu.memory_space<hbm>>
      %dma_start3A_146 = arith.constant 0 : i32
      %dma_start3A_147 = tpu.memref_slice %arg2[%add3A_12, %dma_start3A_146] : memref<5120x128xi32, #tpu.memory_space<hbm>> -> memref<40x128xi32, #tpu.memory_space<hbm>>
      tpu.enqueue_dma source(%dma_start3A_147 : memref<40x128xi32, #tpu.memory_space<hbm>>) target(%arg7 : memref<40x128xi32, #tpu.memory_space<vmem>>) target_semaphore(%run_scoped3A : memref<!tpu.dma_semaphore, #tpu.memory_space<semaphore_mem>>)
      %dma_wait3A_148 = arith.constant 0 : i32
      %dma_wait3A_149 = tpu.memref_slice %arg2[%add3A_12, %dma_wait3A_148] : memref<5120x128xi32, #tpu.memory_space<hbm>> -> memref<40x128xi32, #tpu.memory_space<hbm>>
      %dma_wait3A_150 = arith.constant 0 : i32
      %dma_wait3A_151 = tpu.memref_slice %arg2[%add3A_12, %dma_wait3A_150] : memref<5120x128xi32, #tpu.memory_space<hbm>> -> memref<40x128xi32, #tpu.memory_space<hbm>>
      tpu.wait_dma2 semaphore(%run_scoped3A : memref<!tpu.dma_semaphore, #tpu.memory_space<semaphore_mem>>) src(%dma_wait3A_151 : memref<40x128xi32, #tpu.memory_space<hbm>>) dst(%arg7 : memref<40x128xi32, #tpu.memory_space<vmem>>)
      tpu.yield
    }) : () -> ()
    %mul3A_13 = arith.constant 80 : i32
    %mul3A_14 = arith.muli %arg1, %mul3A_13 : i32
    %add3A_15 = arith.constant 0 : i32
    %add3A_16 = arith.addi %mul3A_14, %add3A_15 : i32
    "tpu.region"() ({
      %run_scoped3A = tpu.sem_alloc : memref<!tpu.dma_semaphore, #tpu.memory_space<semaphore_mem>>
      %dma_start3A = arith.constant 0 : i32
      %dma_start3A_145 = tpu.memref_slice %arg3[%add3A_16, %dma_start3A] : memref<1280x128xi32, #tpu.memory_space<hbm>> -> memref<40x128xi32, #tpu.memory_space<hbm>>
      %dma_start3A_146 = arith.constant 0 : i32
      %dma_start3A_147 = tpu.memref_slice %arg3[%add3A_16, %dma_start3A_146] : memref<1280x128xi32, #tpu.memory_space<hbm>> -> memref<40x128xi32, #tpu.memory_space<hbm>>
      tpu.enqueue_dma source(%dma_start3A_147 : memref<40x128xi32, #tpu.memory_space<hbm>>) target(%arg8 : memref<40x128xi32, #tpu.memory_space<vmem>>) target_semaphore(%run_scoped3A : memref<!tpu.dma_semaphore, #tpu.memory_space<semaphore_mem>>)
      %dma_wait3A_148 = arith.constant 0 : i32
      %dma_wait3A_149 = tpu.memref_slice %arg3[%add3A_16, %dma_wait3A_148] : memref<1280x128xi32, #tpu.memory_space<hbm>> -> memref<40x128xi32, #tpu.memory_space<hbm>>
      %dma_wait3A_150 = arith.constant 0 : i32
      %dma_wait3A_151 = tpu.memref_slice %arg3[%add3A_16, %dma_wait3A_150] : memref<1280x128xi32, #tpu.memory_space<hbm>> -> memref<40x128xi32, #tpu.memory_space<hbm>>
      tpu.wait_dma2 semaphore(%run_scoped3A : memref<!tpu.dma_semaphore, #tpu.memory_space<semaphore_mem>>) src(%dma_wait3A_151 : memref<40x128xi32, #tpu.memory_space<hbm>>) dst(%arg8 : memref<40x128xi32, #tpu.memory_space<vmem>>)
      tpu.yield
    }) : () -> ()
    %scan3A = arith.constant 0 : i32
    %scan3A_17 = arith.constant 20 : i32
    %scan3A_18 = arith.addi %scan3A, %scan3A_17 : i32
    %scan3A_19 = arith.constant 1 : i32
    scf.for %scan3A_145 = %scan3A to %scan3A_18 step %scan3A_19  : i32 {
      %mul3A_146 = arith.constant 2 : i32
      %mul3A_147 = arith.muli %scan3A_145, %mul3A_146 : i32
      %add3A_148 = arith.constant 0 : i32
      %add3A_149 = arith.addi %add3A_148, %mul3A_147 : i32
      %gt3A = arith.constant 0 : i32
      %gt3A_150 = arith.cmpi sgt, %add3A_149, %gt3A : i32
      %convert_element_type3A = arith.extui %gt3A_150 : i1 to i32
      %cond3A = arith.constant 0 : i32
      %cond3A_151 = arith.cmpi ne, %convert_element_type3A, %cond3A : i32
      scf.if %cond3A_151 {
        %dma_wait3A_196 = arith.constant 0 : i32
        %dma_wait3A_197 = arith.constant 0 : i32
        %dma_wait3A_198 = tpu.memref_slice %arg8[%dma_wait3A_196, %dma_wait3A_197] : memref<40x128xi32, #tpu.memory_space<vmem>> -> memref<1x128xi32, #tpu.memory_space<vmem>>
        %dma_wait3A_199 = tpu.memref_squeeze %dma_wait3A_198 : memref<1x128xi32, #tpu.memory_space<vmem>> -> memref<128xi32, #tpu.memory_space<vmem>>
        %dma_wait3A_200 = arith.constant 0 : i32
        %dma_wait3A_201 = arith.constant 0 : i32
        %dma_wait3A_202 = tpu.memref_slice %arg11[%dma_wait3A_200, %dma_wait3A_201] : memref<10240x128xf32, #tpu.memory_space<vmem_shared>> -> memref<10240x128xf32, #tpu.memory_space<vmem_shared>>
        tpu.wait_indirect_dma semaphore(%arg13 : memref<!tpu.dma_semaphore, #tpu.memory_space<semaphore_mem>>) src(%arg9 : memref<128x128xf32, #tpu.memory_space<vmem>>) dst(%dma_wait3A_202 : memref<10240x128xf32, #tpu.memory_space<vmem_shared>>)
      } else {
      }
      %dma_start3A = arith.constant 0 : i32
      %dma_start3A_152 = tpu.memref_slice %arg7[%add3A_149, %dma_start3A] : memref<40x128xi32, #tpu.memory_space<vmem>> -> memref<1x128xi32, #tpu.memory_space<vmem>>
      %dma_start3A_153 = tpu.memref_squeeze %dma_start3A_152 : memref<1x128xi32, #tpu.memory_space<vmem>> -> memref<128xi32, #tpu.memory_space<vmem>>
      %dma_start3A_154 = arith.constant 0 : i32
      %dma_start3A_155 = arith.constant 0 : i32
      %dma_start3A_156 = tpu.memref_slice %arg4[%dma_start3A_154, %dma_start3A_155] : memref<40960x128xf32, #tpu.memory_space<hbm>> -> memref<40960x128xf32, #tpu.memory_space<hbm>>
      tpu.enqueue_indirect_dma source(%dma_start3A_156 : memref<40960x128xf32, #tpu.memory_space<hbm>>) target(%arg9 : memref<128x128xf32, #tpu.memory_space<vmem>>) offsets(%dma_start3A_153 : memref<128xi32, #tpu.memory_space<vmem>>) semaphore(%arg12 : memref<!tpu.dma_semaphore, #tpu.memory_space<semaphore_mem>>)
      %dma_wait3A_157 = arith.constant 0 : i32
      %dma_wait3A_158 = tpu.memref_slice %arg7[%add3A_149, %dma_wait3A_157] : memref<40x128xi32, #tpu.memory_space<vmem>> -> memref<1x128xi32, #tpu.memory_space<vmem>>
      %dma_wait3A_159 = tpu.memref_squeeze %dma_wait3A_158 : memref<1x128xi32, #tpu.memory_space<vmem>> -> memref<128xi32, #tpu.memory_space<vmem>>
      %dma_wait3A_160 = arith.constant 0 : i32
      %dma_wait3A_161 = arith.constant 0 : i32
      %dma_wait3A_162 = tpu.memref_slice %arg4[%dma_wait3A_160, %dma_wait3A_161] : memref<40960x128xf32, #tpu.memory_space<hbm>> -> memref<40960x128xf32, #tpu.memory_space<hbm>>
      tpu.wait_indirect_dma semaphore(%arg12 : memref<!tpu.dma_semaphore, #tpu.memory_space<semaphore_mem>>) src(%dma_wait3A_162 : memref<40960x128xf32, #tpu.memory_space<hbm>>) dst(%arg9 : memref<128x128xf32, #tpu.memory_space<vmem>>)
      %dma_start3A_163 = arith.constant 0 : i32
      %dma_start3A_164 = tpu.memref_slice %arg8[%add3A_149, %dma_start3A_163] : memref<40x128xi32, #tpu.memory_space<vmem>> -> memref<1x128xi32, #tpu.memory_space<vmem>>
      %dma_start3A_165 = tpu.memref_squeeze %dma_start3A_164 : memref<1x128xi32, #tpu.memory_space<vmem>> -> memref<128xi32, #tpu.memory_space<vmem>>
      %dma_start3A_166 = arith.constant 0 : i32
      %dma_start3A_167 = arith.constant 0 : i32
      %dma_start3A_168 = tpu.memref_slice %arg11[%dma_start3A_166, %dma_start3A_167] : memref<10240x128xf32, #tpu.memory_space<vmem_shared>> -> memref<10240x128xf32, #tpu.memory_space<vmem_shared>>
      tpu.enqueue_indirect_dma source(%arg9 : memref<128x128xf32, #tpu.memory_space<vmem>>) target(%dma_start3A_168 : memref<10240x128xf32, #tpu.memory_space<vmem_shared>>) offsets(%dma_start3A_165 : memref<128xi32, #tpu.memory_space<vmem>>) semaphore(%arg13 : memref<!tpu.dma_semaphore, #tpu.memory_space<semaphore_mem>>) {add = true}
      %gt3A_169 = arith.constant 1 : i32
      %gt3A_170 = arith.cmpi sgt, %add3A_149, %gt3A_169 : i32
      %convert_element_type3A_171 = arith.extui %gt3A_170 : i1 to i32
      %cond3A_172 = arith.constant 0 : i32
      %cond3A_173 = arith.cmpi ne, %convert_element_type3A_171, %cond3A_172 : i32
      scf.if %cond3A_173 {
        %dma_wait3A_196 = arith.constant 0 : i32
        %dma_wait3A_197 = arith.constant 0 : i32
        %dma_wait3A_198 = tpu.memref_slice %arg8[%dma_wait3A_196, %dma_wait3A_197] : memref<40x128xi32, #tpu.memory_space<vmem>> -> memref<1x128xi32, #tpu.memory_space<vmem>>
        %dma_wait3A_199 = tpu.memref_squeeze %dma_wait3A_198 : memref<1x128xi32, #tpu.memory_space<vmem>> -> memref<128xi32, #tpu.memory_space<vmem>>
        %dma_wait3A_200 = arith.constant 0 : i32
        %dma_wait3A_201 = arith.constant 0 : i32
        %dma_wait3A_202 = tpu.memref_slice %arg11[%dma_wait3A_200, %dma_wait3A_201] : memref<10240x128xf32, #tpu.memory_space<vmem_shared>> -> memref<10240x128xf32, #tpu.memory_space<vmem_shared>>
        tpu.wait_indirect_dma semaphore(%arg14 : memref<!tpu.dma_semaphore, #tpu.memory_space<semaphore_mem>>) src(%arg10 : memref<128x128xf32, #tpu.memory_space<vmem>>) dst(%dma_wait3A_202 : memref<10240x128xf32, #tpu.memory_space<vmem_shared>>)
      } else {
      }
      %add3A_174 = arith.constant 1 : i32
      %add3A_175 = arith.addi %add3A_149, %add3A_174 : i32
      %dma_start3A_176 = arith.constant 0 : i32
      %dma_start3A_177 = tpu.memref_slice %arg7[%add3A_175, %dma_start3A_176] : memref<40x128xi32, #tpu.memory_space<vmem>> -> memref<1x128xi32, #tpu.memory_space<vmem>>
      %dma_start3A_178 = tpu.memref_squeeze %dma_start3A_177 : memref<1x128xi32, #tpu.memory_space<vmem>> -> memref<128xi32, #tpu.memory_space<vmem>>
      %dma_start3A_179 = arith.constant 0 : i32
      %dma_start3A_180 = arith.constant 0 : i32
      %dma_start3A_181 = tpu.memref_slice %arg4[%dma_start3A_179, %dma_start3A_180] : memref<40960x128xf32, #tpu.memory_space<hbm>> -> memref<40960x128xf32, #tpu.memory_space<hbm>>
      tpu.enqueue_indirect_dma source(%dma_start3A_181 : memref<40960x128xf32, #tpu.memory_space<hbm>>) target(%arg10 : memref<128x128xf32, #tpu.memory_space<vmem>>) offsets(%dma_start3A_178 : memref<128xi32, #tpu.memory_space<vmem>>) semaphore(%arg12 : memref<!tpu.dma_semaphore, #tpu.memory_space<semaphore_mem>>)
      %dma_wait3A_182 = arith.constant 0 : i32
      %dma_wait3A_183 = tpu.memref_slice %arg7[%add3A_175, %dma_wait3A_182] : memref<40x128xi32, #tpu.memory_space<vmem>> -> memref<1x128xi32, #tpu.memory_space<vmem>>
      %dma_wait3A_184 = tpu.memref_squeeze %dma_wait3A_183 : memref<1x128xi32, #tpu.memory_space<vmem>> -> memref<128xi32, #tpu.memory_space<vmem>>
      %dma_wait3A_185 = arith.constant 0 : i32
      %dma_wait3A_186 = arith.constant 0 : i32
      %dma_wait3A_187 = tpu.memref_slice %arg4[%dma_wait3A_185, %dma_wait3A_186] : memref<40960x128xf32, #tpu.memory_space<hbm>> -> memref<40960x128xf32, #tpu.memory_space<hbm>>
      tpu.wait_indirect_dma semaphore(%arg12 : memref<!tpu.dma_semaphore, #tpu.memory_space<semaphore_mem>>) src(%dma_wait3A_187 : memref<40960x128xf32, #tpu.memory_space<hbm>>) dst(%arg10 : memref<128x128xf32, #tpu.memory_space<vmem>>)
      %add3A_188 = arith.constant 1 : i32
      %add3A_189 = arith.addi %add3A_149, %add3A_188 : i32
      %dma_start3A_190 = arith.constant 0 : i32
      %dma_start3A_191 = tpu.memref_slice %arg8[%add3A_189, %dma_start3A_190] : memref<40x128xi32, #tpu.memory_space<vmem>> -> memref<1x128xi32, #tpu.memory_space<vmem>>
      %dma_start3A_192 = tpu.memref_squeeze %dma_start3A_191 : memref<1x128xi32, #tpu.memory_space<vmem>> -> memref<128xi32, #tpu.memory_space<vmem>>
      %dma_start3A_193 = arith.constant 0 : i32
      %dma_start3A_194 = arith.constant 0 : i32
      %dma_start3A_195 = tpu.memref_slice %arg11[%dma_start3A_193, %dma_start3A_194] : memref<10240x128xf32, #tpu.memory_space<vmem_shared>> -> memref<10240x128xf32, #tpu.memory_space<vmem_shared>>
      tpu.enqueue_indirect_dma source(%arg10 : memref<128x128xf32, #tpu.memory_space<vmem>>) target(%dma_start3A_195 : memref<10240x128xf32, #tpu.memory_space<vmem_shared>>) offsets(%dma_start3A_192 : memref<128xi32, #tpu.memory_space<vmem>>) semaphore(%arg14 : memref<!tpu.dma_semaphore, #tpu.memory_space<semaphore_mem>>) {add = true}
    }
    %scan3A_20 = arith.constant 20 : i32
    %dma_wait3A = arith.constant 0 : i32
    %dma_wait3A_21 = arith.constant 0 : i32
    %dma_wait3A_22 = tpu.memref_slice %arg8[%dma_wait3A, %dma_wait3A_21] : memref<40x128xi32, #tpu.memory_space<vmem>> -> memref<1x128xi32, #tpu.memory_space<vmem>>
    %dma_wait3A_23 = tpu.memref_squeeze %dma_wait3A_22 : memref<1x128xi32, #tpu.memory_space<vmem>> -> memref<128xi32, #tpu.memory_space<vmem>>
    %dma_wait3A_24 = arith.constant 0 : i32
    %dma_wait3A_25 = arith.constant 0 : i32
    %dma_wait3A_26 = tpu.memref_slice %arg11[%dma_wait3A_24, %dma_wait3A_25] : memref<10240x128xf32, #tpu.memory_space<vmem_shared>> -> memref<10240x128xf32, #tpu.memory_space<vmem_shared>>
    tpu.wait_indirect_dma semaphore(%arg13 : memref<!tpu.dma_semaphore, #tpu.memory_space<semaphore_mem>>) src(%arg9 : memref<128x128xf32, #tpu.memory_space<vmem>>) dst(%dma_wait3A_26 : memref<10240x128xf32, #tpu.memory_space<vmem_shared>>)
    %dma_wait3A_27 = arith.constant 0 : i32
    %dma_wait3A_28 = arith.constant 0 : i32
    %dma_wait3A_29 = tpu.memref_slice %arg8[%dma_wait3A_27, %dma_wait3A_28] : memref<40x128xi32, #tpu.memory_space<vmem>> -> memref<1x128xi32, #tpu.memory_space<vmem>>
    %dma_wait3A_30 = tpu.memref_squeeze %dma_wait3A_29 : memref<1x128xi32, #tpu.memory_space<vmem>> -> memref<128xi32, #tpu.memory_space<vmem>>
    %dma_wait3A_31 = arith.constant 0 : i32
    %dma_wait3A_32 = arith.constant 0 : i32
    %dma_wait3A_33 = tpu.memref_slice %arg11[%dma_wait3A_31, %dma_wait3A_32] : memref<10240x128xf32, #tpu.memory_space<vmem_shared>> -> memref<10240x128xf32, #tpu.memory_space<vmem_shared>>
    tpu.wait_indirect_dma semaphore(%arg14 : memref<!tpu.dma_semaphore, #tpu.memory_space<semaphore_mem>>) src(%arg10 : memref<128x128xf32, #tpu.memory_space<vmem>>) dst(%dma_wait3A_33 : memref<10240x128xf32, #tpu.memory_space<vmem_shared>>)
    %mul3A_34 = arith.constant 16 : i32
    %mul3A_35 = arith.muli %add3A_1, %mul3A_34 : i32
    %add3A_36 = arith.addi %mul3A_35, %arg1 : i32
    %mul3A_37 = arith.constant 80 : i32
    %mul3A_38 = arith.muli %add3A_36, %mul3A_37 : i32
    %add3A_39 = arith.constant 40 : i32
    %add3A_40 = arith.addi %mul3A_38, %add3A_39 : i32
    "tpu.region"() ({
      %run_scoped3A = tpu.sem_alloc : memref<!tpu.dma_semaphore, #tpu.memory_space<semaphore_mem>>
      %dma_start3A = arith.constant 0 : i32
      %dma_start3A_145 = tpu.memref_slice %arg2[%add3A_40, %dma_start3A] : memref<5120x128xi32, #tpu.memory_space<hbm>> -> memref<40x128xi32, #tpu.memory_space<hbm>>
      %dma_start3A_146 = arith.constant 0 : i32
      %dma_start3A_147 = tpu.memref_slice %arg2[%add3A_40, %dma_start3A_146] : memref<5120x128xi32, #tpu.memory_space<hbm>> -> memref<40x128xi32, #tpu.memory_space<hbm>>
      tpu.enqueue_dma source(%dma_start3A_147 : memref<40x128xi32, #tpu.memory_space<hbm>>) target(%arg7 : memref<40x128xi32, #tpu.memory_space<vmem>>) target_semaphore(%run_scoped3A : memref<!tpu.dma_semaphore, #tpu.memory_space<semaphore_mem>>)
      %dma_wait3A_148 = arith.constant 0 : i32
      %dma_wait3A_149 = tpu.memref_slice %arg2[%add3A_40, %dma_wait3A_148] : memref<5120x128xi32, #tpu.memory_space<hbm>> -> memref<40x128xi32, #tpu.memory_space<hbm>>
      %dma_wait3A_150 = arith.constant 0 : i32
      %dma_wait3A_151 = tpu.memref_slice %arg2[%add3A_40, %dma_wait3A_150] : memref<5120x128xi32, #tpu.memory_space<hbm>> -> memref<40x128xi32, #tpu.memory_space<hbm>>
      tpu.wait_dma2 semaphore(%run_scoped3A : memref<!tpu.dma_semaphore, #tpu.memory_space<semaphore_mem>>) src(%dma_wait3A_151 : memref<40x128xi32, #tpu.memory_space<hbm>>) dst(%arg7 : memref<40x128xi32, #tpu.memory_space<vmem>>)
      tpu.yield
    }) : () -> ()
    %mul3A_41 = arith.constant 80 : i32
    %mul3A_42 = arith.muli %arg1, %mul3A_41 : i32
    %add3A_43 = arith.constant 40 : i32
    %add3A_44 = arith.addi %mul3A_42, %add3A_43 : i32
    "tpu.region"() ({
      %run_scoped3A = tpu.sem_alloc : memref<!tpu.dma_semaphore, #tpu.memory_space<semaphore_mem>>
      %dma_start3A = arith.constant 0 : i32
      %dma_start3A_145 = tpu.memref_slice %arg3[%add3A_44, %dma_start3A] : memref<1280x128xi32, #tpu.memory_space<hbm>> -> memref<40x128xi32, #tpu.memory_space<hbm>>
      %dma_start3A_146 = arith.constant 0 : i32
      %dma_start3A_147 = tpu.memref_slice %arg3[%add3A_44, %dma_start3A_146] : memref<1280x128xi32, #tpu.memory_space<hbm>> -> memref<40x128xi32, #tpu.memory_space<hbm>>
      tpu.enqueue_dma source(%dma_start3A_147 : memref<40x128xi32, #tpu.memory_space<hbm>>) target(%arg8 : memref<40x128xi32, #tpu.memory_space<vmem>>) target_semaphore(%run_scoped3A : memref<!tpu.dma_semaphore, #tpu.memory_space<semaphore_mem>>)
      %dma_wait3A_148 = arith.constant 0 : i32
      %dma_wait3A_149 = tpu.memref_slice %arg3[%add3A_44, %dma_wait3A_148] : memref<1280x128xi32, #tpu.memory_space<hbm>> -> memref<40x128xi32, #tpu.memory_space<hbm>>
      %dma_wait3A_150 = arith.constant 0 : i32
      %dma_wait3A_151 = tpu.memref_slice %arg3[%add3A_44, %dma_wait3A_150] : memref<1280x128xi32, #tpu.memory_space<hbm>> -> memref<40x128xi32, #tpu.memory_space<hbm>>
      tpu.wait_dma2 semaphore(%run_scoped3A : memref<!tpu.dma_semaphore, #tpu.memory_space<semaphore_mem>>) src(%dma_wait3A_151 : memref<40x128xi32, #tpu.memory_space<hbm>>) dst(%arg8 : memref<40x128xi32, #tpu.memory_space<vmem>>)
      tpu.yield
    }) : () -> ()
    %scan3A_45 = arith.constant 0 : i32
    %scan3A_46 = arith.constant 20 : i32
    %scan3A_47 = arith.addi %scan3A_45, %scan3A_46 : i32
    %scan3A_48 = arith.constant 1 : i32
    scf.for %scan3A_145 = %scan3A_45 to %scan3A_47 step %scan3A_48  : i32 {
      %mul3A_146 = arith.constant 2 : i32
      %mul3A_147 = arith.muli %scan3A_145, %mul3A_146 : i32
      %add3A_148 = arith.constant 0 : i32
      %add3A_149 = arith.addi %add3A_148, %mul3A_147 : i32
      %gt3A = arith.constant 0 : i32
      %gt3A_150 = arith.cmpi sgt, %add3A_149, %gt3A : i32
      %convert_element_type3A = arith.extui %gt3A_150 : i1 to i32
      %cond3A = arith.constant 0 : i32
      %cond3A_151 = arith.cmpi ne, %convert_element_type3A, %cond3A : i32
      scf.if %cond3A_151 {
        %dma_wait3A_196 = arith.constant 0 : i32
        %dma_wait3A_197 = arith.constant 0 : i32
        %dma_wait3A_198 = tpu.memref_slice %arg8[%dma_wait3A_196, %dma_wait3A_197] : memref<40x128xi32, #tpu.memory_space<vmem>> -> memref<1x128xi32, #tpu.memory_space<vmem>>
        %dma_wait3A_199 = tpu.memref_squeeze %dma_wait3A_198 : memref<1x128xi32, #tpu.memory_space<vmem>> -> memref<128xi32, #tpu.memory_space<vmem>>
        %dma_wait3A_200 = arith.constant 0 : i32
        %dma_wait3A_201 = arith.constant 0 : i32
        %dma_wait3A_202 = tpu.memref_slice %arg11[%dma_wait3A_200, %dma_wait3A_201] : memref<10240x128xf32, #tpu.memory_space<vmem_shared>> -> memref<10240x128xf32, #tpu.memory_space<vmem_shared>>
        tpu.wait_indirect_dma semaphore(%arg13 : memref<!tpu.dma_semaphore, #tpu.memory_space<semaphore_mem>>) src(%arg9 : memref<128x128xf32, #tpu.memory_space<vmem>>) dst(%dma_wait3A_202 : memref<10240x128xf32, #tpu.memory_space<vmem_shared>>)
      } else {
      }
      %dma_start3A = arith.constant 0 : i32
      %dma_start3A_152 = tpu.memref_slice %arg7[%add3A_149, %dma_start3A] : memref<40x128xi32, #tpu.memory_space<vmem>> -> memref<1x128xi32, #tpu.memory_space<vmem>>
      %dma_start3A_153 = tpu.memref_squeeze %dma_start3A_152 : memref<1x128xi32, #tpu.memory_space<vmem>> -> memref<128xi32, #tpu.memory_space<vmem>>
      %dma_start3A_154 = arith.constant 0 : i32
      %dma_start3A_155 = arith.constant 0 : i32
      %dma_start3A_156 = tpu.memref_slice %arg4[%dma_start3A_154, %dma_start3A_155] : memref<40960x128xf32, #tpu.memory_space<hbm>> -> memref<40960x128xf32, #tpu.memory_space<hbm>>
      tpu.enqueue_indirect_dma source(%dma_start3A_156 : memref<40960x128xf32, #tpu.memory_space<hbm>>) target(%arg9 : memref<128x128xf32, #tpu.memory_space<vmem>>) offsets(%dma_start3A_153 : memref<128xi32, #tpu.memory_space<vmem>>) semaphore(%arg12 : memref<!tpu.dma_semaphore, #tpu.memory_space<semaphore_mem>>)
      %dma_wait3A_157 = arith.constant 0 : i32
      %dma_wait3A_158 = tpu.memref_slice %arg7[%add3A_149, %dma_wait3A_157] : memref<40x128xi32, #tpu.memory_space<vmem>> -> memref<1x128xi32, #tpu.memory_space<vmem>>
      %dma_wait3A_159 = tpu.memref_squeeze %dma_wait3A_158 : memref<1x128xi32, #tpu.memory_space<vmem>> -> memref<128xi32, #tpu.memory_space<vmem>>
      %dma_wait3A_160 = arith.constant 0 : i32
      %dma_wait3A_161 = arith.constant 0 : i32
      %dma_wait3A_162 = tpu.memref_slice %arg4[%dma_wait3A_160, %dma_wait3A_161] : memref<40960x128xf32, #tpu.memory_space<hbm>> -> memref<40960x128xf32, #tpu.memory_space<hbm>>
      tpu.wait_indirect_dma semaphore(%arg12 : memref<!tpu.dma_semaphore, #tpu.memory_space<semaphore_mem>>) src(%dma_wait3A_162 : memref<40960x128xf32, #tpu.memory_space<hbm>>) dst(%arg9 : memref<128x128xf32, #tpu.memory_space<vmem>>)
      %dma_start3A_163 = arith.constant 0 : i32
      %dma_start3A_164 = tpu.memref_slice %arg8[%add3A_149, %dma_start3A_163] : memref<40x128xi32, #tpu.memory_space<vmem>> -> memref<1x128xi32, #tpu.memory_space<vmem>>
      %dma_start3A_165 = tpu.memref_squeeze %dma_start3A_164 : memref<1x128xi32, #tpu.memory_space<vmem>> -> memref<128xi32, #tpu.memory_space<vmem>>
      %dma_start3A_166 = arith.constant 0 : i32
      %dma_start3A_167 = arith.constant 0 : i32
      %dma_start3A_168 = tpu.memref_slice %arg11[%dma_start3A_166, %dma_start3A_167] : memref<10240x128xf32, #tpu.memory_space<vmem_shared>> -> memref<10240x128xf32, #tpu.memory_space<vmem_shared>>
      tpu.enqueue_indirect_dma source(%arg9 : memref<128x128xf32, #tpu.memory_space<vmem>>) target(%dma_start3A_168 : memref<10240x128xf32, #tpu.memory_space<vmem_shared>>) offsets(%dma_start3A_165 : memref<128xi32, #tpu.memory_space<vmem>>) semaphore(%arg13 : memref<!tpu.dma_semaphore, #tpu.memory_space<semaphore_mem>>) {add = true}
      %gt3A_169 = arith.constant 1 : i32
      %gt3A_170 = arith.cmpi sgt, %add3A_149, %gt3A_169 : i32
      %convert_element_type3A_171 = arith.extui %gt3A_170 : i1 to i32
      %cond3A_172 = arith.constant 0 : i32
      %cond3A_173 = arith.cmpi ne, %convert_element_type3A_171, %cond3A_172 : i32
      scf.if %cond3A_173 {
        %dma_wait3A_196 = arith.constant 0 : i32
        %dma_wait3A_197 = arith.constant 0 : i32
        %dma_wait3A_198 = tpu.memref_slice %arg8[%dma_wait3A_196, %dma_wait3A_197] : memref<40x128xi32, #tpu.memory_space<vmem>> -> memref<1x128xi32, #tpu.memory_space<vmem>>
        %dma_wait3A_199 = tpu.memref_squeeze %dma_wait3A_198 : memref<1x128xi32, #tpu.memory_space<vmem>> -> memref<128xi32, #tpu.memory_space<vmem>>
        %dma_wait3A_200 = arith.constant 0 : i32
        %dma_wait3A_201 = arith.constant 0 : i32
        %dma_wait3A_202 = tpu.memref_slice %arg11[%dma_wait3A_200, %dma_wait3A_201] : memref<10240x128xf32, #tpu.memory_space<vmem_shared>> -> memref<10240x128xf32, #tpu.memory_space<vmem_shared>>
        tpu.wait_indirect_dma semaphore(%arg14 : memref<!tpu.dma_semaphore, #tpu.memory_space<semaphore_mem>>) src(%arg10 : memref<128x128xf32, #tpu.memory_space<vmem>>) dst(%dma_wait3A_202 : memref<10240x128xf32, #tpu.memory_space<vmem_shared>>)
      } else {
      }
      %add3A_174 = arith.constant 1 : i32
      %add3A_175 = arith.addi %add3A_149, %add3A_174 : i32
      %dma_start3A_176 = arith.constant 0 : i32
      %dma_start3A_177 = tpu.memref_slice %arg7[%add3A_175, %dma_start3A_176] : memref<40x128xi32, #tpu.memory_space<vmem>> -> memref<1x128xi32, #tpu.memory_space<vmem>>
      %dma_start3A_178 = tpu.memref_squeeze %dma_start3A_177 : memref<1x128xi32, #tpu.memory_space<vmem>> -> memref<128xi32, #tpu.memory_space<vmem>>
      %dma_start3A_179 = arith.constant 0 : i32
      %dma_start3A_180 = arith.constant 0 : i32
      %dma_start3A_181 = tpu.memref_slice %arg4[%dma_start3A_179, %dma_start3A_180] : memref<40960x128xf32, #tpu.memory_space<hbm>> -> memref<40960x128xf32, #tpu.memory_space<hbm>>
      tpu.enqueue_indirect_dma source(%dma_start3A_181 : memref<40960x128xf32, #tpu.memory_space<hbm>>) target(%arg10 : memref<128x128xf32, #tpu.memory_space<vmem>>) offsets(%dma_start3A_178 : memref<128xi32, #tpu.memory_space<vmem>>) semaphore(%arg12 : memref<!tpu.dma_semaphore, #tpu.memory_space<semaphore_mem>>)
      %dma_wait3A_182 = arith.constant 0 : i32
      %dma_wait3A_183 = tpu.memref_slice %arg7[%add3A_175, %dma_wait3A_182] : memref<40x128xi32, #tpu.memory_space<vmem>> -> memref<1x128xi32, #tpu.memory_space<vmem>>
      %dma_wait3A_184 = tpu.memref_squeeze %dma_wait3A_183 : memref<1x128xi32, #tpu.memory_space<vmem>> -> memref<128xi32, #tpu.memory_space<vmem>>
      %dma_wait3A_185 = arith.constant 0 : i32
      %dma_wait3A_186 = arith.constant 0 : i32
      %dma_wait3A_187 = tpu.memref_slice %arg4[%dma_wait3A_185, %dma_wait3A_186] : memref<40960x128xf32, #tpu.memory_space<hbm>> -> memref<40960x128xf32, #tpu.memory_space<hbm>>
      tpu.wait_indirect_dma semaphore(%arg12 : memref<!tpu.dma_semaphore, #tpu.memory_space<semaphore_mem>>) src(%dma_wait3A_187 : memref<40960x128xf32, #tpu.memory_space<hbm>>) dst(%arg10 : memref<128x128xf32, #tpu.memory_space<vmem>>)
      %add3A_188 = arith.constant 1 : i32
      %add3A_189 = arith.addi %add3A_149, %add3A_188 : i32
      %dma_start3A_190 = arith.constant 0 : i32
      %dma_start3A_191 = tpu.memref_slice %arg8[%add3A_189, %dma_start3A_190] : memref<40x128xi32, #tpu.memory_space<vmem>> -> memref<1x128xi32, #tpu.memory_space<vmem>>
      %dma_start3A_192 = tpu.memref_squeeze %dma_start3A_191 : memref<1x128xi32, #tpu.memory_space<vmem>> -> memref<128xi32, #tpu.memory_space<vmem>>
      %dma_start3A_193 = arith.constant 0 : i32
      %dma_start3A_194 = arith.constant 0 : i32
      %dma_start3A_195 = tpu.memref_slice %arg11[%dma_start3A_193, %dma_start3A_194] : memref<10240x128xf32, #tpu.memory_space<vmem_shared>> -> memref<10240x128xf32, #tpu.memory_space<vmem_shared>>
      tpu.enqueue_indirect_dma source(%arg10 : memref<128x128xf32, #tpu.memory_space<vmem>>) target(%dma_start3A_195 : memref<10240x128xf32, #tpu.memory_space<vmem_shared>>) offsets(%dma_start3A_192 : memref<128xi32, #tpu.memory_space<vmem>>) semaphore(%arg14 : memref<!tpu.dma_semaphore, #tpu.memory_space<semaphore_mem>>) {add = true}
    }
    %scan3A_49 = arith.constant 20 : i32
    %dma_wait3A_50 = arith.constant 0 : i32
    %dma_wait3A_51 = arith.constant 0 : i32
    %dma_wait3A_52 = tpu.memref_slice %arg8[%dma_wait3A_50, %dma_wait3A_51] : memref<40x128xi32, #tpu.memory_space<vmem>> -> memref<1x128xi32, #tpu.memory_space<vmem>>
    %dma_wait3A_53 = tpu.memref_squeeze %dma_wait3A_52 : memref<1x128xi32, #tpu.memory_space<vmem>> -> memref<128xi32, #tpu.memory_space<vmem>>
    %dma_wait3A_54 = arith.constant 0 : i32
    %dma_wait3A_55 = arith.constant 0 : i32
    %dma_wait3A_56 = tpu.memref_slice %arg11[%dma_wait3A_54, %dma_wait3A_55] : memref<10240x128xf32, #tpu.memory_space<vmem_shared>> -> memref<10240x128xf32, #tpu.memory_space<vmem_shared>>
    tpu.wait_indirect_dma semaphore(%arg13 : memref<!tpu.dma_semaphore, #tpu.memory_space<semaphore_mem>>) src(%arg9 : memref<128x128xf32, #tpu.memory_space<vmem>>) dst(%dma_wait3A_56 : memref<10240x128xf32, #tpu.memory_space<vmem_shared>>)
    %dma_wait3A_57 = arith.constant 0 : i32
    %dma_wait3A_58 = arith.constant 0 : i32
    %dma_wait3A_59 = tpu.memref_slice %arg8[%dma_wait3A_57, %dma_wait3A_58] : memref<40x128xi32, #tpu.memory_space<vmem>> -> memref<1x128xi32, #tpu.memory_space<vmem>>
    %dma_wait3A_60 = tpu.memref_squeeze %dma_wait3A_59 : memref<1x128xi32, #tpu.memory_space<vmem>> -> memref<128xi32, #tpu.memory_space<vmem>>
    %dma_wait3A_61 = arith.constant 0 : i32
    %dma_wait3A_62 = arith.constant 0 : i32
    %dma_wait3A_63 = tpu.memref_slice %arg11[%dma_wait3A_61, %dma_wait3A_62] : memref<10240x128xf32, #tpu.memory_space<vmem_shared>> -> memref<10240x128xf32, #tpu.memory_space<vmem_shared>>
    tpu.wait_indirect_dma semaphore(%arg14 : memref<!tpu.dma_semaphore, #tpu.memory_space<semaphore_mem>>) src(%arg10 : memref<128x128xf32, #tpu.memory_space<vmem>>) dst(%dma_wait3A_63 : memref<10240x128xf32, #tpu.memory_space<vmem_shared>>)
    %barrier3A_64 = arith.constant 0 : index
    tpu.barrier barrier_id(%barrier3A_64)
    %mul3A_65 = arith.constant 640 : i32
    %mul3A_66 = arith.muli %arg1, %mul3A_65 : i32
    %mul3A_67 = arith.constant 640 : i32
    %mul3A_68 = arith.muli %arg1, %mul3A_67 : i32
    %add3A_69 = arith.addi %mul3A_3, %mul3A_68 : i32
    "tpu.region"() ({
      %run_scoped3A = tpu.sem_alloc : memref<!tpu.dma_semaphore, #tpu.memory_space<semaphore_mem>>
      %dma_start3A = arith.constant 0 : i32
      %dma_start3A_145 = tpu.memref_slice %arg6[%add3A_69, %dma_start3A] : memref<40960x128xf32, #tpu.memory_space<hbm>> -> memref<640x128xf32, #tpu.memory_space<hbm>>
      %dma_start3A_146 = arith.constant 0 : i32
      %dma_start3A_147 = tpu.memref_slice %arg11[%mul3A_66, %dma_start3A_146] : memref<10240x128xf32, #tpu.memory_space<vmem_shared>> -> memref<640x128xf32, #tpu.memory_space<vmem_shared>>
      tpu.enqueue_dma source(%dma_start3A_147 : memref<640x128xf32, #tpu.memory_space<vmem_shared>>) target(%dma_start3A_145 : memref<640x128xf32, #tpu.memory_space<hbm>>) target_semaphore(%run_scoped3A : memref<!tpu.dma_semaphore, #tpu.memory_space<semaphore_mem>>)
      %dma_wait3A_148 = arith.constant 0 : i32
      %dma_wait3A_149 = tpu.memref_slice %arg6[%add3A_69, %dma_wait3A_148] : memref<40960x128xf32, #tpu.memory_space<hbm>> -> memref<640x128xf32, #tpu.memory_space<hbm>>
      %dma_wait3A_150 = arith.constant 0 : i32
      %dma_wait3A_151 = tpu.memref_slice %arg11[%mul3A_66, %dma_wait3A_150] : memref<10240x128xf32, #tpu.memory_space<vmem_shared>> -> memref<640x128xf32, #tpu.memory_space<vmem_shared>>
      tpu.wait_dma2 semaphore(%run_scoped3A : memref<!tpu.dma_semaphore, #tpu.memory_space<semaphore_mem>>) src(%dma_wait3A_151 : memref<640x128xf32, #tpu.memory_space<vmem_shared>>) dst(%dma_wait3A_149 : memref<640x128xf32, #tpu.memory_space<hbm>>)
      tpu.yield
    }) : () -> ()
    %mul3A_70 = arith.constant 2 : i32
    %mul3A_71 = arith.muli %arg0, %mul3A_70 : i32
    %add3A_72 = arith.constant 1 : i32
    %add3A_73 = arith.addi %mul3A_71, %add3A_72 : i32
    %mul3A_74 = arith.constant 10240 : i32
    %mul3A_75 = arith.muli %add3A_73, %mul3A_74 : i32
    %mul3A_76 = arith.constant 640 : i32
    %mul3A_77 = arith.muli %arg1, %mul3A_76 : i32
    "tpu.region"() ({
      %run_scoped3A = tpu.sem_alloc : memref<!tpu.dma_semaphore, #tpu.memory_space<semaphore_mem>>
      %dma_start3A = arith.constant 0 : i32
      %dma_start3A_145 = tpu.memref_slice %arg11[%mul3A_77, %dma_start3A] : memref<10240x128xf32, #tpu.memory_space<vmem_shared>> -> memref<640x128xf32, #tpu.memory_space<vmem_shared>>
      tpu.enqueue_dma source(%arg5 : memref<640x128xf32, #tpu.memory_space<hbm>>) target(%dma_start3A_145 : memref<640x128xf32, #tpu.memory_space<vmem_shared>>) target_semaphore(%run_scoped3A : memref<!tpu.dma_semaphore, #tpu.memory_space<semaphore_mem>>)
      %dma_wait3A_146 = arith.constant 0 : i32
      %dma_wait3A_147 = tpu.memref_slice %arg11[%mul3A_77, %dma_wait3A_146] : memref<10240x128xf32, #tpu.memory_space<vmem_shared>> -> memref<640x128xf32, #tpu.memory_space<vmem_shared>>
      tpu.wait_dma2 semaphore(%run_scoped3A : memref<!tpu.dma_semaphore, #tpu.memory_space<semaphore_mem>>) src(%arg5 : memref<640x128xf32, #tpu.memory_space<hbm>>) dst(%dma_wait3A_147 : memref<640x128xf32, #tpu.memory_space<vmem_shared>>)
      tpu.yield
    }) : () -> ()
    %barrier3A_78 = arith.constant 0 : index
    tpu.barrier barrier_id(%barrier3A_78)
    %mul3A_79 = arith.constant 16 : i32
    %mul3A_80 = arith.muli %add3A_73, %mul3A_79 : i32
    %add3A_81 = arith.addi %mul3A_80, %arg1 : i32
    %mul3A_82 = arith.constant 80 : i32
    %mul3A_83 = arith.muli %add3A_81, %mul3A_82 : i32
    %add3A_84 = arith.constant 0 : i32
    %add3A_85 = arith.addi %mul3A_83, %add3A_84 : i32
    "tpu.region"() ({
      %run_scoped3A = tpu.sem_alloc : memref<!tpu.dma_semaphore, #tpu.memory_space<semaphore_mem>>
      %dma_start3A = arith.constant 0 : i32
      %dma_start3A_145 = tpu.memref_slice %arg2[%add3A_85, %dma_start3A] : memref<5120x128xi32, #tpu.memory_space<hbm>> -> memref<40x128xi32, #tpu.memory_space<hbm>>
      %dma_start3A_146 = arith.constant 0 : i32
      %dma_start3A_147 = tpu.memref_slice %arg2[%add3A_85, %dma_start3A_146] : memref<5120x128xi32, #tpu.memory_space<hbm>> -> memref<40x128xi32, #tpu.memory_space<hbm>>
      tpu.enqueue_dma source(%dma_start3A_147 : memref<40x128xi32, #tpu.memory_space<hbm>>) target(%arg7 : memref<40x128xi32, #tpu.memory_space<vmem>>) target_semaphore(%run_scoped3A : memref<!tpu.dma_semaphore, #tpu.memory_space<semaphore_mem>>)
      %dma_wait3A_148 = arith.constant 0 : i32
      %dma_wait3A_149 = tpu.memref_slice %arg2[%add3A_85, %dma_wait3A_148] : memref<5120x128xi32, #tpu.memory_space<hbm>> -> memref<40x128xi32, #tpu.memory_space<hbm>>
      %dma_wait3A_150 = arith.constant 0 : i32
      %dma_wait3A_151 = tpu.memref_slice %arg2[%add3A_85, %dma_wait3A_150] : memref<5120x128xi32, #tpu.memory_space<hbm>> -> memref<40x128xi32, #tpu.memory_space<hbm>>
      tpu.wait_dma2 semaphore(%run_scoped3A : memref<!tpu.dma_semaphore, #tpu.memory_space<semaphore_mem>>) src(%dma_wait3A_151 : memref<40x128xi32, #tpu.memory_space<hbm>>) dst(%arg7 : memref<40x128xi32, #tpu.memory_space<vmem>>)
      tpu.yield
    }) : () -> ()
    %mul3A_86 = arith.constant 80 : i32
    %mul3A_87 = arith.muli %arg1, %mul3A_86 : i32
    %add3A_88 = arith.constant 0 : i32
    %add3A_89 = arith.addi %mul3A_87, %add3A_88 : i32
    "tpu.region"() ({
      %run_scoped3A = tpu.sem_alloc : memref<!tpu.dma_semaphore, #tpu.memory_space<semaphore_mem>>
      %dma_start3A = arith.constant 0 : i32
      %dma_start3A_145 = tpu.memref_slice %arg3[%add3A_89, %dma_start3A] : memref<1280x128xi32, #tpu.memory_space<hbm>> -> memref<40x128xi32, #tpu.memory_space<hbm>>
      %dma_start3A_146 = arith.constant 0 : i32
      %dma_start3A_147 = tpu.memref_slice %arg3[%add3A_89, %dma_start3A_146] : memref<1280x128xi32, #tpu.memory_space<hbm>> -> memref<40x128xi32, #tpu.memory_space<hbm>>
      tpu.enqueue_dma source(%dma_start3A_147 : memref<40x128xi32, #tpu.memory_space<hbm>>) target(%arg8 : memref<40x128xi32, #tpu.memory_space<vmem>>) target_semaphore(%run_scoped3A : memref<!tpu.dma_semaphore, #tpu.memory_space<semaphore_mem>>)
      %dma_wait3A_148 = arith.constant 0 : i32
      %dma_wait3A_149 = tpu.memref_slice %arg3[%add3A_89, %dma_wait3A_148] : memref<1280x128xi32, #tpu.memory_space<hbm>> -> memref<40x128xi32, #tpu.memory_space<hbm>>
      %dma_wait3A_150 = arith.constant 0 : i32
      %dma_wait3A_151 = tpu.memref_slice %arg3[%add3A_89, %dma_wait3A_150] : memref<1280x128xi32, #tpu.memory_space<hbm>> -> memref<40x128xi32, #tpu.memory_space<hbm>>
      tpu.wait_dma2 semaphore(%run_scoped3A : memref<!tpu.dma_semaphore, #tpu.memory_space<semaphore_mem>>) src(%dma_wait3A_151 : memref<40x128xi32, #tpu.memory_space<hbm>>) dst(%arg8 : memref<40x128xi32, #tpu.memory_space<vmem>>)
      tpu.yield
    }) : () -> ()
    %scan3A_90 = arith.constant 0 : i32
    %scan3A_91 = arith.constant 20 : i32
    %scan3A_92 = arith.addi %scan3A_90, %scan3A_91 : i32
    %scan3A_93 = arith.constant 1 : i32
    scf.for %scan3A_145 = %scan3A_90 to %scan3A_92 step %scan3A_93  : i32 {
      %mul3A_146 = arith.constant 2 : i32
      %mul3A_147 = arith.muli %scan3A_145, %mul3A_146 : i32
      %add3A_148 = arith.constant 0 : i32
      %add3A_149 = arith.addi %add3A_148, %mul3A_147 : i32
      %gt3A = arith.constant 0 : i32
      %gt3A_150 = arith.cmpi sgt, %add3A_149, %gt3A : i32
      %convert_element_type3A = arith.extui %gt3A_150 : i1 to i32
      %cond3A = arith.constant 0 : i32
      %cond3A_151 = arith.cmpi ne, %convert_element_type3A, %cond3A : i32
      scf.if %cond3A_151 {
        %dma_wait3A_196 = arith.constant 0 : i32
        %dma_wait3A_197 = arith.constant 0 : i32
        %dma_wait3A_198 = tpu.memref_slice %arg8[%dma_wait3A_196, %dma_wait3A_197] : memref<40x128xi32, #tpu.memory_space<vmem>> -> memref<1x128xi32, #tpu.memory_space<vmem>>
        %dma_wait3A_199 = tpu.memref_squeeze %dma_wait3A_198 : memref<1x128xi32, #tpu.memory_space<vmem>> -> memref<128xi32, #tpu.memory_space<vmem>>
        %dma_wait3A_200 = arith.constant 0 : i32
        %dma_wait3A_201 = arith.constant 0 : i32
        %dma_wait3A_202 = tpu.memref_slice %arg11[%dma_wait3A_200, %dma_wait3A_201] : memref<10240x128xf32, #tpu.memory_space<vmem_shared>> -> memref<10240x128xf32, #tpu.memory_space<vmem_shared>>
        tpu.wait_indirect_dma semaphore(%arg13 : memref<!tpu.dma_semaphore, #tpu.memory_space<semaphore_mem>>) src(%arg9 : memref<128x128xf32, #tpu.memory_space<vmem>>) dst(%dma_wait3A_202 : memref<10240x128xf32, #tpu.memory_space<vmem_shared>>)
      } else {
      }
      %dma_start3A = arith.constant 0 : i32
      %dma_start3A_152 = tpu.memref_slice %arg7[%add3A_149, %dma_start3A] : memref<40x128xi32, #tpu.memory_space<vmem>> -> memref<1x128xi32, #tpu.memory_space<vmem>>
      %dma_start3A_153 = tpu.memref_squeeze %dma_start3A_152 : memref<1x128xi32, #tpu.memory_space<vmem>> -> memref<128xi32, #tpu.memory_space<vmem>>
      %dma_start3A_154 = arith.constant 0 : i32
      %dma_start3A_155 = arith.constant 0 : i32
      %dma_start3A_156 = tpu.memref_slice %arg4[%dma_start3A_154, %dma_start3A_155] : memref<40960x128xf32, #tpu.memory_space<hbm>> -> memref<40960x128xf32, #tpu.memory_space<hbm>>
      tpu.enqueue_indirect_dma source(%dma_start3A_156 : memref<40960x128xf32, #tpu.memory_space<hbm>>) target(%arg9 : memref<128x128xf32, #tpu.memory_space<vmem>>) offsets(%dma_start3A_153 : memref<128xi32, #tpu.memory_space<vmem>>) semaphore(%arg12 : memref<!tpu.dma_semaphore, #tpu.memory_space<semaphore_mem>>)
      %dma_wait3A_157 = arith.constant 0 : i32
      %dma_wait3A_158 = tpu.memref_slice %arg7[%add3A_149, %dma_wait3A_157] : memref<40x128xi32, #tpu.memory_space<vmem>> -> memref<1x128xi32, #tpu.memory_space<vmem>>
      %dma_wait3A_159 = tpu.memref_squeeze %dma_wait3A_158 : memref<1x128xi32, #tpu.memory_space<vmem>> -> memref<128xi32, #tpu.memory_space<vmem>>
      %dma_wait3A_160 = arith.constant 0 : i32
      %dma_wait3A_161 = arith.constant 0 : i32
      %dma_wait3A_162 = tpu.memref_slice %arg4[%dma_wait3A_160, %dma_wait3A_161] : memref<40960x128xf32, #tpu.memory_space<hbm>> -> memref<40960x128xf32, #tpu.memory_space<hbm>>
      tpu.wait_indirect_dma semaphore(%arg12 : memref<!tpu.dma_semaphore, #tpu.memory_space<semaphore_mem>>) src(%dma_wait3A_162 : memref<40960x128xf32, #tpu.memory_space<hbm>>) dst(%arg9 : memref<128x128xf32, #tpu.memory_space<vmem>>)
      %dma_start3A_163 = arith.constant 0 : i32
      %dma_start3A_164 = tpu.memref_slice %arg8[%add3A_149, %dma_start3A_163] : memref<40x128xi32, #tpu.memory_space<vmem>> -> memref<1x128xi32, #tpu.memory_space<vmem>>
      %dma_start3A_165 = tpu.memref_squeeze %dma_start3A_164 : memref<1x128xi32, #tpu.memory_space<vmem>> -> memref<128xi32, #tpu.memory_space<vmem>>
      %dma_start3A_166 = arith.constant 0 : i32
      %dma_start3A_167 = arith.constant 0 : i32
      %dma_start3A_168 = tpu.memref_slice %arg11[%dma_start3A_166, %dma_start3A_167] : memref<10240x128xf32, #tpu.memory_space<vmem_shared>> -> memref<10240x128xf32, #tpu.memory_space<vmem_shared>>
      tpu.enqueue_indirect_dma source(%arg9 : memref<128x128xf32, #tpu.memory_space<vmem>>) target(%dma_start3A_168 : memref<10240x128xf32, #tpu.memory_space<vmem_shared>>) offsets(%dma_start3A_165 : memref<128xi32, #tpu.memory_space<vmem>>) semaphore(%arg13 : memref<!tpu.dma_semaphore, #tpu.memory_space<semaphore_mem>>) {add = true}
      %gt3A_169 = arith.constant 1 : i32
      %gt3A_170 = arith.cmpi sgt, %add3A_149, %gt3A_169 : i32
      %convert_element_type3A_171 = arith.extui %gt3A_170 : i1 to i32
      %cond3A_172 = arith.constant 0 : i32
      %cond3A_173 = arith.cmpi ne, %convert_element_type3A_171, %cond3A_172 : i32
      scf.if %cond3A_173 {
        %dma_wait3A_196 = arith.constant 0 : i32
        %dma_wait3A_197 = arith.constant 0 : i32
        %dma_wait3A_198 = tpu.memref_slice %arg8[%dma_wait3A_196, %dma_wait3A_197] : memref<40x128xi32, #tpu.memory_space<vmem>> -> memref<1x128xi32, #tpu.memory_space<vmem>>
        %dma_wait3A_199 = tpu.memref_squeeze %dma_wait3A_198 : memref<1x128xi32, #tpu.memory_space<vmem>> -> memref<128xi32, #tpu.memory_space<vmem>>
        %dma_wait3A_200 = arith.constant 0 : i32
        %dma_wait3A_201 = arith.constant 0 : i32
        %dma_wait3A_202 = tpu.memref_slice %arg11[%dma_wait3A_200, %dma_wait3A_201] : memref<10240x128xf32, #tpu.memory_space<vmem_shared>> -> memref<10240x128xf32, #tpu.memory_space<vmem_shared>>
        tpu.wait_indirect_dma semaphore(%arg14 : memref<!tpu.dma_semaphore, #tpu.memory_space<semaphore_mem>>) src(%arg10 : memref<128x128xf32, #tpu.memory_space<vmem>>) dst(%dma_wait3A_202 : memref<10240x128xf32, #tpu.memory_space<vmem_shared>>)
      } else {
      }
      %add3A_174 = arith.constant 1 : i32
      %add3A_175 = arith.addi %add3A_149, %add3A_174 : i32
      %dma_start3A_176 = arith.constant 0 : i32
      %dma_start3A_177 = tpu.memref_slice %arg7[%add3A_175, %dma_start3A_176] : memref<40x128xi32, #tpu.memory_space<vmem>> -> memref<1x128xi32, #tpu.memory_space<vmem>>
      %dma_start3A_178 = tpu.memref_squeeze %dma_start3A_177 : memref<1x128xi32, #tpu.memory_space<vmem>> -> memref<128xi32, #tpu.memory_space<vmem>>
      %dma_start3A_179 = arith.constant 0 : i32
      %dma_start3A_180 = arith.constant 0 : i32
      %dma_start3A_181 = tpu.memref_slice %arg4[%dma_start3A_179, %dma_start3A_180] : memref<40960x128xf32, #tpu.memory_space<hbm>> -> memref<40960x128xf32, #tpu.memory_space<hbm>>
      tpu.enqueue_indirect_dma source(%dma_start3A_181 : memref<40960x128xf32, #tpu.memory_space<hbm>>) target(%arg10 : memref<128x128xf32, #tpu.memory_space<vmem>>) offsets(%dma_start3A_178 : memref<128xi32, #tpu.memory_space<vmem>>) semaphore(%arg12 : memref<!tpu.dma_semaphore, #tpu.memory_space<semaphore_mem>>)
      %dma_wait3A_182 = arith.constant 0 : i32
      %dma_wait3A_183 = tpu.memref_slice %arg7[%add3A_175, %dma_wait3A_182] : memref<40x128xi32, #tpu.memory_space<vmem>> -> memref<1x128xi32, #tpu.memory_space<vmem>>
      %dma_wait3A_184 = tpu.memref_squeeze %dma_wait3A_183 : memref<1x128xi32, #tpu.memory_space<vmem>> -> memref<128xi32, #tpu.memory_space<vmem>>
      %dma_wait3A_185 = arith.constant 0 : i32
      %dma_wait3A_186 = arith.constant 0 : i32
      %dma_wait3A_187 = tpu.memref_slice %arg4[%dma_wait3A_185, %dma_wait3A_186] : memref<40960x128xf32, #tpu.memory_space<hbm>> -> memref<40960x128xf32, #tpu.memory_space<hbm>>
      tpu.wait_indirect_dma semaphore(%arg12 : memref<!tpu.dma_semaphore, #tpu.memory_space<semaphore_mem>>) src(%dma_wait3A_187 : memref<40960x128xf32, #tpu.memory_space<hbm>>) dst(%arg10 : memref<128x128xf32, #tpu.memory_space<vmem>>)
      %add3A_188 = arith.constant 1 : i32
      %add3A_189 = arith.addi %add3A_149, %add3A_188 : i32
      %dma_start3A_190 = arith.constant 0 : i32
      %dma_start3A_191 = tpu.memref_slice %arg8[%add3A_189, %dma_start3A_190] : memref<40x128xi32, #tpu.memory_space<vmem>> -> memref<1x128xi32, #tpu.memory_space<vmem>>
      %dma_start3A_192 = tpu.memref_squeeze %dma_start3A_191 : memref<1x128xi32, #tpu.memory_space<vmem>> -> memref<128xi32, #tpu.memory_space<vmem>>
      %dma_start3A_193 = arith.constant 0 : i32
      %dma_start3A_194 = arith.constant 0 : i32
      %dma_start3A_195 = tpu.memref_slice %arg11[%dma_start3A_193, %dma_start3A_194] : memref<10240x128xf32, #tpu.memory_space<vmem_shared>> -> memref<10240x128xf32, #tpu.memory_space<vmem_shared>>
      tpu.enqueue_indirect_dma source(%arg10 : memref<128x128xf32, #tpu.memory_space<vmem>>) target(%dma_start3A_195 : memref<10240x128xf32, #tpu.memory_space<vmem_shared>>) offsets(%dma_start3A_192 : memref<128xi32, #tpu.memory_space<vmem>>) semaphore(%arg14 : memref<!tpu.dma_semaphore, #tpu.memory_space<semaphore_mem>>) {add = true}
    }
    %scan3A_94 = arith.constant 20 : i32
    %dma_wait3A_95 = arith.constant 0 : i32
    %dma_wait3A_96 = arith.constant 0 : i32
    %dma_wait3A_97 = tpu.memref_slice %arg8[%dma_wait3A_95, %dma_wait3A_96] : memref<40x128xi32, #tpu.memory_space<vmem>> -> memref<1x128xi32, #tpu.memory_space<vmem>>
    %dma_wait3A_98 = tpu.memref_squeeze %dma_wait3A_97 : memref<1x128xi32, #tpu.memory_space<vmem>> -> memref<128xi32, #tpu.memory_space<vmem>>
    %dma_wait3A_99 = arith.constant 0 : i32
    %dma_wait3A_100 = arith.constant 0 : i32
    %dma_wait3A_101 = tpu.memref_slice %arg11[%dma_wait3A_99, %dma_wait3A_100] : memref<10240x128xf32, #tpu.memory_space<vmem_shared>> -> memref<10240x128xf32, #tpu.memory_space<vmem_shared>>
    tpu.wait_indirect_dma semaphore(%arg13 : memref<!tpu.dma_semaphore, #tpu.memory_space<semaphore_mem>>) src(%arg9 : memref<128x128xf32, #tpu.memory_space<vmem>>) dst(%dma_wait3A_101 : memref<10240x128xf32, #tpu.memory_space<vmem_shared>>)
    %dma_wait3A_102 = arith.constant 0 : i32
    %dma_wait3A_103 = arith.constant 0 : i32
    %dma_wait3A_104 = tpu.memref_slice %arg8[%dma_wait3A_102, %dma_wait3A_103] : memref<40x128xi32, #tpu.memory_space<vmem>> -> memref<1x128xi32, #tpu.memory_space<vmem>>
    %dma_wait3A_105 = tpu.memref_squeeze %dma_wait3A_104 : memref<1x128xi32, #tpu.memory_space<vmem>> -> memref<128xi32, #tpu.memory_space<vmem>>
    %dma_wait3A_106 = arith.constant 0 : i32
    %dma_wait3A_107 = arith.constant 0 : i32
    %dma_wait3A_108 = tpu.memref_slice %arg11[%dma_wait3A_106, %dma_wait3A_107] : memref<10240x128xf32, #tpu.memory_space<vmem_shared>> -> memref<10240x128xf32, #tpu.memory_space<vmem_shared>>
    tpu.wait_indirect_dma semaphore(%arg14 : memref<!tpu.dma_semaphore, #tpu.memory_space<semaphore_mem>>) src(%arg10 : memref<128x128xf32, #tpu.memory_space<vmem>>) dst(%dma_wait3A_108 : memref<10240x128xf32, #tpu.memory_space<vmem_shared>>)
    %mul3A_109 = arith.constant 16 : i32
    %mul3A_110 = arith.muli %add3A_73, %mul3A_109 : i32
    %add3A_111 = arith.addi %mul3A_110, %arg1 : i32
    %mul3A_112 = arith.constant 80 : i32
    %mul3A_113 = arith.muli %add3A_111, %mul3A_112 : i32
    %add3A_114 = arith.constant 40 : i32
    %add3A_115 = arith.addi %mul3A_113, %add3A_114 : i32
    "tpu.region"() ({
      %run_scoped3A = tpu.sem_alloc : memref<!tpu.dma_semaphore, #tpu.memory_space<semaphore_mem>>
      %dma_start3A = arith.constant 0 : i32
      %dma_start3A_145 = tpu.memref_slice %arg2[%add3A_115, %dma_start3A] : memref<5120x128xi32, #tpu.memory_space<hbm>> -> memref<40x128xi32, #tpu.memory_space<hbm>>
      %dma_start3A_146 = arith.constant 0 : i32
      %dma_start3A_147 = tpu.memref_slice %arg2[%add3A_115, %dma_start3A_146] : memref<5120x128xi32, #tpu.memory_space<hbm>> -> memref<40x128xi32, #tpu.memory_space<hbm>>
      tpu.enqueue_dma source(%dma_start3A_147 : memref<40x128xi32, #tpu.memory_space<hbm>>) target(%arg7 : memref<40x128xi32, #tpu.memory_space<vmem>>) target_semaphore(%run_scoped3A : memref<!tpu.dma_semaphore, #tpu.memory_space<semaphore_mem>>)
      %dma_wait3A_148 = arith.constant 0 : i32
      %dma_wait3A_149 = tpu.memref_slice %arg2[%add3A_115, %dma_wait3A_148] : memref<5120x128xi32, #tpu.memory_space<hbm>> -> memref<40x128xi32, #tpu.memory_space<hbm>>
      %dma_wait3A_150 = arith.constant 0 : i32
      %dma_wait3A_151 = tpu.memref_slice %arg2[%add3A_115, %dma_wait3A_150] : memref<5120x128xi32, #tpu.memory_space<hbm>> -> memref<40x128xi32, #tpu.memory_space<hbm>>
      tpu.wait_dma2 semaphore(%run_scoped3A : memref<!tpu.dma_semaphore, #tpu.memory_space<semaphore_mem>>) src(%dma_wait3A_151 : memref<40x128xi32, #tpu.memory_space<hbm>>) dst(%arg7 : memref<40x128xi32, #tpu.memory_space<vmem>>)
      tpu.yield
    }) : () -> ()
    %mul3A_116 = arith.constant 80 : i32
    %mul3A_117 = arith.muli %arg1, %mul3A_116 : i32
    %add3A_118 = arith.constant 40 : i32
    %add3A_119 = arith.addi %mul3A_117, %add3A_118 : i32
    "tpu.region"() ({
      %run_scoped3A = tpu.sem_alloc : memref<!tpu.dma_semaphore, #tpu.memory_space<semaphore_mem>>
      %dma_start3A = arith.constant 0 : i32
      %dma_start3A_145 = tpu.memref_slice %arg3[%add3A_119, %dma_start3A] : memref<1280x128xi32, #tpu.memory_space<hbm>> -> memref<40x128xi32, #tpu.memory_space<hbm>>
      %dma_start3A_146 = arith.constant 0 : i32
      %dma_start3A_147 = tpu.memref_slice %arg3[%add3A_119, %dma_start3A_146] : memref<1280x128xi32, #tpu.memory_space<hbm>> -> memref<40x128xi32, #tpu.memory_space<hbm>>
      tpu.enqueue_dma source(%dma_start3A_147 : memref<40x128xi32, #tpu.memory_space<hbm>>) target(%arg8 : memref<40x128xi32, #tpu.memory_space<vmem>>) target_semaphore(%run_scoped3A : memref<!tpu.dma_semaphore, #tpu.memory_space<semaphore_mem>>)
      %dma_wait3A_148 = arith.constant 0 : i32
      %dma_wait3A_149 = tpu.memref_slice %arg3[%add3A_119, %dma_wait3A_148] : memref<1280x128xi32, #tpu.memory_space<hbm>> -> memref<40x128xi32, #tpu.memory_space<hbm>>
      %dma_wait3A_150 = arith.constant 0 : i32
      %dma_wait3A_151 = tpu.memref_slice %arg3[%add3A_119, %dma_wait3A_150] : memref<1280x128xi32, #tpu.memory_space<hbm>> -> memref<40x128xi32, #tpu.memory_space<hbm>>
      tpu.wait_dma2 semaphore(%run_scoped3A : memref<!tpu.dma_semaphore, #tpu.memory_space<semaphore_mem>>) src(%dma_wait3A_151 : memref<40x128xi32, #tpu.memory_space<hbm>>) dst(%arg8 : memref<40x128xi32, #tpu.memory_space<vmem>>)
      tpu.yield
    }) : () -> ()
    %scan3A_120 = arith.constant 0 : i32
    %scan3A_121 = arith.constant 20 : i32
    %scan3A_122 = arith.addi %scan3A_120, %scan3A_121 : i32
    %scan3A_123 = arith.constant 1 : i32
    scf.for %scan3A_145 = %scan3A_120 to %scan3A_122 step %scan3A_123  : i32 {
      %mul3A_146 = arith.constant 2 : i32
      %mul3A_147 = arith.muli %scan3A_145, %mul3A_146 : i32
      %add3A_148 = arith.constant 0 : i32
      %add3A_149 = arith.addi %add3A_148, %mul3A_147 : i32
      %gt3A = arith.constant 0 : i32
      %gt3A_150 = arith.cmpi sgt, %add3A_149, %gt3A : i32
      %convert_element_type3A = arith.extui %gt3A_150 : i1 to i32
      %cond3A = arith.constant 0 : i32
      %cond3A_151 = arith.cmpi ne, %convert_element_type3A, %cond3A : i32
      scf.if %cond3A_151 {
        %dma_wait3A_196 = arith.constant 0 : i32
        %dma_wait3A_197 = arith.constant 0 : i32
        %dma_wait3A_198 = tpu.memref_slice %arg8[%dma_wait3A_196, %dma_wait3A_197] : memref<40x128xi32, #tpu.memory_space<vmem>> -> memref<1x128xi32, #tpu.memory_space<vmem>>
        %dma_wait3A_199 = tpu.memref_squeeze %dma_wait3A_198 : memref<1x128xi32, #tpu.memory_space<vmem>> -> memref<128xi32, #tpu.memory_space<vmem>>
        %dma_wait3A_200 = arith.constant 0 : i32
        %dma_wait3A_201 = arith.constant 0 : i32
        %dma_wait3A_202 = tpu.memref_slice %arg11[%dma_wait3A_200, %dma_wait3A_201] : memref<10240x128xf32, #tpu.memory_space<vmem_shared>> -> memref<10240x128xf32, #tpu.memory_space<vmem_shared>>
        tpu.wait_indirect_dma semaphore(%arg13 : memref<!tpu.dma_semaphore, #tpu.memory_space<semaphore_mem>>) src(%arg9 : memref<128x128xf32, #tpu.memory_space<vmem>>) dst(%dma_wait3A_202 : memref<10240x128xf32, #tpu.memory_space<vmem_shared>>)
      } else {
      }
      %dma_start3A = arith.constant 0 : i32
      %dma_start3A_152 = tpu.memref_slice %arg7[%add3A_149, %dma_start3A] : memref<40x128xi32, #tpu.memory_space<vmem>> -> memref<1x128xi32, #tpu.memory_space<vmem>>
      %dma_start3A_153 = tpu.memref_squeeze %dma_start3A_152 : memref<1x128xi32, #tpu.memory_space<vmem>> -> memref<128xi32, #tpu.memory_space<vmem>>
      %dma_start3A_154 = arith.constant 0 : i32
      %dma_start3A_155 = arith.constant 0 : i32
      %dma_start3A_156 = tpu.memref_slice %arg4[%dma_start3A_154, %dma_start3A_155] : memref<40960x128xf32, #tpu.memory_space<hbm>> -> memref<40960x128xf32, #tpu.memory_space<hbm>>
      tpu.enqueue_indirect_dma source(%dma_start3A_156 : memref<40960x128xf32, #tpu.memory_space<hbm>>) target(%arg9 : memref<128x128xf32, #tpu.memory_space<vmem>>) offsets(%dma_start3A_153 : memref<128xi32, #tpu.memory_space<vmem>>) semaphore(%arg12 : memref<!tpu.dma_semaphore, #tpu.memory_space<semaphore_mem>>)
      %dma_wait3A_157 = arith.constant 0 : i32
      %dma_wait3A_158 = tpu.memref_slice %arg7[%add3A_149, %dma_wait3A_157] : memref<40x128xi32, #tpu.memory_space<vmem>> -> memref<1x128xi32, #tpu.memory_space<vmem>>
      %dma_wait3A_159 = tpu.memref_squeeze %dma_wait3A_158 : memref<1x128xi32, #tpu.memory_space<vmem>> -> memref<128xi32, #tpu.memory_space<vmem>>
      %dma_wait3A_160 = arith.constant 0 : i32
      %dma_wait3A_161 = arith.constant 0 : i32
      %dma_wait3A_162 = tpu.memref_slice %arg4[%dma_wait3A_160, %dma_wait3A_161] : memref<40960x128xf32, #tpu.memory_space<hbm>> -> memref<40960x128xf32, #tpu.memory_space<hbm>>
      tpu.wait_indirect_dma semaphore(%arg12 : memref<!tpu.dma_semaphore, #tpu.memory_space<semaphore_mem>>) src(%dma_wait3A_162 : memref<40960x128xf32, #tpu.memory_space<hbm>>) dst(%arg9 : memref<128x128xf32, #tpu.memory_space<vmem>>)
      %dma_start3A_163 = arith.constant 0 : i32
      %dma_start3A_164 = tpu.memref_slice %arg8[%add3A_149, %dma_start3A_163] : memref<40x128xi32, #tpu.memory_space<vmem>> -> memref<1x128xi32, #tpu.memory_space<vmem>>
      %dma_start3A_165 = tpu.memref_squeeze %dma_start3A_164 : memref<1x128xi32, #tpu.memory_space<vmem>> -> memref<128xi32, #tpu.memory_space<vmem>>
      %dma_start3A_166 = arith.constant 0 : i32
      %dma_start3A_167 = arith.constant 0 : i32
      %dma_start3A_168 = tpu.memref_slice %arg11[%dma_start3A_166, %dma_start3A_167] : memref<10240x128xf32, #tpu.memory_space<vmem_shared>> -> memref<10240x128xf32, #tpu.memory_space<vmem_shared>>
      tpu.enqueue_indirect_dma source(%arg9 : memref<128x128xf32, #tpu.memory_space<vmem>>) target(%dma_start3A_168 : memref<10240x128xf32, #tpu.memory_space<vmem_shared>>) offsets(%dma_start3A_165 : memref<128xi32, #tpu.memory_space<vmem>>) semaphore(%arg13 : memref<!tpu.dma_semaphore, #tpu.memory_space<semaphore_mem>>) {add = true}
      %gt3A_169 = arith.constant 1 : i32
      %gt3A_170 = arith.cmpi sgt, %add3A_149, %gt3A_169 : i32
      %convert_element_type3A_171 = arith.extui %gt3A_170 : i1 to i32
      %cond3A_172 = arith.constant 0 : i32
      %cond3A_173 = arith.cmpi ne, %convert_element_type3A_171, %cond3A_172 : i32
      scf.if %cond3A_173 {
        %dma_wait3A_196 = arith.constant 0 : i32
        %dma_wait3A_197 = arith.constant 0 : i32
        %dma_wait3A_198 = tpu.memref_slice %arg8[%dma_wait3A_196, %dma_wait3A_197] : memref<40x128xi32, #tpu.memory_space<vmem>> -> memref<1x128xi32, #tpu.memory_space<vmem>>
        %dma_wait3A_199 = tpu.memref_squeeze %dma_wait3A_198 : memref<1x128xi32, #tpu.memory_space<vmem>> -> memref<128xi32, #tpu.memory_space<vmem>>
        %dma_wait3A_200 = arith.constant 0 : i32
        %dma_wait3A_201 = arith.constant 0 : i32
        %dma_wait3A_202 = tpu.memref_slice %arg11[%dma_wait3A_200, %dma_wait3A_201] : memref<10240x128xf32, #tpu.memory_space<vmem_shared>> -> memref<10240x128xf32, #tpu.memory_space<vmem_shared>>
        tpu.wait_indirect_dma semaphore(%arg14 : memref<!tpu.dma_semaphore, #tpu.memory_space<semaphore_mem>>) src(%arg10 : memref<128x128xf32, #tpu.memory_space<vmem>>) dst(%dma_wait3A_202 : memref<10240x128xf32, #tpu.memory_space<vmem_shared>>)
      } else {
      }
      %add3A_174 = arith.constant 1 : i32
      %add3A_175 = arith.addi %add3A_149, %add3A_174 : i32
      %dma_start3A_176 = arith.constant 0 : i32
      %dma_start3A_177 = tpu.memref_slice %arg7[%add3A_175, %dma_start3A_176] : memref<40x128xi32, #tpu.memory_space<vmem>> -> memref<1x128xi32, #tpu.memory_space<vmem>>
      %dma_start3A_178 = tpu.memref_squeeze %dma_start3A_177 : memref<1x128xi32, #tpu.memory_space<vmem>> -> memref<128xi32, #tpu.memory_space<vmem>>
      %dma_start3A_179 = arith.constant 0 : i32
      %dma_start3A_180 = arith.constant 0 : i32
      %dma_start3A_181 = tpu.memref_slice %arg4[%dma_start3A_179, %dma_start3A_180] : memref<40960x128xf32, #tpu.memory_space<hbm>> -> memref<40960x128xf32, #tpu.memory_space<hbm>>
      tpu.enqueue_indirect_dma source(%dma_start3A_181 : memref<40960x128xf32, #tpu.memory_space<hbm>>) target(%arg10 : memref<128x128xf32, #tpu.memory_space<vmem>>) offsets(%dma_start3A_178 : memref<128xi32, #tpu.memory_space<vmem>>) semaphore(%arg12 : memref<!tpu.dma_semaphore, #tpu.memory_space<semaphore_mem>>)
      %dma_wait3A_182 = arith.constant 0 : i32
      %dma_wait3A_183 = tpu.memref_slice %arg7[%add3A_175, %dma_wait3A_182] : memref<40x128xi32, #tpu.memory_space<vmem>> -> memref<1x128xi32, #tpu.memory_space<vmem>>
      %dma_wait3A_184 = tpu.memref_squeeze %dma_wait3A_183 : memref<1x128xi32, #tpu.memory_space<vmem>> -> memref<128xi32, #tpu.memory_space<vmem>>
      %dma_wait3A_185 = arith.constant 0 : i32
      %dma_wait3A_186 = arith.constant 0 : i32
      %dma_wait3A_187 = tpu.memref_slice %arg4[%dma_wait3A_185, %dma_wait3A_186] : memref<40960x128xf32, #tpu.memory_space<hbm>> -> memref<40960x128xf32, #tpu.memory_space<hbm>>
      tpu.wait_indirect_dma semaphore(%arg12 : memref<!tpu.dma_semaphore, #tpu.memory_space<semaphore_mem>>) src(%dma_wait3A_187 : memref<40960x128xf32, #tpu.memory_space<hbm>>) dst(%arg10 : memref<128x128xf32, #tpu.memory_space<vmem>>)
      %add3A_188 = arith.constant 1 : i32
      %add3A_189 = arith.addi %add3A_149, %add3A_188 : i32
      %dma_start3A_190 = arith.constant 0 : i32
      %dma_start3A_191 = tpu.memref_slice %arg8[%add3A_189, %dma_start3A_190] : memref<40x128xi32, #tpu.memory_space<vmem>> -> memref<1x128xi32, #tpu.memory_space<vmem>>
      %dma_start3A_192 = tpu.memref_squeeze %dma_start3A_191 : memref<1x128xi32, #tpu.memory_space<vmem>> -> memref<128xi32, #tpu.memory_space<vmem>>
      %dma_start3A_193 = arith.constant 0 : i32
      %dma_start3A_194 = arith.constant 0 : i32
      %dma_start3A_195 = tpu.memref_slice %arg11[%dma_start3A_193, %dma_start3A_194] : memref<10240x128xf32, #tpu.memory_space<vmem_shared>> -> memref<10240x128xf32, #tpu.memory_space<vmem_shared>>
      tpu.enqueue_indirect_dma source(%arg10 : memref<128x128xf32, #tpu.memory_space<vmem>>) target(%dma_start3A_195 : memref<10240x128xf32, #tpu.memory_space<vmem_shared>>) offsets(%dma_start3A_192 : memref<128xi32, #tpu.memory_space<vmem>>) semaphore(%arg14 : memref<!tpu.dma_semaphore, #tpu.memory_space<semaphore_mem>>) {add = true}
    }
    %scan3A_124 = arith.constant 20 : i32
    %dma_wait3A_125 = arith.constant 0 : i32
    %dma_wait3A_126 = arith.constant 0 : i32
    %dma_wait3A_127 = tpu.memref_slice %arg8[%dma_wait3A_125, %dma_wait3A_126] : memref<40x128xi32, #tpu.memory_space<vmem>> -> memref<1x128xi32, #tpu.memory_space<vmem>>
    %dma_wait3A_128 = tpu.memref_squeeze %dma_wait3A_127 : memref<1x128xi32, #tpu.memory_space<vmem>> -> memref<128xi32, #tpu.memory_space<vmem>>
    %dma_wait3A_129 = arith.constant 0 : i32
    %dma_wait3A_130 = arith.constant 0 : i32
    %dma_wait3A_131 = tpu.memref_slice %arg11[%dma_wait3A_129, %dma_wait3A_130] : memref<10240x128xf32, #tpu.memory_space<vmem_shared>> -> memref<10240x128xf32, #tpu.memory_space<vmem_shared>>
    tpu.wait_indirect_dma semaphore(%arg13 : memref<!tpu.dma_semaphore, #tpu.memory_space<semaphore_mem>>) src(%arg9 : memref<128x128xf32, #tpu.memory_space<vmem>>) dst(%dma_wait3A_131 : memref<10240x128xf32, #tpu.memory_space<vmem_shared>>)
    %dma_wait3A_132 = arith.constant 0 : i32
    %dma_wait3A_133 = arith.constant 0 : i32
    %dma_wait3A_134 = tpu.memref_slice %arg8[%dma_wait3A_132, %dma_wait3A_133] : memref<40x128xi32, #tpu.memory_space<vmem>> -> memref<1x128xi32, #tpu.memory_space<vmem>>
    %dma_wait3A_135 = tpu.memref_squeeze %dma_wait3A_134 : memref<1x128xi32, #tpu.memory_space<vmem>> -> memref<128xi32, #tpu.memory_space<vmem>>
    %dma_wait3A_136 = arith.constant 0 : i32
    %dma_wait3A_137 = arith.constant 0 : i32
    %dma_wait3A_138 = tpu.memref_slice %arg11[%dma_wait3A_136, %dma_wait3A_137] : memref<10240x128xf32, #tpu.memory_space<vmem_shared>> -> memref<10240x128xf32, #tpu.memory_space<vmem_shared>>
    tpu.wait_indirect_dma semaphore(%arg14 : memref<!tpu.dma_semaphore, #tpu.memory_space<semaphore_mem>>) src(%arg10 : memref<128x128xf32, #tpu.memory_space<vmem>>) dst(%dma_wait3A_138 : memref<10240x128xf32, #tpu.memory_space<vmem_shared>>)
    %barrier3A_139 = arith.constant 0 : index
    tpu.barrier barrier_id(%barrier3A_139)
    %mul3A_140 = arith.constant 640 : i32
    %mul3A_141 = arith.muli %arg1, %mul3A_140 : i32
    %mul3A_142 = arith.constant 640 : i32
    %mul3A_143 = arith.muli %arg1, %mul3A_142 : i32
    %add3A_144 = arith.addi %mul3A_75, %mul3A_143 : i32
    "tpu.region"() ({
      %run_scoped3A = tpu.sem_alloc : memref<!tpu.dma_semaphore, #tpu.memory_space<semaphore_mem>>
      %dma_start3A = arith.constant 0 : i32
      %dma_start3A_145 = tpu.memref_slice %arg6[%add3A_144, %dma_start3A] : memref<40960x128xf32, #tpu.memory_space<hbm>> -> memref<640x128xf32, #tpu.memory_space<hbm>>
      %dma_start3A_146 = arith.constant 0 : i32
      %dma_start3A_147 = tpu.memref_slice %arg11[%mul3A_141, %dma_start3A_146] : memref<10240x128xf32, #tpu.memory_space<vmem_shared>> -> memref<640x128xf32, #tpu.memory_space<vmem_shared>>
      tpu.enqueue_dma source(%dma_start3A_147 : memref<640x128xf32, #tpu.memory_space<vmem_shared>>) target(%dma_start3A_145 : memref<640x128xf32, #tpu.memory_space<hbm>>) target_semaphore(%run_scoped3A : memref<!tpu.dma_semaphore, #tpu.memory_space<semaphore_mem>>)
      %dma_wait3A_148 = arith.constant 0 : i32
      %dma_wait3A_149 = tpu.memref_slice %arg6[%add3A_144, %dma_wait3A_148] : memref<40960x128xf32, #tpu.memory_space<hbm>> -> memref<640x128xf32, #tpu.memory_space<hbm>>
      %dma_wait3A_150 = arith.constant 0 : i32
      %dma_wait3A_151 = tpu.memref_slice %arg11[%mul3A_141, %dma_wait3A_150] : memref<10240x128xf32, #tpu.memory_space<vmem_shared>> -> memref<640x128xf32, #tpu.memory_space<vmem_shared>>
      tpu.wait_dma2 semaphore(%run_scoped3A : memref<!tpu.dma_semaphore, #tpu.memory_space<semaphore_mem>>) src(%dma_wait3A_151 : memref<640x128xf32, #tpu.memory_space<vmem_shared>>) dst(%dma_wait3A_149 : memref<640x128xf32, #tpu.memory_space<hbm>>)
      tpu.yield
    }) : () -> ()
    return
  }
}

#map = affine_map<(d0, d1) -> (0, 0)>
module attributes {stable_mosaic.version = 14 : i64} {
  func.func @body(%arg0: i32, %arg1: i32, %arg2: memref<5120x128xi32, #tpu.memory_space<hbm>>, %arg3: memref<1280x128xi32, #tpu.memory_space<hbm>>, %arg4: memref<40960x128xf32, #tpu.memory_space<hbm>>, %arg5: memref<640x128xf32, #tpu.memory_space<hbm>>, %arg6: memref<40960x128xf32, #tpu.memory_space<hbm>>, %arg7: memref<40x128xi32, #tpu.memory_space<vmem>>, %arg8: memref<40x128xi32, #tpu.memory_space<vmem>>, %arg9: memref<128x128xf32, #tpu.memory_space<vmem>>, %arg10: memref<128x128xf32, #tpu.memory_space<vmem>>, %arg11: memref<10240x128xf32, #tpu.memory_space<vmem_shared>>, %arg12: memref<!tpu.dma_semaphore, #tpu.memory_space<semaphore_mem>>, %arg13: memref<!tpu.dma_semaphore, #tpu.memory_space<semaphore_mem>>, %arg14: memref<!tpu.dma_semaphore, #tpu.memory_space<semaphore_mem>>) attributes {dimension_semantics = [#tpu.dimension_semantics<core_parallel>, #tpu.dimension_semantics<subcore_parallel>], iteration_bounds = array<i64: 2, 16>, scalar_prefetch = 0 : i64, scratch_operands = 8 : i64, tpu.core_type = #tpu.core_type<sc_vector_subcore>, window_params = [{transform_indices = #map}, {transform_indices = #map}, {transform_indices = #map}, {transform_indices = #map}, {transform_indices = #map}]} {
    %mul3A = arith.constant 2 : i32
    %mul3A_0 = arith.muli %arg0, %mul3A : i32
    %add3A = arith.constant 0 : i32
    %add3A_1 = arith.addi %mul3A_0, %add3A : i32
    %mul3A_2 = arith.constant 10240 : i32
    %mul3A_3 = arith.muli %add3A_1, %mul3A_2 : i32
    %mul3A_4 = arith.constant 640 : i32
    %mul3A_5 = arith.muli %arg1, %mul3A_4 : i32
    "tpu.region"() ({
      %run_scoped3A = tpu.sem_alloc : memref<!tpu.dma_semaphore, #tpu.memory_space<semaphore_mem>>
      %dma_start3A = arith.constant 0 : i32
      %dma_start3A_145 = tpu.memref_slice %arg11[%mul3A_5, %dma_start3A] : memref<10240x128xf32, #tpu.memory_space<vmem_shared>> -> memref<640x128xf32, #tpu.memory_space<vmem_shared>>
      tpu.enqueue_dma source(%arg5 : memref<640x128xf32, #tpu.memory_space<hbm>>) target(%dma_start3A_145 : memref<640x128xf32, #tpu.memory_space<vmem_shared>>) target_semaphore(%run_scoped3A : memref<!tpu.dma_semaphore, #tpu.memory_space<semaphore_mem>>)
      %dma_wait3A_146 = arith.constant 0 : i32
      %dma_wait3A_147 = tpu.memref_slice %arg11[%mul3A_5, %dma_wait3A_146] : memref<10240x128xf32, #tpu.memory_space<vmem_shared>> -> memref<640x128xf32, #tpu.memory_space<vmem_shared>>
      tpu.wait_dma2 semaphore(%run_scoped3A : memref<!tpu.dma_semaphore, #tpu.memory_space<semaphore_mem>>) src(%arg5 : memref<640x128xf32, #tpu.memory_space<hbm>>) dst(%dma_wait3A_147 : memref<640x128xf32, #tpu.memory_space<vmem_shared>>)
      tpu.yield
    }) : () -> ()
    %barrier3A = arith.constant 0 : index
    tpu.barrier barrier_id(%barrier3A)
    %mul3A_6 = arith.constant 16 : i32
    %mul3A_7 = arith.muli %add3A_1, %mul3A_6 : i32
    %add3A_8 = arith.addi %mul3A_7, %arg1 : i32
    %mul3A_9 = arith.constant 80 : i32
    %mul3A_10 = arith.muli %add3A_8, %mul3A_9 : i32
    %add3A_11 = arith.constant 0 : i32
    %add3A_12 = arith.addi %mul3A_10, %add3A_11 : i32
    "tpu.region"() ({
      %run_scoped3A = tpu.sem_alloc : memref<!tpu.dma_semaphore, #tpu.memory_space<semaphore_mem>>
      %dma_start3A = arith.constant 0 : i32
      %dma_start3A_145 = tpu.memref_slice %arg2[%add3A_12, %dma_start3A] : memref<5120x128xi32, #tpu.memory_space<hbm>> -> memref<40x128xi32, #tpu.memory_space<hbm>>
      %dma_start3A_146 = arith.constant 0 : i32
      %dma_start3A_147 = tpu.memref_slice %arg2[%add3A_12, %dma_start3A_146] : memref<5120x128xi32, #tpu.memory_space<hbm>> -> memref<40x128xi32, #tpu.memory_space<hbm>>
      tpu.enqueue_dma source(%dma_start3A_147 : memref<40x128xi32, #tpu.memory_space<hbm>>) target(%arg7 : memref<40x128xi32, #tpu.memory_space<vmem>>) target_semaphore(%run_scoped3A : memref<!tpu.dma_semaphore, #tpu.memory_space<semaphore_mem>>)
      %dma_wait3A_148 = arith.constant 0 : i32
      %dma_wait3A_149 = tpu.memref_slice %arg2[%add3A_12, %dma_wait3A_148] : memref<5120x128xi32, #tpu.memory_space<hbm>> -> memref<40x128xi32, #tpu.memory_space<hbm>>
      %dma_wait3A_150 = arith.constant 0 : i32
      %dma_wait3A_151 = tpu.memref_slice %arg2[%add3A_12, %dma_wait3A_150] : memref<5120x128xi32, #tpu.memory_space<hbm>> -> memref<40x128xi32, #tpu.memory_space<hbm>>
      tpu.wait_dma2 semaphore(%run_scoped3A : memref<!tpu.dma_semaphore, #tpu.memory_space<semaphore_mem>>) src(%dma_wait3A_151 : memref<40x128xi32, #tpu.memory_space<hbm>>) dst(%arg7 : memref<40x128xi32, #tpu.memory_space<vmem>>)
      tpu.yield
    }) : () -> ()
    %mul3A_13 = arith.constant 80 : i32
    %mul3A_14 = arith.muli %arg1, %mul3A_13 : i32
    %add3A_15 = arith.constant 0 : i32
    %add3A_16 = arith.addi %mul3A_14, %add3A_15 : i32
    "tpu.region"() ({
      %run_scoped3A = tpu.sem_alloc : memref<!tpu.dma_semaphore, #tpu.memory_space<semaphore_mem>>
      %dma_start3A = arith.constant 0 : i32
      %dma_start3A_145 = tpu.memref_slice %arg3[%add3A_16, %dma_start3A] : memref<1280x128xi32, #tpu.memory_space<hbm>> -> memref<40x128xi32, #tpu.memory_space<hbm>>
      %dma_start3A_146 = arith.constant 0 : i32
      %dma_start3A_147 = tpu.memref_slice %arg3[%add3A_16, %dma_start3A_146] : memref<1280x128xi32, #tpu.memory_space<hbm>> -> memref<40x128xi32, #tpu.memory_space<hbm>>
      tpu.enqueue_dma source(%dma_start3A_147 : memref<40x128xi32, #tpu.memory_space<hbm>>) target(%arg8 : memref<40x128xi32, #tpu.memory_space<vmem>>) target_semaphore(%run_scoped3A : memref<!tpu.dma_semaphore, #tpu.memory_space<semaphore_mem>>)
      %dma_wait3A_148 = arith.constant 0 : i32
      %dma_wait3A_149 = tpu.memref_slice %arg3[%add3A_16, %dma_wait3A_148] : memref<1280x128xi32, #tpu.memory_space<hbm>> -> memref<40x128xi32, #tpu.memory_space<hbm>>
      %dma_wait3A_150 = arith.constant 0 : i32
      %dma_wait3A_151 = tpu.memref_slice %arg3[%add3A_16, %dma_wait3A_150] : memref<1280x128xi32, #tpu.memory_space<hbm>> -> memref<40x128xi32, #tpu.memory_space<hbm>>
      tpu.wait_dma2 semaphore(%run_scoped3A : memref<!tpu.dma_semaphore, #tpu.memory_space<semaphore_mem>>) src(%dma_wait3A_151 : memref<40x128xi32, #tpu.memory_space<hbm>>) dst(%arg8 : memref<40x128xi32, #tpu.memory_space<vmem>>)
      tpu.yield
    }) : () -> ()
    %scan3A = arith.constant 0 : i32
    %scan3A_17 = arith.constant 20 : i32
    %scan3A_18 = arith.addi %scan3A, %scan3A_17 : i32
    %scan3A_19 = arith.constant 1 : i32
    scf.for %scan3A_145 = %scan3A to %scan3A_18 step %scan3A_19  : i32 {
      %mul3A_146 = arith.constant 2 : i32
      %mul3A_147 = arith.muli %scan3A_145, %mul3A_146 : i32
      %add3A_148 = arith.constant 0 : i32
      %add3A_149 = arith.addi %add3A_148, %mul3A_147 : i32
      %gt3A = arith.constant 0 : i32
      %gt3A_150 = arith.cmpi sgt, %add3A_149, %gt3A : i32
      %convert_element_type3A = arith.extui %gt3A_150 : i1 to i32
      %cond3A = arith.constant 0 : i32
      %cond3A_151 = arith.cmpi ne, %convert_element_type3A, %cond3A : i32
      scf.if %cond3A_151 {
        %dma_wait3A_196 = arith.constant 0 : i32
        %dma_wait3A_197 = arith.constant 0 : i32
        %dma_wait3A_198 = tpu.memref_slice %arg8[%dma_wait3A_196, %dma_wait3A_197] : memref<40x128xi32, #tpu.memory_space<vmem>> -> memref<1x128xi32, #tpu.memory_space<vmem>>
        %dma_wait3A_199 = tpu.memref_squeeze %dma_wait3A_198 : memref<1x128xi32, #tpu.memory_space<vmem>> -> memref<128xi32, #tpu.memory_space<vmem>>
        %dma_wait3A_200 = arith.constant 0 : i32
        %dma_wait3A_201 = arith.constant 0 : i32
        %dma_wait3A_202 = tpu.memref_slice %arg11[%dma_wait3A_200, %dma_wait3A_201] : memref<10240x128xf32, #tpu.memory_space<vmem_shared>> -> memref<10240x128xf32, #tpu.memory_space<vmem_shared>>
        tpu.wait_indirect_dma semaphore(%arg13 : memref<!tpu.dma_semaphore, #tpu.memory_space<semaphore_mem>>) src(%arg9 : memref<128x128xf32, #tpu.memory_space<vmem>>) dst(%dma_wait3A_202 : memref<10240x128xf32, #tpu.memory_space<vmem_shared>>)
      } else {
      }
      %dma_start3A = arith.constant 0 : i32
      %dma_start3A_152 = tpu.memref_slice %arg7[%add3A_149, %dma_start3A] : memref<40x128xi32, #tpu.memory_space<vmem>> -> memref<1x128xi32, #tpu.memory_space<vmem>>
      %dma_start3A_153 = tpu.memref_squeeze %dma_start3A_152 : memref<1x128xi32, #tpu.memory_space<vmem>> -> memref<128xi32, #tpu.memory_space<vmem>>
      %dma_start3A_154 = arith.constant 0 : i32
      %dma_start3A_155 = arith.constant 0 : i32
      %dma_start3A_156 = tpu.memref_slice %arg4[%dma_start3A_154, %dma_start3A_155] : memref<40960x128xf32, #tpu.memory_space<hbm>> -> memref<40960x128xf32, #tpu.memory_space<hbm>>
      tpu.enqueue_indirect_dma source(%dma_start3A_156 : memref<40960x128xf32, #tpu.memory_space<hbm>>) target(%arg9 : memref<128x128xf32, #tpu.memory_space<vmem>>) offsets(%dma_start3A_153 : memref<128xi32, #tpu.memory_space<vmem>>) semaphore(%arg12 : memref<!tpu.dma_semaphore, #tpu.memory_space<semaphore_mem>>)
      %dma_wait3A_157 = arith.constant 0 : i32
      %dma_wait3A_158 = tpu.memref_slice %arg7[%add3A_149, %dma_wait3A_157] : memref<40x128xi32, #tpu.memory_space<vmem>> -> memref<1x128xi32, #tpu.memory_space<vmem>>
      %dma_wait3A_159 = tpu.memref_squeeze %dma_wait3A_158 : memref<1x128xi32, #tpu.memory_space<vmem>> -> memref<128xi32, #tpu.memory_space<vmem>>
      %dma_wait3A_160 = arith.constant 0 : i32
      %dma_wait3A_161 = arith.constant 0 : i32
      %dma_wait3A_162 = tpu.memref_slice %arg4[%dma_wait3A_160, %dma_wait3A_161] : memref<40960x128xf32, #tpu.memory_space<hbm>> -> memref<40960x128xf32, #tpu.memory_space<hbm>>
      tpu.wait_indirect_dma semaphore(%arg12 : memref<!tpu.dma_semaphore, #tpu.memory_space<semaphore_mem>>) src(%dma_wait3A_162 : memref<40960x128xf32, #tpu.memory_space<hbm>>) dst(%arg9 : memref<128x128xf32, #tpu.memory_space<vmem>>)
      %dma_start3A_163 = arith.constant 0 : i32
      %dma_start3A_164 = tpu.memref_slice %arg8[%add3A_149, %dma_start3A_163] : memref<40x128xi32, #tpu.memory_space<vmem>> -> memref<1x128xi32, #tpu.memory_space<vmem>>
      %dma_start3A_165 = tpu.memref_squeeze %dma_start3A_164 : memref<1x128xi32, #tpu.memory_space<vmem>> -> memref<128xi32, #tpu.memory_space<vmem>>
      %dma_start3A_166 = arith.constant 0 : i32
      %dma_start3A_167 = arith.constant 0 : i32
      %dma_start3A_168 = tpu.memref_slice %arg11[%dma_start3A_166, %dma_start3A_167] : memref<10240x128xf32, #tpu.memory_space<vmem_shared>> -> memref<10240x128xf32, #tpu.memory_space<vmem_shared>>
      tpu.enqueue_indirect_dma source(%arg9 : memref<128x128xf32, #tpu.memory_space<vmem>>) target(%dma_start3A_168 : memref<10240x128xf32, #tpu.memory_space<vmem_shared>>) offsets(%dma_start3A_165 : memref<128xi32, #tpu.memory_space<vmem>>) semaphore(%arg13 : memref<!tpu.dma_semaphore, #tpu.memory_space<semaphore_mem>>) {add = true}
      %gt3A_169 = arith.constant 1 : i32
      %gt3A_170 = arith.cmpi sgt, %add3A_149, %gt3A_169 : i32
      %convert_element_type3A_171 = arith.extui %gt3A_170 : i1 to i32
      %cond3A_172 = arith.constant 0 : i32
      %cond3A_173 = arith.cmpi ne, %convert_element_type3A_171, %cond3A_172 : i32
      scf.if %cond3A_173 {
        %dma_wait3A_196 = arith.constant 0 : i32
        %dma_wait3A_197 = arith.constant 0 : i32
        %dma_wait3A_198 = tpu.memref_slice %arg8[%dma_wait3A_196, %dma_wait3A_197] : memref<40x128xi32, #tpu.memory_space<vmem>> -> memref<1x128xi32, #tpu.memory_space<vmem>>
        %dma_wait3A_199 = tpu.memref_squeeze %dma_wait3A_198 : memref<1x128xi32, #tpu.memory_space<vmem>> -> memref<128xi32, #tpu.memory_space<vmem>>
        %dma_wait3A_200 = arith.constant 0 : i32
        %dma_wait3A_201 = arith.constant 0 : i32
        %dma_wait3A_202 = tpu.memref_slice %arg11[%dma_wait3A_200, %dma_wait3A_201] : memref<10240x128xf32, #tpu.memory_space<vmem_shared>> -> memref<10240x128xf32, #tpu.memory_space<vmem_shared>>
        tpu.wait_indirect_dma semaphore(%arg14 : memref<!tpu.dma_semaphore, #tpu.memory_space<semaphore_mem>>) src(%arg10 : memref<128x128xf32, #tpu.memory_space<vmem>>) dst(%dma_wait3A_202 : memref<10240x128xf32, #tpu.memory_space<vmem_shared>>)
      } else {
      }
      %add3A_174 = arith.constant 1 : i32
      %add3A_175 = arith.addi %add3A_149, %add3A_174 : i32
      %dma_start3A_176 = arith.constant 0 : i32
      %dma_start3A_177 = tpu.memref_slice %arg7[%add3A_175, %dma_start3A_176] : memref<40x128xi32, #tpu.memory_space<vmem>> -> memref<1x128xi32, #tpu.memory_space<vmem>>
      %dma_start3A_178 = tpu.memref_squeeze %dma_start3A_177 : memref<1x128xi32, #tpu.memory_space<vmem>> -> memref<128xi32, #tpu.memory_space<vmem>>
      %dma_start3A_179 = arith.constant 0 : i32
      %dma_start3A_180 = arith.constant 0 : i32
      %dma_start3A_181 = tpu.memref_slice %arg4[%dma_start3A_179, %dma_start3A_180] : memref<40960x128xf32, #tpu.memory_space<hbm>> -> memref<40960x128xf32, #tpu.memory_space<hbm>>
      tpu.enqueue_indirect_dma source(%dma_start3A_181 : memref<40960x128xf32, #tpu.memory_space<hbm>>) target(%arg10 : memref<128x128xf32, #tpu.memory_space<vmem>>) offsets(%dma_start3A_178 : memref<128xi32, #tpu.memory_space<vmem>>) semaphore(%arg12 : memref<!tpu.dma_semaphore, #tpu.memory_space<semaphore_mem>>)
      %dma_wait3A_182 = arith.constant 0 : i32
      %dma_wait3A_183 = tpu.memref_slice %arg7[%add3A_175, %dma_wait3A_182] : memref<40x128xi32, #tpu.memory_space<vmem>> -> memref<1x128xi32, #tpu.memory_space<vmem>>
      %dma_wait3A_184 = tpu.memref_squeeze %dma_wait3A_183 : memref<1x128xi32, #tpu.memory_space<vmem>> -> memref<128xi32, #tpu.memory_space<vmem>>
      %dma_wait3A_185 = arith.constant 0 : i32
      %dma_wait3A_186 = arith.constant 0 : i32
      %dma_wait3A_187 = tpu.memref_slice %arg4[%dma_wait3A_185, %dma_wait3A_186] : memref<40960x128xf32, #tpu.memory_space<hbm>> -> memref<40960x128xf32, #tpu.memory_space<hbm>>
      tpu.wait_indirect_dma semaphore(%arg12 : memref<!tpu.dma_semaphore, #tpu.memory_space<semaphore_mem>>) src(%dma_wait3A_187 : memref<40960x128xf32, #tpu.memory_space<hbm>>) dst(%arg10 : memref<128x128xf32, #tpu.memory_space<vmem>>)
      %add3A_188 = arith.constant 1 : i32
      %add3A_189 = arith.addi %add3A_149, %add3A_188 : i32
      %dma_start3A_190 = arith.constant 0 : i32
      %dma_start3A_191 = tpu.memref_slice %arg8[%add3A_189, %dma_start3A_190] : memref<40x128xi32, #tpu.memory_space<vmem>> -> memref<1x128xi32, #tpu.memory_space<vmem>>
      %dma_start3A_192 = tpu.memref_squeeze %dma_start3A_191 : memref<1x128xi32, #tpu.memory_space<vmem>> -> memref<128xi32, #tpu.memory_space<vmem>>
      %dma_start3A_193 = arith.constant 0 : i32
      %dma_start3A_194 = arith.constant 0 : i32
      %dma_start3A_195 = tpu.memref_slice %arg11[%dma_start3A_193, %dma_start3A_194] : memref<10240x128xf32, #tpu.memory_space<vmem_shared>> -> memref<10240x128xf32, #tpu.memory_space<vmem_shared>>
      tpu.enqueue_indirect_dma source(%arg10 : memref<128x128xf32, #tpu.memory_space<vmem>>) target(%dma_start3A_195 : memref<10240x128xf32, #tpu.memory_space<vmem_shared>>) offsets(%dma_start3A_192 : memref<128xi32, #tpu.memory_space<vmem>>) semaphore(%arg14 : memref<!tpu.dma_semaphore, #tpu.memory_space<semaphore_mem>>) {add = true}
    }
    %scan3A_20 = arith.constant 20 : i32
    %dma_wait3A = arith.constant 0 : i32
    %dma_wait3A_21 = arith.constant 0 : i32
    %dma_wait3A_22 = tpu.memref_slice %arg8[%dma_wait3A, %dma_wait3A_21] : memref<40x128xi32, #tpu.memory_space<vmem>> -> memref<1x128xi32, #tpu.memory_space<vmem>>
    %dma_wait3A_23 = tpu.memref_squeeze %dma_wait3A_22 : memref<1x128xi32, #tpu.memory_space<vmem>> -> memref<128xi32, #tpu.memory_space<vmem>>
    %dma_wait3A_24 = arith.constant 0 : i32
    %dma_wait3A_25 = arith.constant 0 : i32
    %dma_wait3A_26 = tpu.memref_slice %arg11[%dma_wait3A_24, %dma_wait3A_25] : memref<10240x128xf32, #tpu.memory_space<vmem_shared>> -> memref<10240x128xf32, #tpu.memory_space<vmem_shared>>
    tpu.wait_indirect_dma semaphore(%arg13 : memref<!tpu.dma_semaphore, #tpu.memory_space<semaphore_mem>>) src(%arg9 : memref<128x128xf32, #tpu.memory_space<vmem>>) dst(%dma_wait3A_26 : memref<10240x128xf32, #tpu.memory_space<vmem_shared>>)
    %dma_wait3A_27 = arith.constant 0 : i32
    %dma_wait3A_28 = arith.constant 0 : i32
    %dma_wait3A_29 = tpu.memref_slice %arg8[%dma_wait3A_27, %dma_wait3A_28] : memref<40x128xi32, #tpu.memory_space<vmem>> -> memref<1x128xi32, #tpu.memory_space<vmem>>
    %dma_wait3A_30 = tpu.memref_squeeze %dma_wait3A_29 : memref<1x128xi32, #tpu.memory_space<vmem>> -> memref<128xi32, #tpu.memory_space<vmem>>
    %dma_wait3A_31 = arith.constant 0 : i32
    %dma_wait3A_32 = arith.constant 0 : i32
    %dma_wait3A_33 = tpu.memref_slice %arg11[%dma_wait3A_31, %dma_wait3A_32] : memref<10240x128xf32, #tpu.memory_space<vmem_shared>> -> memref<10240x128xf32, #tpu.memory_space<vmem_shared>>
    tpu.wait_indirect_dma semaphore(%arg14 : memref<!tpu.dma_semaphore, #tpu.memory_space<semaphore_mem>>) src(%arg10 : memref<128x128xf32, #tpu.memory_space<vmem>>) dst(%dma_wait3A_33 : memref<10240x128xf32, #tpu.memory_space<vmem_shared>>)
    %mul3A_34 = arith.constant 16 : i32
    %mul3A_35 = arith.muli %add3A_1, %mul3A_34 : i32
    %add3A_36 = arith.addi %mul3A_35, %arg1 : i32
    %mul3A_37 = arith.constant 80 : i32
    %mul3A_38 = arith.muli %add3A_36, %mul3A_37 : i32
    %add3A_39 = arith.constant 40 : i32
    %add3A_40 = arith.addi %mul3A_38, %add3A_39 : i32
    "tpu.region"() ({
      %run_scoped3A = tpu.sem_alloc : memref<!tpu.dma_semaphore, #tpu.memory_space<semaphore_mem>>
      %dma_start3A = arith.constant 0 : i32
      %dma_start3A_145 = tpu.memref_slice %arg2[%add3A_40, %dma_start3A] : memref<5120x128xi32, #tpu.memory_space<hbm>> -> memref<40x128xi32, #tpu.memory_space<hbm>>
      %dma_start3A_146 = arith.constant 0 : i32
      %dma_start3A_147 = tpu.memref_slice %arg2[%add3A_40, %dma_start3A_146] : memref<5120x128xi32, #tpu.memory_space<hbm>> -> memref<40x128xi32, #tpu.memory_space<hbm>>
      tpu.enqueue_dma source(%dma_start3A_147 : memref<40x128xi32, #tpu.memory_space<hbm>>) target(%arg7 : memref<40x128xi32, #tpu.memory_space<vmem>>) target_semaphore(%run_scoped3A : memref<!tpu.dma_semaphore, #tpu.memory_space<semaphore_mem>>)
      %dma_wait3A_148 = arith.constant 0 : i32
      %dma_wait3A_149 = tpu.memref_slice %arg2[%add3A_40, %dma_wait3A_148] : memref<5120x128xi32, #tpu.memory_space<hbm>> -> memref<40x128xi32, #tpu.memory_space<hbm>>
      %dma_wait3A_150 = arith.constant 0 : i32
      %dma_wait3A_151 = tpu.memref_slice %arg2[%add3A_40, %dma_wait3A_150] : memref<5120x128xi32, #tpu.memory_space<hbm>> -> memref<40x128xi32, #tpu.memory_space<hbm>>
      tpu.wait_dma2 semaphore(%run_scoped3A : memref<!tpu.dma_semaphore, #tpu.memory_space<semaphore_mem>>) src(%dma_wait3A_151 : memref<40x128xi32, #tpu.memory_space<hbm>>) dst(%arg7 : memref<40x128xi32, #tpu.memory_space<vmem>>)
      tpu.yield
    }) : () -> ()
    %mul3A_41 = arith.constant 80 : i32
    %mul3A_42 = arith.muli %arg1, %mul3A_41 : i32
    %add3A_43 = arith.constant 40 : i32
    %add3A_44 = arith.addi %mul3A_42, %add3A_43 : i32
    "tpu.region"() ({
      %run_scoped3A = tpu.sem_alloc : memref<!tpu.dma_semaphore, #tpu.memory_space<semaphore_mem>>
      %dma_start3A = arith.constant 0 : i32
      %dma_start3A_145 = tpu.memref_slice %arg3[%add3A_44, %dma_start3A] : memref<1280x128xi32, #tpu.memory_space<hbm>> -> memref<40x128xi32, #tpu.memory_space<hbm>>
      %dma_start3A_146 = arith.constant 0 : i32
      %dma_start3A_147 = tpu.memref_slice %arg3[%add3A_44, %dma_start3A_146] : memref<1280x128xi32, #tpu.memory_space<hbm>> -> memref<40x128xi32, #tpu.memory_space<hbm>>
      tpu.enqueue_dma source(%dma_start3A_147 : memref<40x128xi32, #tpu.memory_space<hbm>>) target(%arg8 : memref<40x128xi32, #tpu.memory_space<vmem>>) target_semaphore(%run_scoped3A : memref<!tpu.dma_semaphore, #tpu.memory_space<semaphore_mem>>)
      %dma_wait3A_148 = arith.constant 0 : i32
      %dma_wait3A_149 = tpu.memref_slice %arg3[%add3A_44, %dma_wait3A_148] : memref<1280x128xi32, #tpu.memory_space<hbm>> -> memref<40x128xi32, #tpu.memory_space<hbm>>
      %dma_wait3A_150 = arith.constant 0 : i32
      %dma_wait3A_151 = tpu.memref_slice %arg3[%add3A_44, %dma_wait3A_150] : memref<1280x128xi32, #tpu.memory_space<hbm>> -> memref<40x128xi32, #tpu.memory_space<hbm>>
      tpu.wait_dma2 semaphore(%run_scoped3A : memref<!tpu.dma_semaphore, #tpu.memory_space<semaphore_mem>>) src(%dma_wait3A_151 : memref<40x128xi32, #tpu.memory_space<hbm>>) dst(%arg8 : memref<40x128xi32, #tpu.memory_space<vmem>>)
      tpu.yield
    }) : () -> ()
    %scan3A_45 = arith.constant 0 : i32
    %scan3A_46 = arith.constant 20 : i32
    %scan3A_47 = arith.addi %scan3A_45, %scan3A_46 : i32
    %scan3A_48 = arith.constant 1 : i32
    scf.for %scan3A_145 = %scan3A_45 to %scan3A_47 step %scan3A_48  : i32 {
      %mul3A_146 = arith.constant 2 : i32
      %mul3A_147 = arith.muli %scan3A_145, %mul3A_146 : i32
      %add3A_148 = arith.constant 0 : i32
      %add3A_149 = arith.addi %add3A_148, %mul3A_147 : i32
      %gt3A = arith.constant 0 : i32
      %gt3A_150 = arith.cmpi sgt, %add3A_149, %gt3A : i32
      %convert_element_type3A = arith.extui %gt3A_150 : i1 to i32
      %cond3A = arith.constant 0 : i32
      %cond3A_151 = arith.cmpi ne, %convert_element_type3A, %cond3A : i32
      scf.if %cond3A_151 {
        %dma_wait3A_196 = arith.constant 0 : i32
        %dma_wait3A_197 = arith.constant 0 : i32
        %dma_wait3A_198 = tpu.memref_slice %arg8[%dma_wait3A_196, %dma_wait3A_197] : memref<40x128xi32, #tpu.memory_space<vmem>> -> memref<1x128xi32, #tpu.memory_space<vmem>>
        %dma_wait3A_199 = tpu.memref_squeeze %dma_wait3A_198 : memref<1x128xi32, #tpu.memory_space<vmem>> -> memref<128xi32, #tpu.memory_space<vmem>>
        %dma_wait3A_200 = arith.constant 0 : i32
        %dma_wait3A_201 = arith.constant 0 : i32
        %dma_wait3A_202 = tpu.memref_slice %arg11[%dma_wait3A_200, %dma_wait3A_201] : memref<10240x128xf32, #tpu.memory_space<vmem_shared>> -> memref<10240x128xf32, #tpu.memory_space<vmem_shared>>
        tpu.wait_indirect_dma semaphore(%arg13 : memref<!tpu.dma_semaphore, #tpu.memory_space<semaphore_mem>>) src(%arg9 : memref<128x128xf32, #tpu.memory_space<vmem>>) dst(%dma_wait3A_202 : memref<10240x128xf32, #tpu.memory_space<vmem_shared>>)
      } else {
      }
      %dma_start3A = arith.constant 0 : i32
      %dma_start3A_152 = tpu.memref_slice %arg7[%add3A_149, %dma_start3A] : memref<40x128xi32, #tpu.memory_space<vmem>> -> memref<1x128xi32, #tpu.memory_space<vmem>>
      %dma_start3A_153 = tpu.memref_squeeze %dma_start3A_152 : memref<1x128xi32, #tpu.memory_space<vmem>> -> memref<128xi32, #tpu.memory_space<vmem>>
      %dma_start3A_154 = arith.constant 0 : i32
      %dma_start3A_155 = arith.constant 0 : i32
      %dma_start3A_156 = tpu.memref_slice %arg4[%dma_start3A_154, %dma_start3A_155] : memref<40960x128xf32, #tpu.memory_space<hbm>> -> memref<40960x128xf32, #tpu.memory_space<hbm>>
      tpu.enqueue_indirect_dma source(%dma_start3A_156 : memref<40960x128xf32, #tpu.memory_space<hbm>>) target(%arg9 : memref<128x128xf32, #tpu.memory_space<vmem>>) offsets(%dma_start3A_153 : memref<128xi32, #tpu.memory_space<vmem>>) semaphore(%arg12 : memref<!tpu.dma_semaphore, #tpu.memory_space<semaphore_mem>>)
      %dma_wait3A_157 = arith.constant 0 : i32
      %dma_wait3A_158 = tpu.memref_slice %arg7[%add3A_149, %dma_wait3A_157] : memref<40x128xi32, #tpu.memory_space<vmem>> -> memref<1x128xi32, #tpu.memory_space<vmem>>
      %dma_wait3A_159 = tpu.memref_squeeze %dma_wait3A_158 : memref<1x128xi32, #tpu.memory_space<vmem>> -> memref<128xi32, #tpu.memory_space<vmem>>
      %dma_wait3A_160 = arith.constant 0 : i32
      %dma_wait3A_161 = arith.constant 0 : i32
      %dma_wait3A_162 = tpu.memref_slice %arg4[%dma_wait3A_160, %dma_wait3A_161] : memref<40960x128xf32, #tpu.memory_space<hbm>> -> memref<40960x128xf32, #tpu.memory_space<hbm>>
      tpu.wait_indirect_dma semaphore(%arg12 : memref<!tpu.dma_semaphore, #tpu.memory_space<semaphore_mem>>) src(%dma_wait3A_162 : memref<40960x128xf32, #tpu.memory_space<hbm>>) dst(%arg9 : memref<128x128xf32, #tpu.memory_space<vmem>>)
      %dma_start3A_163 = arith.constant 0 : i32
      %dma_start3A_164 = tpu.memref_slice %arg8[%add3A_149, %dma_start3A_163] : memref<40x128xi32, #tpu.memory_space<vmem>> -> memref<1x128xi32, #tpu.memory_space<vmem>>
      %dma_start3A_165 = tpu.memref_squeeze %dma_start3A_164 : memref<1x128xi32, #tpu.memory_space<vmem>> -> memref<128xi32, #tpu.memory_space<vmem>>
      %dma_start3A_166 = arith.constant 0 : i32
      %dma_start3A_167 = arith.constant 0 : i32
      %dma_start3A_168 = tpu.memref_slice %arg11[%dma_start3A_166, %dma_start3A_167] : memref<10240x128xf32, #tpu.memory_space<vmem_shared>> -> memref<10240x128xf32, #tpu.memory_space<vmem_shared>>
      tpu.enqueue_indirect_dma source(%arg9 : memref<128x128xf32, #tpu.memory_space<vmem>>) target(%dma_start3A_168 : memref<10240x128xf32, #tpu.memory_space<vmem_shared>>) offsets(%dma_start3A_165 : memref<128xi32, #tpu.memory_space<vmem>>) semaphore(%arg13 : memref<!tpu.dma_semaphore, #tpu.memory_space<semaphore_mem>>) {add = true}
      %gt3A_169 = arith.constant 1 : i32
      %gt3A_170 = arith.cmpi sgt, %add3A_149, %gt3A_169 : i32
      %convert_element_type3A_171 = arith.extui %gt3A_170 : i1 to i32
      %cond3A_172 = arith.constant 0 : i32
      %cond3A_173 = arith.cmpi ne, %convert_element_type3A_171, %cond3A_172 : i32
      scf.if %cond3A_173 {
        %dma_wait3A_196 = arith.constant 0 : i32
        %dma_wait3A_197 = arith.constant 0 : i32
        %dma_wait3A_198 = tpu.memref_slice %arg8[%dma_wait3A_196, %dma_wait3A_197] : memref<40x128xi32, #tpu.memory_space<vmem>> -> memref<1x128xi32, #tpu.memory_space<vmem>>
        %dma_wait3A_199 = tpu.memref_squeeze %dma_wait3A_198 : memref<1x128xi32, #tpu.memory_space<vmem>> -> memref<128xi32, #tpu.memory_space<vmem>>
        %dma_wait3A_200 = arith.constant 0 : i32
        %dma_wait3A_201 = arith.constant 0 : i32
        %dma_wait3A_202 = tpu.memref_slice %arg11[%dma_wait3A_200, %dma_wait3A_201] : memref<10240x128xf32, #tpu.memory_space<vmem_shared>> -> memref<10240x128xf32, #tpu.memory_space<vmem_shared>>
        tpu.wait_indirect_dma semaphore(%arg14 : memref<!tpu.dma_semaphore, #tpu.memory_space<semaphore_mem>>) src(%arg10 : memref<128x128xf32, #tpu.memory_space<vmem>>) dst(%dma_wait3A_202 : memref<10240x128xf32, #tpu.memory_space<vmem_shared>>)
      } else {
      }
      %add3A_174 = arith.constant 1 : i32
      %add3A_175 = arith.addi %add3A_149, %add3A_174 : i32
      %dma_start3A_176 = arith.constant 0 : i32
      %dma_start3A_177 = tpu.memref_slice %arg7[%add3A_175, %dma_start3A_176] : memref<40x128xi32, #tpu.memory_space<vmem>> -> memref<1x128xi32, #tpu.memory_space<vmem>>
      %dma_start3A_178 = tpu.memref_squeeze %dma_start3A_177 : memref<1x128xi32, #tpu.memory_space<vmem>> -> memref<128xi32, #tpu.memory_space<vmem>>
      %dma_start3A_179 = arith.constant 0 : i32
      %dma_start3A_180 = arith.constant 0 : i32
      %dma_start3A_181 = tpu.memref_slice %arg4[%dma_start3A_179, %dma_start3A_180] : memref<40960x128xf32, #tpu.memory_space<hbm>> -> memref<40960x128xf32, #tpu.memory_space<hbm>>
      tpu.enqueue_indirect_dma source(%dma_start3A_181 : memref<40960x128xf32, #tpu.memory_space<hbm>>) target(%arg10 : memref<128x128xf32, #tpu.memory_space<vmem>>) offsets(%dma_start3A_178 : memref<128xi32, #tpu.memory_space<vmem>>) semaphore(%arg12 : memref<!tpu.dma_semaphore, #tpu.memory_space<semaphore_mem>>)
      %dma_wait3A_182 = arith.constant 0 : i32
      %dma_wait3A_183 = tpu.memref_slice %arg7[%add3A_175, %dma_wait3A_182] : memref<40x128xi32, #tpu.memory_space<vmem>> -> memref<1x128xi32, #tpu.memory_space<vmem>>
      %dma_wait3A_184 = tpu.memref_squeeze %dma_wait3A_183 : memref<1x128xi32, #tpu.memory_space<vmem>> -> memref<128xi32, #tpu.memory_space<vmem>>
      %dma_wait3A_185 = arith.constant 0 : i32
      %dma_wait3A_186 = arith.constant 0 : i32
      %dma_wait3A_187 = tpu.memref_slice %arg4[%dma_wait3A_185, %dma_wait3A_186] : memref<40960x128xf32, #tpu.memory_space<hbm>> -> memref<40960x128xf32, #tpu.memory_space<hbm>>
      tpu.wait_indirect_dma semaphore(%arg12 : memref<!tpu.dma_semaphore, #tpu.memory_space<semaphore_mem>>) src(%dma_wait3A_187 : memref<40960x128xf32, #tpu.memory_space<hbm>>) dst(%arg10 : memref<128x128xf32, #tpu.memory_space<vmem>>)
      %add3A_188 = arith.constant 1 : i32
      %add3A_189 = arith.addi %add3A_149, %add3A_188 : i32
      %dma_start3A_190 = arith.constant 0 : i32
      %dma_start3A_191 = tpu.memref_slice %arg8[%add3A_189, %dma_start3A_190] : memref<40x128xi32, #tpu.memory_space<vmem>> -> memref<1x128xi32, #tpu.memory_space<vmem>>
      %dma_start3A_192 = tpu.memref_squeeze %dma_start3A_191 : memref<1x128xi32, #tpu.memory_space<vmem>> -> memref<128xi32, #tpu.memory_space<vmem>>
      %dma_start3A_193 = arith.constant 0 : i32
      %dma_start3A_194 = arith.constant 0 : i32
      %dma_start3A_195 = tpu.memref_slice %arg11[%dma_start3A_193, %dma_start3A_194] : memref<10240x128xf32, #tpu.memory_space<vmem_shared>> -> memref<10240x128xf32, #tpu.memory_space<vmem_shared>>
      tpu.enqueue_indirect_dma source(%arg10 : memref<128x128xf32, #tpu.memory_space<vmem>>) target(%dma_start3A_195 : memref<10240x128xf32, #tpu.memory_space<vmem_shared>>) offsets(%dma_start3A_192 : memref<128xi32, #tpu.memory_space<vmem>>) semaphore(%arg14 : memref<!tpu.dma_semaphore, #tpu.memory_space<semaphore_mem>>) {add = true}
    }
    %scan3A_49 = arith.constant 20 : i32
    %dma_wait3A_50 = arith.constant 0 : i32
    %dma_wait3A_51 = arith.constant 0 : i32
    %dma_wait3A_52 = tpu.memref_slice %arg8[%dma_wait3A_50, %dma_wait3A_51] : memref<40x128xi32, #tpu.memory_space<vmem>> -> memref<1x128xi32, #tpu.memory_space<vmem>>
    %dma_wait3A_53 = tpu.memref_squeeze %dma_wait3A_52 : memref<1x128xi32, #tpu.memory_space<vmem>> -> memref<128xi32, #tpu.memory_space<vmem>>
    %dma_wait3A_54 = arith.constant 0 : i32
    %dma_wait3A_55 = arith.constant 0 : i32
    %dma_wait3A_56 = tpu.memref_slice %arg11[%dma_wait3A_54, %dma_wait3A_55] : memref<10240x128xf32, #tpu.memory_space<vmem_shared>> -> memref<10240x128xf32, #tpu.memory_space<vmem_shared>>
    tpu.wait_indirect_dma semaphore(%arg13 : memref<!tpu.dma_semaphore, #tpu.memory_space<semaphore_mem>>) src(%arg9 : memref<128x128xf32, #tpu.memory_space<vmem>>) dst(%dma_wait3A_56 : memref<10240x128xf32, #tpu.memory_space<vmem_shared>>)
    %dma_wait3A_57 = arith.constant 0 : i32
    %dma_wait3A_58 = arith.constant 0 : i32
    %dma_wait3A_59 = tpu.memref_slice %arg8[%dma_wait3A_57, %dma_wait3A_58] : memref<40x128xi32, #tpu.memory_space<vmem>> -> memref<1x128xi32, #tpu.memory_space<vmem>>
    %dma_wait3A_60 = tpu.memref_squeeze %dma_wait3A_59 : memref<1x128xi32, #tpu.memory_space<vmem>> -> memref<128xi32, #tpu.memory_space<vmem>>
    %dma_wait3A_61 = arith.constant 0 : i32
    %dma_wait3A_62 = arith.constant 0 : i32
    %dma_wait3A_63 = tpu.memref_slice %arg11[%dma_wait3A_61, %dma_wait3A_62] : memref<10240x128xf32, #tpu.memory_space<vmem_shared>> -> memref<10240x128xf32, #tpu.memory_space<vmem_shared>>
    tpu.wait_indirect_dma semaphore(%arg14 : memref<!tpu.dma_semaphore, #tpu.memory_space<semaphore_mem>>) src(%arg10 : memref<128x128xf32, #tpu.memory_space<vmem>>) dst(%dma_wait3A_63 : memref<10240x128xf32, #tpu.memory_space<vmem_shared>>)
    %barrier3A_64 = arith.constant 0 : index
    tpu.barrier barrier_id(%barrier3A_64)
    %mul3A_65 = arith.constant 640 : i32
    %mul3A_66 = arith.muli %arg1, %mul3A_65 : i32
    %mul3A_67 = arith.constant 640 : i32
    %mul3A_68 = arith.muli %arg1, %mul3A_67 : i32
    %add3A_69 = arith.addi %mul3A_3, %mul3A_68 : i32
    "tpu.region"() ({
      %run_scoped3A = tpu.sem_alloc : memref<!tpu.dma_semaphore, #tpu.memory_space<semaphore_mem>>
      %dma_start3A = arith.constant 0 : i32
      %dma_start3A_145 = tpu.memref_slice %arg6[%add3A_69, %dma_start3A] : memref<40960x128xf32, #tpu.memory_space<hbm>> -> memref<640x128xf32, #tpu.memory_space<hbm>>
      %dma_start3A_146 = arith.constant 0 : i32
      %dma_start3A_147 = tpu.memref_slice %arg11[%mul3A_66, %dma_start3A_146] : memref<10240x128xf32, #tpu.memory_space<vmem_shared>> -> memref<640x128xf32, #tpu.memory_space<vmem_shared>>
      tpu.enqueue_dma source(%dma_start3A_147 : memref<640x128xf32, #tpu.memory_space<vmem_shared>>) target(%dma_start3A_145 : memref<640x128xf32, #tpu.memory_space<hbm>>) target_semaphore(%run_scoped3A : memref<!tpu.dma_semaphore, #tpu.memory_space<semaphore_mem>>)
      %dma_wait3A_148 = arith.constant 0 : i32
      %dma_wait3A_149 = tpu.memref_slice %arg6[%add3A_69, %dma_wait3A_148] : memref<40960x128xf32, #tpu.memory_space<hbm>> -> memref<640x128xf32, #tpu.memory_space<hbm>>
      %dma_wait3A_150 = arith.constant 0 : i32
      %dma_wait3A_151 = tpu.memref_slice %arg11[%mul3A_66, %dma_wait3A_150] : memref<10240x128xf32, #tpu.memory_space<vmem_shared>> -> memref<640x128xf32, #tpu.memory_space<vmem_shared>>
      tpu.wait_dma2 semaphore(%run_scoped3A : memref<!tpu.dma_semaphore, #tpu.memory_space<semaphore_mem>>) src(%dma_wait3A_151 : memref<640x128xf32, #tpu.memory_space<vmem_shared>>) dst(%dma_wait3A_149 : memref<640x128xf32, #tpu.memory_space<hbm>>)
      tpu.yield
    }) : () -> ()
    %mul3A_70 = arith.constant 2 : i32
    %mul3A_71 = arith.muli %arg0, %mul3A_70 : i32
    %add3A_72 = arith.constant 1 : i32
    %add3A_73 = arith.addi %mul3A_71, %add3A_72 : i32
    %mul3A_74 = arith.constant 10240 : i32
    %mul3A_75 = arith.muli %add3A_73, %mul3A_74 : i32
    %mul3A_76 = arith.constant 640 : i32
    %mul3A_77 = arith.muli %arg1, %mul3A_76 : i32
    "tpu.region"() ({
      %run_scoped3A = tpu.sem_alloc : memref<!tpu.dma_semaphore, #tpu.memory_space<semaphore_mem>>
      %dma_start3A = arith.constant 0 : i32
      %dma_start3A_145 = tpu.memref_slice %arg11[%mul3A_77, %dma_start3A] : memref<10240x128xf32, #tpu.memory_space<vmem_shared>> -> memref<640x128xf32, #tpu.memory_space<vmem_shared>>
      tpu.enqueue_dma source(%arg5 : memref<640x128xf32, #tpu.memory_space<hbm>>) target(%dma_start3A_145 : memref<640x128xf32, #tpu.memory_space<vmem_shared>>) target_semaphore(%run_scoped3A : memref<!tpu.dma_semaphore, #tpu.memory_space<semaphore_mem>>)
      %dma_wait3A_146 = arith.constant 0 : i32
      %dma_wait3A_147 = tpu.memref_slice %arg11[%mul3A_77, %dma_wait3A_146] : memref<10240x128xf32, #tpu.memory_space<vmem_shared>> -> memref<640x128xf32, #tpu.memory_space<vmem_shared>>
      tpu.wait_dma2 semaphore(%run_scoped3A : memref<!tpu.dma_semaphore, #tpu.memory_space<semaphore_mem>>) src(%arg5 : memref<640x128xf32, #tpu.memory_space<hbm>>) dst(%dma_wait3A_147 : memref<640x128xf32, #tpu.memory_space<vmem_shared>>)
      tpu.yield
    }) : () -> ()
    %barrier3A_78 = arith.constant 0 : index
    tpu.barrier barrier_id(%barrier3A_78)
    %mul3A_79 = arith.constant 16 : i32
    %mul3A_80 = arith.muli %add3A_73, %mul3A_79 : i32
    %add3A_81 = arith.addi %mul3A_80, %arg1 : i32
    %mul3A_82 = arith.constant 80 : i32
    %mul3A_83 = arith.muli %add3A_81, %mul3A_82 : i32
    %add3A_84 = arith.constant 0 : i32
    %add3A_85 = arith.addi %mul3A_83, %add3A_84 : i32
    "tpu.region"() ({
      %run_scoped3A = tpu.sem_alloc : memref<!tpu.dma_semaphore, #tpu.memory_space<semaphore_mem>>
      %dma_start3A = arith.constant 0 : i32
      %dma_start3A_145 = tpu.memref_slice %arg2[%add3A_85, %dma_start3A] : memref<5120x128xi32, #tpu.memory_space<hbm>> -> memref<40x128xi32, #tpu.memory_space<hbm>>
      %dma_start3A_146 = arith.constant 0 : i32
      %dma_start3A_147 = tpu.memref_slice %arg2[%add3A_85, %dma_start3A_146] : memref<5120x128xi32, #tpu.memory_space<hbm>> -> memref<40x128xi32, #tpu.memory_space<hbm>>
      tpu.enqueue_dma source(%dma_start3A_147 : memref<40x128xi32, #tpu.memory_space<hbm>>) target(%arg7 : memref<40x128xi32, #tpu.memory_space<vmem>>) target_semaphore(%run_scoped3A : memref<!tpu.dma_semaphore, #tpu.memory_space<semaphore_mem>>)
      %dma_wait3A_148 = arith.constant 0 : i32
      %dma_wait3A_149 = tpu.memref_slice %arg2[%add3A_85, %dma_wait3A_148] : memref<5120x128xi32, #tpu.memory_space<hbm>> -> memref<40x128xi32, #tpu.memory_space<hbm>>
      %dma_wait3A_150 = arith.constant 0 : i32
      %dma_wait3A_151 = tpu.memref_slice %arg2[%add3A_85, %dma_wait3A_150] : memref<5120x128xi32, #tpu.memory_space<hbm>> -> memref<40x128xi32, #tpu.memory_space<hbm>>
      tpu.wait_dma2 semaphore(%run_scoped3A : memref<!tpu.dma_semaphore, #tpu.memory_space<semaphore_mem>>) src(%dma_wait3A_151 : memref<40x128xi32, #tpu.memory_space<hbm>>) dst(%arg7 : memref<40x128xi32, #tpu.memory_space<vmem>>)
      tpu.yield
    }) : () -> ()
    %mul3A_86 = arith.constant 80 : i32
    %mul3A_87 = arith.muli %arg1, %mul3A_86 : i32
    %add3A_88 = arith.constant 0 : i32
    %add3A_89 = arith.addi %mul3A_87, %add3A_88 : i32
    "tpu.region"() ({
      %run_scoped3A = tpu.sem_alloc : memref<!tpu.dma_semaphore, #tpu.memory_space<semaphore_mem>>
      %dma_start3A = arith.constant 0 : i32
      %dma_start3A_145 = tpu.memref_slice %arg3[%add3A_89, %dma_start3A] : memref<1280x128xi32, #tpu.memory_space<hbm>> -> memref<40x128xi32, #tpu.memory_space<hbm>>
      %dma_start3A_146 = arith.constant 0 : i32
      %dma_start3A_147 = tpu.memref_slice %arg3[%add3A_89, %dma_start3A_146] : memref<1280x128xi32, #tpu.memory_space<hbm>> -> memref<40x128xi32, #tpu.memory_space<hbm>>
      tpu.enqueue_dma source(%dma_start3A_147 : memref<40x128xi32, #tpu.memory_space<hbm>>) target(%arg8 : memref<40x128xi32, #tpu.memory_space<vmem>>) target_semaphore(%run_scoped3A : memref<!tpu.dma_semaphore, #tpu.memory_space<semaphore_mem>>)
      %dma_wait3A_148 = arith.constant 0 : i32
      %dma_wait3A_149 = tpu.memref_slice %arg3[%add3A_89, %dma_wait3A_148] : memref<1280x128xi32, #tpu.memory_space<hbm>> -> memref<40x128xi32, #tpu.memory_space<hbm>>
      %dma_wait3A_150 = arith.constant 0 : i32
      %dma_wait3A_151 = tpu.memref_slice %arg3[%add3A_89, %dma_wait3A_150] : memref<1280x128xi32, #tpu.memory_space<hbm>> -> memref<40x128xi32, #tpu.memory_space<hbm>>
      tpu.wait_dma2 semaphore(%run_scoped3A : memref<!tpu.dma_semaphore, #tpu.memory_space<semaphore_mem>>) src(%dma_wait3A_151 : memref<40x128xi32, #tpu.memory_space<hbm>>) dst(%arg8 : memref<40x128xi32, #tpu.memory_space<vmem>>)
      tpu.yield
    }) : () -> ()
    %scan3A_90 = arith.constant 0 : i32
    %scan3A_91 = arith.constant 20 : i32
    %scan3A_92 = arith.addi %scan3A_90, %scan3A_91 : i32
    %scan3A_93 = arith.constant 1 : i32
    scf.for %scan3A_145 = %scan3A_90 to %scan3A_92 step %scan3A_93  : i32 {
      %mul3A_146 = arith.constant 2 : i32
      %mul3A_147 = arith.muli %scan3A_145, %mul3A_146 : i32
      %add3A_148 = arith.constant 0 : i32
      %add3A_149 = arith.addi %add3A_148, %mul3A_147 : i32
      %gt3A = arith.constant 0 : i32
      %gt3A_150 = arith.cmpi sgt, %add3A_149, %gt3A : i32
      %convert_element_type3A = arith.extui %gt3A_150 : i1 to i32
      %cond3A = arith.constant 0 : i32
      %cond3A_151 = arith.cmpi ne, %convert_element_type3A, %cond3A : i32
      scf.if %cond3A_151 {
        %dma_wait3A_196 = arith.constant 0 : i32
        %dma_wait3A_197 = arith.constant 0 : i32
        %dma_wait3A_198 = tpu.memref_slice %arg8[%dma_wait3A_196, %dma_wait3A_197] : memref<40x128xi32, #tpu.memory_space<vmem>> -> memref<1x128xi32, #tpu.memory_space<vmem>>
        %dma_wait3A_199 = tpu.memref_squeeze %dma_wait3A_198 : memref<1x128xi32, #tpu.memory_space<vmem>> -> memref<128xi32, #tpu.memory_space<vmem>>
        %dma_wait3A_200 = arith.constant 0 : i32
        %dma_wait3A_201 = arith.constant 0 : i32
        %dma_wait3A_202 = tpu.memref_slice %arg11[%dma_wait3A_200, %dma_wait3A_201] : memref<10240x128xf32, #tpu.memory_space<vmem_shared>> -> memref<10240x128xf32, #tpu.memory_space<vmem_shared>>
        tpu.wait_indirect_dma semaphore(%arg13 : memref<!tpu.dma_semaphore, #tpu.memory_space<semaphore_mem>>) src(%arg9 : memref<128x128xf32, #tpu.memory_space<vmem>>) dst(%dma_wait3A_202 : memref<10240x128xf32, #tpu.memory_space<vmem_shared>>)
      } else {
      }
      %dma_start3A = arith.constant 0 : i32
      %dma_start3A_152 = tpu.memref_slice %arg7[%add3A_149, %dma_start3A] : memref<40x128xi32, #tpu.memory_space<vmem>> -> memref<1x128xi32, #tpu.memory_space<vmem>>
      %dma_start3A_153 = tpu.memref_squeeze %dma_start3A_152 : memref<1x128xi32, #tpu.memory_space<vmem>> -> memref<128xi32, #tpu.memory_space<vmem>>
      %dma_start3A_154 = arith.constant 0 : i32
      %dma_start3A_155 = arith.constant 0 : i32
      %dma_start3A_156 = tpu.memref_slice %arg4[%dma_start3A_154, %dma_start3A_155] : memref<40960x128xf32, #tpu.memory_space<hbm>> -> memref<40960x128xf32, #tpu.memory_space<hbm>>
      tpu.enqueue_indirect_dma source(%dma_start3A_156 : memref<40960x128xf32, #tpu.memory_space<hbm>>) target(%arg9 : memref<128x128xf32, #tpu.memory_space<vmem>>) offsets(%dma_start3A_153 : memref<128xi32, #tpu.memory_space<vmem>>) semaphore(%arg12 : memref<!tpu.dma_semaphore, #tpu.memory_space<semaphore_mem>>)
      %dma_wait3A_157 = arith.constant 0 : i32
      %dma_wait3A_158 = tpu.memref_slice %arg7[%add3A_149, %dma_wait3A_157] : memref<40x128xi32, #tpu.memory_space<vmem>> -> memref<1x128xi32, #tpu.memory_space<vmem>>
      %dma_wait3A_159 = tpu.memref_squeeze %dma_wait3A_158 : memref<1x128xi32, #tpu.memory_space<vmem>> -> memref<128xi32, #tpu.memory_space<vmem>>
      %dma_wait3A_160 = arith.constant 0 : i32
      %dma_wait3A_161 = arith.constant 0 : i32
      %dma_wait3A_162 = tpu.memref_slice %arg4[%dma_wait3A_160, %dma_wait3A_161] : memref<40960x128xf32, #tpu.memory_space<hbm>> -> memref<40960x128xf32, #tpu.memory_space<hbm>>
      tpu.wait_indirect_dma semaphore(%arg12 : memref<!tpu.dma_semaphore, #tpu.memory_space<semaphore_mem>>) src(%dma_wait3A_162 : memref<40960x128xf32, #tpu.memory_space<hbm>>) dst(%arg9 : memref<128x128xf32, #tpu.memory_space<vmem>>)
      %dma_start3A_163 = arith.constant 0 : i32
      %dma_start3A_164 = tpu.memref_slice %arg8[%add3A_149, %dma_start3A_163] : memref<40x128xi32, #tpu.memory_space<vmem>> -> memref<1x128xi32, #tpu.memory_space<vmem>>
      %dma_start3A_165 = tpu.memref_squeeze %dma_start3A_164 : memref<1x128xi32, #tpu.memory_space<vmem>> -> memref<128xi32, #tpu.memory_space<vmem>>
      %dma_start3A_166 = arith.constant 0 : i32
      %dma_start3A_167 = arith.constant 0 : i32
      %dma_start3A_168 = tpu.memref_slice %arg11[%dma_start3A_166, %dma_start3A_167] : memref<10240x128xf32, #tpu.memory_space<vmem_shared>> -> memref<10240x128xf32, #tpu.memory_space<vmem_shared>>
      tpu.enqueue_indirect_dma source(%arg9 : memref<128x128xf32, #tpu.memory_space<vmem>>) target(%dma_start3A_168 : memref<10240x128xf32, #tpu.memory_space<vmem_shared>>) offsets(%dma_start3A_165 : memref<128xi32, #tpu.memory_space<vmem>>) semaphore(%arg13 : memref<!tpu.dma_semaphore, #tpu.memory_space<semaphore_mem>>) {add = true}
      %gt3A_169 = arith.constant 1 : i32
      %gt3A_170 = arith.cmpi sgt, %add3A_149, %gt3A_169 : i32
      %convert_element_type3A_171 = arith.extui %gt3A_170 : i1 to i32
      %cond3A_172 = arith.constant 0 : i32
      %cond3A_173 = arith.cmpi ne, %convert_element_type3A_171, %cond3A_172 : i32
      scf.if %cond3A_173 {
        %dma_wait3A_196 = arith.constant 0 : i32
        %dma_wait3A_197 = arith.constant 0 : i32
        %dma_wait3A_198 = tpu.memref_slice %arg8[%dma_wait3A_196, %dma_wait3A_197] : memref<40x128xi32, #tpu.memory_space<vmem>> -> memref<1x128xi32, #tpu.memory_space<vmem>>
        %dma_wait3A_199 = tpu.memref_squeeze %dma_wait3A_198 : memref<1x128xi32, #tpu.memory_space<vmem>> -> memref<128xi32, #tpu.memory_space<vmem>>
        %dma_wait3A_200 = arith.constant 0 : i32
        %dma_wait3A_201 = arith.constant 0 : i32
        %dma_wait3A_202 = tpu.memref_slice %arg11[%dma_wait3A_200, %dma_wait3A_201] : memref<10240x128xf32, #tpu.memory_space<vmem_shared>> -> memref<10240x128xf32, #tpu.memory_space<vmem_shared>>
        tpu.wait_indirect_dma semaphore(%arg14 : memref<!tpu.dma_semaphore, #tpu.memory_space<semaphore_mem>>) src(%arg10 : memref<128x128xf32, #tpu.memory_space<vmem>>) dst(%dma_wait3A_202 : memref<10240x128xf32, #tpu.memory_space<vmem_shared>>)
      } else {
      }
      %add3A_174 = arith.constant 1 : i32
      %add3A_175 = arith.addi %add3A_149, %add3A_174 : i32
      %dma_start3A_176 = arith.constant 0 : i32
      %dma_start3A_177 = tpu.memref_slice %arg7[%add3A_175, %dma_start3A_176] : memref<40x128xi32, #tpu.memory_space<vmem>> -> memref<1x128xi32, #tpu.memory_space<vmem>>
      %dma_start3A_178 = tpu.memref_squeeze %dma_start3A_177 : memref<1x128xi32, #tpu.memory_space<vmem>> -> memref<128xi32, #tpu.memory_space<vmem>>
      %dma_start3A_179 = arith.constant 0 : i32
      %dma_start3A_180 = arith.constant 0 : i32
      %dma_start3A_181 = tpu.memref_slice %arg4[%dma_start3A_179, %dma_start3A_180] : memref<40960x128xf32, #tpu.memory_space<hbm>> -> memref<40960x128xf32, #tpu.memory_space<hbm>>
      tpu.enqueue_indirect_dma source(%dma_start3A_181 : memref<40960x128xf32, #tpu.memory_space<hbm>>) target(%arg10 : memref<128x128xf32, #tpu.memory_space<vmem>>) offsets(%dma_start3A_178 : memref<128xi32, #tpu.memory_space<vmem>>) semaphore(%arg12 : memref<!tpu.dma_semaphore, #tpu.memory_space<semaphore_mem>>)
      %dma_wait3A_182 = arith.constant 0 : i32
      %dma_wait3A_183 = tpu.memref_slice %arg7[%add3A_175, %dma_wait3A_182] : memref<40x128xi32, #tpu.memory_space<vmem>> -> memref<1x128xi32, #tpu.memory_space<vmem>>
      %dma_wait3A_184 = tpu.memref_squeeze %dma_wait3A_183 : memref<1x128xi32, #tpu.memory_space<vmem>> -> memref<128xi32, #tpu.memory_space<vmem>>
      %dma_wait3A_185 = arith.constant 0 : i32
      %dma_wait3A_186 = arith.constant 0 : i32
      %dma_wait3A_187 = tpu.memref_slice %arg4[%dma_wait3A_185, %dma_wait3A_186] : memref<40960x128xf32, #tpu.memory_space<hbm>> -> memref<40960x128xf32, #tpu.memory_space<hbm>>
      tpu.wait_indirect_dma semaphore(%arg12 : memref<!tpu.dma_semaphore, #tpu.memory_space<semaphore_mem>>) src(%dma_wait3A_187 : memref<40960x128xf32, #tpu.memory_space<hbm>>) dst(%arg10 : memref<128x128xf32, #tpu.memory_space<vmem>>)
      %add3A_188 = arith.constant 1 : i32
      %add3A_189 = arith.addi %add3A_149, %add3A_188 : i32
      %dma_start3A_190 = arith.constant 0 : i32
      %dma_start3A_191 = tpu.memref_slice %arg8[%add3A_189, %dma_start3A_190] : memref<40x128xi32, #tpu.memory_space<vmem>> -> memref<1x128xi32, #tpu.memory_space<vmem>>
      %dma_start3A_192 = tpu.memref_squeeze %dma_start3A_191 : memref<1x128xi32, #tpu.memory_space<vmem>> -> memref<128xi32, #tpu.memory_space<vmem>>
      %dma_start3A_193 = arith.constant 0 : i32
      %dma_start3A_194 = arith.constant 0 : i32
      %dma_start3A_195 = tpu.memref_slice %arg11[%dma_start3A_193, %dma_start3A_194] : memref<10240x128xf32, #tpu.memory_space<vmem_shared>> -> memref<10240x128xf32, #tpu.memory_space<vmem_shared>>
      tpu.enqueue_indirect_dma source(%arg10 : memref<128x128xf32, #tpu.memory_space<vmem>>) target(%dma_start3A_195 : memref<10240x128xf32, #tpu.memory_space<vmem_shared>>) offsets(%dma_start3A_192 : memref<128xi32, #tpu.memory_space<vmem>>) semaphore(%arg14 : memref<!tpu.dma_semaphore, #tpu.memory_space<semaphore_mem>>) {add = true}
    }
    %scan3A_94 = arith.constant 20 : i32
    %dma_wait3A_95 = arith.constant 0 : i32
    %dma_wait3A_96 = arith.constant 0 : i32
    %dma_wait3A_97 = tpu.memref_slice %arg8[%dma_wait3A_95, %dma_wait3A_96] : memref<40x128xi32, #tpu.memory_space<vmem>> -> memref<1x128xi32, #tpu.memory_space<vmem>>
    %dma_wait3A_98 = tpu.memref_squeeze %dma_wait3A_97 : memref<1x128xi32, #tpu.memory_space<vmem>> -> memref<128xi32, #tpu.memory_space<vmem>>
    %dma_wait3A_99 = arith.constant 0 : i32
    %dma_wait3A_100 = arith.constant 0 : i32
    %dma_wait3A_101 = tpu.memref_slice %arg11[%dma_wait3A_99, %dma_wait3A_100] : memref<10240x128xf32, #tpu.memory_space<vmem_shared>> -> memref<10240x128xf32, #tpu.memory_space<vmem_shared>>
    tpu.wait_indirect_dma semaphore(%arg13 : memref<!tpu.dma_semaphore, #tpu.memory_space<semaphore_mem>>) src(%arg9 : memref<128x128xf32, #tpu.memory_space<vmem>>) dst(%dma_wait3A_101 : memref<10240x128xf32, #tpu.memory_space<vmem_shared>>)
    %dma_wait3A_102 = arith.constant 0 : i32
    %dma_wait3A_103 = arith.constant 0 : i32
    %dma_wait3A_104 = tpu.memref_slice %arg8[%dma_wait3A_102, %dma_wait3A_103] : memref<40x128xi32, #tpu.memory_space<vmem>> -> memref<1x128xi32, #tpu.memory_space<vmem>>
    %dma_wait3A_105 = tpu.memref_squeeze %dma_wait3A_104 : memref<1x128xi32, #tpu.memory_space<vmem>> -> memref<128xi32, #tpu.memory_space<vmem>>
    %dma_wait3A_106 = arith.constant 0 : i32
    %dma_wait3A_107 = arith.constant 0 : i32
    %dma_wait3A_108 = tpu.memref_slice %arg11[%dma_wait3A_106, %dma_wait3A_107] : memref<10240x128xf32, #tpu.memory_space<vmem_shared>> -> memref<10240x128xf32, #tpu.memory_space<vmem_shared>>
    tpu.wait_indirect_dma semaphore(%arg14 : memref<!tpu.dma_semaphore, #tpu.memory_space<semaphore_mem>>) src(%arg10 : memref<128x128xf32, #tpu.memory_space<vmem>>) dst(%dma_wait3A_108 : memref<10240x128xf32, #tpu.memory_space<vmem_shared>>)
    %mul3A_109 = arith.constant 16 : i32
    %mul3A_110 = arith.muli %add3A_73, %mul3A_109 : i32
    %add3A_111 = arith.addi %mul3A_110, %arg1 : i32
    %mul3A_112 = arith.constant 80 : i32
    %mul3A_113 = arith.muli %add3A_111, %mul3A_112 : i32
    %add3A_114 = arith.constant 40 : i32
    %add3A_115 = arith.addi %mul3A_113, %add3A_114 : i32
    "tpu.region"() ({
      %run_scoped3A = tpu.sem_alloc : memref<!tpu.dma_semaphore, #tpu.memory_space<semaphore_mem>>
      %dma_start3A = arith.constant 0 : i32
      %dma_start3A_145 = tpu.memref_slice %arg2[%add3A_115, %dma_start3A] : memref<5120x128xi32, #tpu.memory_space<hbm>> -> memref<40x128xi32, #tpu.memory_space<hbm>>
      %dma_start3A_146 = arith.constant 0 : i32
      %dma_start3A_147 = tpu.memref_slice %arg2[%add3A_115, %dma_start3A_146] : memref<5120x128xi32, #tpu.memory_space<hbm>> -> memref<40x128xi32, #tpu.memory_space<hbm>>
      tpu.enqueue_dma source(%dma_start3A_147 : memref<40x128xi32, #tpu.memory_space<hbm>>) target(%arg7 : memref<40x128xi32, #tpu.memory_space<vmem>>) target_semaphore(%run_scoped3A : memref<!tpu.dma_semaphore, #tpu.memory_space<semaphore_mem>>)
      %dma_wait3A_148 = arith.constant 0 : i32
      %dma_wait3A_149 = tpu.memref_slice %arg2[%add3A_115, %dma_wait3A_148] : memref<5120x128xi32, #tpu.memory_space<hbm>> -> memref<40x128xi32, #tpu.memory_space<hbm>>
      %dma_wait3A_150 = arith.constant 0 : i32
      %dma_wait3A_151 = tpu.memref_slice %arg2[%add3A_115, %dma_wait3A_150] : memref<5120x128xi32, #tpu.memory_space<hbm>> -> memref<40x128xi32, #tpu.memory_space<hbm>>
      tpu.wait_dma2 semaphore(%run_scoped3A : memref<!tpu.dma_semaphore, #tpu.memory_space<semaphore_mem>>) src(%dma_wait3A_151 : memref<40x128xi32, #tpu.memory_space<hbm>>) dst(%arg7 : memref<40x128xi32, #tpu.memory_space<vmem>>)
      tpu.yield
    }) : () -> ()
    %mul3A_116 = arith.constant 80 : i32
    %mul3A_117 = arith.muli %arg1, %mul3A_116 : i32
    %add3A_118 = arith.constant 40 : i32
    %add3A_119 = arith.addi %mul3A_117, %add3A_118 : i32
    "tpu.region"() ({
      %run_scoped3A = tpu.sem_alloc : memref<!tpu.dma_semaphore, #tpu.memory_space<semaphore_mem>>
      %dma_start3A = arith.constant 0 : i32
      %dma_start3A_145 = tpu.memref_slice %arg3[%add3A_119, %dma_start3A] : memref<1280x128xi32, #tpu.memory_space<hbm>> -> memref<40x128xi32, #tpu.memory_space<hbm>>
      %dma_start3A_146 = arith.constant 0 : i32
      %dma_start3A_147 = tpu.memref_slice %arg3[%add3A_119, %dma_start3A_146] : memref<1280x128xi32, #tpu.memory_space<hbm>> -> memref<40x128xi32, #tpu.memory_space<hbm>>
      tpu.enqueue_dma source(%dma_start3A_147 : memref<40x128xi32, #tpu.memory_space<hbm>>) target(%arg8 : memref<40x128xi32, #tpu.memory_space<vmem>>) target_semaphore(%run_scoped3A : memref<!tpu.dma_semaphore, #tpu.memory_space<semaphore_mem>>)
      %dma_wait3A_148 = arith.constant 0 : i32
      %dma_wait3A_149 = tpu.memref_slice %arg3[%add3A_119, %dma_wait3A_148] : memref<1280x128xi32, #tpu.memory_space<hbm>> -> memref<40x128xi32, #tpu.memory_space<hbm>>
      %dma_wait3A_150 = arith.constant 0 : i32
      %dma_wait3A_151 = tpu.memref_slice %arg3[%add3A_119, %dma_wait3A_150] : memref<1280x128xi32, #tpu.memory_space<hbm>> -> memref<40x128xi32, #tpu.memory_space<hbm>>
      tpu.wait_dma2 semaphore(%run_scoped3A : memref<!tpu.dma_semaphore, #tpu.memory_space<semaphore_mem>>) src(%dma_wait3A_151 : memref<40x128xi32, #tpu.memory_space<hbm>>) dst(%arg8 : memref<40x128xi32, #tpu.memory_space<vmem>>)
      tpu.yield
    }) : () -> ()
    %scan3A_120 = arith.constant 0 : i32
    %scan3A_121 = arith.constant 20 : i32
    %scan3A_122 = arith.addi %scan3A_120, %scan3A_121 : i32
    %scan3A_123 = arith.constant 1 : i32
    scf.for %scan3A_145 = %scan3A_120 to %scan3A_122 step %scan3A_123  : i32 {
      %mul3A_146 = arith.constant 2 : i32
      %mul3A_147 = arith.muli %scan3A_145, %mul3A_146 : i32
      %add3A_148 = arith.constant 0 : i32
      %add3A_149 = arith.addi %add3A_148, %mul3A_147 : i32
      %gt3A = arith.constant 0 : i32
      %gt3A_150 = arith.cmpi sgt, %add3A_149, %gt3A : i32
      %convert_element_type3A = arith.extui %gt3A_150 : i1 to i32
      %cond3A = arith.constant 0 : i32
      %cond3A_151 = arith.cmpi ne, %convert_element_type3A, %cond3A : i32
      scf.if %cond3A_151 {
        %dma_wait3A_196 = arith.constant 0 : i32
        %dma_wait3A_197 = arith.constant 0 : i32
        %dma_wait3A_198 = tpu.memref_slice %arg8[%dma_wait3A_196, %dma_wait3A_197] : memref<40x128xi32, #tpu.memory_space<vmem>> -> memref<1x128xi32, #tpu.memory_space<vmem>>
        %dma_wait3A_199 = tpu.memref_squeeze %dma_wait3A_198 : memref<1x128xi32, #tpu.memory_space<vmem>> -> memref<128xi32, #tpu.memory_space<vmem>>
        %dma_wait3A_200 = arith.constant 0 : i32
        %dma_wait3A_201 = arith.constant 0 : i32
        %dma_wait3A_202 = tpu.memref_slice %arg11[%dma_wait3A_200, %dma_wait3A_201] : memref<10240x128xf32, #tpu.memory_space<vmem_shared>> -> memref<10240x128xf32, #tpu.memory_space<vmem_shared>>
        tpu.wait_indirect_dma semaphore(%arg13 : memref<!tpu.dma_semaphore, #tpu.memory_space<semaphore_mem>>) src(%arg9 : memref<128x128xf32, #tpu.memory_space<vmem>>) dst(%dma_wait3A_202 : memref<10240x128xf32, #tpu.memory_space<vmem_shared>>)
      } else {
      }
      %dma_start3A = arith.constant 0 : i32
      %dma_start3A_152 = tpu.memref_slice %arg7[%add3A_149, %dma_start3A] : memref<40x128xi32, #tpu.memory_space<vmem>> -> memref<1x128xi32, #tpu.memory_space<vmem>>
      %dma_start3A_153 = tpu.memref_squeeze %dma_start3A_152 : memref<1x128xi32, #tpu.memory_space<vmem>> -> memref<128xi32, #tpu.memory_space<vmem>>
      %dma_start3A_154 = arith.constant 0 : i32
      %dma_start3A_155 = arith.constant 0 : i32
      %dma_start3A_156 = tpu.memref_slice %arg4[%dma_start3A_154, %dma_start3A_155] : memref<40960x128xf32, #tpu.memory_space<hbm>> -> memref<40960x128xf32, #tpu.memory_space<hbm>>
      tpu.enqueue_indirect_dma source(%dma_start3A_156 : memref<40960x128xf32, #tpu.memory_space<hbm>>) target(%arg9 : memref<128x128xf32, #tpu.memory_space<vmem>>) offsets(%dma_start3A_153 : memref<128xi32, #tpu.memory_space<vmem>>) semaphore(%arg12 : memref<!tpu.dma_semaphore, #tpu.memory_space<semaphore_mem>>)
      %dma_wait3A_157 = arith.constant 0 : i32
      %dma_wait3A_158 = tpu.memref_slice %arg7[%add3A_149, %dma_wait3A_157] : memref<40x128xi32, #tpu.memory_space<vmem>> -> memref<1x128xi32, #tpu.memory_space<vmem>>
      %dma_wait3A_159 = tpu.memref_squeeze %dma_wait3A_158 : memref<1x128xi32, #tpu.memory_space<vmem>> -> memref<128xi32, #tpu.memory_space<vmem>>
      %dma_wait3A_160 = arith.constant 0 : i32
      %dma_wait3A_161 = arith.constant 0 : i32
      %dma_wait3A_162 = tpu.memref_slice %arg4[%dma_wait3A_160, %dma_wait3A_161] : memref<40960x128xf32, #tpu.memory_space<hbm>> -> memref<40960x128xf32, #tpu.memory_space<hbm>>
      tpu.wait_indirect_dma semaphore(%arg12 : memref<!tpu.dma_semaphore, #tpu.memory_space<semaphore_mem>>) src(%dma_wait3A_162 : memref<40960x128xf32, #tpu.memory_space<hbm>>) dst(%arg9 : memref<128x128xf32, #tpu.memory_space<vmem>>)
      %dma_start3A_163 = arith.constant 0 : i32
      %dma_start3A_164 = tpu.memref_slice %arg8[%add3A_149, %dma_start3A_163] : memref<40x128xi32, #tpu.memory_space<vmem>> -> memref<1x128xi32, #tpu.memory_space<vmem>>
      %dma_start3A_165 = tpu.memref_squeeze %dma_start3A_164 : memref<1x128xi32, #tpu.memory_space<vmem>> -> memref<128xi32, #tpu.memory_space<vmem>>
      %dma_start3A_166 = arith.constant 0 : i32
      %dma_start3A_167 = arith.constant 0 : i32
      %dma_start3A_168 = tpu.memref_slice %arg11[%dma_start3A_166, %dma_start3A_167] : memref<10240x128xf32, #tpu.memory_space<vmem_shared>> -> memref<10240x128xf32, #tpu.memory_space<vmem_shared>>
      tpu.enqueue_indirect_dma source(%arg9 : memref<128x128xf32, #tpu.memory_space<vmem>>) target(%dma_start3A_168 : memref<10240x128xf32, #tpu.memory_space<vmem_shared>>) offsets(%dma_start3A_165 : memref<128xi32, #tpu.memory_space<vmem>>) semaphore(%arg13 : memref<!tpu.dma_semaphore, #tpu.memory_space<semaphore_mem>>) {add = true}
      %gt3A_169 = arith.constant 1 : i32
      %gt3A_170 = arith.cmpi sgt, %add3A_149, %gt3A_169 : i32
      %convert_element_type3A_171 = arith.extui %gt3A_170 : i1 to i32
      %cond3A_172 = arith.constant 0 : i32
      %cond3A_173 = arith.cmpi ne, %convert_element_type3A_171, %cond3A_172 : i32
      scf.if %cond3A_173 {
        %dma_wait3A_196 = arith.constant 0 : i32
        %dma_wait3A_197 = arith.constant 0 : i32
        %dma_wait3A_198 = tpu.memref_slice %arg8[%dma_wait3A_196, %dma_wait3A_197] : memref<40x128xi32, #tpu.memory_space<vmem>> -> memref<1x128xi32, #tpu.memory_space<vmem>>
        %dma_wait3A_199 = tpu.memref_squeeze %dma_wait3A_198 : memref<1x128xi32, #tpu.memory_space<vmem>> -> memref<128xi32, #tpu.memory_space<vmem>>
        %dma_wait3A_200 = arith.constant 0 : i32
        %dma_wait3A_201 = arith.constant 0 : i32
        %dma_wait3A_202 = tpu.memref_slice %arg11[%dma_wait3A_200, %dma_wait3A_201] : memref<10240x128xf32, #tpu.memory_space<vmem_shared>> -> memref<10240x128xf32, #tpu.memory_space<vmem_shared>>
        tpu.wait_indirect_dma semaphore(%arg14 : memref<!tpu.dma_semaphore, #tpu.memory_space<semaphore_mem>>) src(%arg10 : memref<128x128xf32, #tpu.memory_space<vmem>>) dst(%dma_wait3A_202 : memref<10240x128xf32, #tpu.memory_space<vmem_shared>>)
      } else {
      }
      %add3A_174 = arith.constant 1 : i32
      %add3A_175 = arith.addi %add3A_149, %add3A_174 : i32
      %dma_start3A_176 = arith.constant 0 : i32
      %dma_start3A_177 = tpu.memref_slice %arg7[%add3A_175, %dma_start3A_176] : memref<40x128xi32, #tpu.memory_space<vmem>> -> memref<1x128xi32, #tpu.memory_space<vmem>>
      %dma_start3A_178 = tpu.memref_squeeze %dma_start3A_177 : memref<1x128xi32, #tpu.memory_space<vmem>> -> memref<128xi32, #tpu.memory_space<vmem>>
      %dma_start3A_179 = arith.constant 0 : i32
      %dma_start3A_180 = arith.constant 0 : i32
      %dma_start3A_181 = tpu.memref_slice %arg4[%dma_start3A_179, %dma_start3A_180] : memref<40960x128xf32, #tpu.memory_space<hbm>> -> memref<40960x128xf32, #tpu.memory_space<hbm>>
      tpu.enqueue_indirect_dma source(%dma_start3A_181 : memref<40960x128xf32, #tpu.memory_space<hbm>>) target(%arg10 : memref<128x128xf32, #tpu.memory_space<vmem>>) offsets(%dma_start3A_178 : memref<128xi32, #tpu.memory_space<vmem>>) semaphore(%arg12 : memref<!tpu.dma_semaphore, #tpu.memory_space<semaphore_mem>>)
      %dma_wait3A_182 = arith.constant 0 : i32
      %dma_wait3A_183 = tpu.memref_slice %arg7[%add3A_175, %dma_wait3A_182] : memref<40x128xi32, #tpu.memory_space<vmem>> -> memref<1x128xi32, #tpu.memory_space<vmem>>
      %dma_wait3A_184 = tpu.memref_squeeze %dma_wait3A_183 : memref<1x128xi32, #tpu.memory_space<vmem>> -> memref<128xi32, #tpu.memory_space<vmem>>
      %dma_wait3A_185 = arith.constant 0 : i32
      %dma_wait3A_186 = arith.constant 0 : i32
      %dma_wait3A_187 = tpu.memref_slice %arg4[%dma_wait3A_185, %dma_wait3A_186] : memref<40960x128xf32, #tpu.memory_space<hbm>> -> memref<40960x128xf32, #tpu.memory_space<hbm>>
      tpu.wait_indirect_dma semaphore(%arg12 : memref<!tpu.dma_semaphore, #tpu.memory_space<semaphore_mem>>) src(%dma_wait3A_187 : memref<40960x128xf32, #tpu.memory_space<hbm>>) dst(%arg10 : memref<128x128xf32, #tpu.memory_space<vmem>>)
      %add3A_188 = arith.constant 1 : i32
      %add3A_189 = arith.addi %add3A_149, %add3A_188 : i32
      %dma_start3A_190 = arith.constant 0 : i32
      %dma_start3A_191 = tpu.memref_slice %arg8[%add3A_189, %dma_start3A_190] : memref<40x128xi32, #tpu.memory_space<vmem>> -> memref<1x128xi32, #tpu.memory_space<vmem>>
      %dma_start3A_192 = tpu.memref_squeeze %dma_start3A_191 : memref<1x128xi32, #tpu.memory_space<vmem>> -> memref<128xi32, #tpu.memory_space<vmem>>
      %dma_start3A_193 = arith.constant 0 : i32
      %dma_start3A_194 = arith.constant 0 : i32
      %dma_start3A_195 = tpu.memref_slice %arg11[%dma_start3A_193, %dma_start3A_194] : memref<10240x128xf32, #tpu.memory_space<vmem_shared>> -> memref<10240x128xf32, #tpu.memory_space<vmem_shared>>
      tpu.enqueue_indirect_dma source(%arg10 : memref<128x128xf32, #tpu.memory_space<vmem>>) target(%dma_start3A_195 : memref<10240x128xf32, #tpu.memory_space<vmem_shared>>) offsets(%dma_start3A_192 : memref<128xi32, #tpu.memory_space<vmem>>) semaphore(%arg14 : memref<!tpu.dma_semaphore, #tpu.memory_space<semaphore_mem>>) {add = true}
    }
    %scan3A_124 = arith.constant 20 : i32
    %dma_wait3A_125 = arith.constant 0 : i32
    %dma_wait3A_126 = arith.constant 0 : i32
    %dma_wait3A_127 = tpu.memref_slice %arg8[%dma_wait3A_125, %dma_wait3A_126] : memref<40x128xi32, #tpu.memory_space<vmem>> -> memref<1x128xi32, #tpu.memory_space<vmem>>
    %dma_wait3A_128 = tpu.memref_squeeze %dma_wait3A_127 : memref<1x128xi32, #tpu.memory_space<vmem>> -> memref<128xi32, #tpu.memory_space<vmem>>
    %dma_wait3A_129 = arith.constant 0 : i32
    %dma_wait3A_130 = arith.constant 0 : i32
    %dma_wait3A_131 = tpu.memref_slice %arg11[%dma_wait3A_129, %dma_wait3A_130] : memref<10240x128xf32, #tpu.memory_space<vmem_shared>> -> memref<10240x128xf32, #tpu.memory_space<vmem_shared>>
    tpu.wait_indirect_dma semaphore(%arg13 : memref<!tpu.dma_semaphore, #tpu.memory_space<semaphore_mem>>) src(%arg9 : memref<128x128xf32, #tpu.memory_space<vmem>>) dst(%dma_wait3A_131 : memref<10240x128xf32, #tpu.memory_space<vmem_shared>>)
    %dma_wait3A_132 = arith.constant 0 : i32
    %dma_wait3A_133 = arith.constant 0 : i32
    %dma_wait3A_134 = tpu.memref_slice %arg8[%dma_wait3A_132, %dma_wait3A_133] : memref<40x128xi32, #tpu.memory_space<vmem>> -> memref<1x128xi32, #tpu.memory_space<vmem>>
    %dma_wait3A_135 = tpu.memref_squeeze %dma_wait3A_134 : memref<1x128xi32, #tpu.memory_space<vmem>> -> memref<128xi32, #tpu.memory_space<vmem>>
    %dma_wait3A_136 = arith.constant 0 : i32
    %dma_wait3A_137 = arith.constant 0 : i32
    %dma_wait3A_138 = tpu.memref_slice %arg11[%dma_wait3A_136, %dma_wait3A_137] : memref<10240x128xf32, #tpu.memory_space<vmem_shared>> -> memref<10240x128xf32, #tpu.memory_space<vmem_shared>>
    tpu.wait_indirect_dma semaphore(%arg14 : memref<!tpu.dma_semaphore, #tpu.memory_space<semaphore_mem>>) src(%arg10 : memref<128x128xf32, #tpu.memory_space<vmem>>) dst(%dma_wait3A_138 : memref<10240x128xf32, #tpu.memory_space<vmem_shared>>)
    %barrier3A_139 = arith.constant 0 : index
    tpu.barrier barrier_id(%barrier3A_139)
    %mul3A_140 = arith.constant 640 : i32
    %mul3A_141 = arith.muli %arg1, %mul3A_140 : i32
    %mul3A_142 = arith.constant 640 : i32
    %mul3A_143 = arith.muli %arg1, %mul3A_142 : i32
    %add3A_144 = arith.addi %mul3A_75, %mul3A_143 : i32
    "tpu.region"() ({
      %run_scoped3A = tpu.sem_alloc : memref<!tpu.dma_semaphore, #tpu.memory_space<semaphore_mem>>
      %dma_start3A = arith.constant 0 : i32
      %dma_start3A_145 = tpu.memref_slice %arg6[%add3A_144, %dma_start3A] : memref<40960x128xf32, #tpu.memory_space<hbm>> -> memref<640x128xf32, #tpu.memory_space<hbm>>
      %dma_start3A_146 = arith.constant 0 : i32
      %dma_start3A_147 = tpu.memref_slice %arg11[%mul3A_141, %dma_start3A_146] : memref<10240x128xf32, #tpu.memory_space<vmem_shared>> -> memref<640x128xf32, #tpu.memory_space<vmem_shared>>
      tpu.enqueue_dma source(%dma_start3A_147 : memref<640x128xf32, #tpu.memory_space<vmem_shared>>) target(%dma_start3A_145 : memref<640x128xf32, #tpu.memory_space<hbm>>) target_semaphore(%run_scoped3A : memref<!tpu.dma_semaphore, #tpu.memory_space<semaphore_mem>>)
      %dma_wait3A_148 = arith.constant 0 : i32
      %dma_wait3A_149 = tpu.memref_slice %arg6[%add3A_144, %dma_wait3A_148] : memref<40960x128xf32, #tpu.memory_space<hbm>> -> memref<640x128xf32, #tpu.memory_space<hbm>>
      %dma_wait3A_150 = arith.constant 0 : i32
      %dma_wait3A_151 = tpu.memref_slice %arg11[%mul3A_141, %dma_wait3A_150] : memref<10240x128xf32, #tpu.memory_space<vmem_shared>> -> memref<640x128xf32, #tpu.memory_space<vmem_shared>>
      tpu.wait_dma2 semaphore(%run_scoped3A : memref<!tpu.dma_semaphore, #tpu.memory_space<semaphore_mem>>) src(%dma_wait3A_151 : memref<640x128xf32, #tpu.memory_space<vmem_shared>>) dst(%dma_wait3A_149 : memref<640x128xf32, #tpu.memory_space<hbm>>)
      tpu.yield
    }) : () -> ()
    return
  }
}

#map = affine_map<(d0, d1) -> (0, 0)>
module attributes {stable_mosaic.version = 14 : i64} {
  func.func @body(%arg0: i32, %arg1: i32, %arg2: memref<5120x128xi32, #tpu.memory_space<hbm>>, %arg3: memref<1280x128xi32, #tpu.memory_space<hbm>>, %arg4: memref<40960x128xf32, #tpu.memory_space<hbm>>, %arg5: memref<640x128xf32, #tpu.memory_space<hbm>>, %arg6: memref<40960x128xf32, #tpu.memory_space<hbm>>, %arg7: memref<40x128xi32, #tpu.memory_space<vmem>>, %arg8: memref<40x128xi32, #tpu.memory_space<vmem>>, %arg9: memref<128x128xf32, #tpu.memory_space<vmem>>, %arg10: memref<128x128xf32, #tpu.memory_space<vmem>>, %arg11: memref<10240x128xf32, #tpu.memory_space<vmem_shared>>, %arg12: memref<!tpu.dma_semaphore, #tpu.memory_space<semaphore_mem>>, %arg13: memref<!tpu.dma_semaphore, #tpu.memory_space<semaphore_mem>>, %arg14: memref<!tpu.dma_semaphore, #tpu.memory_space<semaphore_mem>>) attributes {dimension_semantics = [#tpu.dimension_semantics<core_parallel>, #tpu.dimension_semantics<subcore_parallel>], iteration_bounds = array<i64: 2, 16>, scalar_prefetch = 0 : i64, scratch_operands = 8 : i64, tpu.core_type = #tpu.core_type<sc_vector_subcore>, window_params = [{transform_indices = #map}, {transform_indices = #map}, {transform_indices = #map}, {transform_indices = #map}, {transform_indices = #map}]} {
    %mul3A = arith.constant 2 : i32
    %mul3A_0 = arith.muli %arg0, %mul3A : i32
    %add3A = arith.constant 0 : i32
    %add3A_1 = arith.addi %mul3A_0, %add3A : i32
    %mul3A_2 = arith.constant 10240 : i32
    %mul3A_3 = arith.muli %add3A_1, %mul3A_2 : i32
    %mul3A_4 = arith.constant 640 : i32
    %mul3A_5 = arith.muli %arg1, %mul3A_4 : i32
    "tpu.region"() ({
      %run_scoped3A = tpu.sem_alloc : memref<!tpu.dma_semaphore, #tpu.memory_space<semaphore_mem>>
      %dma_start3A = arith.constant 0 : i32
      %dma_start3A_145 = tpu.memref_slice %arg11[%mul3A_5, %dma_start3A] : memref<10240x128xf32, #tpu.memory_space<vmem_shared>> -> memref<640x128xf32, #tpu.memory_space<vmem_shared>>
      tpu.enqueue_dma source(%arg5 : memref<640x128xf32, #tpu.memory_space<hbm>>) target(%dma_start3A_145 : memref<640x128xf32, #tpu.memory_space<vmem_shared>>) target_semaphore(%run_scoped3A : memref<!tpu.dma_semaphore, #tpu.memory_space<semaphore_mem>>)
      %dma_wait3A_146 = arith.constant 0 : i32
      %dma_wait3A_147 = tpu.memref_slice %arg11[%mul3A_5, %dma_wait3A_146] : memref<10240x128xf32, #tpu.memory_space<vmem_shared>> -> memref<640x128xf32, #tpu.memory_space<vmem_shared>>
      tpu.wait_dma2 semaphore(%run_scoped3A : memref<!tpu.dma_semaphore, #tpu.memory_space<semaphore_mem>>) src(%arg5 : memref<640x128xf32, #tpu.memory_space<hbm>>) dst(%dma_wait3A_147 : memref<640x128xf32, #tpu.memory_space<vmem_shared>>)
      tpu.yield
    }) : () -> ()
    %barrier3A = arith.constant 0 : index
    tpu.barrier barrier_id(%barrier3A)
    %mul3A_6 = arith.constant 16 : i32
    %mul3A_7 = arith.muli %add3A_1, %mul3A_6 : i32
    %add3A_8 = arith.addi %mul3A_7, %arg1 : i32
    %mul3A_9 = arith.constant 80 : i32
    %mul3A_10 = arith.muli %add3A_8, %mul3A_9 : i32
    %add3A_11 = arith.constant 0 : i32
    %add3A_12 = arith.addi %mul3A_10, %add3A_11 : i32
    "tpu.region"() ({
      %run_scoped3A = tpu.sem_alloc : memref<!tpu.dma_semaphore, #tpu.memory_space<semaphore_mem>>
      %dma_start3A = arith.constant 0 : i32
      %dma_start3A_145 = tpu.memref_slice %arg2[%add3A_12, %dma_start3A] : memref<5120x128xi32, #tpu.memory_space<hbm>> -> memref<40x128xi32, #tpu.memory_space<hbm>>
      %dma_start3A_146 = arith.constant 0 : i32
      %dma_start3A_147 = tpu.memref_slice %arg2[%add3A_12, %dma_start3A_146] : memref<5120x128xi32, #tpu.memory_space<hbm>> -> memref<40x128xi32, #tpu.memory_space<hbm>>
      tpu.enqueue_dma source(%dma_start3A_147 : memref<40x128xi32, #tpu.memory_space<hbm>>) target(%arg7 : memref<40x128xi32, #tpu.memory_space<vmem>>) target_semaphore(%run_scoped3A : memref<!tpu.dma_semaphore, #tpu.memory_space<semaphore_mem>>)
      %dma_wait3A_148 = arith.constant 0 : i32
      %dma_wait3A_149 = tpu.memref_slice %arg2[%add3A_12, %dma_wait3A_148] : memref<5120x128xi32, #tpu.memory_space<hbm>> -> memref<40x128xi32, #tpu.memory_space<hbm>>
      %dma_wait3A_150 = arith.constant 0 : i32
      %dma_wait3A_151 = tpu.memref_slice %arg2[%add3A_12, %dma_wait3A_150] : memref<5120x128xi32, #tpu.memory_space<hbm>> -> memref<40x128xi32, #tpu.memory_space<hbm>>
      tpu.wait_dma2 semaphore(%run_scoped3A : memref<!tpu.dma_semaphore, #tpu.memory_space<semaphore_mem>>) src(%dma_wait3A_151 : memref<40x128xi32, #tpu.memory_space<hbm>>) dst(%arg7 : memref<40x128xi32, #tpu.memory_space<vmem>>)
      tpu.yield
    }) : () -> ()
    %mul3A_13 = arith.constant 80 : i32
    %mul3A_14 = arith.muli %arg1, %mul3A_13 : i32
    %add3A_15 = arith.constant 0 : i32
    %add3A_16 = arith.addi %mul3A_14, %add3A_15 : i32
    "tpu.region"() ({
      %run_scoped3A = tpu.sem_alloc : memref<!tpu.dma_semaphore, #tpu.memory_space<semaphore_mem>>
      %dma_start3A = arith.constant 0 : i32
      %dma_start3A_145 = tpu.memref_slice %arg3[%add3A_16, %dma_start3A] : memref<1280x128xi32, #tpu.memory_space<hbm>> -> memref<40x128xi32, #tpu.memory_space<hbm>>
      %dma_start3A_146 = arith.constant 0 : i32
      %dma_start3A_147 = tpu.memref_slice %arg3[%add3A_16, %dma_start3A_146] : memref<1280x128xi32, #tpu.memory_space<hbm>> -> memref<40x128xi32, #tpu.memory_space<hbm>>
      tpu.enqueue_dma source(%dma_start3A_147 : memref<40x128xi32, #tpu.memory_space<hbm>>) target(%arg8 : memref<40x128xi32, #tpu.memory_space<vmem>>) target_semaphore(%run_scoped3A : memref<!tpu.dma_semaphore, #tpu.memory_space<semaphore_mem>>)
      %dma_wait3A_148 = arith.constant 0 : i32
      %dma_wait3A_149 = tpu.memref_slice %arg3[%add3A_16, %dma_wait3A_148] : memref<1280x128xi32, #tpu.memory_space<hbm>> -> memref<40x128xi32, #tpu.memory_space<hbm>>
      %dma_wait3A_150 = arith.constant 0 : i32
      %dma_wait3A_151 = tpu.memref_slice %arg3[%add3A_16, %dma_wait3A_150] : memref<1280x128xi32, #tpu.memory_space<hbm>> -> memref<40x128xi32, #tpu.memory_space<hbm>>
      tpu.wait_dma2 semaphore(%run_scoped3A : memref<!tpu.dma_semaphore, #tpu.memory_space<semaphore_mem>>) src(%dma_wait3A_151 : memref<40x128xi32, #tpu.memory_space<hbm>>) dst(%arg8 : memref<40x128xi32, #tpu.memory_space<vmem>>)
      tpu.yield
    }) : () -> ()
    %scan3A = arith.constant 0 : i32
    %scan3A_17 = arith.constant 20 : i32
    %scan3A_18 = arith.addi %scan3A, %scan3A_17 : i32
    %scan3A_19 = arith.constant 1 : i32
    scf.for %scan3A_145 = %scan3A to %scan3A_18 step %scan3A_19  : i32 {
      %mul3A_146 = arith.constant 2 : i32
      %mul3A_147 = arith.muli %scan3A_145, %mul3A_146 : i32
      %add3A_148 = arith.constant 0 : i32
      %add3A_149 = arith.addi %add3A_148, %mul3A_147 : i32
      %gt3A = arith.constant 0 : i32
      %gt3A_150 = arith.cmpi sgt, %add3A_149, %gt3A : i32
      %convert_element_type3A = arith.extui %gt3A_150 : i1 to i32
      %cond3A = arith.constant 0 : i32
      %cond3A_151 = arith.cmpi ne, %convert_element_type3A, %cond3A : i32
      scf.if %cond3A_151 {
        %dma_wait3A_196 = arith.constant 0 : i32
        %dma_wait3A_197 = arith.constant 0 : i32
        %dma_wait3A_198 = tpu.memref_slice %arg8[%dma_wait3A_196, %dma_wait3A_197] : memref<40x128xi32, #tpu.memory_space<vmem>> -> memref<1x128xi32, #tpu.memory_space<vmem>>
        %dma_wait3A_199 = tpu.memref_squeeze %dma_wait3A_198 : memref<1x128xi32, #tpu.memory_space<vmem>> -> memref<128xi32, #tpu.memory_space<vmem>>
        %dma_wait3A_200 = arith.constant 0 : i32
        %dma_wait3A_201 = arith.constant 0 : i32
        %dma_wait3A_202 = tpu.memref_slice %arg11[%dma_wait3A_200, %dma_wait3A_201] : memref<10240x128xf32, #tpu.memory_space<vmem_shared>> -> memref<10240x128xf32, #tpu.memory_space<vmem_shared>>
        tpu.wait_indirect_dma semaphore(%arg13 : memref<!tpu.dma_semaphore, #tpu.memory_space<semaphore_mem>>) src(%arg9 : memref<128x128xf32, #tpu.memory_space<vmem>>) dst(%dma_wait3A_202 : memref<10240x128xf32, #tpu.memory_space<vmem_shared>>)
      } else {
      }
      %dma_start3A = arith.constant 0 : i32
      %dma_start3A_152 = tpu.memref_slice %arg7[%add3A_149, %dma_start3A] : memref<40x128xi32, #tpu.memory_space<vmem>> -> memref<1x128xi32, #tpu.memory_space<vmem>>
      %dma_start3A_153 = tpu.memref_squeeze %dma_start3A_152 : memref<1x128xi32, #tpu.memory_space<vmem>> -> memref<128xi32, #tpu.memory_space<vmem>>
      %dma_start3A_154 = arith.constant 0 : i32
      %dma_start3A_155 = arith.constant 0 : i32
      %dma_start3A_156 = tpu.memref_slice %arg4[%dma_start3A_154, %dma_start3A_155] : memref<40960x128xf32, #tpu.memory_space<hbm>> -> memref<40960x128xf32, #tpu.memory_space<hbm>>
      tpu.enqueue_indirect_dma source(%dma_start3A_156 : memref<40960x128xf32, #tpu.memory_space<hbm>>) target(%arg9 : memref<128x128xf32, #tpu.memory_space<vmem>>) offsets(%dma_start3A_153 : memref<128xi32, #tpu.memory_space<vmem>>) semaphore(%arg12 : memref<!tpu.dma_semaphore, #tpu.memory_space<semaphore_mem>>)
      %dma_wait3A_157 = arith.constant 0 : i32
      %dma_wait3A_158 = tpu.memref_slice %arg7[%add3A_149, %dma_wait3A_157] : memref<40x128xi32, #tpu.memory_space<vmem>> -> memref<1x128xi32, #tpu.memory_space<vmem>>
      %dma_wait3A_159 = tpu.memref_squeeze %dma_wait3A_158 : memref<1x128xi32, #tpu.memory_space<vmem>> -> memref<128xi32, #tpu.memory_space<vmem>>
      %dma_wait3A_160 = arith.constant 0 : i32
      %dma_wait3A_161 = arith.constant 0 : i32
      %dma_wait3A_162 = tpu.memref_slice %arg4[%dma_wait3A_160, %dma_wait3A_161] : memref<40960x128xf32, #tpu.memory_space<hbm>> -> memref<40960x128xf32, #tpu.memory_space<hbm>>
      tpu.wait_indirect_dma semaphore(%arg12 : memref<!tpu.dma_semaphore, #tpu.memory_space<semaphore_mem>>) src(%dma_wait3A_162 : memref<40960x128xf32, #tpu.memory_space<hbm>>) dst(%arg9 : memref<128x128xf32, #tpu.memory_space<vmem>>)
      %dma_start3A_163 = arith.constant 0 : i32
      %dma_start3A_164 = tpu.memref_slice %arg8[%add3A_149, %dma_start3A_163] : memref<40x128xi32, #tpu.memory_space<vmem>> -> memref<1x128xi32, #tpu.memory_space<vmem>>
      %dma_start3A_165 = tpu.memref_squeeze %dma_start3A_164 : memref<1x128xi32, #tpu.memory_space<vmem>> -> memref<128xi32, #tpu.memory_space<vmem>>
      %dma_start3A_166 = arith.constant 0 : i32
      %dma_start3A_167 = arith.constant 0 : i32
      %dma_start3A_168 = tpu.memref_slice %arg11[%dma_start3A_166, %dma_start3A_167] : memref<10240x128xf32, #tpu.memory_space<vmem_shared>> -> memref<10240x128xf32, #tpu.memory_space<vmem_shared>>
      tpu.enqueue_indirect_dma source(%arg9 : memref<128x128xf32, #tpu.memory_space<vmem>>) target(%dma_start3A_168 : memref<10240x128xf32, #tpu.memory_space<vmem_shared>>) offsets(%dma_start3A_165 : memref<128xi32, #tpu.memory_space<vmem>>) semaphore(%arg13 : memref<!tpu.dma_semaphore, #tpu.memory_space<semaphore_mem>>) {add = true}
      %gt3A_169 = arith.constant 1 : i32
      %gt3A_170 = arith.cmpi sgt, %add3A_149, %gt3A_169 : i32
      %convert_element_type3A_171 = arith.extui %gt3A_170 : i1 to i32
      %cond3A_172 = arith.constant 0 : i32
      %cond3A_173 = arith.cmpi ne, %convert_element_type3A_171, %cond3A_172 : i32
      scf.if %cond3A_173 {
        %dma_wait3A_196 = arith.constant 0 : i32
        %dma_wait3A_197 = arith.constant 0 : i32
        %dma_wait3A_198 = tpu.memref_slice %arg8[%dma_wait3A_196, %dma_wait3A_197] : memref<40x128xi32, #tpu.memory_space<vmem>> -> memref<1x128xi32, #tpu.memory_space<vmem>>
        %dma_wait3A_199 = tpu.memref_squeeze %dma_wait3A_198 : memref<1x128xi32, #tpu.memory_space<vmem>> -> memref<128xi32, #tpu.memory_space<vmem>>
        %dma_wait3A_200 = arith.constant 0 : i32
        %dma_wait3A_201 = arith.constant 0 : i32
        %dma_wait3A_202 = tpu.memref_slice %arg11[%dma_wait3A_200, %dma_wait3A_201] : memref<10240x128xf32, #tpu.memory_space<vmem_shared>> -> memref<10240x128xf32, #tpu.memory_space<vmem_shared>>
        tpu.wait_indirect_dma semaphore(%arg14 : memref<!tpu.dma_semaphore, #tpu.memory_space<semaphore_mem>>) src(%arg10 : memref<128x128xf32, #tpu.memory_space<vmem>>) dst(%dma_wait3A_202 : memref<10240x128xf32, #tpu.memory_space<vmem_shared>>)
      } else {
      }
      %add3A_174 = arith.constant 1 : i32
      %add3A_175 = arith.addi %add3A_149, %add3A_174 : i32
      %dma_start3A_176 = arith.constant 0 : i32
      %dma_start3A_177 = tpu.memref_slice %arg7[%add3A_175, %dma_start3A_176] : memref<40x128xi32, #tpu.memory_space<vmem>> -> memref<1x128xi32, #tpu.memory_space<vmem>>
      %dma_start3A_178 = tpu.memref_squeeze %dma_start3A_177 : memref<1x128xi32, #tpu.memory_space<vmem>> -> memref<128xi32, #tpu.memory_space<vmem>>
      %dma_start3A_179 = arith.constant 0 : i32
      %dma_start3A_180 = arith.constant 0 : i32
      %dma_start3A_181 = tpu.memref_slice %arg4[%dma_start3A_179, %dma_start3A_180] : memref<40960x128xf32, #tpu.memory_space<hbm>> -> memref<40960x128xf32, #tpu.memory_space<hbm>>
      tpu.enqueue_indirect_dma source(%dma_start3A_181 : memref<40960x128xf32, #tpu.memory_space<hbm>>) target(%arg10 : memref<128x128xf32, #tpu.memory_space<vmem>>) offsets(%dma_start3A_178 : memref<128xi32, #tpu.memory_space<vmem>>) semaphore(%arg12 : memref<!tpu.dma_semaphore, #tpu.memory_space<semaphore_mem>>)
      %dma_wait3A_182 = arith.constant 0 : i32
      %dma_wait3A_183 = tpu.memref_slice %arg7[%add3A_175, %dma_wait3A_182] : memref<40x128xi32, #tpu.memory_space<vmem>> -> memref<1x128xi32, #tpu.memory_space<vmem>>
      %dma_wait3A_184 = tpu.memref_squeeze %dma_wait3A_183 : memref<1x128xi32, #tpu.memory_space<vmem>> -> memref<128xi32, #tpu.memory_space<vmem>>
      %dma_wait3A_185 = arith.constant 0 : i32
      %dma_wait3A_186 = arith.constant 0 : i32
      %dma_wait3A_187 = tpu.memref_slice %arg4[%dma_wait3A_185, %dma_wait3A_186] : memref<40960x128xf32, #tpu.memory_space<hbm>> -> memref<40960x128xf32, #tpu.memory_space<hbm>>
      tpu.wait_indirect_dma semaphore(%arg12 : memref<!tpu.dma_semaphore, #tpu.memory_space<semaphore_mem>>) src(%dma_wait3A_187 : memref<40960x128xf32, #tpu.memory_space<hbm>>) dst(%arg10 : memref<128x128xf32, #tpu.memory_space<vmem>>)
      %add3A_188 = arith.constant 1 : i32
      %add3A_189 = arith.addi %add3A_149, %add3A_188 : i32
      %dma_start3A_190 = arith.constant 0 : i32
      %dma_start3A_191 = tpu.memref_slice %arg8[%add3A_189, %dma_start3A_190] : memref<40x128xi32, #tpu.memory_space<vmem>> -> memref<1x128xi32, #tpu.memory_space<vmem>>
      %dma_start3A_192 = tpu.memref_squeeze %dma_start3A_191 : memref<1x128xi32, #tpu.memory_space<vmem>> -> memref<128xi32, #tpu.memory_space<vmem>>
      %dma_start3A_193 = arith.constant 0 : i32
      %dma_start3A_194 = arith.constant 0 : i32
      %dma_start3A_195 = tpu.memref_slice %arg11[%dma_start3A_193, %dma_start3A_194] : memref<10240x128xf32, #tpu.memory_space<vmem_shared>> -> memref<10240x128xf32, #tpu.memory_space<vmem_shared>>
      tpu.enqueue_indirect_dma source(%arg10 : memref<128x128xf32, #tpu.memory_space<vmem>>) target(%dma_start3A_195 : memref<10240x128xf32, #tpu.memory_space<vmem_shared>>) offsets(%dma_start3A_192 : memref<128xi32, #tpu.memory_space<vmem>>) semaphore(%arg14 : memref<!tpu.dma_semaphore, #tpu.memory_space<semaphore_mem>>) {add = true}
    }
    %scan3A_20 = arith.constant 20 : i32
    %dma_wait3A = arith.constant 0 : i32
    %dma_wait3A_21 = arith.constant 0 : i32
    %dma_wait3A_22 = tpu.memref_slice %arg8[%dma_wait3A, %dma_wait3A_21] : memref<40x128xi32, #tpu.memory_space<vmem>> -> memref<1x128xi32, #tpu.memory_space<vmem>>
    %dma_wait3A_23 = tpu.memref_squeeze %dma_wait3A_22 : memref<1x128xi32, #tpu.memory_space<vmem>> -> memref<128xi32, #tpu.memory_space<vmem>>
    %dma_wait3A_24 = arith.constant 0 : i32
    %dma_wait3A_25 = arith.constant 0 : i32
    %dma_wait3A_26 = tpu.memref_slice %arg11[%dma_wait3A_24, %dma_wait3A_25] : memref<10240x128xf32, #tpu.memory_space<vmem_shared>> -> memref<10240x128xf32, #tpu.memory_space<vmem_shared>>
    tpu.wait_indirect_dma semaphore(%arg13 : memref<!tpu.dma_semaphore, #tpu.memory_space<semaphore_mem>>) src(%arg9 : memref<128x128xf32, #tpu.memory_space<vmem>>) dst(%dma_wait3A_26 : memref<10240x128xf32, #tpu.memory_space<vmem_shared>>)
    %dma_wait3A_27 = arith.constant 0 : i32
    %dma_wait3A_28 = arith.constant 0 : i32
    %dma_wait3A_29 = tpu.memref_slice %arg8[%dma_wait3A_27, %dma_wait3A_28] : memref<40x128xi32, #tpu.memory_space<vmem>> -> memref<1x128xi32, #tpu.memory_space<vmem>>
    %dma_wait3A_30 = tpu.memref_squeeze %dma_wait3A_29 : memref<1x128xi32, #tpu.memory_space<vmem>> -> memref<128xi32, #tpu.memory_space<vmem>>
    %dma_wait3A_31 = arith.constant 0 : i32
    %dma_wait3A_32 = arith.constant 0 : i32
    %dma_wait3A_33 = tpu.memref_slice %arg11[%dma_wait3A_31, %dma_wait3A_32] : memref<10240x128xf32, #tpu.memory_space<vmem_shared>> -> memref<10240x128xf32, #tpu.memory_space<vmem_shared>>
    tpu.wait_indirect_dma semaphore(%arg14 : memref<!tpu.dma_semaphore, #tpu.memory_space<semaphore_mem>>) src(%arg10 : memref<128x128xf32, #tpu.memory_space<vmem>>) dst(%dma_wait3A_33 : memref<10240x128xf32, #tpu.memory_space<vmem_shared>>)
    %mul3A_34 = arith.constant 16 : i32
    %mul3A_35 = arith.muli %add3A_1, %mul3A_34 : i32
    %add3A_36 = arith.addi %mul3A_35, %arg1 : i32
    %mul3A_37 = arith.constant 80 : i32
    %mul3A_38 = arith.muli %add3A_36, %mul3A_37 : i32
    %add3A_39 = arith.constant 40 : i32
    %add3A_40 = arith.addi %mul3A_38, %add3A_39 : i32
    "tpu.region"() ({
      %run_scoped3A = tpu.sem_alloc : memref<!tpu.dma_semaphore, #tpu.memory_space<semaphore_mem>>
      %dma_start3A = arith.constant 0 : i32
      %dma_start3A_145 = tpu.memref_slice %arg2[%add3A_40, %dma_start3A] : memref<5120x128xi32, #tpu.memory_space<hbm>> -> memref<40x128xi32, #tpu.memory_space<hbm>>
      %dma_start3A_146 = arith.constant 0 : i32
      %dma_start3A_147 = tpu.memref_slice %arg2[%add3A_40, %dma_start3A_146] : memref<5120x128xi32, #tpu.memory_space<hbm>> -> memref<40x128xi32, #tpu.memory_space<hbm>>
      tpu.enqueue_dma source(%dma_start3A_147 : memref<40x128xi32, #tpu.memory_space<hbm>>) target(%arg7 : memref<40x128xi32, #tpu.memory_space<vmem>>) target_semaphore(%run_scoped3A : memref<!tpu.dma_semaphore, #tpu.memory_space<semaphore_mem>>)
      %dma_wait3A_148 = arith.constant 0 : i32
      %dma_wait3A_149 = tpu.memref_slice %arg2[%add3A_40, %dma_wait3A_148] : memref<5120x128xi32, #tpu.memory_space<hbm>> -> memref<40x128xi32, #tpu.memory_space<hbm>>
      %dma_wait3A_150 = arith.constant 0 : i32
      %dma_wait3A_151 = tpu.memref_slice %arg2[%add3A_40, %dma_wait3A_150] : memref<5120x128xi32, #tpu.memory_space<hbm>> -> memref<40x128xi32, #tpu.memory_space<hbm>>
      tpu.wait_dma2 semaphore(%run_scoped3A : memref<!tpu.dma_semaphore, #tpu.memory_space<semaphore_mem>>) src(%dma_wait3A_151 : memref<40x128xi32, #tpu.memory_space<hbm>>) dst(%arg7 : memref<40x128xi32, #tpu.memory_space<vmem>>)
      tpu.yield
    }) : () -> ()
    %mul3A_41 = arith.constant 80 : i32
    %mul3A_42 = arith.muli %arg1, %mul3A_41 : i32
    %add3A_43 = arith.constant 40 : i32
    %add3A_44 = arith.addi %mul3A_42, %add3A_43 : i32
    "tpu.region"() ({
      %run_scoped3A = tpu.sem_alloc : memref<!tpu.dma_semaphore, #tpu.memory_space<semaphore_mem>>
      %dma_start3A = arith.constant 0 : i32
      %dma_start3A_145 = tpu.memref_slice %arg3[%add3A_44, %dma_start3A] : memref<1280x128xi32, #tpu.memory_space<hbm>> -> memref<40x128xi32, #tpu.memory_space<hbm>>
      %dma_start3A_146 = arith.constant 0 : i32
      %dma_start3A_147 = tpu.memref_slice %arg3[%add3A_44, %dma_start3A_146] : memref<1280x128xi32, #tpu.memory_space<hbm>> -> memref<40x128xi32, #tpu.memory_space<hbm>>
      tpu.enqueue_dma source(%dma_start3A_147 : memref<40x128xi32, #tpu.memory_space<hbm>>) target(%arg8 : memref<40x128xi32, #tpu.memory_space<vmem>>) target_semaphore(%run_scoped3A : memref<!tpu.dma_semaphore, #tpu.memory_space<semaphore_mem>>)
      %dma_wait3A_148 = arith.constant 0 : i32
      %dma_wait3A_149 = tpu.memref_slice %arg3[%add3A_44, %dma_wait3A_148] : memref<1280x128xi32, #tpu.memory_space<hbm>> -> memref<40x128xi32, #tpu.memory_space<hbm>>
      %dma_wait3A_150 = arith.constant 0 : i32
      %dma_wait3A_151 = tpu.memref_slice %arg3[%add3A_44, %dma_wait3A_150] : memref<1280x128xi32, #tpu.memory_space<hbm>> -> memref<40x128xi32, #tpu.memory_space<hbm>>
      tpu.wait_dma2 semaphore(%run_scoped3A : memref<!tpu.dma_semaphore, #tpu.memory_space<semaphore_mem>>) src(%dma_wait3A_151 : memref<40x128xi32, #tpu.memory_space<hbm>>) dst(%arg8 : memref<40x128xi32, #tpu.memory_space<vmem>>)
      tpu.yield
    }) : () -> ()
    %scan3A_45 = arith.constant 0 : i32
    %scan3A_46 = arith.constant 20 : i32
    %scan3A_47 = arith.addi %scan3A_45, %scan3A_46 : i32
    %scan3A_48 = arith.constant 1 : i32
    scf.for %scan3A_145 = %scan3A_45 to %scan3A_47 step %scan3A_48  : i32 {
      %mul3A_146 = arith.constant 2 : i32
      %mul3A_147 = arith.muli %scan3A_145, %mul3A_146 : i32
      %add3A_148 = arith.constant 0 : i32
      %add3A_149 = arith.addi %add3A_148, %mul3A_147 : i32
      %gt3A = arith.constant 0 : i32
      %gt3A_150 = arith.cmpi sgt, %add3A_149, %gt3A : i32
      %convert_element_type3A = arith.extui %gt3A_150 : i1 to i32
      %cond3A = arith.constant 0 : i32
      %cond3A_151 = arith.cmpi ne, %convert_element_type3A, %cond3A : i32
      scf.if %cond3A_151 {
        %dma_wait3A_196 = arith.constant 0 : i32
        %dma_wait3A_197 = arith.constant 0 : i32
        %dma_wait3A_198 = tpu.memref_slice %arg8[%dma_wait3A_196, %dma_wait3A_197] : memref<40x128xi32, #tpu.memory_space<vmem>> -> memref<1x128xi32, #tpu.memory_space<vmem>>
        %dma_wait3A_199 = tpu.memref_squeeze %dma_wait3A_198 : memref<1x128xi32, #tpu.memory_space<vmem>> -> memref<128xi32, #tpu.memory_space<vmem>>
        %dma_wait3A_200 = arith.constant 0 : i32
        %dma_wait3A_201 = arith.constant 0 : i32
        %dma_wait3A_202 = tpu.memref_slice %arg11[%dma_wait3A_200, %dma_wait3A_201] : memref<10240x128xf32, #tpu.memory_space<vmem_shared>> -> memref<10240x128xf32, #tpu.memory_space<vmem_shared>>
        tpu.wait_indirect_dma semaphore(%arg13 : memref<!tpu.dma_semaphore, #tpu.memory_space<semaphore_mem>>) src(%arg9 : memref<128x128xf32, #tpu.memory_space<vmem>>) dst(%dma_wait3A_202 : memref<10240x128xf32, #tpu.memory_space<vmem_shared>>)
      } else {
      }
      %dma_start3A = arith.constant 0 : i32
      %dma_start3A_152 = tpu.memref_slice %arg7[%add3A_149, %dma_start3A] : memref<40x128xi32, #tpu.memory_space<vmem>> -> memref<1x128xi32, #tpu.memory_space<vmem>>
      %dma_start3A_153 = tpu.memref_squeeze %dma_start3A_152 : memref<1x128xi32, #tpu.memory_space<vmem>> -> memref<128xi32, #tpu.memory_space<vmem>>
      %dma_start3A_154 = arith.constant 0 : i32
      %dma_start3A_155 = arith.constant 0 : i32
      %dma_start3A_156 = tpu.memref_slice %arg4[%dma_start3A_154, %dma_start3A_155] : memref<40960x128xf32, #tpu.memory_space<hbm>> -> memref<40960x128xf32, #tpu.memory_space<hbm>>
      tpu.enqueue_indirect_dma source(%dma_start3A_156 : memref<40960x128xf32, #tpu.memory_space<hbm>>) target(%arg9 : memref<128x128xf32, #tpu.memory_space<vmem>>) offsets(%dma_start3A_153 : memref<128xi32, #tpu.memory_space<vmem>>) semaphore(%arg12 : memref<!tpu.dma_semaphore, #tpu.memory_space<semaphore_mem>>)
      %dma_wait3A_157 = arith.constant 0 : i32
      %dma_wait3A_158 = tpu.memref_slice %arg7[%add3A_149, %dma_wait3A_157] : memref<40x128xi32, #tpu.memory_space<vmem>> -> memref<1x128xi32, #tpu.memory_space<vmem>>
      %dma_wait3A_159 = tpu.memref_squeeze %dma_wait3A_158 : memref<1x128xi32, #tpu.memory_space<vmem>> -> memref<128xi32, #tpu.memory_space<vmem>>
      %dma_wait3A_160 = arith.constant 0 : i32
      %dma_wait3A_161 = arith.constant 0 : i32
      %dma_wait3A_162 = tpu.memref_slice %arg4[%dma_wait3A_160, %dma_wait3A_161] : memref<40960x128xf32, #tpu.memory_space<hbm>> -> memref<40960x128xf32, #tpu.memory_space<hbm>>
      tpu.wait_indirect_dma semaphore(%arg12 : memref<!tpu.dma_semaphore, #tpu.memory_space<semaphore_mem>>) src(%dma_wait3A_162 : memref<40960x128xf32, #tpu.memory_space<hbm>>) dst(%arg9 : memref<128x128xf32, #tpu.memory_space<vmem>>)
      %dma_start3A_163 = arith.constant 0 : i32
      %dma_start3A_164 = tpu.memref_slice %arg8[%add3A_149, %dma_start3A_163] : memref<40x128xi32, #tpu.memory_space<vmem>> -> memref<1x128xi32, #tpu.memory_space<vmem>>
      %dma_start3A_165 = tpu.memref_squeeze %dma_start3A_164 : memref<1x128xi32, #tpu.memory_space<vmem>> -> memref<128xi32, #tpu.memory_space<vmem>>
      %dma_start3A_166 = arith.constant 0 : i32
      %dma_start3A_167 = arith.constant 0 : i32
      %dma_start3A_168 = tpu.memref_slice %arg11[%dma_start3A_166, %dma_start3A_167] : memref<10240x128xf32, #tpu.memory_space<vmem_shared>> -> memref<10240x128xf32, #tpu.memory_space<vmem_shared>>
      tpu.enqueue_indirect_dma source(%arg9 : memref<128x128xf32, #tpu.memory_space<vmem>>) target(%dma_start3A_168 : memref<10240x128xf32, #tpu.memory_space<vmem_shared>>) offsets(%dma_start3A_165 : memref<128xi32, #tpu.memory_space<vmem>>) semaphore(%arg13 : memref<!tpu.dma_semaphore, #tpu.memory_space<semaphore_mem>>) {add = true}
      %gt3A_169 = arith.constant 1 : i32
      %gt3A_170 = arith.cmpi sgt, %add3A_149, %gt3A_169 : i32
      %convert_element_type3A_171 = arith.extui %gt3A_170 : i1 to i32
      %cond3A_172 = arith.constant 0 : i32
      %cond3A_173 = arith.cmpi ne, %convert_element_type3A_171, %cond3A_172 : i32
      scf.if %cond3A_173 {
        %dma_wait3A_196 = arith.constant 0 : i32
        %dma_wait3A_197 = arith.constant 0 : i32
        %dma_wait3A_198 = tpu.memref_slice %arg8[%dma_wait3A_196, %dma_wait3A_197] : memref<40x128xi32, #tpu.memory_space<vmem>> -> memref<1x128xi32, #tpu.memory_space<vmem>>
        %dma_wait3A_199 = tpu.memref_squeeze %dma_wait3A_198 : memref<1x128xi32, #tpu.memory_space<vmem>> -> memref<128xi32, #tpu.memory_space<vmem>>
        %dma_wait3A_200 = arith.constant 0 : i32
        %dma_wait3A_201 = arith.constant 0 : i32
        %dma_wait3A_202 = tpu.memref_slice %arg11[%dma_wait3A_200, %dma_wait3A_201] : memref<10240x128xf32, #tpu.memory_space<vmem_shared>> -> memref<10240x128xf32, #tpu.memory_space<vmem_shared>>
        tpu.wait_indirect_dma semaphore(%arg14 : memref<!tpu.dma_semaphore, #tpu.memory_space<semaphore_mem>>) src(%arg10 : memref<128x128xf32, #tpu.memory_space<vmem>>) dst(%dma_wait3A_202 : memref<10240x128xf32, #tpu.memory_space<vmem_shared>>)
      } else {
      }
      %add3A_174 = arith.constant 1 : i32
      %add3A_175 = arith.addi %add3A_149, %add3A_174 : i32
      %dma_start3A_176 = arith.constant 0 : i32
      %dma_start3A_177 = tpu.memref_slice %arg7[%add3A_175, %dma_start3A_176] : memref<40x128xi32, #tpu.memory_space<vmem>> -> memref<1x128xi32, #tpu.memory_space<vmem>>
      %dma_start3A_178 = tpu.memref_squeeze %dma_start3A_177 : memref<1x128xi32, #tpu.memory_space<vmem>> -> memref<128xi32, #tpu.memory_space<vmem>>
      %dma_start3A_179 = arith.constant 0 : i32
      %dma_start3A_180 = arith.constant 0 : i32
      %dma_start3A_181 = tpu.memref_slice %arg4[%dma_start3A_179, %dma_start3A_180] : memref<40960x128xf32, #tpu.memory_space<hbm>> -> memref<40960x128xf32, #tpu.memory_space<hbm>>
      tpu.enqueue_indirect_dma source(%dma_start3A_181 : memref<40960x128xf32, #tpu.memory_space<hbm>>) target(%arg10 : memref<128x128xf32, #tpu.memory_space<vmem>>) offsets(%dma_start3A_178 : memref<128xi32, #tpu.memory_space<vmem>>) semaphore(%arg12 : memref<!tpu.dma_semaphore, #tpu.memory_space<semaphore_mem>>)
      %dma_wait3A_182 = arith.constant 0 : i32
      %dma_wait3A_183 = tpu.memref_slice %arg7[%add3A_175, %dma_wait3A_182] : memref<40x128xi32, #tpu.memory_space<vmem>> -> memref<1x128xi32, #tpu.memory_space<vmem>>
      %dma_wait3A_184 = tpu.memref_squeeze %dma_wait3A_183 : memref<1x128xi32, #tpu.memory_space<vmem>> -> memref<128xi32, #tpu.memory_space<vmem>>
      %dma_wait3A_185 = arith.constant 0 : i32
      %dma_wait3A_186 = arith.constant 0 : i32
      %dma_wait3A_187 = tpu.memref_slice %arg4[%dma_wait3A_185, %dma_wait3A_186] : memref<40960x128xf32, #tpu.memory_space<hbm>> -> memref<40960x128xf32, #tpu.memory_space<hbm>>
      tpu.wait_indirect_dma semaphore(%arg12 : memref<!tpu.dma_semaphore, #tpu.memory_space<semaphore_mem>>) src(%dma_wait3A_187 : memref<40960x128xf32, #tpu.memory_space<hbm>>) dst(%arg10 : memref<128x128xf32, #tpu.memory_space<vmem>>)
      %add3A_188 = arith.constant 1 : i32
      %add3A_189 = arith.addi %add3A_149, %add3A_188 : i32
      %dma_start3A_190 = arith.constant 0 : i32
      %dma_start3A_191 = tpu.memref_slice %arg8[%add3A_189, %dma_start3A_190] : memref<40x128xi32, #tpu.memory_space<vmem>> -> memref<1x128xi32, #tpu.memory_space<vmem>>
      %dma_start3A_192 = tpu.memref_squeeze %dma_start3A_191 : memref<1x128xi32, #tpu.memory_space<vmem>> -> memref<128xi32, #tpu.memory_space<vmem>>
      %dma_start3A_193 = arith.constant 0 : i32
      %dma_start3A_194 = arith.constant 0 : i32
      %dma_start3A_195 = tpu.memref_slice %arg11[%dma_start3A_193, %dma_start3A_194] : memref<10240x128xf32, #tpu.memory_space<vmem_shared>> -> memref<10240x128xf32, #tpu.memory_space<vmem_shared>>
      tpu.enqueue_indirect_dma source(%arg10 : memref<128x128xf32, #tpu.memory_space<vmem>>) target(%dma_start3A_195 : memref<10240x128xf32, #tpu.memory_space<vmem_shared>>) offsets(%dma_start3A_192 : memref<128xi32, #tpu.memory_space<vmem>>) semaphore(%arg14 : memref<!tpu.dma_semaphore, #tpu.memory_space<semaphore_mem>>) {add = true}
    }
    %scan3A_49 = arith.constant 20 : i32
    %dma_wait3A_50 = arith.constant 0 : i32
    %dma_wait3A_51 = arith.constant 0 : i32
    %dma_wait3A_52 = tpu.memref_slice %arg8[%dma_wait3A_50, %dma_wait3A_51] : memref<40x128xi32, #tpu.memory_space<vmem>> -> memref<1x128xi32, #tpu.memory_space<vmem>>
    %dma_wait3A_53 = tpu.memref_squeeze %dma_wait3A_52 : memref<1x128xi32, #tpu.memory_space<vmem>> -> memref<128xi32, #tpu.memory_space<vmem>>
    %dma_wait3A_54 = arith.constant 0 : i32
    %dma_wait3A_55 = arith.constant 0 : i32
    %dma_wait3A_56 = tpu.memref_slice %arg11[%dma_wait3A_54, %dma_wait3A_55] : memref<10240x128xf32, #tpu.memory_space<vmem_shared>> -> memref<10240x128xf32, #tpu.memory_space<vmem_shared>>
    tpu.wait_indirect_dma semaphore(%arg13 : memref<!tpu.dma_semaphore, #tpu.memory_space<semaphore_mem>>) src(%arg9 : memref<128x128xf32, #tpu.memory_space<vmem>>) dst(%dma_wait3A_56 : memref<10240x128xf32, #tpu.memory_space<vmem_shared>>)
    %dma_wait3A_57 = arith.constant 0 : i32
    %dma_wait3A_58 = arith.constant 0 : i32
    %dma_wait3A_59 = tpu.memref_slice %arg8[%dma_wait3A_57, %dma_wait3A_58] : memref<40x128xi32, #tpu.memory_space<vmem>> -> memref<1x128xi32, #tpu.memory_space<vmem>>
    %dma_wait3A_60 = tpu.memref_squeeze %dma_wait3A_59 : memref<1x128xi32, #tpu.memory_space<vmem>> -> memref<128xi32, #tpu.memory_space<vmem>>
    %dma_wait3A_61 = arith.constant 0 : i32
    %dma_wait3A_62 = arith.constant 0 : i32
    %dma_wait3A_63 = tpu.memref_slice %arg11[%dma_wait3A_61, %dma_wait3A_62] : memref<10240x128xf32, #tpu.memory_space<vmem_shared>> -> memref<10240x128xf32, #tpu.memory_space<vmem_shared>>
    tpu.wait_indirect_dma semaphore(%arg14 : memref<!tpu.dma_semaphore, #tpu.memory_space<semaphore_mem>>) src(%arg10 : memref<128x128xf32, #tpu.memory_space<vmem>>) dst(%dma_wait3A_63 : memref<10240x128xf32, #tpu.memory_space<vmem_shared>>)
    %barrier3A_64 = arith.constant 0 : index
    tpu.barrier barrier_id(%barrier3A_64)
    %mul3A_65 = arith.constant 640 : i32
    %mul3A_66 = arith.muli %arg1, %mul3A_65 : i32
    %mul3A_67 = arith.constant 640 : i32
    %mul3A_68 = arith.muli %arg1, %mul3A_67 : i32
    %add3A_69 = arith.addi %mul3A_3, %mul3A_68 : i32
    "tpu.region"() ({
      %run_scoped3A = tpu.sem_alloc : memref<!tpu.dma_semaphore, #tpu.memory_space<semaphore_mem>>
      %dma_start3A = arith.constant 0 : i32
      %dma_start3A_145 = tpu.memref_slice %arg6[%add3A_69, %dma_start3A] : memref<40960x128xf32, #tpu.memory_space<hbm>> -> memref<640x128xf32, #tpu.memory_space<hbm>>
      %dma_start3A_146 = arith.constant 0 : i32
      %dma_start3A_147 = tpu.memref_slice %arg11[%mul3A_66, %dma_start3A_146] : memref<10240x128xf32, #tpu.memory_space<vmem_shared>> -> memref<640x128xf32, #tpu.memory_space<vmem_shared>>
      tpu.enqueue_dma source(%dma_start3A_147 : memref<640x128xf32, #tpu.memory_space<vmem_shared>>) target(%dma_start3A_145 : memref<640x128xf32, #tpu.memory_space<hbm>>) target_semaphore(%run_scoped3A : memref<!tpu.dma_semaphore, #tpu.memory_space<semaphore_mem>>)
      %dma_wait3A_148 = arith.constant 0 : i32
      %dma_wait3A_149 = tpu.memref_slice %arg6[%add3A_69, %dma_wait3A_148] : memref<40960x128xf32, #tpu.memory_space<hbm>> -> memref<640x128xf32, #tpu.memory_space<hbm>>
      %dma_wait3A_150 = arith.constant 0 : i32
      %dma_wait3A_151 = tpu.memref_slice %arg11[%mul3A_66, %dma_wait3A_150] : memref<10240x128xf32, #tpu.memory_space<vmem_shared>> -> memref<640x128xf32, #tpu.memory_space<vmem_shared>>
      tpu.wait_dma2 semaphore(%run_scoped3A : memref<!tpu.dma_semaphore, #tpu.memory_space<semaphore_mem>>) src(%dma_wait3A_151 : memref<640x128xf32, #tpu.memory_space<vmem_shared>>) dst(%dma_wait3A_149 : memref<640x128xf32, #tpu.memory_space<hbm>>)
      tpu.yield
    }) : () -> ()
    %mul3A_70 = arith.constant 2 : i32
    %mul3A_71 = arith.muli %arg0, %mul3A_70 : i32
    %add3A_72 = arith.constant 1 : i32
    %add3A_73 = arith.addi %mul3A_71, %add3A_72 : i32
    %mul3A_74 = arith.constant 10240 : i32
    %mul3A_75 = arith.muli %add3A_73, %mul3A_74 : i32
    %mul3A_76 = arith.constant 640 : i32
    %mul3A_77 = arith.muli %arg1, %mul3A_76 : i32
    "tpu.region"() ({
      %run_scoped3A = tpu.sem_alloc : memref<!tpu.dma_semaphore, #tpu.memory_space<semaphore_mem>>
      %dma_start3A = arith.constant 0 : i32
      %dma_start3A_145 = tpu.memref_slice %arg11[%mul3A_77, %dma_start3A] : memref<10240x128xf32, #tpu.memory_space<vmem_shared>> -> memref<640x128xf32, #tpu.memory_space<vmem_shared>>
      tpu.enqueue_dma source(%arg5 : memref<640x128xf32, #tpu.memory_space<hbm>>) target(%dma_start3A_145 : memref<640x128xf32, #tpu.memory_space<vmem_shared>>) target_semaphore(%run_scoped3A : memref<!tpu.dma_semaphore, #tpu.memory_space<semaphore_mem>>)
      %dma_wait3A_146 = arith.constant 0 : i32
      %dma_wait3A_147 = tpu.memref_slice %arg11[%mul3A_77, %dma_wait3A_146] : memref<10240x128xf32, #tpu.memory_space<vmem_shared>> -> memref<640x128xf32, #tpu.memory_space<vmem_shared>>
      tpu.wait_dma2 semaphore(%run_scoped3A : memref<!tpu.dma_semaphore, #tpu.memory_space<semaphore_mem>>) src(%arg5 : memref<640x128xf32, #tpu.memory_space<hbm>>) dst(%dma_wait3A_147 : memref<640x128xf32, #tpu.memory_space<vmem_shared>>)
      tpu.yield
    }) : () -> ()
    %barrier3A_78 = arith.constant 0 : index
    tpu.barrier barrier_id(%barrier3A_78)
    %mul3A_79 = arith.constant 16 : i32
    %mul3A_80 = arith.muli %add3A_73, %mul3A_79 : i32
    %add3A_81 = arith.addi %mul3A_80, %arg1 : i32
    %mul3A_82 = arith.constant 80 : i32
    %mul3A_83 = arith.muli %add3A_81, %mul3A_82 : i32
    %add3A_84 = arith.constant 0 : i32
    %add3A_85 = arith.addi %mul3A_83, %add3A_84 : i32
    "tpu.region"() ({
      %run_scoped3A = tpu.sem_alloc : memref<!tpu.dma_semaphore, #tpu.memory_space<semaphore_mem>>
      %dma_start3A = arith.constant 0 : i32
      %dma_start3A_145 = tpu.memref_slice %arg2[%add3A_85, %dma_start3A] : memref<5120x128xi32, #tpu.memory_space<hbm>> -> memref<40x128xi32, #tpu.memory_space<hbm>>
      %dma_start3A_146 = arith.constant 0 : i32
      %dma_start3A_147 = tpu.memref_slice %arg2[%add3A_85, %dma_start3A_146] : memref<5120x128xi32, #tpu.memory_space<hbm>> -> memref<40x128xi32, #tpu.memory_space<hbm>>
      tpu.enqueue_dma source(%dma_start3A_147 : memref<40x128xi32, #tpu.memory_space<hbm>>) target(%arg7 : memref<40x128xi32, #tpu.memory_space<vmem>>) target_semaphore(%run_scoped3A : memref<!tpu.dma_semaphore, #tpu.memory_space<semaphore_mem>>)
      %dma_wait3A_148 = arith.constant 0 : i32
      %dma_wait3A_149 = tpu.memref_slice %arg2[%add3A_85, %dma_wait3A_148] : memref<5120x128xi32, #tpu.memory_space<hbm>> -> memref<40x128xi32, #tpu.memory_space<hbm>>
      %dma_wait3A_150 = arith.constant 0 : i32
      %dma_wait3A_151 = tpu.memref_slice %arg2[%add3A_85, %dma_wait3A_150] : memref<5120x128xi32, #tpu.memory_space<hbm>> -> memref<40x128xi32, #tpu.memory_space<hbm>>
      tpu.wait_dma2 semaphore(%run_scoped3A : memref<!tpu.dma_semaphore, #tpu.memory_space<semaphore_mem>>) src(%dma_wait3A_151 : memref<40x128xi32, #tpu.memory_space<hbm>>) dst(%arg7 : memref<40x128xi32, #tpu.memory_space<vmem>>)
      tpu.yield
    }) : () -> ()
    %mul3A_86 = arith.constant 80 : i32
    %mul3A_87 = arith.muli %arg1, %mul3A_86 : i32
    %add3A_88 = arith.constant 0 : i32
    %add3A_89 = arith.addi %mul3A_87, %add3A_88 : i32
    "tpu.region"() ({
      %run_scoped3A = tpu.sem_alloc : memref<!tpu.dma_semaphore, #tpu.memory_space<semaphore_mem>>
      %dma_start3A = arith.constant 0 : i32
      %dma_start3A_145 = tpu.memref_slice %arg3[%add3A_89, %dma_start3A] : memref<1280x128xi32, #tpu.memory_space<hbm>> -> memref<40x128xi32, #tpu.memory_space<hbm>>
      %dma_start3A_146 = arith.constant 0 : i32
      %dma_start3A_147 = tpu.memref_slice %arg3[%add3A_89, %dma_start3A_146] : memref<1280x128xi32, #tpu.memory_space<hbm>> -> memref<40x128xi32, #tpu.memory_space<hbm>>
      tpu.enqueue_dma source(%dma_start3A_147 : memref<40x128xi32, #tpu.memory_space<hbm>>) target(%arg8 : memref<40x128xi32, #tpu.memory_space<vmem>>) target_semaphore(%run_scoped3A : memref<!tpu.dma_semaphore, #tpu.memory_space<semaphore_mem>>)
      %dma_wait3A_148 = arith.constant 0 : i32
      %dma_wait3A_149 = tpu.memref_slice %arg3[%add3A_89, %dma_wait3A_148] : memref<1280x128xi32, #tpu.memory_space<hbm>> -> memref<40x128xi32, #tpu.memory_space<hbm>>
      %dma_wait3A_150 = arith.constant 0 : i32
      %dma_wait3A_151 = tpu.memref_slice %arg3[%add3A_89, %dma_wait3A_150] : memref<1280x128xi32, #tpu.memory_space<hbm>> -> memref<40x128xi32, #tpu.memory_space<hbm>>
      tpu.wait_dma2 semaphore(%run_scoped3A : memref<!tpu.dma_semaphore, #tpu.memory_space<semaphore_mem>>) src(%dma_wait3A_151 : memref<40x128xi32, #tpu.memory_space<hbm>>) dst(%arg8 : memref<40x128xi32, #tpu.memory_space<vmem>>)
      tpu.yield
    }) : () -> ()
    %scan3A_90 = arith.constant 0 : i32
    %scan3A_91 = arith.constant 20 : i32
    %scan3A_92 = arith.addi %scan3A_90, %scan3A_91 : i32
    %scan3A_93 = arith.constant 1 : i32
    scf.for %scan3A_145 = %scan3A_90 to %scan3A_92 step %scan3A_93  : i32 {
      %mul3A_146 = arith.constant 2 : i32
      %mul3A_147 = arith.muli %scan3A_145, %mul3A_146 : i32
      %add3A_148 = arith.constant 0 : i32
      %add3A_149 = arith.addi %add3A_148, %mul3A_147 : i32
      %gt3A = arith.constant 0 : i32
      %gt3A_150 = arith.cmpi sgt, %add3A_149, %gt3A : i32
      %convert_element_type3A = arith.extui %gt3A_150 : i1 to i32
      %cond3A = arith.constant 0 : i32
      %cond3A_151 = arith.cmpi ne, %convert_element_type3A, %cond3A : i32
      scf.if %cond3A_151 {
        %dma_wait3A_196 = arith.constant 0 : i32
        %dma_wait3A_197 = arith.constant 0 : i32
        %dma_wait3A_198 = tpu.memref_slice %arg8[%dma_wait3A_196, %dma_wait3A_197] : memref<40x128xi32, #tpu.memory_space<vmem>> -> memref<1x128xi32, #tpu.memory_space<vmem>>
        %dma_wait3A_199 = tpu.memref_squeeze %dma_wait3A_198 : memref<1x128xi32, #tpu.memory_space<vmem>> -> memref<128xi32, #tpu.memory_space<vmem>>
        %dma_wait3A_200 = arith.constant 0 : i32
        %dma_wait3A_201 = arith.constant 0 : i32
        %dma_wait3A_202 = tpu.memref_slice %arg11[%dma_wait3A_200, %dma_wait3A_201] : memref<10240x128xf32, #tpu.memory_space<vmem_shared>> -> memref<10240x128xf32, #tpu.memory_space<vmem_shared>>
        tpu.wait_indirect_dma semaphore(%arg13 : memref<!tpu.dma_semaphore, #tpu.memory_space<semaphore_mem>>) src(%arg9 : memref<128x128xf32, #tpu.memory_space<vmem>>) dst(%dma_wait3A_202 : memref<10240x128xf32, #tpu.memory_space<vmem_shared>>)
      } else {
      }
      %dma_start3A = arith.constant 0 : i32
      %dma_start3A_152 = tpu.memref_slice %arg7[%add3A_149, %dma_start3A] : memref<40x128xi32, #tpu.memory_space<vmem>> -> memref<1x128xi32, #tpu.memory_space<vmem>>
      %dma_start3A_153 = tpu.memref_squeeze %dma_start3A_152 : memref<1x128xi32, #tpu.memory_space<vmem>> -> memref<128xi32, #tpu.memory_space<vmem>>
      %dma_start3A_154 = arith.constant 0 : i32
      %dma_start3A_155 = arith.constant 0 : i32
      %dma_start3A_156 = tpu.memref_slice %arg4[%dma_start3A_154, %dma_start3A_155] : memref<40960x128xf32, #tpu.memory_space<hbm>> -> memref<40960x128xf32, #tpu.memory_space<hbm>>
      tpu.enqueue_indirect_dma source(%dma_start3A_156 : memref<40960x128xf32, #tpu.memory_space<hbm>>) target(%arg9 : memref<128x128xf32, #tpu.memory_space<vmem>>) offsets(%dma_start3A_153 : memref<128xi32, #tpu.memory_space<vmem>>) semaphore(%arg12 : memref<!tpu.dma_semaphore, #tpu.memory_space<semaphore_mem>>)
      %dma_wait3A_157 = arith.constant 0 : i32
      %dma_wait3A_158 = tpu.memref_slice %arg7[%add3A_149, %dma_wait3A_157] : memref<40x128xi32, #tpu.memory_space<vmem>> -> memref<1x128xi32, #tpu.memory_space<vmem>>
      %dma_wait3A_159 = tpu.memref_squeeze %dma_wait3A_158 : memref<1x128xi32, #tpu.memory_space<vmem>> -> memref<128xi32, #tpu.memory_space<vmem>>
      %dma_wait3A_160 = arith.constant 0 : i32
      %dma_wait3A_161 = arith.constant 0 : i32
      %dma_wait3A_162 = tpu.memref_slice %arg4[%dma_wait3A_160, %dma_wait3A_161] : memref<40960x128xf32, #tpu.memory_space<hbm>> -> memref<40960x128xf32, #tpu.memory_space<hbm>>
      tpu.wait_indirect_dma semaphore(%arg12 : memref<!tpu.dma_semaphore, #tpu.memory_space<semaphore_mem>>) src(%dma_wait3A_162 : memref<40960x128xf32, #tpu.memory_space<hbm>>) dst(%arg9 : memref<128x128xf32, #tpu.memory_space<vmem>>)
      %dma_start3A_163 = arith.constant 0 : i32
      %dma_start3A_164 = tpu.memref_slice %arg8[%add3A_149, %dma_start3A_163] : memref<40x128xi32, #tpu.memory_space<vmem>> -> memref<1x128xi32, #tpu.memory_space<vmem>>
      %dma_start3A_165 = tpu.memref_squeeze %dma_start3A_164 : memref<1x128xi32, #tpu.memory_space<vmem>> -> memref<128xi32, #tpu.memory_space<vmem>>
      %dma_start3A_166 = arith.constant 0 : i32
      %dma_start3A_167 = arith.constant 0 : i32
      %dma_start3A_168 = tpu.memref_slice %arg11[%dma_start3A_166, %dma_start3A_167] : memref<10240x128xf32, #tpu.memory_space<vmem_shared>> -> memref<10240x128xf32, #tpu.memory_space<vmem_shared>>
      tpu.enqueue_indirect_dma source(%arg9 : memref<128x128xf32, #tpu.memory_space<vmem>>) target(%dma_start3A_168 : memref<10240x128xf32, #tpu.memory_space<vmem_shared>>) offsets(%dma_start3A_165 : memref<128xi32, #tpu.memory_space<vmem>>) semaphore(%arg13 : memref<!tpu.dma_semaphore, #tpu.memory_space<semaphore_mem>>) {add = true}
      %gt3A_169 = arith.constant 1 : i32
      %gt3A_170 = arith.cmpi sgt, %add3A_149, %gt3A_169 : i32
      %convert_element_type3A_171 = arith.extui %gt3A_170 : i1 to i32
      %cond3A_172 = arith.constant 0 : i32
      %cond3A_173 = arith.cmpi ne, %convert_element_type3A_171, %cond3A_172 : i32
      scf.if %cond3A_173 {
        %dma_wait3A_196 = arith.constant 0 : i32
        %dma_wait3A_197 = arith.constant 0 : i32
        %dma_wait3A_198 = tpu.memref_slice %arg8[%dma_wait3A_196, %dma_wait3A_197] : memref<40x128xi32, #tpu.memory_space<vmem>> -> memref<1x128xi32, #tpu.memory_space<vmem>>
        %dma_wait3A_199 = tpu.memref_squeeze %dma_wait3A_198 : memref<1x128xi32, #tpu.memory_space<vmem>> -> memref<128xi32, #tpu.memory_space<vmem>>
        %dma_wait3A_200 = arith.constant 0 : i32
        %dma_wait3A_201 = arith.constant 0 : i32
        %dma_wait3A_202 = tpu.memref_slice %arg11[%dma_wait3A_200, %dma_wait3A_201] : memref<10240x128xf32, #tpu.memory_space<vmem_shared>> -> memref<10240x128xf32, #tpu.memory_space<vmem_shared>>
        tpu.wait_indirect_dma semaphore(%arg14 : memref<!tpu.dma_semaphore, #tpu.memory_space<semaphore_mem>>) src(%arg10 : memref<128x128xf32, #tpu.memory_space<vmem>>) dst(%dma_wait3A_202 : memref<10240x128xf32, #tpu.memory_space<vmem_shared>>)
      } else {
      }
      %add3A_174 = arith.constant 1 : i32
      %add3A_175 = arith.addi %add3A_149, %add3A_174 : i32
      %dma_start3A_176 = arith.constant 0 : i32
      %dma_start3A_177 = tpu.memref_slice %arg7[%add3A_175, %dma_start3A_176] : memref<40x128xi32, #tpu.memory_space<vmem>> -> memref<1x128xi32, #tpu.memory_space<vmem>>
      %dma_start3A_178 = tpu.memref_squeeze %dma_start3A_177 : memref<1x128xi32, #tpu.memory_space<vmem>> -> memref<128xi32, #tpu.memory_space<vmem>>
      %dma_start3A_179 = arith.constant 0 : i32
      %dma_start3A_180 = arith.constant 0 : i32
      %dma_start3A_181 = tpu.memref_slice %arg4[%dma_start3A_179, %dma_start3A_180] : memref<40960x128xf32, #tpu.memory_space<hbm>> -> memref<40960x128xf32, #tpu.memory_space<hbm>>
      tpu.enqueue_indirect_dma source(%dma_start3A_181 : memref<40960x128xf32, #tpu.memory_space<hbm>>) target(%arg10 : memref<128x128xf32, #tpu.memory_space<vmem>>) offsets(%dma_start3A_178 : memref<128xi32, #tpu.memory_space<vmem>>) semaphore(%arg12 : memref<!tpu.dma_semaphore, #tpu.memory_space<semaphore_mem>>)
      %dma_wait3A_182 = arith.constant 0 : i32
      %dma_wait3A_183 = tpu.memref_slice %arg7[%add3A_175, %dma_wait3A_182] : memref<40x128xi32, #tpu.memory_space<vmem>> -> memref<1x128xi32, #tpu.memory_space<vmem>>
      %dma_wait3A_184 = tpu.memref_squeeze %dma_wait3A_183 : memref<1x128xi32, #tpu.memory_space<vmem>> -> memref<128xi32, #tpu.memory_space<vmem>>
      %dma_wait3A_185 = arith.constant 0 : i32
      %dma_wait3A_186 = arith.constant 0 : i32
      %dma_wait3A_187 = tpu.memref_slice %arg4[%dma_wait3A_185, %dma_wait3A_186] : memref<40960x128xf32, #tpu.memory_space<hbm>> -> memref<40960x128xf32, #tpu.memory_space<hbm>>
      tpu.wait_indirect_dma semaphore(%arg12 : memref<!tpu.dma_semaphore, #tpu.memory_space<semaphore_mem>>) src(%dma_wait3A_187 : memref<40960x128xf32, #tpu.memory_space<hbm>>) dst(%arg10 : memref<128x128xf32, #tpu.memory_space<vmem>>)
      %add3A_188 = arith.constant 1 : i32
      %add3A_189 = arith.addi %add3A_149, %add3A_188 : i32
      %dma_start3A_190 = arith.constant 0 : i32
      %dma_start3A_191 = tpu.memref_slice %arg8[%add3A_189, %dma_start3A_190] : memref<40x128xi32, #tpu.memory_space<vmem>> -> memref<1x128xi32, #tpu.memory_space<vmem>>
      %dma_start3A_192 = tpu.memref_squeeze %dma_start3A_191 : memref<1x128xi32, #tpu.memory_space<vmem>> -> memref<128xi32, #tpu.memory_space<vmem>>
      %dma_start3A_193 = arith.constant 0 : i32
      %dma_start3A_194 = arith.constant 0 : i32
      %dma_start3A_195 = tpu.memref_slice %arg11[%dma_start3A_193, %dma_start3A_194] : memref<10240x128xf32, #tpu.memory_space<vmem_shared>> -> memref<10240x128xf32, #tpu.memory_space<vmem_shared>>
      tpu.enqueue_indirect_dma source(%arg10 : memref<128x128xf32, #tpu.memory_space<vmem>>) target(%dma_start3A_195 : memref<10240x128xf32, #tpu.memory_space<vmem_shared>>) offsets(%dma_start3A_192 : memref<128xi32, #tpu.memory_space<vmem>>) semaphore(%arg14 : memref<!tpu.dma_semaphore, #tpu.memory_space<semaphore_mem>>) {add = true}
    }
    %scan3A_94 = arith.constant 20 : i32
    %dma_wait3A_95 = arith.constant 0 : i32
    %dma_wait3A_96 = arith.constant 0 : i32
    %dma_wait3A_97 = tpu.memref_slice %arg8[%dma_wait3A_95, %dma_wait3A_96] : memref<40x128xi32, #tpu.memory_space<vmem>> -> memref<1x128xi32, #tpu.memory_space<vmem>>
    %dma_wait3A_98 = tpu.memref_squeeze %dma_wait3A_97 : memref<1x128xi32, #tpu.memory_space<vmem>> -> memref<128xi32, #tpu.memory_space<vmem>>
    %dma_wait3A_99 = arith.constant 0 : i32
    %dma_wait3A_100 = arith.constant 0 : i32
    %dma_wait3A_101 = tpu.memref_slice %arg11[%dma_wait3A_99, %dma_wait3A_100] : memref<10240x128xf32, #tpu.memory_space<vmem_shared>> -> memref<10240x128xf32, #tpu.memory_space<vmem_shared>>
    tpu.wait_indirect_dma semaphore(%arg13 : memref<!tpu.dma_semaphore, #tpu.memory_space<semaphore_mem>>) src(%arg9 : memref<128x128xf32, #tpu.memory_space<vmem>>) dst(%dma_wait3A_101 : memref<10240x128xf32, #tpu.memory_space<vmem_shared>>)
    %dma_wait3A_102 = arith.constant 0 : i32
    %dma_wait3A_103 = arith.constant 0 : i32
    %dma_wait3A_104 = tpu.memref_slice %arg8[%dma_wait3A_102, %dma_wait3A_103] : memref<40x128xi32, #tpu.memory_space<vmem>> -> memref<1x128xi32, #tpu.memory_space<vmem>>
    %dma_wait3A_105 = tpu.memref_squeeze %dma_wait3A_104 : memref<1x128xi32, #tpu.memory_space<vmem>> -> memref<128xi32, #tpu.memory_space<vmem>>
    %dma_wait3A_106 = arith.constant 0 : i32
    %dma_wait3A_107 = arith.constant 0 : i32
    %dma_wait3A_108 = tpu.memref_slice %arg11[%dma_wait3A_106, %dma_wait3A_107] : memref<10240x128xf32, #tpu.memory_space<vmem_shared>> -> memref<10240x128xf32, #tpu.memory_space<vmem_shared>>
    tpu.wait_indirect_dma semaphore(%arg14 : memref<!tpu.dma_semaphore, #tpu.memory_space<semaphore_mem>>) src(%arg10 : memref<128x128xf32, #tpu.memory_space<vmem>>) dst(%dma_wait3A_108 : memref<10240x128xf32, #tpu.memory_space<vmem_shared>>)
    %mul3A_109 = arith.constant 16 : i32
    %mul3A_110 = arith.muli %add3A_73, %mul3A_109 : i32
    %add3A_111 = arith.addi %mul3A_110, %arg1 : i32
    %mul3A_112 = arith.constant 80 : i32
    %mul3A_113 = arith.muli %add3A_111, %mul3A_112 : i32
    %add3A_114 = arith.constant 40 : i32
    %add3A_115 = arith.addi %mul3A_113, %add3A_114 : i32
    "tpu.region"() ({
      %run_scoped3A = tpu.sem_alloc : memref<!tpu.dma_semaphore, #tpu.memory_space<semaphore_mem>>
      %dma_start3A = arith.constant 0 : i32
      %dma_start3A_145 = tpu.memref_slice %arg2[%add3A_115, %dma_start3A] : memref<5120x128xi32, #tpu.memory_space<hbm>> -> memref<40x128xi32, #tpu.memory_space<hbm>>
      %dma_start3A_146 = arith.constant 0 : i32
      %dma_start3A_147 = tpu.memref_slice %arg2[%add3A_115, %dma_start3A_146] : memref<5120x128xi32, #tpu.memory_space<hbm>> -> memref<40x128xi32, #tpu.memory_space<hbm>>
      tpu.enqueue_dma source(%dma_start3A_147 : memref<40x128xi32, #tpu.memory_space<hbm>>) target(%arg7 : memref<40x128xi32, #tpu.memory_space<vmem>>) target_semaphore(%run_scoped3A : memref<!tpu.dma_semaphore, #tpu.memory_space<semaphore_mem>>)
      %dma_wait3A_148 = arith.constant 0 : i32
      %dma_wait3A_149 = tpu.memref_slice %arg2[%add3A_115, %dma_wait3A_148] : memref<5120x128xi32, #tpu.memory_space<hbm>> -> memref<40x128xi32, #tpu.memory_space<hbm>>
      %dma_wait3A_150 = arith.constant 0 : i32
      %dma_wait3A_151 = tpu.memref_slice %arg2[%add3A_115, %dma_wait3A_150] : memref<5120x128xi32, #tpu.memory_space<hbm>> -> memref<40x128xi32, #tpu.memory_space<hbm>>
      tpu.wait_dma2 semaphore(%run_scoped3A : memref<!tpu.dma_semaphore, #tpu.memory_space<semaphore_mem>>) src(%dma_wait3A_151 : memref<40x128xi32, #tpu.memory_space<hbm>>) dst(%arg7 : memref<40x128xi32, #tpu.memory_space<vmem>>)
      tpu.yield
    }) : () -> ()
    %mul3A_116 = arith.constant 80 : i32
    %mul3A_117 = arith.muli %arg1, %mul3A_116 : i32
    %add3A_118 = arith.constant 40 : i32
    %add3A_119 = arith.addi %mul3A_117, %add3A_118 : i32
    "tpu.region"() ({
      %run_scoped3A = tpu.sem_alloc : memref<!tpu.dma_semaphore, #tpu.memory_space<semaphore_mem>>
      %dma_start3A = arith.constant 0 : i32
      %dma_start3A_145 = tpu.memref_slice %arg3[%add3A_119, %dma_start3A] : memref<1280x128xi32, #tpu.memory_space<hbm>> -> memref<40x128xi32, #tpu.memory_space<hbm>>
      %dma_start3A_146 = arith.constant 0 : i32
      %dma_start3A_147 = tpu.memref_slice %arg3[%add3A_119, %dma_start3A_146] : memref<1280x128xi32, #tpu.memory_space<hbm>> -> memref<40x128xi32, #tpu.memory_space<hbm>>
      tpu.enqueue_dma source(%dma_start3A_147 : memref<40x128xi32, #tpu.memory_space<hbm>>) target(%arg8 : memref<40x128xi32, #tpu.memory_space<vmem>>) target_semaphore(%run_scoped3A : memref<!tpu.dma_semaphore, #tpu.memory_space<semaphore_mem>>)
      %dma_wait3A_148 = arith.constant 0 : i32
      %dma_wait3A_149 = tpu.memref_slice %arg3[%add3A_119, %dma_wait3A_148] : memref<1280x128xi32, #tpu.memory_space<hbm>> -> memref<40x128xi32, #tpu.memory_space<hbm>>
      %dma_wait3A_150 = arith.constant 0 : i32
      %dma_wait3A_151 = tpu.memref_slice %arg3[%add3A_119, %dma_wait3A_150] : memref<1280x128xi32, #tpu.memory_space<hbm>> -> memref<40x128xi32, #tpu.memory_space<hbm>>
      tpu.wait_dma2 semaphore(%run_scoped3A : memref<!tpu.dma_semaphore, #tpu.memory_space<semaphore_mem>>) src(%dma_wait3A_151 : memref<40x128xi32, #tpu.memory_space<hbm>>) dst(%arg8 : memref<40x128xi32, #tpu.memory_space<vmem>>)
      tpu.yield
    }) : () -> ()
    %scan3A_120 = arith.constant 0 : i32
    %scan3A_121 = arith.constant 20 : i32
    %scan3A_122 = arith.addi %scan3A_120, %scan3A_121 : i32
    %scan3A_123 = arith.constant 1 : i32
    scf.for %scan3A_145 = %scan3A_120 to %scan3A_122 step %scan3A_123  : i32 {
      %mul3A_146 = arith.constant 2 : i32
      %mul3A_147 = arith.muli %scan3A_145, %mul3A_146 : i32
      %add3A_148 = arith.constant 0 : i32
      %add3A_149 = arith.addi %add3A_148, %mul3A_147 : i32
      %gt3A = arith.constant 0 : i32
      %gt3A_150 = arith.cmpi sgt, %add3A_149, %gt3A : i32
      %convert_element_type3A = arith.extui %gt3A_150 : i1 to i32
      %cond3A = arith.constant 0 : i32
      %cond3A_151 = arith.cmpi ne, %convert_element_type3A, %cond3A : i32
      scf.if %cond3A_151 {
        %dma_wait3A_196 = arith.constant 0 : i32
        %dma_wait3A_197 = arith.constant 0 : i32
        %dma_wait3A_198 = tpu.memref_slice %arg8[%dma_wait3A_196, %dma_wait3A_197] : memref<40x128xi32, #tpu.memory_space<vmem>> -> memref<1x128xi32, #tpu.memory_space<vmem>>
        %dma_wait3A_199 = tpu.memref_squeeze %dma_wait3A_198 : memref<1x128xi32, #tpu.memory_space<vmem>> -> memref<128xi32, #tpu.memory_space<vmem>>
        %dma_wait3A_200 = arith.constant 0 : i32
        %dma_wait3A_201 = arith.constant 0 : i32
        %dma_wait3A_202 = tpu.memref_slice %arg11[%dma_wait3A_200, %dma_wait3A_201] : memref<10240x128xf32, #tpu.memory_space<vmem_shared>> -> memref<10240x128xf32, #tpu.memory_space<vmem_shared>>
        tpu.wait_indirect_dma semaphore(%arg13 : memref<!tpu.dma_semaphore, #tpu.memory_space<semaphore_mem>>) src(%arg9 : memref<128x128xf32, #tpu.memory_space<vmem>>) dst(%dma_wait3A_202 : memref<10240x128xf32, #tpu.memory_space<vmem_shared>>)
      } else {
      }
      %dma_start3A = arith.constant 0 : i32
      %dma_start3A_152 = tpu.memref_slice %arg7[%add3A_149, %dma_start3A] : memref<40x128xi32, #tpu.memory_space<vmem>> -> memref<1x128xi32, #tpu.memory_space<vmem>>
      %dma_start3A_153 = tpu.memref_squeeze %dma_start3A_152 : memref<1x128xi32, #tpu.memory_space<vmem>> -> memref<128xi32, #tpu.memory_space<vmem>>
      %dma_start3A_154 = arith.constant 0 : i32
      %dma_start3A_155 = arith.constant 0 : i32
      %dma_start3A_156 = tpu.memref_slice %arg4[%dma_start3A_154, %dma_start3A_155] : memref<40960x128xf32, #tpu.memory_space<hbm>> -> memref<40960x128xf32, #tpu.memory_space<hbm>>
      tpu.enqueue_indirect_dma source(%dma_start3A_156 : memref<40960x128xf32, #tpu.memory_space<hbm>>) target(%arg9 : memref<128x128xf32, #tpu.memory_space<vmem>>) offsets(%dma_start3A_153 : memref<128xi32, #tpu.memory_space<vmem>>) semaphore(%arg12 : memref<!tpu.dma_semaphore, #tpu.memory_space<semaphore_mem>>)
      %dma_wait3A_157 = arith.constant 0 : i32
      %dma_wait3A_158 = tpu.memref_slice %arg7[%add3A_149, %dma_wait3A_157] : memref<40x128xi32, #tpu.memory_space<vmem>> -> memref<1x128xi32, #tpu.memory_space<vmem>>
      %dma_wait3A_159 = tpu.memref_squeeze %dma_wait3A_158 : memref<1x128xi32, #tpu.memory_space<vmem>> -> memref<128xi32, #tpu.memory_space<vmem>>
      %dma_wait3A_160 = arith.constant 0 : i32
      %dma_wait3A_161 = arith.constant 0 : i32
      %dma_wait3A_162 = tpu.memref_slice %arg4[%dma_wait3A_160, %dma_wait3A_161] : memref<40960x128xf32, #tpu.memory_space<hbm>> -> memref<40960x128xf32, #tpu.memory_space<hbm>>
      tpu.wait_indirect_dma semaphore(%arg12 : memref<!tpu.dma_semaphore, #tpu.memory_space<semaphore_mem>>) src(%dma_wait3A_162 : memref<40960x128xf32, #tpu.memory_space<hbm>>) dst(%arg9 : memref<128x128xf32, #tpu.memory_space<vmem>>)
      %dma_start3A_163 = arith.constant 0 : i32
      %dma_start3A_164 = tpu.memref_slice %arg8[%add3A_149, %dma_start3A_163] : memref<40x128xi32, #tpu.memory_space<vmem>> -> memref<1x128xi32, #tpu.memory_space<vmem>>
      %dma_start3A_165 = tpu.memref_squeeze %dma_start3A_164 : memref<1x128xi32, #tpu.memory_space<vmem>> -> memref<128xi32, #tpu.memory_space<vmem>>
      %dma_start3A_166 = arith.constant 0 : i32
      %dma_start3A_167 = arith.constant 0 : i32
      %dma_start3A_168 = tpu.memref_slice %arg11[%dma_start3A_166, %dma_start3A_167] : memref<10240x128xf32, #tpu.memory_space<vmem_shared>> -> memref<10240x128xf32, #tpu.memory_space<vmem_shared>>
      tpu.enqueue_indirect_dma source(%arg9 : memref<128x128xf32, #tpu.memory_space<vmem>>) target(%dma_start3A_168 : memref<10240x128xf32, #tpu.memory_space<vmem_shared>>) offsets(%dma_start3A_165 : memref<128xi32, #tpu.memory_space<vmem>>) semaphore(%arg13 : memref<!tpu.dma_semaphore, #tpu.memory_space<semaphore_mem>>) {add = true}
      %gt3A_169 = arith.constant 1 : i32
      %gt3A_170 = arith.cmpi sgt, %add3A_149, %gt3A_169 : i32
      %convert_element_type3A_171 = arith.extui %gt3A_170 : i1 to i32
      %cond3A_172 = arith.constant 0 : i32
      %cond3A_173 = arith.cmpi ne, %convert_element_type3A_171, %cond3A_172 : i32
      scf.if %cond3A_173 {
        %dma_wait3A_196 = arith.constant 0 : i32
        %dma_wait3A_197 = arith.constant 0 : i32
        %dma_wait3A_198 = tpu.memref_slice %arg8[%dma_wait3A_196, %dma_wait3A_197] : memref<40x128xi32, #tpu.memory_space<vmem>> -> memref<1x128xi32, #tpu.memory_space<vmem>>
        %dma_wait3A_199 = tpu.memref_squeeze %dma_wait3A_198 : memref<1x128xi32, #tpu.memory_space<vmem>> -> memref<128xi32, #tpu.memory_space<vmem>>
        %dma_wait3A_200 = arith.constant 0 : i32
        %dma_wait3A_201 = arith.constant 0 : i32
        %dma_wait3A_202 = tpu.memref_slice %arg11[%dma_wait3A_200, %dma_wait3A_201] : memref<10240x128xf32, #tpu.memory_space<vmem_shared>> -> memref<10240x128xf32, #tpu.memory_space<vmem_shared>>
        tpu.wait_indirect_dma semaphore(%arg14 : memref<!tpu.dma_semaphore, #tpu.memory_space<semaphore_mem>>) src(%arg10 : memref<128x128xf32, #tpu.memory_space<vmem>>) dst(%dma_wait3A_202 : memref<10240x128xf32, #tpu.memory_space<vmem_shared>>)
      } else {
      }
      %add3A_174 = arith.constant 1 : i32
      %add3A_175 = arith.addi %add3A_149, %add3A_174 : i32
      %dma_start3A_176 = arith.constant 0 : i32
      %dma_start3A_177 = tpu.memref_slice %arg7[%add3A_175, %dma_start3A_176] : memref<40x128xi32, #tpu.memory_space<vmem>> -> memref<1x128xi32, #tpu.memory_space<vmem>>
      %dma_start3A_178 = tpu.memref_squeeze %dma_start3A_177 : memref<1x128xi32, #tpu.memory_space<vmem>> -> memref<128xi32, #tpu.memory_space<vmem>>
      %dma_start3A_179 = arith.constant 0 : i32
      %dma_start3A_180 = arith.constant 0 : i32
      %dma_start3A_181 = tpu.memref_slice %arg4[%dma_start3A_179, %dma_start3A_180] : memref<40960x128xf32, #tpu.memory_space<hbm>> -> memref<40960x128xf32, #tpu.memory_space<hbm>>
      tpu.enqueue_indirect_dma source(%dma_start3A_181 : memref<40960x128xf32, #tpu.memory_space<hbm>>) target(%arg10 : memref<128x128xf32, #tpu.memory_space<vmem>>) offsets(%dma_start3A_178 : memref<128xi32, #tpu.memory_space<vmem>>) semaphore(%arg12 : memref<!tpu.dma_semaphore, #tpu.memory_space<semaphore_mem>>)
      %dma_wait3A_182 = arith.constant 0 : i32
      %dma_wait3A_183 = tpu.memref_slice %arg7[%add3A_175, %dma_wait3A_182] : memref<40x128xi32, #tpu.memory_space<vmem>> -> memref<1x128xi32, #tpu.memory_space<vmem>>
      %dma_wait3A_184 = tpu.memref_squeeze %dma_wait3A_183 : memref<1x128xi32, #tpu.memory_space<vmem>> -> memref<128xi32, #tpu.memory_space<vmem>>
      %dma_wait3A_185 = arith.constant 0 : i32
      %dma_wait3A_186 = arith.constant 0 : i32
      %dma_wait3A_187 = tpu.memref_slice %arg4[%dma_wait3A_185, %dma_wait3A_186] : memref<40960x128xf32, #tpu.memory_space<hbm>> -> memref<40960x128xf32, #tpu.memory_space<hbm>>
      tpu.wait_indirect_dma semaphore(%arg12 : memref<!tpu.dma_semaphore, #tpu.memory_space<semaphore_mem>>) src(%dma_wait3A_187 : memref<40960x128xf32, #tpu.memory_space<hbm>>) dst(%arg10 : memref<128x128xf32, #tpu.memory_space<vmem>>)
      %add3A_188 = arith.constant 1 : i32
      %add3A_189 = arith.addi %add3A_149, %add3A_188 : i32
      %dma_start3A_190 = arith.constant 0 : i32
      %dma_start3A_191 = tpu.memref_slice %arg8[%add3A_189, %dma_start3A_190] : memref<40x128xi32, #tpu.memory_space<vmem>> -> memref<1x128xi32, #tpu.memory_space<vmem>>
      %dma_start3A_192 = tpu.memref_squeeze %dma_start3A_191 : memref<1x128xi32, #tpu.memory_space<vmem>> -> memref<128xi32, #tpu.memory_space<vmem>>
      %dma_start3A_193 = arith.constant 0 : i32
      %dma_start3A_194 = arith.constant 0 : i32
      %dma_start3A_195 = tpu.memref_slice %arg11[%dma_start3A_193, %dma_start3A_194] : memref<10240x128xf32, #tpu.memory_space<vmem_shared>> -> memref<10240x128xf32, #tpu.memory_space<vmem_shared>>
      tpu.enqueue_indirect_dma source(%arg10 : memref<128x128xf32, #tpu.memory_space<vmem>>) target(%dma_start3A_195 : memref<10240x128xf32, #tpu.memory_space<vmem_shared>>) offsets(%dma_start3A_192 : memref<128xi32, #tpu.memory_space<vmem>>) semaphore(%arg14 : memref<!tpu.dma_semaphore, #tpu.memory_space<semaphore_mem>>) {add = true}
    }
    %scan3A_124 = arith.constant 20 : i32
    %dma_wait3A_125 = arith.constant 0 : i32
    %dma_wait3A_126 = arith.constant 0 : i32
    %dma_wait3A_127 = tpu.memref_slice %arg8[%dma_wait3A_125, %dma_wait3A_126] : memref<40x128xi32, #tpu.memory_space<vmem>> -> memref<1x128xi32, #tpu.memory_space<vmem>>
    %dma_wait3A_128 = tpu.memref_squeeze %dma_wait3A_127 : memref<1x128xi32, #tpu.memory_space<vmem>> -> memref<128xi32, #tpu.memory_space<vmem>>
    %dma_wait3A_129 = arith.constant 0 : i32
    %dma_wait3A_130 = arith.constant 0 : i32
    %dma_wait3A_131 = tpu.memref_slice %arg11[%dma_wait3A_129, %dma_wait3A_130] : memref<10240x128xf32, #tpu.memory_space<vmem_shared>> -> memref<10240x128xf32, #tpu.memory_space<vmem_shared>>
    tpu.wait_indirect_dma semaphore(%arg13 : memref<!tpu.dma_semaphore, #tpu.memory_space<semaphore_mem>>) src(%arg9 : memref<128x128xf32, #tpu.memory_space<vmem>>) dst(%dma_wait3A_131 : memref<10240x128xf32, #tpu.memory_space<vmem_shared>>)
    %dma_wait3A_132 = arith.constant 0 : i32
    %dma_wait3A_133 = arith.constant 0 : i32
    %dma_wait3A_134 = tpu.memref_slice %arg8[%dma_wait3A_132, %dma_wait3A_133] : memref<40x128xi32, #tpu.memory_space<vmem>> -> memref<1x128xi32, #tpu.memory_space<vmem>>
    %dma_wait3A_135 = tpu.memref_squeeze %dma_wait3A_134 : memref<1x128xi32, #tpu.memory_space<vmem>> -> memref<128xi32, #tpu.memory_space<vmem>>
    %dma_wait3A_136 = arith.constant 0 : i32
    %dma_wait3A_137 = arith.constant 0 : i32
    %dma_wait3A_138 = tpu.memref_slice %arg11[%dma_wait3A_136, %dma_wait3A_137] : memref<10240x128xf32, #tpu.memory_space<vmem_shared>> -> memref<10240x128xf32, #tpu.memory_space<vmem_shared>>
    tpu.wait_indirect_dma semaphore(%arg14 : memref<!tpu.dma_semaphore, #tpu.memory_space<semaphore_mem>>) src(%arg10 : memref<128x128xf32, #tpu.memory_space<vmem>>) dst(%dma_wait3A_138 : memref<10240x128xf32, #tpu.memory_space<vmem_shared>>)
    %barrier3A_139 = arith.constant 0 : index
    tpu.barrier barrier_id(%barrier3A_139)
    %mul3A_140 = arith.constant 640 : i32
    %mul3A_141 = arith.muli %arg1, %mul3A_140 : i32
    %mul3A_142 = arith.constant 640 : i32
    %mul3A_143 = arith.muli %arg1, %mul3A_142 : i32
    %add3A_144 = arith.addi %mul3A_75, %mul3A_143 : i32
    "tpu.region"() ({
      %run_scoped3A = tpu.sem_alloc : memref<!tpu.dma_semaphore, #tpu.memory_space<semaphore_mem>>
      %dma_start3A = arith.constant 0 : i32
      %dma_start3A_145 = tpu.memref_slice %arg6[%add3A_144, %dma_start3A] : memref<40960x128xf32, #tpu.memory_space<hbm>> -> memref<640x128xf32, #tpu.memory_space<hbm>>
      %dma_start3A_146 = arith.constant 0 : i32
      %dma_start3A_147 = tpu.memref_slice %arg11[%mul3A_141, %dma_start3A_146] : memref<10240x128xf32, #tpu.memory_space<vmem_shared>> -> memref<640x128xf32, #tpu.memory_space<vmem_shared>>
      tpu.enqueue_dma source(%dma_start3A_147 : memref<640x128xf32, #tpu.memory_space<vmem_shared>>) target(%dma_start3A_145 : memref<640x128xf32, #tpu.memory_space<hbm>>) target_semaphore(%run_scoped3A : memref<!tpu.dma_semaphore, #tpu.memory_space<semaphore_mem>>)
      %dma_wait3A_148 = arith.constant 0 : i32
      %dma_wait3A_149 = tpu.memref_slice %arg6[%add3A_144, %dma_wait3A_148] : memref<40960x128xf32, #tpu.memory_space<hbm>> -> memref<640x128xf32, #tpu.memory_space<hbm>>
      %dma_wait3A_150 = arith.constant 0 : i32
      %dma_wait3A_151 = tpu.memref_slice %arg11[%mul3A_141, %dma_wait3A_150] : memref<10240x128xf32, #tpu.memory_space<vmem_shared>> -> memref<640x128xf32, #tpu.memory_space<vmem_shared>>
      tpu.wait_dma2 semaphore(%run_scoped3A : memref<!tpu.dma_semaphore, #tpu.memory_space<semaphore_mem>>) src(%dma_wait3A_151 : memref<640x128xf32, #tpu.memory_space<vmem_shared>>) dst(%dma_wait3A_149 : memref<640x128xf32, #tpu.memory_space<hbm>>)
      tpu.yield
    }) : () -> ()
    return
  }
}

#map = affine_map<(d0, d1) -> (0, 0)>
module attributes {stable_mosaic.version = 14 : i64} {
  func.func @body(%arg0: i32, %arg1: i32, %arg2: memref<5120x128xi32, #tpu.memory_space<hbm>>, %arg3: memref<1280x128xi32, #tpu.memory_space<hbm>>, %arg4: memref<20480x128xf32, #tpu.memory_space<hbm>>, %arg5: memref<640x128xf32, #tpu.memory_space<hbm>>, %arg6: memref<20480x128xf32, #tpu.memory_space<hbm>>, %arg7: memref<40x128xi32, #tpu.memory_space<vmem>>, %arg8: memref<40x128xi32, #tpu.memory_space<vmem>>, %arg9: memref<128x128xf32, #tpu.memory_space<vmem>>, %arg10: memref<128x128xf32, #tpu.memory_space<vmem>>, %arg11: memref<10240x128xf32, #tpu.memory_space<vmem_shared>>, %arg12: memref<!tpu.dma_semaphore, #tpu.memory_space<semaphore_mem>>, %arg13: memref<!tpu.dma_semaphore, #tpu.memory_space<semaphore_mem>>, %arg14: memref<!tpu.dma_semaphore, #tpu.memory_space<semaphore_mem>>) attributes {dimension_semantics = [#tpu.dimension_semantics<core_parallel>, #tpu.dimension_semantics<subcore_parallel>], iteration_bounds = array<i64: 2, 16>, scalar_prefetch = 0 : i64, scratch_operands = 8 : i64, tpu.core_type = #tpu.core_type<sc_vector_subcore>, window_params = [{transform_indices = #map}, {transform_indices = #map}, {transform_indices = #map}, {transform_indices = #map}, {transform_indices = #map}]} {
    %mul3A = arith.constant 1 : i32
    %mul3A_0 = arith.muli %arg0, %mul3A : i32
    %add3A = arith.constant 0 : i32
    %add3A_1 = arith.addi %mul3A_0, %add3A : i32
    %mul3A_2 = arith.constant 10240 : i32
    %mul3A_3 = arith.muli %add3A_1, %mul3A_2 : i32
    %mul3A_4 = arith.constant 640 : i32
    %mul3A_5 = arith.muli %arg1, %mul3A_4 : i32
    "tpu.region"() ({
      %run_scoped3A = tpu.sem_alloc : memref<!tpu.dma_semaphore, #tpu.memory_space<semaphore_mem>>
      %dma_start3A = arith.constant 0 : i32
      %dma_start3A_70 = tpu.memref_slice %arg11[%mul3A_5, %dma_start3A] : memref<10240x128xf32, #tpu.memory_space<vmem_shared>> -> memref<640x128xf32, #tpu.memory_space<vmem_shared>>
      tpu.enqueue_dma source(%arg5 : memref<640x128xf32, #tpu.memory_space<hbm>>) target(%dma_start3A_70 : memref<640x128xf32, #tpu.memory_space<vmem_shared>>) target_semaphore(%run_scoped3A : memref<!tpu.dma_semaphore, #tpu.memory_space<semaphore_mem>>)
      %dma_wait3A_71 = arith.constant 0 : i32
      %dma_wait3A_72 = tpu.memref_slice %arg11[%mul3A_5, %dma_wait3A_71] : memref<10240x128xf32, #tpu.memory_space<vmem_shared>> -> memref<640x128xf32, #tpu.memory_space<vmem_shared>>
      tpu.wait_dma2 semaphore(%run_scoped3A : memref<!tpu.dma_semaphore, #tpu.memory_space<semaphore_mem>>) src(%arg5 : memref<640x128xf32, #tpu.memory_space<hbm>>) dst(%dma_wait3A_72 : memref<640x128xf32, #tpu.memory_space<vmem_shared>>)
      tpu.yield
    }) : () -> ()
    %barrier3A = arith.constant 0 : index
    tpu.barrier barrier_id(%barrier3A)
    %mul3A_6 = arith.constant 16 : i32
    %mul3A_7 = arith.muli %add3A_1, %mul3A_6 : i32
    %add3A_8 = arith.addi %mul3A_7, %arg1 : i32
    %mul3A_9 = arith.constant 80 : i32
    %mul3A_10 = arith.muli %add3A_8, %mul3A_9 : i32
    %add3A_11 = arith.constant 0 : i32
    %add3A_12 = arith.addi %mul3A_10, %add3A_11 : i32
    "tpu.region"() ({
      %run_scoped3A = tpu.sem_alloc : memref<!tpu.dma_semaphore, #tpu.memory_space<semaphore_mem>>
      %dma_start3A = arith.constant 0 : i32
      %dma_start3A_70 = tpu.memref_slice %arg2[%add3A_12, %dma_start3A] : memref<5120x128xi32, #tpu.memory_space<hbm>> -> memref<40x128xi32, #tpu.memory_space<hbm>>
      %dma_start3A_71 = arith.constant 0 : i32
      %dma_start3A_72 = tpu.memref_slice %arg2[%add3A_12, %dma_start3A_71] : memref<5120x128xi32, #tpu.memory_space<hbm>> -> memref<40x128xi32, #tpu.memory_space<hbm>>
      tpu.enqueue_dma source(%dma_start3A_72 : memref<40x128xi32, #tpu.memory_space<hbm>>) target(%arg7 : memref<40x128xi32, #tpu.memory_space<vmem>>) target_semaphore(%run_scoped3A : memref<!tpu.dma_semaphore, #tpu.memory_space<semaphore_mem>>)
      %dma_wait3A_73 = arith.constant 0 : i32
      %dma_wait3A_74 = tpu.memref_slice %arg2[%add3A_12, %dma_wait3A_73] : memref<5120x128xi32, #tpu.memory_space<hbm>> -> memref<40x128xi32, #tpu.memory_space<hbm>>
      %dma_wait3A_75 = arith.constant 0 : i32
      %dma_wait3A_76 = tpu.memref_slice %arg2[%add3A_12, %dma_wait3A_75] : memref<5120x128xi32, #tpu.memory_space<hbm>> -> memref<40x128xi32, #tpu.memory_space<hbm>>
      tpu.wait_dma2 semaphore(%run_scoped3A : memref<!tpu.dma_semaphore, #tpu.memory_space<semaphore_mem>>) src(%dma_wait3A_76 : memref<40x128xi32, #tpu.memory_space<hbm>>) dst(%arg7 : memref<40x128xi32, #tpu.memory_space<vmem>>)
      tpu.yield
    }) : () -> ()
    %mul3A_13 = arith.constant 80 : i32
    %mul3A_14 = arith.muli %arg1, %mul3A_13 : i32
    %add3A_15 = arith.constant 0 : i32
    %add3A_16 = arith.addi %mul3A_14, %add3A_15 : i32
    "tpu.region"() ({
      %run_scoped3A = tpu.sem_alloc : memref<!tpu.dma_semaphore, #tpu.memory_space<semaphore_mem>>
      %dma_start3A = arith.constant 0 : i32
      %dma_start3A_70 = tpu.memref_slice %arg3[%add3A_16, %dma_start3A] : memref<1280x128xi32, #tpu.memory_space<hbm>> -> memref<40x128xi32, #tpu.memory_space<hbm>>
      %dma_start3A_71 = arith.constant 0 : i32
      %dma_start3A_72 = tpu.memref_slice %arg3[%add3A_16, %dma_start3A_71] : memref<1280x128xi32, #tpu.memory_space<hbm>> -> memref<40x128xi32, #tpu.memory_space<hbm>>
      tpu.enqueue_dma source(%dma_start3A_72 : memref<40x128xi32, #tpu.memory_space<hbm>>) target(%arg8 : memref<40x128xi32, #tpu.memory_space<vmem>>) target_semaphore(%run_scoped3A : memref<!tpu.dma_semaphore, #tpu.memory_space<semaphore_mem>>)
      %dma_wait3A_73 = arith.constant 0 : i32
      %dma_wait3A_74 = tpu.memref_slice %arg3[%add3A_16, %dma_wait3A_73] : memref<1280x128xi32, #tpu.memory_space<hbm>> -> memref<40x128xi32, #tpu.memory_space<hbm>>
      %dma_wait3A_75 = arith.constant 0 : i32
      %dma_wait3A_76 = tpu.memref_slice %arg3[%add3A_16, %dma_wait3A_75] : memref<1280x128xi32, #tpu.memory_space<hbm>> -> memref<40x128xi32, #tpu.memory_space<hbm>>
      tpu.wait_dma2 semaphore(%run_scoped3A : memref<!tpu.dma_semaphore, #tpu.memory_space<semaphore_mem>>) src(%dma_wait3A_76 : memref<40x128xi32, #tpu.memory_space<hbm>>) dst(%arg8 : memref<40x128xi32, #tpu.memory_space<vmem>>)
      tpu.yield
    }) : () -> ()
    %scan3A = arith.constant 0 : i32
    %scan3A_17 = arith.constant 20 : i32
    %scan3A_18 = arith.addi %scan3A, %scan3A_17 : i32
    %scan3A_19 = arith.constant 1 : i32
    scf.for %scan3A_70 = %scan3A to %scan3A_18 step %scan3A_19  : i32 {
      %mul3A_71 = arith.constant 2 : i32
      %mul3A_72 = arith.muli %scan3A_70, %mul3A_71 : i32
      %add3A_73 = arith.constant 0 : i32
      %add3A_74 = arith.addi %add3A_73, %mul3A_72 : i32
      %gt3A = arith.constant 0 : i32
      %gt3A_75 = arith.cmpi sgt, %add3A_74, %gt3A : i32
      %convert_element_type3A = arith.extui %gt3A_75 : i1 to i32
      %cond3A = arith.constant 0 : i32
      %cond3A_76 = arith.cmpi ne, %convert_element_type3A, %cond3A : i32
      scf.if %cond3A_76 {
        %dma_wait3A_121 = arith.constant 0 : i32
        %dma_wait3A_122 = arith.constant 0 : i32
        %dma_wait3A_123 = tpu.memref_slice %arg8[%dma_wait3A_121, %dma_wait3A_122] : memref<40x128xi32, #tpu.memory_space<vmem>> -> memref<1x128xi32, #tpu.memory_space<vmem>>
        %dma_wait3A_124 = tpu.memref_squeeze %dma_wait3A_123 : memref<1x128xi32, #tpu.memory_space<vmem>> -> memref<128xi32, #tpu.memory_space<vmem>>
        %dma_wait3A_125 = arith.constant 0 : i32
        %dma_wait3A_126 = arith.constant 0 : i32
        %dma_wait3A_127 = tpu.memref_slice %arg11[%dma_wait3A_125, %dma_wait3A_126] : memref<10240x128xf32, #tpu.memory_space<vmem_shared>> -> memref<10240x128xf32, #tpu.memory_space<vmem_shared>>
        tpu.wait_indirect_dma semaphore(%arg13 : memref<!tpu.dma_semaphore, #tpu.memory_space<semaphore_mem>>) src(%arg9 : memref<128x128xf32, #tpu.memory_space<vmem>>) dst(%dma_wait3A_127 : memref<10240x128xf32, #tpu.memory_space<vmem_shared>>)
      } else {
      }
      %dma_start3A = arith.constant 0 : i32
      %dma_start3A_77 = tpu.memref_slice %arg7[%add3A_74, %dma_start3A] : memref<40x128xi32, #tpu.memory_space<vmem>> -> memref<1x128xi32, #tpu.memory_space<vmem>>
      %dma_start3A_78 = tpu.memref_squeeze %dma_start3A_77 : memref<1x128xi32, #tpu.memory_space<vmem>> -> memref<128xi32, #tpu.memory_space<vmem>>
      %dma_start3A_79 = arith.constant 0 : i32
      %dma_start3A_80 = arith.constant 0 : i32
      %dma_start3A_81 = tpu.memref_slice %arg4[%dma_start3A_79, %dma_start3A_80] : memref<20480x128xf32, #tpu.memory_space<hbm>> -> memref<20480x128xf32, #tpu.memory_space<hbm>>
      tpu.enqueue_indirect_dma source(%dma_start3A_81 : memref<20480x128xf32, #tpu.memory_space<hbm>>) target(%arg9 : memref<128x128xf32, #tpu.memory_space<vmem>>) offsets(%dma_start3A_78 : memref<128xi32, #tpu.memory_space<vmem>>) semaphore(%arg12 : memref<!tpu.dma_semaphore, #tpu.memory_space<semaphore_mem>>)
      %dma_wait3A_82 = arith.constant 0 : i32
      %dma_wait3A_83 = tpu.memref_slice %arg7[%add3A_74, %dma_wait3A_82] : memref<40x128xi32, #tpu.memory_space<vmem>> -> memref<1x128xi32, #tpu.memory_space<vmem>>
      %dma_wait3A_84 = tpu.memref_squeeze %dma_wait3A_83 : memref<1x128xi32, #tpu.memory_space<vmem>> -> memref<128xi32, #tpu.memory_space<vmem>>
      %dma_wait3A_85 = arith.constant 0 : i32
      %dma_wait3A_86 = arith.constant 0 : i32
      %dma_wait3A_87 = tpu.memref_slice %arg4[%dma_wait3A_85, %dma_wait3A_86] : memref<20480x128xf32, #tpu.memory_space<hbm>> -> memref<20480x128xf32, #tpu.memory_space<hbm>>
      tpu.wait_indirect_dma semaphore(%arg12 : memref<!tpu.dma_semaphore, #tpu.memory_space<semaphore_mem>>) src(%dma_wait3A_87 : memref<20480x128xf32, #tpu.memory_space<hbm>>) dst(%arg9 : memref<128x128xf32, #tpu.memory_space<vmem>>)
      %dma_start3A_88 = arith.constant 0 : i32
      %dma_start3A_89 = tpu.memref_slice %arg8[%add3A_74, %dma_start3A_88] : memref<40x128xi32, #tpu.memory_space<vmem>> -> memref<1x128xi32, #tpu.memory_space<vmem>>
      %dma_start3A_90 = tpu.memref_squeeze %dma_start3A_89 : memref<1x128xi32, #tpu.memory_space<vmem>> -> memref<128xi32, #tpu.memory_space<vmem>>
      %dma_start3A_91 = arith.constant 0 : i32
      %dma_start3A_92 = arith.constant 0 : i32
      %dma_start3A_93 = tpu.memref_slice %arg11[%dma_start3A_91, %dma_start3A_92] : memref<10240x128xf32, #tpu.memory_space<vmem_shared>> -> memref<10240x128xf32, #tpu.memory_space<vmem_shared>>
      tpu.enqueue_indirect_dma source(%arg9 : memref<128x128xf32, #tpu.memory_space<vmem>>) target(%dma_start3A_93 : memref<10240x128xf32, #tpu.memory_space<vmem_shared>>) offsets(%dma_start3A_90 : memref<128xi32, #tpu.memory_space<vmem>>) semaphore(%arg13 : memref<!tpu.dma_semaphore, #tpu.memory_space<semaphore_mem>>) {add = true}
      %gt3A_94 = arith.constant 1 : i32
      %gt3A_95 = arith.cmpi sgt, %add3A_74, %gt3A_94 : i32
      %convert_element_type3A_96 = arith.extui %gt3A_95 : i1 to i32
      %cond3A_97 = arith.constant 0 : i32
      %cond3A_98 = arith.cmpi ne, %convert_element_type3A_96, %cond3A_97 : i32
      scf.if %cond3A_98 {
        %dma_wait3A_121 = arith.constant 0 : i32
        %dma_wait3A_122 = arith.constant 0 : i32
        %dma_wait3A_123 = tpu.memref_slice %arg8[%dma_wait3A_121, %dma_wait3A_122] : memref<40x128xi32, #tpu.memory_space<vmem>> -> memref<1x128xi32, #tpu.memory_space<vmem>>
        %dma_wait3A_124 = tpu.memref_squeeze %dma_wait3A_123 : memref<1x128xi32, #tpu.memory_space<vmem>> -> memref<128xi32, #tpu.memory_space<vmem>>
        %dma_wait3A_125 = arith.constant 0 : i32
        %dma_wait3A_126 = arith.constant 0 : i32
        %dma_wait3A_127 = tpu.memref_slice %arg11[%dma_wait3A_125, %dma_wait3A_126] : memref<10240x128xf32, #tpu.memory_space<vmem_shared>> -> memref<10240x128xf32, #tpu.memory_space<vmem_shared>>
        tpu.wait_indirect_dma semaphore(%arg14 : memref<!tpu.dma_semaphore, #tpu.memory_space<semaphore_mem>>) src(%arg10 : memref<128x128xf32, #tpu.memory_space<vmem>>) dst(%dma_wait3A_127 : memref<10240x128xf32, #tpu.memory_space<vmem_shared>>)
      } else {
      }
      %add3A_99 = arith.constant 1 : i32
      %add3A_100 = arith.addi %add3A_74, %add3A_99 : i32
      %dma_start3A_101 = arith.constant 0 : i32
      %dma_start3A_102 = tpu.memref_slice %arg7[%add3A_100, %dma_start3A_101] : memref<40x128xi32, #tpu.memory_space<vmem>> -> memref<1x128xi32, #tpu.memory_space<vmem>>
      %dma_start3A_103 = tpu.memref_squeeze %dma_start3A_102 : memref<1x128xi32, #tpu.memory_space<vmem>> -> memref<128xi32, #tpu.memory_space<vmem>>
      %dma_start3A_104 = arith.constant 0 : i32
      %dma_start3A_105 = arith.constant 0 : i32
      %dma_start3A_106 = tpu.memref_slice %arg4[%dma_start3A_104, %dma_start3A_105] : memref<20480x128xf32, #tpu.memory_space<hbm>> -> memref<20480x128xf32, #tpu.memory_space<hbm>>
      tpu.enqueue_indirect_dma source(%dma_start3A_106 : memref<20480x128xf32, #tpu.memory_space<hbm>>) target(%arg10 : memref<128x128xf32, #tpu.memory_space<vmem>>) offsets(%dma_start3A_103 : memref<128xi32, #tpu.memory_space<vmem>>) semaphore(%arg12 : memref<!tpu.dma_semaphore, #tpu.memory_space<semaphore_mem>>)
      %dma_wait3A_107 = arith.constant 0 : i32
      %dma_wait3A_108 = tpu.memref_slice %arg7[%add3A_100, %dma_wait3A_107] : memref<40x128xi32, #tpu.memory_space<vmem>> -> memref<1x128xi32, #tpu.memory_space<vmem>>
      %dma_wait3A_109 = tpu.memref_squeeze %dma_wait3A_108 : memref<1x128xi32, #tpu.memory_space<vmem>> -> memref<128xi32, #tpu.memory_space<vmem>>
      %dma_wait3A_110 = arith.constant 0 : i32
      %dma_wait3A_111 = arith.constant 0 : i32
      %dma_wait3A_112 = tpu.memref_slice %arg4[%dma_wait3A_110, %dma_wait3A_111] : memref<20480x128xf32, #tpu.memory_space<hbm>> -> memref<20480x128xf32, #tpu.memory_space<hbm>>
      tpu.wait_indirect_dma semaphore(%arg12 : memref<!tpu.dma_semaphore, #tpu.memory_space<semaphore_mem>>) src(%dma_wait3A_112 : memref<20480x128xf32, #tpu.memory_space<hbm>>) dst(%arg10 : memref<128x128xf32, #tpu.memory_space<vmem>>)
      %add3A_113 = arith.constant 1 : i32
      %add3A_114 = arith.addi %add3A_74, %add3A_113 : i32
      %dma_start3A_115 = arith.constant 0 : i32
      %dma_start3A_116 = tpu.memref_slice %arg8[%add3A_114, %dma_start3A_115] : memref<40x128xi32, #tpu.memory_space<vmem>> -> memref<1x128xi32, #tpu.memory_space<vmem>>
      %dma_start3A_117 = tpu.memref_squeeze %dma_start3A_116 : memref<1x128xi32, #tpu.memory_space<vmem>> -> memref<128xi32, #tpu.memory_space<vmem>>
      %dma_start3A_118 = arith.constant 0 : i32
      %dma_start3A_119 = arith.constant 0 : i32
      %dma_start3A_120 = tpu.memref_slice %arg11[%dma_start3A_118, %dma_start3A_119] : memref<10240x128xf32, #tpu.memory_space<vmem_shared>> -> memref<10240x128xf32, #tpu.memory_space<vmem_shared>>
      tpu.enqueue_indirect_dma source(%arg10 : memref<128x128xf32, #tpu.memory_space<vmem>>) target(%dma_start3A_120 : memref<10240x128xf32, #tpu.memory_space<vmem_shared>>) offsets(%dma_start3A_117 : memref<128xi32, #tpu.memory_space<vmem>>) semaphore(%arg14 : memref<!tpu.dma_semaphore, #tpu.memory_space<semaphore_mem>>) {add = true}
    }
    %scan3A_20 = arith.constant 20 : i32
    %dma_wait3A = arith.constant 0 : i32
    %dma_wait3A_21 = arith.constant 0 : i32
    %dma_wait3A_22 = tpu.memref_slice %arg8[%dma_wait3A, %dma_wait3A_21] : memref<40x128xi32, #tpu.memory_space<vmem>> -> memref<1x128xi32, #tpu.memory_space<vmem>>
    %dma_wait3A_23 = tpu.memref_squeeze %dma_wait3A_22 : memref<1x128xi32, #tpu.memory_space<vmem>> -> memref<128xi32, #tpu.memory_space<vmem>>
    %dma_wait3A_24 = arith.constant 0 : i32
    %dma_wait3A_25 = arith.constant 0 : i32
    %dma_wait3A_26 = tpu.memref_slice %arg11[%dma_wait3A_24, %dma_wait3A_25] : memref<10240x128xf32, #tpu.memory_space<vmem_shared>> -> memref<10240x128xf32, #tpu.memory_space<vmem_shared>>
    tpu.wait_indirect_dma semaphore(%arg13 : memref<!tpu.dma_semaphore, #tpu.memory_space<semaphore_mem>>) src(%arg9 : memref<128x128xf32, #tpu.memory_space<vmem>>) dst(%dma_wait3A_26 : memref<10240x128xf32, #tpu.memory_space<vmem_shared>>)
    %dma_wait3A_27 = arith.constant 0 : i32
    %dma_wait3A_28 = arith.constant 0 : i32
    %dma_wait3A_29 = tpu.memref_slice %arg8[%dma_wait3A_27, %dma_wait3A_28] : memref<40x128xi32, #tpu.memory_space<vmem>> -> memref<1x128xi32, #tpu.memory_space<vmem>>
    %dma_wait3A_30 = tpu.memref_squeeze %dma_wait3A_29 : memref<1x128xi32, #tpu.memory_space<vmem>> -> memref<128xi32, #tpu.memory_space<vmem>>
    %dma_wait3A_31 = arith.constant 0 : i32
    %dma_wait3A_32 = arith.constant 0 : i32
    %dma_wait3A_33 = tpu.memref_slice %arg11[%dma_wait3A_31, %dma_wait3A_32] : memref<10240x128xf32, #tpu.memory_space<vmem_shared>> -> memref<10240x128xf32, #tpu.memory_space<vmem_shared>>
    tpu.wait_indirect_dma semaphore(%arg14 : memref<!tpu.dma_semaphore, #tpu.memory_space<semaphore_mem>>) src(%arg10 : memref<128x128xf32, #tpu.memory_space<vmem>>) dst(%dma_wait3A_33 : memref<10240x128xf32, #tpu.memory_space<vmem_shared>>)
    %mul3A_34 = arith.constant 16 : i32
    %mul3A_35 = arith.muli %add3A_1, %mul3A_34 : i32
    %add3A_36 = arith.addi %mul3A_35, %arg1 : i32
    %mul3A_37 = arith.constant 80 : i32
    %mul3A_38 = arith.muli %add3A_36, %mul3A_37 : i32
    %add3A_39 = arith.constant 40 : i32
    %add3A_40 = arith.addi %mul3A_38, %add3A_39 : i32
    "tpu.region"() ({
      %run_scoped3A = tpu.sem_alloc : memref<!tpu.dma_semaphore, #tpu.memory_space<semaphore_mem>>
      %dma_start3A = arith.constant 0 : i32
      %dma_start3A_70 = tpu.memref_slice %arg2[%add3A_40, %dma_start3A] : memref<5120x128xi32, #tpu.memory_space<hbm>> -> memref<40x128xi32, #tpu.memory_space<hbm>>
      %dma_start3A_71 = arith.constant 0 : i32
      %dma_start3A_72 = tpu.memref_slice %arg2[%add3A_40, %dma_start3A_71] : memref<5120x128xi32, #tpu.memory_space<hbm>> -> memref<40x128xi32, #tpu.memory_space<hbm>>
      tpu.enqueue_dma source(%dma_start3A_72 : memref<40x128xi32, #tpu.memory_space<hbm>>) target(%arg7 : memref<40x128xi32, #tpu.memory_space<vmem>>) target_semaphore(%run_scoped3A : memref<!tpu.dma_semaphore, #tpu.memory_space<semaphore_mem>>)
      %dma_wait3A_73 = arith.constant 0 : i32
      %dma_wait3A_74 = tpu.memref_slice %arg2[%add3A_40, %dma_wait3A_73] : memref<5120x128xi32, #tpu.memory_space<hbm>> -> memref<40x128xi32, #tpu.memory_space<hbm>>
      %dma_wait3A_75 = arith.constant 0 : i32
      %dma_wait3A_76 = tpu.memref_slice %arg2[%add3A_40, %dma_wait3A_75] : memref<5120x128xi32, #tpu.memory_space<hbm>> -> memref<40x128xi32, #tpu.memory_space<hbm>>
      tpu.wait_dma2 semaphore(%run_scoped3A : memref<!tpu.dma_semaphore, #tpu.memory_space<semaphore_mem>>) src(%dma_wait3A_76 : memref<40x128xi32, #tpu.memory_space<hbm>>) dst(%arg7 : memref<40x128xi32, #tpu.memory_space<vmem>>)
      tpu.yield
    }) : () -> ()
    %mul3A_41 = arith.constant 80 : i32
    %mul3A_42 = arith.muli %arg1, %mul3A_41 : i32
    %add3A_43 = arith.constant 40 : i32
    %add3A_44 = arith.addi %mul3A_42, %add3A_43 : i32
    "tpu.region"() ({
      %run_scoped3A = tpu.sem_alloc : memref<!tpu.dma_semaphore, #tpu.memory_space<semaphore_mem>>
      %dma_start3A = arith.constant 0 : i32
      %dma_start3A_70 = tpu.memref_slice %arg3[%add3A_44, %dma_start3A] : memref<1280x128xi32, #tpu.memory_space<hbm>> -> memref<40x128xi32, #tpu.memory_space<hbm>>
      %dma_start3A_71 = arith.constant 0 : i32
      %dma_start3A_72 = tpu.memref_slice %arg3[%add3A_44, %dma_start3A_71] : memref<1280x128xi32, #tpu.memory_space<hbm>> -> memref<40x128xi32, #tpu.memory_space<hbm>>
      tpu.enqueue_dma source(%dma_start3A_72 : memref<40x128xi32, #tpu.memory_space<hbm>>) target(%arg8 : memref<40x128xi32, #tpu.memory_space<vmem>>) target_semaphore(%run_scoped3A : memref<!tpu.dma_semaphore, #tpu.memory_space<semaphore_mem>>)
      %dma_wait3A_73 = arith.constant 0 : i32
      %dma_wait3A_74 = tpu.memref_slice %arg3[%add3A_44, %dma_wait3A_73] : memref<1280x128xi32, #tpu.memory_space<hbm>> -> memref<40x128xi32, #tpu.memory_space<hbm>>
      %dma_wait3A_75 = arith.constant 0 : i32
      %dma_wait3A_76 = tpu.memref_slice %arg3[%add3A_44, %dma_wait3A_75] : memref<1280x128xi32, #tpu.memory_space<hbm>> -> memref<40x128xi32, #tpu.memory_space<hbm>>
      tpu.wait_dma2 semaphore(%run_scoped3A : memref<!tpu.dma_semaphore, #tpu.memory_space<semaphore_mem>>) src(%dma_wait3A_76 : memref<40x128xi32, #tpu.memory_space<hbm>>) dst(%arg8 : memref<40x128xi32, #tpu.memory_space<vmem>>)
      tpu.yield
    }) : () -> ()
    %scan3A_45 = arith.constant 0 : i32
    %scan3A_46 = arith.constant 20 : i32
    %scan3A_47 = arith.addi %scan3A_45, %scan3A_46 : i32
    %scan3A_48 = arith.constant 1 : i32
    scf.for %scan3A_70 = %scan3A_45 to %scan3A_47 step %scan3A_48  : i32 {
      %mul3A_71 = arith.constant 2 : i32
      %mul3A_72 = arith.muli %scan3A_70, %mul3A_71 : i32
      %add3A_73 = arith.constant 0 : i32
      %add3A_74 = arith.addi %add3A_73, %mul3A_72 : i32
      %gt3A = arith.constant 0 : i32
      %gt3A_75 = arith.cmpi sgt, %add3A_74, %gt3A : i32
      %convert_element_type3A = arith.extui %gt3A_75 : i1 to i32
      %cond3A = arith.constant 0 : i32
      %cond3A_76 = arith.cmpi ne, %convert_element_type3A, %cond3A : i32
      scf.if %cond3A_76 {
        %dma_wait3A_121 = arith.constant 0 : i32
        %dma_wait3A_122 = arith.constant 0 : i32
        %dma_wait3A_123 = tpu.memref_slice %arg8[%dma_wait3A_121, %dma_wait3A_122] : memref<40x128xi32, #tpu.memory_space<vmem>> -> memref<1x128xi32, #tpu.memory_space<vmem>>
        %dma_wait3A_124 = tpu.memref_squeeze %dma_wait3A_123 : memref<1x128xi32, #tpu.memory_space<vmem>> -> memref<128xi32, #tpu.memory_space<vmem>>
        %dma_wait3A_125 = arith.constant 0 : i32
        %dma_wait3A_126 = arith.constant 0 : i32
        %dma_wait3A_127 = tpu.memref_slice %arg11[%dma_wait3A_125, %dma_wait3A_126] : memref<10240x128xf32, #tpu.memory_space<vmem_shared>> -> memref<10240x128xf32, #tpu.memory_space<vmem_shared>>
        tpu.wait_indirect_dma semaphore(%arg13 : memref<!tpu.dma_semaphore, #tpu.memory_space<semaphore_mem>>) src(%arg9 : memref<128x128xf32, #tpu.memory_space<vmem>>) dst(%dma_wait3A_127 : memref<10240x128xf32, #tpu.memory_space<vmem_shared>>)
      } else {
      }
      %dma_start3A = arith.constant 0 : i32
      %dma_start3A_77 = tpu.memref_slice %arg7[%add3A_74, %dma_start3A] : memref<40x128xi32, #tpu.memory_space<vmem>> -> memref<1x128xi32, #tpu.memory_space<vmem>>
      %dma_start3A_78 = tpu.memref_squeeze %dma_start3A_77 : memref<1x128xi32, #tpu.memory_space<vmem>> -> memref<128xi32, #tpu.memory_space<vmem>>
      %dma_start3A_79 = arith.constant 0 : i32
      %dma_start3A_80 = arith.constant 0 : i32
      %dma_start3A_81 = tpu.memref_slice %arg4[%dma_start3A_79, %dma_start3A_80] : memref<20480x128xf32, #tpu.memory_space<hbm>> -> memref<20480x128xf32, #tpu.memory_space<hbm>>
      tpu.enqueue_indirect_dma source(%dma_start3A_81 : memref<20480x128xf32, #tpu.memory_space<hbm>>) target(%arg9 : memref<128x128xf32, #tpu.memory_space<vmem>>) offsets(%dma_start3A_78 : memref<128xi32, #tpu.memory_space<vmem>>) semaphore(%arg12 : memref<!tpu.dma_semaphore, #tpu.memory_space<semaphore_mem>>)
      %dma_wait3A_82 = arith.constant 0 : i32
      %dma_wait3A_83 = tpu.memref_slice %arg7[%add3A_74, %dma_wait3A_82] : memref<40x128xi32, #tpu.memory_space<vmem>> -> memref<1x128xi32, #tpu.memory_space<vmem>>
      %dma_wait3A_84 = tpu.memref_squeeze %dma_wait3A_83 : memref<1x128xi32, #tpu.memory_space<vmem>> -> memref<128xi32, #tpu.memory_space<vmem>>
      %dma_wait3A_85 = arith.constant 0 : i32
      %dma_wait3A_86 = arith.constant 0 : i32
      %dma_wait3A_87 = tpu.memref_slice %arg4[%dma_wait3A_85, %dma_wait3A_86] : memref<20480x128xf32, #tpu.memory_space<hbm>> -> memref<20480x128xf32, #tpu.memory_space<hbm>>
      tpu.wait_indirect_dma semaphore(%arg12 : memref<!tpu.dma_semaphore, #tpu.memory_space<semaphore_mem>>) src(%dma_wait3A_87 : memref<20480x128xf32, #tpu.memory_space<hbm>>) dst(%arg9 : memref<128x128xf32, #tpu.memory_space<vmem>>)
      %dma_start3A_88 = arith.constant 0 : i32
      %dma_start3A_89 = tpu.memref_slice %arg8[%add3A_74, %dma_start3A_88] : memref<40x128xi32, #tpu.memory_space<vmem>> -> memref<1x128xi32, #tpu.memory_space<vmem>>
      %dma_start3A_90 = tpu.memref_squeeze %dma_start3A_89 : memref<1x128xi32, #tpu.memory_space<vmem>> -> memref<128xi32, #tpu.memory_space<vmem>>
      %dma_start3A_91 = arith.constant 0 : i32
      %dma_start3A_92 = arith.constant 0 : i32
      %dma_start3A_93 = tpu.memref_slice %arg11[%dma_start3A_91, %dma_start3A_92] : memref<10240x128xf32, #tpu.memory_space<vmem_shared>> -> memref<10240x128xf32, #tpu.memory_space<vmem_shared>>
      tpu.enqueue_indirect_dma source(%arg9 : memref<128x128xf32, #tpu.memory_space<vmem>>) target(%dma_start3A_93 : memref<10240x128xf32, #tpu.memory_space<vmem_shared>>) offsets(%dma_start3A_90 : memref<128xi32, #tpu.memory_space<vmem>>) semaphore(%arg13 : memref<!tpu.dma_semaphore, #tpu.memory_space<semaphore_mem>>) {add = true}
      %gt3A_94 = arith.constant 1 : i32
      %gt3A_95 = arith.cmpi sgt, %add3A_74, %gt3A_94 : i32
      %convert_element_type3A_96 = arith.extui %gt3A_95 : i1 to i32
      %cond3A_97 = arith.constant 0 : i32
      %cond3A_98 = arith.cmpi ne, %convert_element_type3A_96, %cond3A_97 : i32
      scf.if %cond3A_98 {
        %dma_wait3A_121 = arith.constant 0 : i32
        %dma_wait3A_122 = arith.constant 0 : i32
        %dma_wait3A_123 = tpu.memref_slice %arg8[%dma_wait3A_121, %dma_wait3A_122] : memref<40x128xi32, #tpu.memory_space<vmem>> -> memref<1x128xi32, #tpu.memory_space<vmem>>
        %dma_wait3A_124 = tpu.memref_squeeze %dma_wait3A_123 : memref<1x128xi32, #tpu.memory_space<vmem>> -> memref<128xi32, #tpu.memory_space<vmem>>
        %dma_wait3A_125 = arith.constant 0 : i32
        %dma_wait3A_126 = arith.constant 0 : i32
        %dma_wait3A_127 = tpu.memref_slice %arg11[%dma_wait3A_125, %dma_wait3A_126] : memref<10240x128xf32, #tpu.memory_space<vmem_shared>> -> memref<10240x128xf32, #tpu.memory_space<vmem_shared>>
        tpu.wait_indirect_dma semaphore(%arg14 : memref<!tpu.dma_semaphore, #tpu.memory_space<semaphore_mem>>) src(%arg10 : memref<128x128xf32, #tpu.memory_space<vmem>>) dst(%dma_wait3A_127 : memref<10240x128xf32, #tpu.memory_space<vmem_shared>>)
      } else {
      }
      %add3A_99 = arith.constant 1 : i32
      %add3A_100 = arith.addi %add3A_74, %add3A_99 : i32
      %dma_start3A_101 = arith.constant 0 : i32
      %dma_start3A_102 = tpu.memref_slice %arg7[%add3A_100, %dma_start3A_101] : memref<40x128xi32, #tpu.memory_space<vmem>> -> memref<1x128xi32, #tpu.memory_space<vmem>>
      %dma_start3A_103 = tpu.memref_squeeze %dma_start3A_102 : memref<1x128xi32, #tpu.memory_space<vmem>> -> memref<128xi32, #tpu.memory_space<vmem>>
      %dma_start3A_104 = arith.constant 0 : i32
      %dma_start3A_105 = arith.constant 0 : i32
      %dma_start3A_106 = tpu.memref_slice %arg4[%dma_start3A_104, %dma_start3A_105] : memref<20480x128xf32, #tpu.memory_space<hbm>> -> memref<20480x128xf32, #tpu.memory_space<hbm>>
      tpu.enqueue_indirect_dma source(%dma_start3A_106 : memref<20480x128xf32, #tpu.memory_space<hbm>>) target(%arg10 : memref<128x128xf32, #tpu.memory_space<vmem>>) offsets(%dma_start3A_103 : memref<128xi32, #tpu.memory_space<vmem>>) semaphore(%arg12 : memref<!tpu.dma_semaphore, #tpu.memory_space<semaphore_mem>>)
      %dma_wait3A_107 = arith.constant 0 : i32
      %dma_wait3A_108 = tpu.memref_slice %arg7[%add3A_100, %dma_wait3A_107] : memref<40x128xi32, #tpu.memory_space<vmem>> -> memref<1x128xi32, #tpu.memory_space<vmem>>
      %dma_wait3A_109 = tpu.memref_squeeze %dma_wait3A_108 : memref<1x128xi32, #tpu.memory_space<vmem>> -> memref<128xi32, #tpu.memory_space<vmem>>
      %dma_wait3A_110 = arith.constant 0 : i32
      %dma_wait3A_111 = arith.constant 0 : i32
      %dma_wait3A_112 = tpu.memref_slice %arg4[%dma_wait3A_110, %dma_wait3A_111] : memref<20480x128xf32, #tpu.memory_space<hbm>> -> memref<20480x128xf32, #tpu.memory_space<hbm>>
      tpu.wait_indirect_dma semaphore(%arg12 : memref<!tpu.dma_semaphore, #tpu.memory_space<semaphore_mem>>) src(%dma_wait3A_112 : memref<20480x128xf32, #tpu.memory_space<hbm>>) dst(%arg10 : memref<128x128xf32, #tpu.memory_space<vmem>>)
      %add3A_113 = arith.constant 1 : i32
      %add3A_114 = arith.addi %add3A_74, %add3A_113 : i32
      %dma_start3A_115 = arith.constant 0 : i32
      %dma_start3A_116 = tpu.memref_slice %arg8[%add3A_114, %dma_start3A_115] : memref<40x128xi32, #tpu.memory_space<vmem>> -> memref<1x128xi32, #tpu.memory_space<vmem>>
      %dma_start3A_117 = tpu.memref_squeeze %dma_start3A_116 : memref<1x128xi32, #tpu.memory_space<vmem>> -> memref<128xi32, #tpu.memory_space<vmem>>
      %dma_start3A_118 = arith.constant 0 : i32
      %dma_start3A_119 = arith.constant 0 : i32
      %dma_start3A_120 = tpu.memref_slice %arg11[%dma_start3A_118, %dma_start3A_119] : memref<10240x128xf32, #tpu.memory_space<vmem_shared>> -> memref<10240x128xf32, #tpu.memory_space<vmem_shared>>
      tpu.enqueue_indirect_dma source(%arg10 : memref<128x128xf32, #tpu.memory_space<vmem>>) target(%dma_start3A_120 : memref<10240x128xf32, #tpu.memory_space<vmem_shared>>) offsets(%dma_start3A_117 : memref<128xi32, #tpu.memory_space<vmem>>) semaphore(%arg14 : memref<!tpu.dma_semaphore, #tpu.memory_space<semaphore_mem>>) {add = true}
    }
    %scan3A_49 = arith.constant 20 : i32
    %dma_wait3A_50 = arith.constant 0 : i32
    %dma_wait3A_51 = arith.constant 0 : i32
    %dma_wait3A_52 = tpu.memref_slice %arg8[%dma_wait3A_50, %dma_wait3A_51] : memref<40x128xi32, #tpu.memory_space<vmem>> -> memref<1x128xi32, #tpu.memory_space<vmem>>
    %dma_wait3A_53 = tpu.memref_squeeze %dma_wait3A_52 : memref<1x128xi32, #tpu.memory_space<vmem>> -> memref<128xi32, #tpu.memory_space<vmem>>
    %dma_wait3A_54 = arith.constant 0 : i32
    %dma_wait3A_55 = arith.constant 0 : i32
    %dma_wait3A_56 = tpu.memref_slice %arg11[%dma_wait3A_54, %dma_wait3A_55] : memref<10240x128xf32, #tpu.memory_space<vmem_shared>> -> memref<10240x128xf32, #tpu.memory_space<vmem_shared>>
    tpu.wait_indirect_dma semaphore(%arg13 : memref<!tpu.dma_semaphore, #tpu.memory_space<semaphore_mem>>) src(%arg9 : memref<128x128xf32, #tpu.memory_space<vmem>>) dst(%dma_wait3A_56 : memref<10240x128xf32, #tpu.memory_space<vmem_shared>>)
    %dma_wait3A_57 = arith.constant 0 : i32
    %dma_wait3A_58 = arith.constant 0 : i32
    %dma_wait3A_59 = tpu.memref_slice %arg8[%dma_wait3A_57, %dma_wait3A_58] : memref<40x128xi32, #tpu.memory_space<vmem>> -> memref<1x128xi32, #tpu.memory_space<vmem>>
    %dma_wait3A_60 = tpu.memref_squeeze %dma_wait3A_59 : memref<1x128xi32, #tpu.memory_space<vmem>> -> memref<128xi32, #tpu.memory_space<vmem>>
    %dma_wait3A_61 = arith.constant 0 : i32
    %dma_wait3A_62 = arith.constant 0 : i32
    %dma_wait3A_63 = tpu.memref_slice %arg11[%dma_wait3A_61, %dma_wait3A_62] : memref<10240x128xf32, #tpu.memory_space<vmem_shared>> -> memref<10240x128xf32, #tpu.memory_space<vmem_shared>>
    tpu.wait_indirect_dma semaphore(%arg14 : memref<!tpu.dma_semaphore, #tpu.memory_space<semaphore_mem>>) src(%arg10 : memref<128x128xf32, #tpu.memory_space<vmem>>) dst(%dma_wait3A_63 : memref<10240x128xf32, #tpu.memory_space<vmem_shared>>)
    %barrier3A_64 = arith.constant 0 : index
    tpu.barrier barrier_id(%barrier3A_64)
    %mul3A_65 = arith.constant 640 : i32
    %mul3A_66 = arith.muli %arg1, %mul3A_65 : i32
    %mul3A_67 = arith.constant 640 : i32
    %mul3A_68 = arith.muli %arg1, %mul3A_67 : i32
    %add3A_69 = arith.addi %mul3A_3, %mul3A_68 : i32
    "tpu.region"() ({
      %run_scoped3A = tpu.sem_alloc : memref<!tpu.dma_semaphore, #tpu.memory_space<semaphore_mem>>
      %dma_start3A = arith.constant 0 : i32
      %dma_start3A_70 = tpu.memref_slice %arg6[%add3A_69, %dma_start3A] : memref<20480x128xf32, #tpu.memory_space<hbm>> -> memref<640x128xf32, #tpu.memory_space<hbm>>
      %dma_start3A_71 = arith.constant 0 : i32
      %dma_start3A_72 = tpu.memref_slice %arg11[%mul3A_66, %dma_start3A_71] : memref<10240x128xf32, #tpu.memory_space<vmem_shared>> -> memref<640x128xf32, #tpu.memory_space<vmem_shared>>
      tpu.enqueue_dma source(%dma_start3A_72 : memref<640x128xf32, #tpu.memory_space<vmem_shared>>) target(%dma_start3A_70 : memref<640x128xf32, #tpu.memory_space<hbm>>) target_semaphore(%run_scoped3A : memref<!tpu.dma_semaphore, #tpu.memory_space<semaphore_mem>>)
      %dma_wait3A_73 = arith.constant 0 : i32
      %dma_wait3A_74 = tpu.memref_slice %arg6[%add3A_69, %dma_wait3A_73] : memref<20480x128xf32, #tpu.memory_space<hbm>> -> memref<640x128xf32, #tpu.memory_space<hbm>>
      %dma_wait3A_75 = arith.constant 0 : i32
      %dma_wait3A_76 = tpu.memref_slice %arg11[%mul3A_66, %dma_wait3A_75] : memref<10240x128xf32, #tpu.memory_space<vmem_shared>> -> memref<640x128xf32, #tpu.memory_space<vmem_shared>>
      tpu.wait_dma2 semaphore(%run_scoped3A : memref<!tpu.dma_semaphore, #tpu.memory_space<semaphore_mem>>) src(%dma_wait3A_76 : memref<640x128xf32, #tpu.memory_space<vmem_shared>>) dst(%dma_wait3A_74 : memref<640x128xf32, #tpu.memory_space<hbm>>)
      tpu.yield
    }) : () -> ()
    return
  }
}

module attributes {stable_mosaic.version = 14 : i64} {
  func.func @_embed_body(%arg0: i32, %arg1: memref<1x8xf32, #tpu.memory_space<vmem>>, %arg2: memref<512x8xf32, #tpu.memory_space<vmem>>, %arg3: memref<512x16xf32, #tpu.memory_space<vmem>>, %arg4: memref<512x256xf32, #tpu.memory_space<vmem>>, %arg5: memref<512x128xf32, #tpu.memory_space<vmem>>, %arg6: memref<256x448xf32, #tpu.memory_space<vmem>>, %arg7: memref<1x448xf32, #tpu.memory_space<vmem>>, %arg8: memref<16x512xf32, #tpu.memory_space<vmem>>, %arg9: memref<1x512xf32, #tpu.memory_space<vmem>>, %arg10: memref<512x512xf32, #tpu.memory_space<vmem>>, %arg11: memref<1x512xf32, #tpu.memory_space<vmem>>, %arg12: memref<512x512xf32, #tpu.memory_space<vmem>>, %arg13: memref<1x512xf32, #tpu.memory_space<vmem>>, %arg14: memref<512x64xf32, #tpu.memory_space<vmem>>, %arg15: memref<1x64xf32, #tpu.memory_space<vmem>>, %arg16: memref<16x512xf32, #tpu.memory_space<vmem>>, %arg17: memref<1x512xf32, #tpu.memory_space<vmem>>, %arg18: memref<512x512xf32, #tpu.memory_space<vmem>>, %arg19: memref<1x512xf32, #tpu.memory_space<vmem>>, %arg20: memref<512x512xf32, #tpu.memory_space<vmem>>, %arg21: memref<1x512xf32, #tpu.memory_space<vmem>>, %arg22: memref<512x64xf32, #tpu.memory_space<vmem>>, %arg23: memref<1x64xf32, #tpu.memory_space<vmem>>, %arg24: memref<512x512xf32, #tpu.memory_space<vmem>>, %arg25: memref<4x512x128xf32, #tpu.memory_space<vmem>>) attributes {dimension_semantics = [#tpu.dimension_semantics<arbitrary>], iteration_bounds = array<i64: 20>, scalar_prefetch = 0 : i64, scratch_operands = 0 : i64, tpu.core_type = #tpu.core_type<tc>, window_params = [{pipeline_mode = #tpu.pipeline_mode<synchronous>, transform_indices = @transform_0, window_bounds = array<i64: 1, 8>}, {transform_indices = @transform_1, window_bounds = array<i64: 512, 8>}, {transform_indices = @transform_2, window_bounds = array<i64: 512, 16>}, {transform_indices = @transform_3, window_bounds = array<i64: 512, 256>}, {transform_indices = @transform_4, window_bounds = array<i64: 512, 128>}, {pipeline_mode = #tpu.pipeline_mode<synchronous>, transform_indices = @transform_5, window_bounds = array<i64: 256, 448>}, {pipeline_mode = #tpu.pipeline_mode<synchronous>, transform_indices = @transform_6, window_bounds = array<i64: 1, 448>}, {pipeline_mode = #tpu.pipeline_mode<synchronous>, transform_indices = @transform_7, window_bounds = array<i64: 16, 512>}, {pipeline_mode = #tpu.pipeline_mode<synchronous>, transform_indices = @transform_8, window_bounds = array<i64: 1, 512>}, {pipeline_mode = #tpu.pipeline_mode<synchronous>, transform_indices = @transform_9, window_bounds = array<i64: 512, 512>}, {pipeline_mode = #tpu.pipeline_mode<synchronous>, transform_indices = @transform_10, window_bounds = array<i64: 1, 512>}, {pipeline_mode = #tpu.pipeline_mode<synchronous>, transform_indices = @transform_11, window_bounds = array<i64: 512, 512>}, {pipeline_mode = #tpu.pipeline_mode<synchronous>, transform_indices = @transform_12, window_bounds = array<i64: 1, 512>}, {pipeline_mode = #tpu.pipeline_mode<synchronous>, transform_indices = @transform_13, window_bounds = array<i64: 512, 64>}, {pipeline_mode = #tpu.pipeline_mode<synchronous>, transform_indices = @transform_14, window_bounds = array<i64: 1, 64>}, {pipeline_mode = #tpu.pipeline_mode<synchronous>, transform_indices = @transform_15, window_bounds = array<i64: 16, 512>}, {pipeline_mode = #tpu.pipeline_mode<synchronous>, transform_indices = @transform_16, window_bounds = array<i64: 1, 512>}, {pipeline_mode = #tpu.pipeline_mode<synchronous>, transform_indices = @transform_17, window_bounds = array<i64: 512, 512>}, {pipeline_mode = #tpu.pipeline_mode<synchronous>, transform_indices = @transform_18, window_bounds = array<i64: 1, 512>}, {pipeline_mode = #tpu.pipeline_mode<synchronous>, transform_indices = @transform_19, window_bounds = array<i64: 512, 512>}, {pipeline_mode = #tpu.pipeline_mode<synchronous>, transform_indices = @transform_20, window_bounds = array<i64: 1, 512>}, {pipeline_mode = #tpu.pipeline_mode<synchronous>, transform_indices = @transform_21, window_bounds = array<i64: 512, 64>}, {pipeline_mode = #tpu.pipeline_mode<synchronous>, transform_indices = @transform_22, window_bounds = array<i64: 1, 64>}, {pipeline_mode = #tpu.pipeline_mode<synchronous>, transform_indices = @transform_23, window_bounds = array<i64: 512, 512>}, {transform_indices = @transform_24, window_bounds = array<i64: 4, 512, 128>}]} {
    %get3A = arith.constant 0 : index
    %get3A_0 = arith.constant 0 : index
    %get3A_1 = vector.load %arg5[%get3A, %get3A_0] : memref<512x128xf32, #tpu.memory_space<vmem>>, vector<512x128xf32>
    %slice3A = vector.extract_strided_slice %get3A_1 {offsets = [0, 0], sizes = [512, 1], strides = [1, 1]} : vector<512x128xf32> to vector<512x1xf32>
    %max3A = arith.constant 1.000000e+00 : f32
    %max3A_2 = vector.broadcast %max3A : f32 to vector<512x1xf32>
    %max3A_3 = arith.maximumf %slice3A, %max3A_2 : vector<512x1xf32>
    %rsqrt3A = math.rsqrt %max3A_3 : vector<512x1xf32>
    %get3A_4 = arith.constant 0 : index
    %get3A_5 = arith.constant 0 : index
    %get3A_6 = vector.load %arg2[%get3A_4, %get3A_5] : memref<512x8xf32, #tpu.memory_space<vmem>>, vector<512x8xf32>
    %get3A_7 = arith.constant 8 : index
    %get3A_8 = arith.constant 0 : index
    %get3A_9 = vector.load %arg8[%get3A_7, %get3A_8] : memref<16x512xf32, #tpu.memory_space<vmem>>, vector<8x512xf32>
    %dot_general3A = arith.constant dense<0.000000e+00> : vector<512x512xf32>
    %dot_general3A_10 = tpu.matmul %get3A_6, %get3A_9, %dot_general3A {dimension_numbers = #tpu.dot_dimension_numbers<[1], [0], [0], [1], [0, 0, 1, 1], [], []>, transpose_lhs_hint = false} : vector<512x8xf32>, vector<8x512xf32>, vector<512x512xf32> -> vector<512x512xf32>
    %get3A_11 = arith.constant 0 : index
    %get3A_12 = arith.constant 0 : index
    %get3A_13 = vector.load %arg1[%get3A_11, %get3A_12] : memref<1x8xf32, #tpu.memory_space<vmem>>, vector<1x8xf32>
    %get3A_14 = arith.constant 0 : index
    %get3A_15 = arith.constant 0 : index
    %get3A_16 = vector.load %arg8[%get3A_14, %get3A_15] : memref<16x512xf32, #tpu.memory_space<vmem>>, vector<8x512xf32>
    %dot_general3A_17 = arith.constant dense<0.000000e+00> : vector<1x512xf32>
    %dot_general3A_18 = tpu.matmul %get3A_13, %get3A_16, %dot_general3A_17 {dimension_numbers = #tpu.dot_dimension_numbers<[1], [0], [0], [1], [0, 0, 1, 1], [], []>, transpose_lhs_hint = false} : vector<1x8xf32>, vector<8x512xf32>, vector<1x512xf32> -> vector<1x512xf32>
    %get3A_19 = arith.constant 0 : index
    %get3A_20 = arith.constant 0 : index
    %get3A_21 = vector.load %arg9[%get3A_19, %get3A_20] : memref<1x512xf32, #tpu.memory_space<vmem>>, vector<1x512xf32>
    %add3A = arith.addf %dot_general3A_18, %get3A_21 : vector<1x512xf32>
    %add3A_22 = vector.broadcast %add3A : vector<1x512xf32> to vector<512x512xf32>
    %add3A_23 = arith.addf %dot_general3A_10, %add3A_22 : vector<512x512xf32>
    %max3A_24 = arith.constant 0.000000e+00 : f32
    %max3A_25 = vector.broadcast %max3A_24 : f32 to vector<512x512xf32>
    %max3A_26 = arith.maximumf %add3A_23, %max3A_25 : vector<512x512xf32>
    %get3A_27 = arith.constant 0 : index
    %get3A_28 = arith.constant 0 : index
    %get3A_29 = vector.load %arg10[%get3A_27, %get3A_28] : memref<512x512xf32, #tpu.memory_space<vmem>>, vector<512x512xf32>
    %dot_general3A_30 = arith.constant dense<0.000000e+00> : vector<512x512xf32>
    %dot_general3A_31 = tpu.matmul %max3A_26, %get3A_29, %dot_general3A_30 {dimension_numbers = #tpu.dot_dimension_numbers<[1], [0], [0], [1], [0, 0, 1, 1], [], []>, transpose_lhs_hint = false} : vector<512x512xf32>, vector<512x512xf32>, vector<512x512xf32> -> vector<512x512xf32>
    %get3A_32 = arith.constant 0 : index
    %get3A_33 = arith.constant 0 : index
    %get3A_34 = vector.load %arg11[%get3A_32, %get3A_33] : memref<1x512xf32, #tpu.memory_space<vmem>>, vector<1x512xf32>
    %add3A_35 = vector.broadcast %get3A_34 : vector<1x512xf32> to vector<512x512xf32>
    %add3A_36 = arith.addf %dot_general3A_31, %add3A_35 : vector<512x512xf32>
    %max3A_37 = arith.constant 0.000000e+00 : f32
    %max3A_38 = vector.broadcast %max3A_37 : f32 to vector<512x512xf32>
    %max3A_39 = arith.maximumf %add3A_36, %max3A_38 : vector<512x512xf32>
    %get3A_40 = arith.constant 0 : index
    %get3A_41 = arith.constant 0 : index
    %get3A_42 = vector.load %arg12[%get3A_40, %get3A_41] : memref<512x512xf32, #tpu.memory_space<vmem>>, vector<512x512xf32>
    %dot_general3A_43 = arith.constant dense<0.000000e+00> : vector<512x512xf32>
    %dot_general3A_44 = tpu.matmul %max3A_39, %get3A_42, %dot_general3A_43 {dimension_numbers = #tpu.dot_dimension_numbers<[1], [0], [0], [1], [0, 0, 1, 1], [], []>, transpose_lhs_hint = false} : vector<512x512xf32>, vector<512x512xf32>, vector<512x512xf32> -> vector<512x512xf32>
    %get3A_45 = arith.constant 0 : index
    %get3A_46 = arith.constant 0 : index
    %get3A_47 = vector.load %arg13[%get3A_45, %get3A_46] : memref<1x512xf32, #tpu.memory_space<vmem>>, vector<1x512xf32>
    %add3A_48 = vector.broadcast %get3A_47 : vector<1x512xf32> to vector<512x512xf32>
    %add3A_49 = arith.addf %dot_general3A_44, %add3A_48 : vector<512x512xf32>
    %max3A_50 = arith.constant 0.000000e+00 : f32
    %max3A_51 = vector.broadcast %max3A_50 : f32 to vector<512x512xf32>
    %max3A_52 = arith.maximumf %add3A_49, %max3A_51 : vector<512x512xf32>
    %get3A_53 = arith.constant 0 : index
    %get3A_54 = arith.constant 0 : index
    %get3A_55 = vector.load %arg14[%get3A_53, %get3A_54] : memref<512x64xf32, #tpu.memory_space<vmem>>, vector<512x64xf32>
    %dot_general3A_56 = arith.constant dense<0.000000e+00> : vector<512x64xf32>
    %dot_general3A_57 = tpu.matmul %max3A_52, %get3A_55, %dot_general3A_56 {dimension_numbers = #tpu.dot_dimension_numbers<[1], [0], [0], [1], [0, 0, 1, 1], [], []>, transpose_lhs_hint = false} : vector<512x512xf32>, vector<512x64xf32>, vector<512x64xf32> -> vector<512x64xf32>
    %get3A_58 = arith.constant 0 : index
    %get3A_59 = arith.constant 0 : index
    %get3A_60 = vector.load %arg15[%get3A_58, %get3A_59] : memref<1x64xf32, #tpu.memory_space<vmem>>, vector<1x64xf32>
    %add3A_61 = vector.broadcast %get3A_60 : vector<1x64xf32> to vector<512x64xf32>
    %add3A_62 = arith.addf %dot_general3A_57, %add3A_61 : vector<512x64xf32>
    %get3A_63 = arith.constant 0 : index
    %get3A_64 = arith.constant 0 : index
    %get3A_65 = vector.load %arg3[%get3A_63, %get3A_64] : memref<512x16xf32, #tpu.memory_space<vmem>>, vector<512x16xf32>
    %get3A_66 = arith.constant 0 : index
    %get3A_67 = arith.constant 0 : index
    %get3A_68 = vector.load %arg16[%get3A_66, %get3A_67] : memref<16x512xf32, #tpu.memory_space<vmem>>, vector<16x512xf32>
    %dot_general3A_69 = arith.constant dense<0.000000e+00> : vector<512x512xf32>
    %dot_general3A_70 = tpu.matmul %get3A_65, %get3A_68, %dot_general3A_69 {dimension_numbers = #tpu.dot_dimension_numbers<[1], [0], [0], [1], [0, 0, 1, 1], [], []>, transpose_lhs_hint = false} : vector<512x16xf32>, vector<16x512xf32>, vector<512x512xf32> -> vector<512x512xf32>
    %get3A_71 = arith.constant 0 : index
    %get3A_72 = arith.constant 0 : index
    %get3A_73 = vector.load %arg17[%get3A_71, %get3A_72] : memref<1x512xf32, #tpu.memory_space<vmem>>, vector<1x512xf32>
    %add3A_74 = vector.broadcast %get3A_73 : vector<1x512xf32> to vector<512x512xf32>
    %add3A_75 = arith.addf %dot_general3A_70, %add3A_74 : vector<512x512xf32>
    %max3A_76 = arith.constant 0.000000e+00 : f32
    %max3A_77 = vector.broadcast %max3A_76 : f32 to vector<512x512xf32>
    %max3A_78 = arith.maximumf %add3A_75, %max3A_77 : vector<512x512xf32>
    %get3A_79 = arith.constant 0 : index
    %get3A_80 = arith.constant 0 : index
    %get3A_81 = vector.load %arg18[%get3A_79, %get3A_80] : memref<512x512xf32, #tpu.memory_space<vmem>>, vector<512x512xf32>
    %dot_general3A_82 = arith.constant dense<0.000000e+00> : vector<512x512xf32>
    %dot_general3A_83 = tpu.matmul %max3A_78, %get3A_81, %dot_general3A_82 {dimension_numbers = #tpu.dot_dimension_numbers<[1], [0], [0], [1], [0, 0, 1, 1], [], []>, transpose_lhs_hint = false} : vector<512x512xf32>, vector<512x512xf32>, vector<512x512xf32> -> vector<512x512xf32>
    %get3A_84 = arith.constant 0 : index
    %get3A_85 = arith.constant 0 : index
    %get3A_86 = vector.load %arg19[%get3A_84, %get3A_85] : memref<1x512xf32, #tpu.memory_space<vmem>>, vector<1x512xf32>
    %add3A_87 = vector.broadcast %get3A_86 : vector<1x512xf32> to vector<512x512xf32>
    %add3A_88 = arith.addf %dot_general3A_83, %add3A_87 : vector<512x512xf32>
    %max3A_89 = arith.constant 0.000000e+00 : f32
    %max3A_90 = vector.broadcast %max3A_89 : f32 to vector<512x512xf32>
    %max3A_91 = arith.maximumf %add3A_88, %max3A_90 : vector<512x512xf32>
    %get3A_92 = arith.constant 0 : index
    %get3A_93 = arith.constant 0 : index
    %get3A_94 = vector.load %arg20[%get3A_92, %get3A_93] : memref<512x512xf32, #tpu.memory_space<vmem>>, vector<512x512xf32>
    %dot_general3A_95 = arith.constant dense<0.000000e+00> : vector<512x512xf32>
    %dot_general3A_96 = tpu.matmul %max3A_91, %get3A_94, %dot_general3A_95 {dimension_numbers = #tpu.dot_dimension_numbers<[1], [0], [0], [1], [0, 0, 1, 1], [], []>, transpose_lhs_hint = false} : vector<512x512xf32>, vector<512x512xf32>, vector<512x512xf32> -> vector<512x512xf32>
    %get3A_97 = arith.constant 0 : index
    %get3A_98 = arith.constant 0 : index
    %get3A_99 = vector.load %arg21[%get3A_97, %get3A_98] : memref<1x512xf32, #tpu.memory_space<vmem>>, vector<1x512xf32>
    %add3A_100 = vector.broadcast %get3A_99 : vector<1x512xf32> to vector<512x512xf32>
    %add3A_101 = arith.addf %dot_general3A_96, %add3A_100 : vector<512x512xf32>
    %max3A_102 = arith.constant 0.000000e+00 : f32
    %max3A_103 = vector.broadcast %max3A_102 : f32 to vector<512x512xf32>
    %max3A_104 = arith.maximumf %add3A_101, %max3A_103 : vector<512x512xf32>
    %get3A_105 = arith.constant 0 : index
    %get3A_106 = arith.constant 0 : index
    %get3A_107 = vector.load %arg22[%get3A_105, %get3A_106] : memref<512x64xf32, #tpu.memory_space<vmem>>, vector<512x64xf32>
    %dot_general3A_108 = arith.constant dense<0.000000e+00> : vector<512x64xf32>
    %dot_general3A_109 = tpu.matmul %max3A_104, %get3A_107, %dot_general3A_108 {dimension_numbers = #tpu.dot_dimension_numbers<[1], [0], [0], [1], [0, 0, 1, 1], [], []>, transpose_lhs_hint = false} : vector<512x512xf32>, vector<512x64xf32>, vector<512x64xf32> -> vector<512x64xf32>
    %get3A_110 = arith.constant 0 : index
    %get3A_111 = arith.constant 0 : index
    %get3A_112 = vector.load %arg23[%get3A_110, %get3A_111] : memref<1x64xf32, #tpu.memory_space<vmem>>, vector<1x64xf32>
    %add3A_113 = vector.broadcast %get3A_112 : vector<1x64xf32> to vector<512x64xf32>
    %add3A_114 = arith.addf %dot_general3A_109, %add3A_113 : vector<512x64xf32>
    %mul3A = arith.constant 5.000000e-01 : f32
    %mul3A_115 = vector.broadcast %mul3A : f32 to vector<512x64xf32>
    %mul3A_116 = arith.mulf %mul3A_115, %add3A_62 : vector<512x64xf32>
    %mul3A_117 = arith.constant 5.000000e-01 : f32
    %mul3A_118 = vector.broadcast %mul3A_117 : f32 to vector<512x64xf32>
    %mul3A_119 = arith.mulf %mul3A_118, %add3A_114 : vector<512x64xf32>
    %add3A_120 = arith.addf %mul3A_116, %mul3A_119 : vector<512x64xf32>
    %get3A_121 = arith.constant 0 : index
    %get3A_122 = arith.constant 0 : index
    %get3A_123 = vector.load %arg4[%get3A_121, %get3A_122] : memref<512x256xf32, #tpu.memory_space<vmem>>, vector<512x256xf32>
    %get3A_124 = arith.constant 0 : index
    %get3A_125 = arith.constant 0 : index
    %get3A_126 = vector.load %arg6[%get3A_124, %get3A_125] : memref<256x448xf32, #tpu.memory_space<vmem>>, vector<256x448xf32>
    %dot_general3A_127 = arith.constant dense<0.000000e+00> : vector<512x448xf32>
    %dot_general3A_128 = tpu.matmul %get3A_123, %get3A_126, %dot_general3A_127 {dimension_numbers = #tpu.dot_dimension_numbers<[1], [0], [0], [1], [0, 0, 1, 1], [], []>, transpose_lhs_hint = false} : vector<512x256xf32>, vector<256x448xf32>, vector<512x448xf32> -> vector<512x448xf32>
    %get3A_129 = arith.constant 0 : index
    %get3A_130 = arith.constant 0 : index
    %get3A_131 = vector.load %arg7[%get3A_129, %get3A_130] : memref<1x448xf32, #tpu.memory_space<vmem>>, vector<1x448xf32>
    %add3A_132 = vector.broadcast %get3A_131 : vector<1x448xf32> to vector<512x448xf32>
    %add3A_133 = arith.addf %dot_general3A_128, %add3A_132 : vector<512x448xf32>
    %concatenate3A = tpu.concatenate %add3A_133, %add3A_120 in 1 : vector<512x448xf32>, vector<512x64xf32> -> vector<512x512xf32>
    %mul3A_134 = vector.broadcast %rsqrt3A : vector<512x1xf32> to vector<512x512xf32>
    %mul3A_135 = arith.mulf %concatenate3A, %mul3A_134 : vector<512x512xf32>
    %get3A_136 = arith.constant 0 : index
    %get3A_137 = arith.constant 0 : index
    %get3A_138 = vector.load %arg24[%get3A_136, %get3A_137] : memref<512x512xf32, #tpu.memory_space<vmem>>, vector<512x512xf32>
    %dot_general3A_139 = arith.constant dense<0.000000e+00> : vector<512x512xf32>
    %dot_general3A_140 = tpu.matmul %mul3A_135, %get3A_138, %dot_general3A_139 {dimension_numbers = #tpu.dot_dimension_numbers<[1], [0], [0], [1], [0, 0, 1, 1], [], []>, transpose_lhs_hint = false} : vector<512x512xf32>, vector<512x512xf32>, vector<512x512xf32> -> vector<512x512xf32>
    %slice3A_141 = vector.extract_strided_slice %dot_general3A_140 {offsets = [0, 0], sizes = [512, 128], strides = [1, 1]} : vector<512x512xf32> to vector<512x128xf32>
    %swap3A = arith.constant 0 : index
    %swap3A_142 = arith.constant 0 : index
    %swap3A_143 = arith.constant 0 : index
    %swap3A_144 = vector.load %arg25[%swap3A, %swap3A_142, %swap3A_143] : memref<4x512x128xf32, #tpu.memory_space<vmem>>, vector<1x512x128xf32>
    %swap3A_145 = vector.shape_cast %swap3A_144 : vector<1x512x128xf32> to vector<512x128xf32>
    %swap3A_146 = vector.shape_cast %slice3A_141 : vector<512x128xf32> to vector<1x512x128xf32>
    tpu.vector_store %arg25[%swap3A, %swap3A_142, %swap3A_143], %swap3A_146 {strides = array<i32>} : memref<4x512x128xf32, #tpu.memory_space<vmem>>, vector<1x512x128xf32>,
    %slice3A_147 = vector.extract_strided_slice %dot_general3A_140 {offsets = [0, 128], sizes = [512, 128], strides = [1, 1]} : vector<512x512xf32> to vector<512x128xf32>
    %swap3A_148 = arith.constant 1 : index
    %swap3A_149 = arith.constant 0 : index
    %swap3A_150 = arith.constant 0 : index
    %swap3A_151 = vector.load %arg25[%swap3A_148, %swap3A_149, %swap3A_150] : memref<4x512x128xf32, #tpu.memory_space<vmem>>, vector<1x512x128xf32>
    %swap3A_152 = vector.shape_cast %swap3A_151 : vector<1x512x128xf32> to vector<512x128xf32>
    %swap3A_153 = vector.shape_cast %slice3A_147 : vector<512x128xf32> to vector<1x512x128xf32>
    tpu.vector_store %arg25[%swap3A_148, %swap3A_149, %swap3A_150], %swap3A_153 {strides = array<i32>} : memref<4x512x128xf32, #tpu.memory_space<vmem>>, vector<1x512x128xf32>,
    %slice3A_154 = vector.extract_strided_slice %dot_general3A_140 {offsets = [0, 256], sizes = [512, 128], strides = [1, 1]} : vector<512x512xf32> to vector<512x128xf32>
    %swap3A_155 = arith.constant 2 : index
    %swap3A_156 = arith.constant 0 : index
    %swap3A_157 = arith.constant 0 : index
    %swap3A_158 = vector.load %arg25[%swap3A_155, %swap3A_156, %swap3A_157] : memref<4x512x128xf32, #tpu.memory_space<vmem>>, vector<1x512x128xf32>
    %swap3A_159 = vector.shape_cast %swap3A_158 : vector<1x512x128xf32> to vector<512x128xf32>
    %swap3A_160 = vector.shape_cast %slice3A_154 : vector<512x128xf32> to vector<1x512x128xf32>
    tpu.vector_store %arg25[%swap3A_155, %swap3A_156, %swap3A_157], %swap3A_160 {strides = array<i32>} : memref<4x512x128xf32, #tpu.memory_space<vmem>>, vector<1x512x128xf32>,
    %slice3A_161 = vector.extract_strided_slice %dot_general3A_140 {offsets = [0, 384], sizes = [512, 128], strides = [1, 1]} : vector<512x512xf32> to vector<512x128xf32>
    %swap3A_162 = arith.constant 3 : index
    %swap3A_163 = arith.constant 0 : index
    %swap3A_164 = arith.constant 0 : index
    %swap3A_165 = vector.load %arg25[%swap3A_162, %swap3A_163, %swap3A_164] : memref<4x512x128xf32, #tpu.memory_space<vmem>>, vector<1x512x128xf32>
    %swap3A_166 = vector.shape_cast %swap3A_165 : vector<1x512x128xf32> to vector<512x128xf32>
    %swap3A_167 = vector.shape_cast %slice3A_161 : vector<512x128xf32> to vector<1x512x128xf32>
    tpu.vector_store %arg25[%swap3A_162, %swap3A_163, %swap3A_164], %swap3A_167 {strides = array<i32>} : memref<4x512x128xf32, #tpu.memory_space<vmem>>, vector<1x512x128xf32>,
    return
  }
  func.func @transform_0(%arg0: i32) -> (i32, i32) {
    %c0_i32 = arith.constant 0 : i32
    %c0_i32_0 = arith.constant 0 : i32
    %c0_i32_1 = arith.constant 0 : i32
    return %c0_i32, %c0_i32_0 : i32, i32
  }
  func.func @transform_1(%arg0: i32) -> (i32, i32) {
    %c0_i32 = arith.constant 0 : i32
    %c0_i32_0 = arith.constant 0 : i32
    return %arg0, %c0_i32 : i32, i32
  }
  func.func @transform_2(%arg0: i32) -> (i32, i32) {
    %c0_i32 = arith.constant 0 : i32
    %c0_i32_0 = arith.constant 0 : i32
    return %arg0, %c0_i32 : i32, i32
  }
  func.func @transform_3(%arg0: i32) -> (i32, i32) {
    %c0_i32 = arith.constant 0 : i32
    %c0_i32_0 = arith.constant 0 : i32
    return %arg0, %c0_i32 : i32, i32
  }
  func.func @transform_4(%arg0: i32) -> (i32, i32) {
    %c0_i32 = arith.constant 0 : i32
    %c0_i32_0 = arith.constant 0 : i32
    return %arg0, %c0_i32 : i32, i32
  }
  func.func @transform_5(%arg0: i32) -> (i32, i32) {
    %c0_i32 = arith.constant 0 : i32
    %c0_i32_0 = arith.constant 0 : i32
    %c0_i32_1 = arith.constant 0 : i32
    return %c0_i32, %c0_i32_0 : i32, i32
  }
  func.func @transform_6(%arg0: i32) -> (i32, i32) {
    %c0_i32 = arith.constant 0 : i32
    %c0_i32_0 = arith.constant 0 : i32
    %c0_i32_1 = arith.constant 0 : i32
    return %c0_i32, %c0_i32_0 : i32, i32
  }
  func.func @transform_7(%arg0: i32) -> (i32, i32) {
    %c0_i32 = arith.constant 0 : i32
    %c0_i32_0 = arith.constant 0 : i32
    %c0_i32_1 = arith.constant 0 : i32
    return %c0_i32, %c0_i32_0 : i32, i32
  }
  func.func @transform_8(%arg0: i32) -> (i32, i32) {
    %c0_i32 = arith.constant 0 : i32
    %c0_i32_0 = arith.constant 0 : i32
    %c0_i32_1 = arith.constant 0 : i32
    return %c0_i32, %c0_i32_0 : i32, i32
  }
  func.func @transform_9(%arg0: i32) -> (i32, i32) {
    %c0_i32 = arith.constant 0 : i32
    %c0_i32_0 = arith.constant 0 : i32
    %c0_i32_1 = arith.constant 0 : i32
    return %c0_i32, %c0_i32_0 : i32, i32
  }
  func.func @transform_10(%arg0: i32) -> (i32, i32) {
    %c0_i32 = arith.constant 0 : i32
    %c0_i32_0 = arith.constant 0 : i32
    %c0_i32_1 = arith.constant 0 : i32
    return %c0_i32, %c0_i32_0 : i32, i32
  }
  func.func @transform_11(%arg0: i32) -> (i32, i32) {
    %c0_i32 = arith.constant 0 : i32
    %c0_i32_0 = arith.constant 0 : i32
    %c0_i32_1 = arith.constant 0 : i32
    return %c0_i32, %c0_i32_0 : i32, i32
  }
  func.func @transform_12(%arg0: i32) -> (i32, i32) {
    %c0_i32 = arith.constant 0 : i32
    %c0_i32_0 = arith.constant 0 : i32
    %c0_i32_1 = arith.constant 0 : i32
    return %c0_i32, %c0_i32_0 : i32, i32
  }
  func.func @transform_13(%arg0: i32) -> (i32, i32) {
    %c0_i32 = arith.constant 0 : i32
    %c0_i32_0 = arith.constant 0 : i32
    %c0_i32_1 = arith.constant 0 : i32
    return %c0_i32, %c0_i32_0 : i32, i32
  }
  func.func @transform_14(%arg0: i32) -> (i32, i32) {
    %c0_i32 = arith.constant 0 : i32
    %c0_i32_0 = arith.constant 0 : i32
    %c0_i32_1 = arith.constant 0 : i32
    return %c0_i32, %c0_i32_0 : i32, i32
  }
  func.func @transform_15(%arg0: i32) -> (i32, i32) {
    %c0_i32 = arith.constant 0 : i32
    %c0_i32_0 = arith.constant 0 : i32
    %c0_i32_1 = arith.constant 0 : i32
    return %c0_i32, %c0_i32_0 : i32, i32
  }
  func.func @transform_16(%arg0: i32) -> (i32, i32) {
    %c0_i32 = arith.constant 0 : i32
    %c0_i32_0 = arith.constant 0 : i32
    %c0_i32_1 = arith.constant 0 : i32
    return %c0_i32, %c0_i32_0 : i32, i32
  }
  func.func @transform_17(%arg0: i32) -> (i32, i32) {
    %c0_i32 = arith.constant 0 : i32
    %c0_i32_0 = arith.constant 0 : i32
    %c0_i32_1 = arith.constant 0 : i32
    return %c0_i32, %c0_i32_0 : i32, i32
  }
  func.func @transform_18(%arg0: i32) -> (i32, i32) {
    %c0_i32 = arith.constant 0 : i32
    %c0_i32_0 = arith.constant 0 : i32
    %c0_i32_1 = arith.constant 0 : i32
    return %c0_i32, %c0_i32_0 : i32, i32
  }
  func.func @transform_19(%arg0: i32) -> (i32, i32) {
    %c0_i32 = arith.constant 0 : i32
    %c0_i32_0 = arith.constant 0 : i32
    %c0_i32_1 = arith.constant 0 : i32
    return %c0_i32, %c0_i32_0 : i32, i32
  }
  func.func @transform_20(%arg0: i32) -> (i32, i32) {
    %c0_i32 = arith.constant 0 : i32
    %c0_i32_0 = arith.constant 0 : i32
    %c0_i32_1 = arith.constant 0 : i32
    return %c0_i32, %c0_i32_0 : i32, i32
  }
  func.func @transform_21(%arg0: i32) -> (i32, i32) {
    %c0_i32 = arith.constant 0 : i32
    %c0_i32_0 = arith.constant 0 : i32
    %c0_i32_1 = arith.constant 0 : i32
    return %c0_i32, %c0_i32_0 : i32, i32
  }
  func.func @transform_22(%arg0: i32) -> (i32, i32) {
    %c0_i32 = arith.constant 0 : i32
    %c0_i32_0 = arith.constant 0 : i32
    %c0_i32_1 = arith.constant 0 : i32
    return %c0_i32, %c0_i32_0 : i32, i32
  }
  func.func @transform_23(%arg0: i32) -> (i32, i32) {
    %c0_i32 = arith.constant 0 : i32
    %c0_i32_0 = arith.constant 0 : i32
    %c0_i32_1 = arith.constant 0 : i32
    return %c0_i32, %c0_i32_0 : i32, i32
  }
  func.func @transform_24(%arg0: i32) -> (i32, i32, i32) {
    %c0_i32 = arith.constant 0 : i32
    %c0_i32_0 = arith.constant 0 : i32
    %c0_i32_1 = arith.constant 0 : i32
    return %c0_i32, %arg0, %c0_i32_0 : i32, i32, i32
  }
}

module attributes {stable_mosaic.version = 14 : i64} {
  func.func @_layer_body(%arg0: i32, %arg1: memref<4x512x128xf32, #tpu.memory_space<vmem>>, %arg2: memref<512x128xf32, #tpu.memory_space<vmem>>, %arg3: memref<512x128xf32, #tpu.memory_space<vmem>>, %arg4: memref<1x512xf32, #tpu.memory_space<vmem>>, %arg5: memref<512x256xf32, #tpu.memory_space<vmem>>, %arg6: memref<2x512x128xf32, #tpu.memory_space<vmem>>) attributes {dimension_semantics = [#tpu.dimension_semantics<arbitrary>], iteration_bounds = array<i64: 20>, scalar_prefetch = 0 : i64, scratch_operands = 0 : i64, tpu.core_type = #tpu.core_type<tc>, window_params = [{transform_indices = @transform_0, window_bounds = array<i64: 4, 512, 128>}, {transform_indices = @transform_1, window_bounds = array<i64: 512, 128>}, {transform_indices = @transform_2, window_bounds = array<i64: 512, 128>}, {pipeline_mode = #tpu.pipeline_mode<synchronous>, transform_indices = @transform_3, window_bounds = array<i64: 1, 512>}, {pipeline_mode = #tpu.pipeline_mode<synchronous>, transform_indices = @transform_4, window_bounds = array<i64: 512, 256>}, {transform_indices = @transform_5, window_bounds = array<i64: 2, 512, 128>}]} {
    %get3A = arith.constant 0 : index
    %get3A_0 = arith.constant 0 : index
    %get3A_1 = vector.load %arg2[%get3A, %get3A_0] : memref<512x128xf32, #tpu.memory_space<vmem>>, vector<512x128xf32>
    %slice3A = vector.extract_strided_slice %get3A_1 {offsets = [0, 0], sizes = [512, 1], strides = [1, 1]} : vector<512x128xf32> to vector<512x1xf32>
    %max3A = arith.constant 1.000000e+00 : f32
    %max3A_2 = vector.broadcast %max3A : f32 to vector<512x1xf32>
    %max3A_3 = arith.maximumf %slice3A, %max3A_2 : vector<512x1xf32>
    %rsqrt3A = math.rsqrt %max3A_3 : vector<512x1xf32>
    %get3A_4 = arith.constant 0 : index
    %get3A_5 = arith.constant 0 : index
    %get3A_6 = vector.load %arg3[%get3A_4, %get3A_5] : memref<512x128xf32, #tpu.memory_space<vmem>>, vector<512x128xf32>
    %slice3A_7 = vector.extract_strided_slice %get3A_6 {offsets = [0, 0], sizes = [512, 1], strides = [1, 1]} : vector<512x128xf32> to vector<512x1xf32>
    %max3A_8 = arith.constant 1.000000e+00 : f32
    %max3A_9 = vector.broadcast %max3A_8 : f32 to vector<512x1xf32>
    %max3A_10 = arith.maximumf %slice3A_7, %max3A_9 : vector<512x1xf32>
    %rsqrt3A_11 = math.rsqrt %max3A_10 : vector<512x1xf32>
    %get3A_12 = arith.constant 0 : index
    %get3A_13 = arith.constant 0 : index
    %get3A_14 = arith.constant 0 : index
    %get3A_15 = vector.load %arg1[%get3A_12, %get3A_13, %get3A_14] : memref<4x512x128xf32, #tpu.memory_space<vmem>>, vector<1x512x128xf32>
    %get3A_16 = vector.shape_cast %get3A_15 : vector<1x512x128xf32> to vector<512x128xf32>
    %get3A_17 = arith.constant 1 : index
    %get3A_18 = arith.constant 0 : index
    %get3A_19 = arith.constant 0 : index
    %get3A_20 = vector.load %arg1[%get3A_17, %get3A_18, %get3A_19] : memref<4x512x128xf32, #tpu.memory_space<vmem>>, vector<1x512x128xf32>
    %get3A_21 = vector.shape_cast %get3A_20 : vector<1x512x128xf32> to vector<512x128xf32>
    %get3A_22 = arith.constant 2 : index
    %get3A_23 = arith.constant 0 : index
    %get3A_24 = arith.constant 0 : index
    %get3A_25 = vector.load %arg1[%get3A_22, %get3A_23, %get3A_24] : memref<4x512x128xf32, #tpu.memory_space<vmem>>, vector<1x512x128xf32>
    %get3A_26 = vector.shape_cast %get3A_25 : vector<1x512x128xf32> to vector<512x128xf32>
    %get3A_27 = arith.constant 3 : index
    %get3A_28 = arith.constant 0 : index
    %get3A_29 = arith.constant 0 : index
    %get3A_30 = vector.load %arg1[%get3A_27, %get3A_28, %get3A_29] : memref<4x512x128xf32, #tpu.memory_space<vmem>>, vector<1x512x128xf32>
    %get3A_31 = vector.shape_cast %get3A_30 : vector<1x512x128xf32> to vector<512x128xf32>
    %concatenate3A = tpu.concatenate %get3A_16, %get3A_21, %get3A_26, %get3A_31 in 1 : vector<512x128xf32>, vector<512x128xf32>, vector<512x128xf32>, vector<512x128xf32> -> vector<512x512xf32>
    %mul3A = vector.broadcast %rsqrt3A : vector<512x1xf32> to vector<512x512xf32>
    %mul3A_32 = arith.mulf %concatenate3A, %mul3A : vector<512x512xf32>
    %get3A_33 = arith.constant 0 : index
    %get3A_34 = arith.constant 0 : index
    %get3A_35 = vector.load %arg4[%get3A_33, %get3A_34] : memref<1x512xf32, #tpu.memory_space<vmem>>, vector<1x512xf32>
    %add3A = vector.broadcast %get3A_35 : vector<1x512xf32> to vector<512x512xf32>
    %add3A_36 = arith.addf %mul3A_32, %add3A : vector<512x512xf32>
    %max3A_37 = arith.constant 0.000000e+00 : f32
    %max3A_38 = vector.broadcast %max3A_37 : f32 to vector<512x512xf32>
    %max3A_39 = arith.maximumf %add3A_36, %max3A_38 : vector<512x512xf32>
    %mul3A_40 = vector.broadcast %rsqrt3A_11 : vector<512x1xf32> to vector<512x512xf32>
    %mul3A_41 = arith.mulf %max3A_39, %mul3A_40 : vector<512x512xf32>
    %get3A_42 = arith.constant 0 : index
    %get3A_43 = arith.constant 0 : index
    %get3A_44 = vector.load %arg5[%get3A_42, %get3A_43] : memref<512x256xf32, #tpu.memory_space<vmem>>, vector<512x256xf32>
    %dot_general3A = arith.constant dense<0.000000e+00> : vector<512x256xf32>
    %dot_general3A_45 = tpu.matmul %mul3A_41, %get3A_44, %dot_general3A {dimension_numbers = #tpu.dot_dimension_numbers<[1], [0], [0], [1], [0, 0, 1, 1], [], []>, transpose_lhs_hint = false} : vector<512x512xf32>, vector<512x256xf32>, vector<512x256xf32> -> vector<512x256xf32>
    %slice3A_46 = vector.extract_strided_slice %dot_general3A_45 {offsets = [0, 0], sizes = [512, 128], strides = [1, 1]} : vector<512x256xf32> to vector<512x128xf32>
    %swap3A = arith.constant 0 : index
    %swap3A_47 = arith.constant 0 : index
    %swap3A_48 = arith.constant 0 : index
    %swap3A_49 = vector.load %arg6[%swap3A, %swap3A_47, %swap3A_48] : memref<2x512x128xf32, #tpu.memory_space<vmem>>, vector<1x512x128xf32>
    %swap3A_50 = vector.shape_cast %swap3A_49 : vector<1x512x128xf32> to vector<512x128xf32>
    %swap3A_51 = vector.shape_cast %slice3A_46 : vector<512x128xf32> to vector<1x512x128xf32>
    tpu.vector_store %arg6[%swap3A, %swap3A_47, %swap3A_48], %swap3A_51 {strides = array<i32>} : memref<2x512x128xf32, #tpu.memory_space<vmem>>, vector<1x512x128xf32>,
    %slice3A_52 = vector.extract_strided_slice %dot_general3A_45 {offsets = [0, 128], sizes = [512, 128], strides = [1, 1]} : vector<512x256xf32> to vector<512x128xf32>
    %swap3A_53 = arith.constant 1 : index
    %swap3A_54 = arith.constant 0 : index
    %swap3A_55 = arith.constant 0 : index
    %swap3A_56 = vector.load %arg6[%swap3A_53, %swap3A_54, %swap3A_55] : memref<2x512x128xf32, #tpu.memory_space<vmem>>, vector<1x512x128xf32>
    %swap3A_57 = vector.shape_cast %swap3A_56 : vector<1x512x128xf32> to vector<512x128xf32>
    %swap3A_58 = vector.shape_cast %slice3A_52 : vector<512x128xf32> to vector<1x512x128xf32>
    tpu.vector_store %arg6[%swap3A_53, %swap3A_54, %swap3A_55], %swap3A_58 {strides = array<i32>} : memref<2x512x128xf32, #tpu.memory_space<vmem>>, vector<1x512x128xf32>,
    return
  }
  func.func @transform_0(%arg0: i32) -> (i32, i32, i32) {
    %c0_i32 = arith.constant 0 : i32
    %c0_i32_0 = arith.constant 0 : i32
    %c0_i32_1 = arith.constant 0 : i32
    return %c0_i32, %arg0, %c0_i32_0 : i32, i32, i32
  }
  func.func @transform_1(%arg0: i32) -> (i32, i32) {
    %add3A = arith.constant 20 : i32
    %add3A_0 = arith.addi %arg0, %add3A : i32
    %c0_i32 = arith.constant 0 : i32
    %c0_i32_1 = arith.constant 0 : i32
    return %add3A_0, %c0_i32 : i32, i32
  }
  func.func @transform_2(%arg0: i32) -> (i32, i32) {
    %c0_i32 = arith.constant 0 : i32
    %c0_i32_0 = arith.constant 0 : i32
    return %arg0, %c0_i32 : i32, i32
  }
  func.func @transform_3(%arg0: i32) -> (i32, i32) {
    %c0_i32 = arith.constant 0 : i32
    %c0_i32_0 = arith.constant 0 : i32
    %c0_i32_1 = arith.constant 0 : i32
    return %c0_i32, %c0_i32_0 : i32, i32
  }
  func.func @transform_4(%arg0: i32) -> (i32, i32) {
    %c0_i32 = arith.constant 0 : i32
    %c0_i32_0 = arith.constant 0 : i32
    %c0_i32_1 = arith.constant 0 : i32
    return %c0_i32, %c0_i32_0 : i32, i32
  }
  func.func @transform_5(%arg0: i32) -> (i32, i32, i32) {
    %c0_i32 = arith.constant 0 : i32
    %c0_i32_0 = arith.constant 0 : i32
    %c0_i32_1 = arith.constant 0 : i32
    return %c0_i32, %arg0, %c0_i32_0 : i32, i32, i32
  }
}

module attributes {stable_mosaic.version = 14 : i64} {
  func.func @_layer_body(%arg0: i32, %arg1: memref<4x512x128xf32, #tpu.memory_space<vmem>>, %arg2: memref<512x128xf32, #tpu.memory_space<vmem>>, %arg3: memref<512x128xf32, #tpu.memory_space<vmem>>, %arg4: memref<1x512xf32, #tpu.memory_space<vmem>>, %arg5: memref<512x512xf32, #tpu.memory_space<vmem>>, %arg6: memref<4x512x128xf32, #tpu.memory_space<vmem>>) attributes {dimension_semantics = [#tpu.dimension_semantics<arbitrary>], iteration_bounds = array<i64: 20>, scalar_prefetch = 0 : i64, scratch_operands = 0 : i64, tpu.core_type = #tpu.core_type<tc>, window_params = [{transform_indices = @transform_0, window_bounds = array<i64: 4, 512, 128>}, {transform_indices = @transform_1, window_bounds = array<i64: 512, 128>}, {transform_indices = @transform_2, window_bounds = array<i64: 512, 128>}, {pipeline_mode = #tpu.pipeline_mode<synchronous>, transform_indices = @transform_3, window_bounds = array<i64: 1, 512>}, {pipeline_mode = #tpu.pipeline_mode<synchronous>, transform_indices = @transform_4, window_bounds = array<i64: 512, 512>}, {transform_indices = @transform_5, window_bounds = array<i64: 4, 512, 128>}]} {
    %get3A = arith.constant 0 : index
    %get3A_0 = arith.constant 0 : index
    %get3A_1 = vector.load %arg2[%get3A, %get3A_0] : memref<512x128xf32, #tpu.memory_space<vmem>>, vector<512x128xf32>
    %slice3A = vector.extract_strided_slice %get3A_1 {offsets = [0, 0], sizes = [512, 1], strides = [1, 1]} : vector<512x128xf32> to vector<512x1xf32>
    %max3A = arith.constant 1.000000e+00 : f32
    %max3A_2 = vector.broadcast %max3A : f32 to vector<512x1xf32>
    %max3A_3 = arith.maximumf %slice3A, %max3A_2 : vector<512x1xf32>
    %rsqrt3A = math.rsqrt %max3A_3 : vector<512x1xf32>
    %get3A_4 = arith.constant 0 : index
    %get3A_5 = arith.constant 0 : index
    %get3A_6 = vector.load %arg3[%get3A_4, %get3A_5] : memref<512x128xf32, #tpu.memory_space<vmem>>, vector<512x128xf32>
    %slice3A_7 = vector.extract_strided_slice %get3A_6 {offsets = [0, 0], sizes = [512, 1], strides = [1, 1]} : vector<512x128xf32> to vector<512x1xf32>
    %max3A_8 = arith.constant 1.000000e+00 : f32
    %max3A_9 = vector.broadcast %max3A_8 : f32 to vector<512x1xf32>
    %max3A_10 = arith.maximumf %slice3A_7, %max3A_9 : vector<512x1xf32>
    %rsqrt3A_11 = math.rsqrt %max3A_10 : vector<512x1xf32>
    %get3A_12 = arith.constant 0 : index
    %get3A_13 = arith.constant 0 : index
    %get3A_14 = arith.constant 0 : index
    %get3A_15 = vector.load %arg1[%get3A_12, %get3A_13, %get3A_14] : memref<4x512x128xf32, #tpu.memory_space<vmem>>, vector<1x512x128xf32>
    %get3A_16 = vector.shape_cast %get3A_15 : vector<1x512x128xf32> to vector<512x128xf32>
    %get3A_17 = arith.constant 1 : index
    %get3A_18 = arith.constant 0 : index
    %get3A_19 = arith.constant 0 : index
    %get3A_20 = vector.load %arg1[%get3A_17, %get3A_18, %get3A_19] : memref<4x512x128xf32, #tpu.memory_space<vmem>>, vector<1x512x128xf32>
    %get3A_21 = vector.shape_cast %get3A_20 : vector<1x512x128xf32> to vector<512x128xf32>
    %get3A_22 = arith.constant 2 : index
    %get3A_23 = arith.constant 0 : index
    %get3A_24 = arith.constant 0 : index
    %get3A_25 = vector.load %arg1[%get3A_22, %get3A_23, %get3A_24] : memref<4x512x128xf32, #tpu.memory_space<vmem>>, vector<1x512x128xf32>
    %get3A_26 = vector.shape_cast %get3A_25 : vector<1x512x128xf32> to vector<512x128xf32>
    %get3A_27 = arith.constant 3 : index
    %get3A_28 = arith.constant 0 : index
    %get3A_29 = arith.constant 0 : index
    %get3A_30 = vector.load %arg1[%get3A_27, %get3A_28, %get3A_29] : memref<4x512x128xf32, #tpu.memory_space<vmem>>, vector<1x512x128xf32>
    %get3A_31 = vector.shape_cast %get3A_30 : vector<1x512x128xf32> to vector<512x128xf32>
    %concatenate3A = tpu.concatenate %get3A_16, %get3A_21, %get3A_26, %get3A_31 in 1 : vector<512x128xf32>, vector<512x128xf32>, vector<512x128xf32>, vector<512x128xf32> -> vector<512x512xf32>
    %mul3A = vector.broadcast %rsqrt3A : vector<512x1xf32> to vector<512x512xf32>
    %mul3A_32 = arith.mulf %concatenate3A, %mul3A : vector<512x512xf32>
    %get3A_33 = arith.constant 0 : index
    %get3A_34 = arith.constant 0 : index
    %get3A_35 = vector.load %arg4[%get3A_33, %get3A_34] : memref<1x512xf32, #tpu.memory_space<vmem>>, vector<1x512xf32>
    %add3A = vector.broadcast %get3A_35 : vector<1x512xf32> to vector<512x512xf32>
    %add3A_36 = arith.addf %mul3A_32, %add3A : vector<512x512xf32>
    %max3A_37 = arith.constant 0.000000e+00 : f32
    %max3A_38 = vector.broadcast %max3A_37 : f32 to vector<512x512xf32>
    %max3A_39 = arith.maximumf %add3A_36, %max3A_38 : vector<512x512xf32>
    %mul3A_40 = vector.broadcast %rsqrt3A_11 : vector<512x1xf32> to vector<512x512xf32>
    %mul3A_41 = arith.mulf %max3A_39, %mul3A_40 : vector<512x512xf32>
    %get3A_42 = arith.constant 0 : index
    %get3A_43 = arith.constant 0 : index
    %get3A_44 = vector.load %arg5[%get3A_42, %get3A_43] : memref<512x512xf32, #tpu.memory_space<vmem>>, vector<512x512xf32>
    %dot_general3A = arith.constant dense<0.000000e+00> : vector<512x512xf32>
    %dot_general3A_45 = tpu.matmul %mul3A_41, %get3A_44, %dot_general3A {dimension_numbers = #tpu.dot_dimension_numbers<[1], [0], [0], [1], [0, 0, 1, 1], [], []>, transpose_lhs_hint = false} : vector<512x512xf32>, vector<512x512xf32>, vector<512x512xf32> -> vector<512x512xf32>
    %slice3A_46 = vector.extract_strided_slice %dot_general3A_45 {offsets = [0, 0], sizes = [512, 128], strides = [1, 1]} : vector<512x512xf32> to vector<512x128xf32>
    %swap3A = arith.constant 0 : index
    %swap3A_47 = arith.constant 0 : index
    %swap3A_48 = arith.constant 0 : index
    %swap3A_49 = vector.load %arg6[%swap3A, %swap3A_47, %swap3A_48] : memref<4x512x128xf32, #tpu.memory_space<vmem>>, vector<1x512x128xf32>
    %swap3A_50 = vector.shape_cast %swap3A_49 : vector<1x512x128xf32> to vector<512x128xf32>
    %swap3A_51 = vector.shape_cast %slice3A_46 : vector<512x128xf32> to vector<1x512x128xf32>
    tpu.vector_store %arg6[%swap3A, %swap3A_47, %swap3A_48], %swap3A_51 {strides = array<i32>} : memref<4x512x128xf32, #tpu.memory_space<vmem>>, vector<1x512x128xf32>,
    %slice3A_52 = vector.extract_strided_slice %dot_general3A_45 {offsets = [0, 128], sizes = [512, 128], strides = [1, 1]} : vector<512x512xf32> to vector<512x128xf32>
    %swap3A_53 = arith.constant 1 : index
    %swap3A_54 = arith.constant 0 : index
    %swap3A_55 = arith.constant 0 : index
    %swap3A_56 = vector.load %arg6[%swap3A_53, %swap3A_54, %swap3A_55] : memref<4x512x128xf32, #tpu.memory_space<vmem>>, vector<1x512x128xf32>
    %swap3A_57 = vector.shape_cast %swap3A_56 : vector<1x512x128xf32> to vector<512x128xf32>
    %swap3A_58 = vector.shape_cast %slice3A_52 : vector<512x128xf32> to vector<1x512x128xf32>
    tpu.vector_store %arg6[%swap3A_53, %swap3A_54, %swap3A_55], %swap3A_58 {strides = array<i32>} : memref<4x512x128xf32, #tpu.memory_space<vmem>>, vector<1x512x128xf32>,
    %slice3A_59 = vector.extract_strided_slice %dot_general3A_45 {offsets = [0, 256], sizes = [512, 128], strides = [1, 1]} : vector<512x512xf32> to vector<512x128xf32>
    %swap3A_60 = arith.constant 2 : index
    %swap3A_61 = arith.constant 0 : index
    %swap3A_62 = arith.constant 0 : index
    %swap3A_63 = vector.load %arg6[%swap3A_60, %swap3A_61, %swap3A_62] : memref<4x512x128xf32, #tpu.memory_space<vmem>>, vector<1x512x128xf32>
    %swap3A_64 = vector.shape_cast %swap3A_63 : vector<1x512x128xf32> to vector<512x128xf32>
    %swap3A_65 = vector.shape_cast %slice3A_59 : vector<512x128xf32> to vector<1x512x128xf32>
    tpu.vector_store %arg6[%swap3A_60, %swap3A_61, %swap3A_62], %swap3A_65 {strides = array<i32>} : memref<4x512x128xf32, #tpu.memory_space<vmem>>, vector<1x512x128xf32>,
    %slice3A_66 = vector.extract_strided_slice %dot_general3A_45 {offsets = [0, 384], sizes = [512, 128], strides = [1, 1]} : vector<512x512xf32> to vector<512x128xf32>
    %swap3A_67 = arith.constant 3 : index
    %swap3A_68 = arith.constant 0 : index
    %swap3A_69 = arith.constant 0 : index
    %swap3A_70 = vector.load %arg6[%swap3A_67, %swap3A_68, %swap3A_69] : memref<4x512x128xf32, #tpu.memory_space<vmem>>, vector<1x512x128xf32>
    %swap3A_71 = vector.shape_cast %swap3A_70 : vector<1x512x128xf32> to vector<512x128xf32>
    %swap3A_72 = vector.shape_cast %slice3A_66 : vector<512x128xf32> to vector<1x512x128xf32>
    tpu.vector_store %arg6[%swap3A_67, %swap3A_68, %swap3A_69], %swap3A_72 {strides = array<i32>} : memref<4x512x128xf32, #tpu.memory_space<vmem>>, vector<1x512x128xf32>,
    return
  }
  func.func @transform_0(%arg0: i32) -> (i32, i32, i32) {
    %c0_i32 = arith.constant 0 : i32
    %c0_i32_0 = arith.constant 0 : i32
    %c0_i32_1 = arith.constant 0 : i32
    return %c0_i32, %arg0, %c0_i32_0 : i32, i32, i32
  }
  func.func @transform_1(%arg0: i32) -> (i32, i32) {
    %add3A = arith.constant 20 : i32
    %add3A_0 = arith.addi %arg0, %add3A : i32
    %c0_i32 = arith.constant 0 : i32
    %c0_i32_1 = arith.constant 0 : i32
    return %add3A_0, %c0_i32 : i32, i32
  }
  func.func @transform_2(%arg0: i32) -> (i32, i32) {
    %c0_i32 = arith.constant 0 : i32
    %c0_i32_0 = arith.constant 0 : i32
    return %arg0, %c0_i32 : i32, i32
  }
  func.func @transform_3(%arg0: i32) -> (i32, i32) {
    %c0_i32 = arith.constant 0 : i32
    %c0_i32_0 = arith.constant 0 : i32
    %c0_i32_1 = arith.constant 0 : i32
    return %c0_i32, %c0_i32_0 : i32, i32
  }
  func.func @transform_4(%arg0: i32) -> (i32, i32) {
    %c0_i32 = arith.constant 0 : i32
    %c0_i32_0 = arith.constant 0 : i32
    %c0_i32_1 = arith.constant 0 : i32
    return %c0_i32, %c0_i32_0 : i32, i32
  }
  func.func @transform_5(%arg0: i32) -> (i32, i32, i32) {
    %c0_i32 = arith.constant 0 : i32
    %c0_i32_0 = arith.constant 0 : i32
    %c0_i32_1 = arith.constant 0 : i32
    return %c0_i32, %arg0, %c0_i32_0 : i32, i32, i32
  }
}

module attributes {stable_mosaic.version = 14 : i64} {
  func.func @_final_body(%arg0: i32, %arg1: memref<2x512x128xf32, #tpu.memory_space<vmem>>, %arg2: memref<512x128xf32, #tpu.memory_space<vmem>>, %arg3: memref<1x256xf32, #tpu.memory_space<vmem>>, %arg4: memref<512x256xf32, #tpu.memory_space<vmem>>) attributes {dimension_semantics = [#tpu.dimension_semantics<arbitrary>], iteration_bounds = array<i64: 20>, scalar_prefetch = 0 : i64, scratch_operands = 0 : i64, tpu.core_type = #tpu.core_type<tc>, window_params = [{transform_indices = @transform_0, window_bounds = array<i64: 2, 512, 128>}, {transform_indices = @transform_1, window_bounds = array<i64: 512, 128>}, {pipeline_mode = #tpu.pipeline_mode<synchronous>, transform_indices = @transform_2, window_bounds = array<i64: 1, 256>}, {transform_indices = @transform_3, window_bounds = array<i64: 512, 256>}]} {
    %get3A = arith.constant 0 : index
    %get3A_0 = arith.constant 0 : index
    %get3A_1 = vector.load %arg2[%get3A, %get3A_0] : memref<512x128xf32, #tpu.memory_space<vmem>>, vector<512x128xf32>
    %slice3A = vector.extract_strided_slice %get3A_1 {offsets = [0, 0], sizes = [512, 1], strides = [1, 1]} : vector<512x128xf32> to vector<512x1xf32>
    %max3A = arith.constant 1.000000e+00 : f32
    %max3A_2 = vector.broadcast %max3A : f32 to vector<512x1xf32>
    %max3A_3 = arith.maximumf %slice3A, %max3A_2 : vector<512x1xf32>
    %rsqrt3A = math.rsqrt %max3A_3 : vector<512x1xf32>
    %get3A_4 = arith.constant 0 : index
    %get3A_5 = arith.constant 0 : index
    %get3A_6 = arith.constant 0 : index
    %get3A_7 = vector.load %arg1[%get3A_4, %get3A_5, %get3A_6] : memref<2x512x128xf32, #tpu.memory_space<vmem>>, vector<1x512x128xf32>
    %get3A_8 = vector.shape_cast %get3A_7 : vector<1x512x128xf32> to vector<512x128xf32>
    %get3A_9 = arith.constant 1 : index
    %get3A_10 = arith.constant 0 : index
    %get3A_11 = arith.constant 0 : index
    %get3A_12 = vector.load %arg1[%get3A_9, %get3A_10, %get3A_11] : memref<2x512x128xf32, #tpu.memory_space<vmem>>, vector<1x512x128xf32>
    %get3A_13 = vector.shape_cast %get3A_12 : vector<1x512x128xf32> to vector<512x128xf32>
    %concatenate3A = tpu.concatenate %get3A_8, %get3A_13 in 1 : vector<512x128xf32>, vector<512x128xf32> -> vector<512x256xf32>
    %mul3A = vector.broadcast %rsqrt3A : vector<512x1xf32> to vector<512x256xf32>
    %mul3A_14 = arith.mulf %concatenate3A, %mul3A : vector<512x256xf32>
    %get3A_15 = arith.constant 0 : index
    %get3A_16 = arith.constant 0 : index
    %get3A_17 = vector.load %arg3[%get3A_15, %get3A_16] : memref<1x256xf32, #tpu.memory_space<vmem>>, vector<1x256xf32>
    %add3A = vector.broadcast %get3A_17 : vector<1x256xf32> to vector<512x256xf32>
    %add3A_18 = arith.addf %mul3A_14, %add3A : vector<512x256xf32>
    %swap3A = arith.constant 0 : index
    %swap3A_19 = arith.constant 0 : index
    %swap3A_20 = vector.load %arg4[%swap3A, %swap3A_19] : memref<512x256xf32, #tpu.memory_space<vmem>>, vector<512x256xf32>
    tpu.vector_store %arg4[%swap3A, %swap3A_19], %add3A_18 {strides = array<i32>} : memref<512x256xf32, #tpu.memory_space<vmem>>, vector<512x256xf32>,
    return
  }
  func.func @transform_0(%arg0: i32) -> (i32, i32, i32) {
    %c0_i32 = arith.constant 0 : i32
    %c0_i32_0 = arith.constant 0 : i32
    %c0_i32_1 = arith.constant 0 : i32
    return %c0_i32, %arg0, %c0_i32_0 : i32, i32, i32
  }
  func.func @transform_1(%arg0: i32) -> (i32, i32) {
    %add3A = arith.constant 20 : i32
    %add3A_0 = arith.addi %arg0, %add3A : i32
    %c0_i32 = arith.constant 0 : i32
    %c0_i32_1 = arith.constant 0 : i32
    return %add3A_0, %c0_i32 : i32, i32
  }
  func.func @transform_2(%arg0: i32) -> (i32, i32) {
    %c0_i32 = arith.constant 0 : i32
    %c0_i32_0 = arith.constant 0 : i32
    %c0_i32_1 = arith.constant 0 : i32
    return %c0_i32, %c0_i32_0 : i32, i32
  }
  func.func @transform_3(%arg0: i32) -> (i32, i32) {
    %c0_i32 = arith.constant 0 : i32
    %c0_i32_0 = arith.constant 0 : i32
    return %arg0, %c0_i32 : i32, i32
  }
}

</mosaic_0001>

<sc_bundles>
// kernel: kernel.12.cloned.1.call-start
scs
__scs_entry_jumppad:
0x0: {  	(pc) =	sbr.rel $0x88, $3  }
0x1: {  	(tag) =	ssettag $0x0;
	lr =	simm.s32 $0x1  }
0x2: {  	[smem:$0x3F82] =	sst lr;
	_ =	strace $0xD0000000  }
0x3: {  	_ = 	snop  }
0x4: {  	_ = 	snop  }
0x5: {  	_ = 	snop  }
0x6: {  	_ = 	snop  }
0x7: {  	_ = 	snop  }
__scs_overlays_trampoline_lowered:
0x8: {  	[smem:$0x3F91] =	sst s0  }
0x9: {  	[smem:$0x3F92] =	sst s1  }
0xa: {  	[smem:$0x3F93] =	sst s2  }
0xb: {  	[smem:$0x3F94] =	sst s3  }
0xc: {  	[smem:$0x3F95] =	sst s4  }
0xd: {  	[smem:$0x3F96] =	sst s5  }
0xe: {  	[smem:$0x3F97] =	sst s6  }
0xf: {  	[smem:$0x3F98] =	sst s7  }
0x10: {  	[smem:$0x3F99] =	sst s8  }
0x11: {  	[smem:$0x3F9A] =	sst s9;
	s0 =	simm.s32 @!p0 $0x0  }
0x12: {  	s1 =	sld [smem:$0x3F80];
	s0 =	simm.s32 @p0 $0x1  }
0x13: {  	[smem:$0x3F9B] =	sst s0;
	s0 =	simm.s32 @!p1 $0x0  }
0x14: {  	s2 =	sld [smem:$0x3F7F];
	s0 =	simm.s32 @p1 $0x1  }
0x15: {  	[smem:$0x3F9C] =	sst s0;
	s0 =	simm.s32 @!p2 $0x0  }
0x16: {  	s3 =	sld [smem:$0x3FDB];
	s0 =	simm.s32 @p2 $0x1  }
0x17: {  	s4 =	simm.s32 $0x1BF5;
	[smem:$0x3F9E] =	sst s0  }
0x18: {  	s0 =	sld [smem:$0x3F81];
	_ =	swait.ge [sflag:s4], $0x0  }
0x19: {  	s7 =	sld [smem:$0x3F82]  }
0x1a: {  	s8 =	sadd.s32 $0xFFFFE003, lr  }
0x1b: {  	s9 =	sadd.s32 $0xFFFFFEF7, lr;
	s5 =	simm.s32 $0xFFFFFFFF;
	p2 =	slt.u32 s8, $0xFFFFF086  }
0x1c: {  	p1 =	slt.u32 s9, $0xF7A;
	s5 =	simm.s32 @!p2 $0x0  }
0x1d: {  	s5 =	simm.s32 @p1 $0x1;
	p0 =	seq.s32 s7, s2  }
0x1e: {  	s7 =	smul.u32 @!p0 $0xF7A, s2;
	p2 =	seq.s32 @!p0 s5, $0x0  }
0x1f: {  	s9 =	smul.u32 $0xF7A, s1;
	s8 =	simm.s32 @!p0 $0x1BF5;
	p2 =	por !p2, p0  }
0x20: {  	[sflag:s8] =	ssyncset.s32 @!p0 $0xFFFFF086;
	s6 =	sadd.s32 @!p0 s3, s7;
	s7 =	simm.s32 @!p0 $0x108  }
0x21: {  	s3 =	sadd.s32 s3, s9;
	s6 =	sadd.s32 @!p0 $0x88, s6;
	s7 =	simm.s32 @p2 $0x1082  }
0x22: {  	[simem:s7], [sflag:s8] =	dma.local @!p0 [hbm:s6], $0xF7A  }
0x23: {  	s9 =	sor.u32 $0xD0000000, s2;
	s6 =	simm.s32 $0x108;
	_ =	swait.ge @!p0 [sflag:s8], $0x0  }
0x24: {  	s3 =	sadd.s32 $0x88, s3;
	s6 =	simm.s32 @!p1 $0x1082;
	[sflag:s4] =	ssyncset.s32 $0xFFFFF086  }
0x25: {  	[simem:s6], [sflag:s4] =	dma.local [hbm:s3], $0xF7A  }
0x26: {  	[smem:$0x3F82] =	sst s1;
	(tag) =	ssettag s2;
	_ =	strace s9  }
0x27: {  	s1 =	sld [smem:$0x3F92]  }
0x28: {  	s2 =	sld [smem:$0x3F93]  }
0x29: {  	s4 =	sld [smem:$0x3F95]  }
0x2a: {  	p0 =	seq.s32 s5, $0x0;
	s5 =	sld [smem:$0x3F96]  }
0x2b: {  	s6 =	sld [smem:$0x3F97]  }
0x2c: {  	s7 =	sld [smem:$0x3F98]  }
0x2d: {  	s3 =	simm.s32 $0x108;
	s8 =	sld [smem:$0x3F99]  }
0x2e: {  	s3 =	simm.s32 @!p0 $0x1082;
	s9 =	sld [smem:$0x3F9A]  }
0x2f: {  	lr =	sadd.s32 s0, s3;
	s0 =	sld [smem:$0x3F91]  }
0x30: {  	s3 =	sld [smem:$0x3F94]  }
0x31: {  	[smem:$0x3F9D] =	sst s10  }
0x32: {  	s10 =	sld [smem:$0x3F9B];
	_ =	sdelay $0x3  }
0x33: {  	p0 =	seq.s32 s10, $0x1;
	s10 =	sld [smem:$0x3F9D];
	_ =	sdelay $0x3  }
0x34: {  	[smem:$0x3F9D] =	sst s10  }
0x35: {  	s10 =	sld [smem:$0x3F9C];
	_ =	sdelay $0x3  }
0x36: {  	p1 =	seq.s32 s10, $0x1;
	s10 =	sld [smem:$0x3F9D];
	_ =	sdelay $0x3  }
0x37: {  	[smem:$0x3F9D] =	sst s10  }
0x38: {  	s10 =	sld [smem:$0x3F9E]  }
0x39: {  	_ = 	snop;
	(pc) =	sbr.ind lr, $3  }
0x3a: {  	_ = 	snop  }
0x3b: {  	_ = 	snop  }
0x3c: {  	p2 =	seq.s32 s10, $0x1;
	s10 =	sld [smem:$0x3F9D]  }
0x3d: {  	_ =	shalt  }
0x3e: {  	_ =	shalt  }
0x3f: {  	_ =	shalt  }
0x40: {  	_ =	shalt  }
0x41: {  	_ =	shalt  }
0x42: {  	_ =	shalt  }
0x43: {  	_ =	shalt  }
0x44: {  	_ =	shalt  }
0x45: {  	_ =	shalt  }
0x46: {  	_ =	shalt  }
0x47: {  	_ =	shalt  }
0x48: {  	_ =	shalt  }
0x49: {  	_ =	shalt  }
0x4a: {  	_ =	shalt  }
0x4b: {  	_ =	shalt  }
0x4c: {  	_ =	shalt  }
0x4d: {  	_ =	shalt  }
0x4e: {  	_ =	shalt  }
0x4f: {  	_ =	shalt  }
0x50: {  	_ =	shalt  }
0x51: {  	_ =	shalt  }
0x52: {  	_ =	shalt  }
0x53: {  	_ =	shalt  }
0x54: {  	_ =	shalt  }
0x55: {  	_ =	shalt  }
0x56: {  	_ =	shalt  }
0x57: {  	_ =	shalt  }
0x58: {  	_ =	shalt  }
0x59: {  	_ =	shalt  }
0x5a: {  	_ =	shalt  }
0x5b: {  	_ =	shalt  }
0x5c: {  	_ =	shalt  }
0x5d: {  	_ =	shalt  }
0x5e: {  	_ =	shalt  }
0x5f: {  	_ =	shalt  }
0x60: {  	_ =	shalt  }
0x61: {  	_ =	shalt  }
0x62: {  	_ =	shalt  }
0x63: {  	_ =	shalt  }
0x64: {  	_ =	shalt  }
0x65: {  	_ =	shalt  }
0x66: {  	_ =	shalt  }
0x67: {  	_ =	shalt  }
0x68: {  	_ =	shalt  }
0x69: {  	_ =	shalt  }
0x6a: {  	_ =	shalt  }
0x6b: {  	_ =	shalt  }
0x6c: {  	_ =	shalt  }
0x6d: {  	_ =	shalt  }
0x6e: {  	_ =	shalt  }
0x6f: {  	_ =	shalt  }
0x70: {  	_ =	shalt  }
0x71: {  	_ =	shalt  }
0x72: {  	_ =	shalt  }
0x73: {  	_ =	shalt  }
0x74: {  	_ =	shalt  }
0x75: {  	_ =	shalt  }
0x76: {  	_ =	shalt  }
0x77: {  	_ =	shalt  }
0x78: {  	_ =	shalt  }
0x79: {  	_ =	shalt  }
0x7a: {  	_ =	shalt  }
0x7b: {  	_ =	shalt  }
0x7c: {  	_ =	shalt  }
0x7d: {  	_ =	shalt  }
0x7e: {  	_ =	shalt  }
0x7f: {  	_ =	shalt  }
0x80: {  	_ =	shalt  }
0x81: {  	_ =	shalt  }
0x82: {  	_ =	shalt  }
0x83: {  	_ =	shalt  }
0x84: {  	_ =	shalt  }
0x85: {  	_ =	shalt  }
0x86: {  	_ =	shalt  }
0x87: {  	_ =	shalt  }
.Lfunc_end0:
.L_simem_size_0:
called_computation_lowered:
.L_overlay_start_0:
0x88: {  	s2 =	sld [smem:$0x3FD9]  }
0x89: {  	s3 =	sld [smem:$0x3FFE];
	_ =	sdelay $0x1  }
0x8a: {  	s1 =	srdreg.scid  }
0x8b: {  	s0 =	sand.u32 $0x1, s1  }
0x8c: {  	s16 =	sshll.u32 s0, $0xA;
	s2 =	sadd.s32 s3, s2  }
0x8d: {  	s2 =	sadd.s32 s2, s16  }
0x8e: {  	[smem:$0x3FA9] =	sst s2  }
0x8f: {  	_ = 	snop  }
0x90: {  	(tm) =	ssettm $0x1  }
0x91: {  	s17 =	sld [smem:$0x3FFB];
	_ =	sdelay $0x3  }
0x92: {  	_ =	strace s17  }
0x93: {  	s2 =	sld [smem:$0x3FFC];
	_ =	sdelay $0x3  }
0x94: {  	_ =	strace s2  }
0x95: {  	s2 =	sld [smem:$0x3FFD];
	_ =	sdelay $0x3  }
0x96: {  	_ =	strace s2  }
0x97: {  	_ =	strace $0x8FFFFFFF  }
0x98: {  	s18 =	sld [smem:$0x3FDB];
	_ =	sdelay $0x1  }
0x99: {  	s19 =	simm.s32 $_scs_section_size  }
0x9a: {  	s4 =	simm.s32 $_size__tile_overlayer_lowered;
	s5 =	simm.s32 $_tile_overlayer_lowered  }
0x9b: {  	s22 =	simm.s32 $0x1BFF;
	s21 =	sshll.u32 s5, $0x1;
	s2 =	sadd.s32 s19, s18  }
0x9c: {  	s6 =	simm.s32 $0x0;
	s20 =	sshll.u32 s4, $0x1;
	s4 =	sadd.s32 s21, s2  }
0x9d: {  	[timem:s6], [sflag:s22] =	dma.local [hbm:s4], s20  }
0x9e: {  	_ =	swait.ge [sflag:s22], s20  }
0x9f: {  	s3 =	ssub.s32 $0x0, s20;
	[sflag:s22] =	ssyncset.done $0x0  }
0xa0: {  	[sflag:s22] =	ssyncadd.s32 s3;
	_ =	sdelay $0x1  }
0xa1: {  	s23 =	simm.s32 $0x1B8B  }
0xa2: {  	_ =	swait.ge [sflag:s23], $0x1  }
0xa3: {  	[sflag:s23] =	ssyncset.done $0x0  }
0xa4: {  	s25 =	simm.s32 $0x1B8E;
	s24 =	sld [smem:$0x3FFE];
	[sflag:s23] =	ssyncadd.s32 $0xFFFFFFFF  }
0xa5: {  	s26 =	simm.s32 $execute0_lowered;
	[smem:$0x3FD2] =	sst s25  }
0xa6: {  	s4 =	sshll.u32 s26, $0x1;
	_ =	strace $0x80000046;
	[dreg:$0x1] =	wrdreg $0xFFFFFFFF  }
0xa7: {  	s28 =	simm.s32 $_size_execute0_lowered;
	s2 =	sadd.s32 s2, s4;
	[dreg:$0x0] =	wrdreg $0x0  }
0xa8: {  	s4 =	sshll.u32 s28, $0x1;
	[dreg:$0x2] =	wrdreg s2  }
0xa9: {  	[dreg:$0x3] =	wrdreg s4  }
0xaa: {  	[dreg:$0x4] =	wrdreg $0xC0  }
0xab: {  	_ =	task [dreg:s6], $0x5FFFF  }
0xac: {  	[dreg:$0x1] =	wrdreg $0xFFFFFFFF  }
0xad: {  	[dreg:$0x0] =	wrdreg $0x60  }
0xae: {  	[dreg:$0x2] =	wrdreg s24  }
0xaf: {  	[dreg:$0x3] =	wrdreg $0x68000  }
0xb0: {  	[dreg:$0x4] =	wrdreg $0x9  }
0xb1: {  	_ =	task.clear_ibuf [dreg:s6], $0x5FFFF;
	_ =	strace $0x90000046  }
0xb2: {  	s29 =	simm.s32 $0x9;
	_ =	strace $0x80000048  }
0xb3: {  	_ =	swait.ge [sflag:s29], $0x1  }
0xb4: {  	[sflag:s29] =	ssyncadd.s32 $0xFFFFFFFF  }
0xb5: {  	_ =	strace $0x90000048  }
0xb6: {  	_ =	sfence  }
0xb7: {  	s30 =	sld [smem:$0x0];
	_ =	sdelay $0x2  }
0xb8: {  	s31 =	sshll.u32 s1, $0xD;
	s1 =	sshrl.u32 s1, $0x2  }
0xb9: {  	s3 =	sand.u32 $0x4000, s31;
	s1 =	sadd.s32 s1, s30  }
0xba: {  	s0 =	sor.u32 s3, s0;
	s1 =	sshll.u32 s1, $0x11  }
0xbb: {  	s0 =	sor.u32 s1, s0  }
0xbc: {  	s0 =	sadd.s32 $0x8F2B, s0  }
0xbd: {  	[sflag:s0] =	ssyncadd.remote.s32 $0x1  }
0xbe: {  	_ =	sfence.sel $0xFFFF  }
0xbf: {  	[dreg:$0x0] =	wrdreg $0xFFFFFFFF;
	(pc) =	sbr.abs _section_cstart, $3  }
0xc0: {  	[dreg:$0x1] =	wrdreg $0xFFFFFFFF  }
0xc1: {  	_ =	task.clear_ibuf [dreg:s6], $0x2FFFF;
	_ =	strace $0x9FFFFFFF  }
0xc2: {  	(tm) =	ssettm $0x7FFFFFFF  }
0xc3: {  	_ =	shalt  }
tec
execute0_lowered:
.L_overlay_start_1:
0x0: {  	(tag) =	ssettag $0x1  }
0x1: {  	s6 =	rddreg [dreg:$0x0]  }
0x2: {  	s0 =	srdreg.scid;
	s2 =	rddreg [dreg:$0x1]  }
0x3: {  	s3 =	simm.s32 $0x0;
	s5 =	sand.u32 $0x1, s0;
	s0 =	stileid.u32  }
0x4: {  	s13 =	simm.s32 $0x80;
	s14 =	simm.s32 $0x1;
	s7 =	smul.u32 $0x2800, s0  }
0x5: {  	s15 =	simm.s32 $0x0;
	[smem:$0x7FF] =	sst s3;
	s9 =	smul.u32 $0x28000, s5  }
0x6: {  	s1 =	sshll.u32 s5, $0x4;
	s10 =	ssub.s32 $0x2, s5;
	s11 =	smul.u32 $0x50000, s0  }
0x7: {  	s5 =	sadd.s32 $0x10200, s6;
	s31 =	sshll.u32 s0, $0x6;
	s4 =	sor.u32 s0, s1  }
0x8: {  	s1 =	rddreg [dreg:$0x2];
	_ =	strace $0x80000047;
	s29 =	sshrl.u32 s10, $0x1  }
0x9: {  	s4 =	smul.u32 $0x500, s4;
	s7 =	sadd.s32 s7, s9;
	s9 =	ssub.s32 s10, s29  }
0xa: {  	s30 =	sshrl.u32 s11, $0x2;
	s10 =	simm.s32 $0x2;
	s11 =	sor.u32 $0x1C02, s31  }
0xb: {  	s7 =	sadd.s32 s7, s6;
	s12 =	sadd.s32 s30, s2;
	s8 =	sadd.s32 s4, s6  }
0xc: {  	s4 =	sadd.s32 $0x12A00, s6;
	s7 =	sadd.s32 $0x13200, s7;
	s12 =	sshrl.u32 s12, $0x3  }
0xd: {  	s6 =	sadd.s32 $0x6200, s8;
	s8 =	smax.u32 s9, $0x1;
	s9 =	simm.s32 $0x2800  }
.LBB2_1:
0xe: {  	[tilespmem:s9], [sflag:$0x2] =	stream.linear.gather [hbm4b:s4+s3], $0x4000, $0x38;
	[tilespmem:$0x1A800] =	vst v63  }
0xf: {  	_ =	swait.ge [sflag:s10], $0x4000  }
0x10: {  	[sflag:s10] =	ssyncset.done $0x0  }
0x11: {  	[sflag:s10] =	ssyncadd.s32 $0xFFFFC000  }
0x12: {  	[tilespmem:s3], [sflag:$0x2] =	stream.linear.gather [hbm4b:s6+s3], $0x2800, $0x38;
	[tilespmem:$0x1A800] =	vst v63  }
0x13: {  	_ =	swait.ge [sflag:s10], $0x2800  }
0x14: {  	[sflag:s10] =	ssyncset.done $0x0  }
0x15: {  	[sflag:s10] =	ssyncadd.s32 $0xFFFFD800  }
0x16: {  	[spmem:s12], [sflag:s11] =	dma.local [hbm:s5], $0x2800  }
0x17: {  	_ =	swait.ge [sflag:s10], $0x2800  }
0x18: {  	[sflag:s10] =	ssyncset.done $0x0  }
0x19: {  	[sflag:s10] =	ssyncadd.s32 $0xFFFFD800  }
0x1a: {  	s16 =	simm.s32 $0x0;
	[bflag:$0x0] =	sbarrier.arrive $0xFFFF  }
0x1b: {  	[spmem:s2] =	stream.indirect.scatter.add.f32 [tilespmem:s9], [sflag:$0x1], $0x80, s16, s13, $0xb8;
	[tilespmem:$0x1A800] =	vst v63  }
0x1c: {  	s24 =	simm.s32 $0x80  }
0x1d: {  	[spmem:s2] =	stream.indirect.scatter.add.f32 [tilespmem:s9], [sflag:$0x1], $0x80, s24, s13, $0xb8;
	[tilespmem:$0x1A800] =	vst v63  }
0x1e: {  	s25 =	simm.s32 $0x100  }
0x1f: {  	[spmem:s2] =	stream.indirect.scatter.add.f32 [tilespmem:s9], [sflag:$0x1], $0x80, s25, s13, $0xb8;
	[tilespmem:$0x1A800] =	vst v63  }
0x20: {  	s26 =	simm.s32 $0x180  }
0x21: {  	[spmem:s2] =	stream.indirect.scatter.add.f32 [tilespmem:s9], [sflag:$0x1], $0x80, s26, s13, $0xb8;
	[tilespmem:$0x1A800] =	vst v63  }
0x22: {  	s28 =	simm.s32 $0x200  }
0x23: {  	[spmem:s2] =	stream.indirect.scatter.add.f32 [tilespmem:s9], [sflag:$0x1], $0x80, s28, s13, $0xb8;
	[tilespmem:$0x1A800] =	vst v63  }
0x24: {  	s29 =	simm.s32 $0x280  }
0x25: {  	[spmem:s2] =	stream.indirect.scatter.add.f32 [tilespmem:s9], [sflag:$0x1], $0x80, s29, s13, $0xb8;
	[tilespmem:$0x1A800] =	vst v63  }
0x26: {  	s30 =	simm.s32 $0x300  }
0x27: {  	[spmem:s2] =	stream.indirect.scatter.add.f32 [tilespmem:s9], [sflag:$0x1], $0x80, s30, s13, $0xb8;
	[tilespmem:$0x1A800] =	vst v63  }
0x28: {  	s31 =	simm.s32 $0x380  }
0x29: {  	[spmem:s2] =	stream.indirect.scatter.add.f32 [tilespmem:s9], [sflag:$0x1], $0x80, s31, s13, $0xb8;
	[tilespmem:$0x1A800] =	vst v63  }
0x2a: {  	_ =	swait.ge [sflag:s14], $0x4000  }
0x2b: {  	[sflag:s14] =	ssyncset.done $0x0  }
0x2c: {  	[sflag:s14] =	ssyncadd.s32 $0xFFFFC000  }
0x2d: {  	_ =	swait.ge [sflag:s14], $0x4000  }
0x2e: {  	[sflag:s14] =	ssyncset.done $0x0  }
0x2f: {  	[sflag:s14] =	ssyncadd.s32 $0xFFFFC000  }
0x30: {  	_ =	swait.ge [sflag:s14], $0x4000  }
0x31: {  	[sflag:s14] =	ssyncset.done $0x0  }
0x32: {  	[sflag:s14] =	ssyncadd.s32 $0xFFFFC000  }
0x33: {  	_ =	swait.ge [sflag:s14], $0x4000  }
0x34: {  	[sflag:s14] =	ssyncset.done $0x0  }
0x35: {  	[sflag:s14] =	ssyncadd.s32 $0xFFFFC000  }
0x36: {  	_ =	swait.ge [sflag:s14], $0x4000  }
0x37: {  	[sflag:s14] =	ssyncset.done $0x0  }
0x38: {  	[sflag:s14] =	ssyncadd.s32 $0xFFFFC000  }
0x39: {  	_ =	swait.ge [sflag:s14], $0x4000  }
0x3a: {  	[sflag:s14] =	ssyncset.done $0x0  }
0x3b: {  	[sflag:s14] =	ssyncadd.s32 $0xFFFFC000  }
0x3c: {  	_ =	swait.ge [sflag:s14], $0x4000  }
0x3d: {  	[sflag:s14] =	ssyncset.done $0x0  }
0x3e: {  	[sflag:s14] =	ssyncadd.s32 $0xFFFFC000  }
0x3f: {  	_ =	swait.ge [sflag:s14], $0x4000  }
0x40: {  	s18 =	simm.s32 $0x2000;
	s16 =	simm.s32 $0x1000;
	[sflag:s14] =	ssyncset.done $0x0  }
.LBB2_2:
0x41: {  	s19 =	sshra.s32 s16, $0x2  }
0x42: {  	[sflag:s14] =	ssyncadd.s32 $0xFFFFC000;
	s16 =	smov.u32 s18;
	s17 =	sadd.s32 $0x1000, s18  }
0x43: {  	[spmem:s2] =	stream.indirect.scatter.add.f32 [tilespmem:s9], [sflag:$0x1], $0x80, s19, s13, $0xb8;
	[tilespmem:$0x1A800] =	vst v63  }
0x44: {  	p0 =	sne.s32 s18, $0x9000;
	s18 =	sadd.s32 $0x80, s19  }
0x45: {  	[spmem:s2] =	stream.indirect.scatter.add.f32 [tilespmem:s9], [sflag:$0x1], $0x80, s18, s13, $0xb8;
	[tilespmem:$0x1A800] =	vst v63  }
0x46: {  	s18 =	sadd.s32 $0x100, s19  }
0x47: {  	[spmem:s2] =	stream.indirect.scatter.add.f32 [tilespmem:s9], [sflag:$0x1], $0x80, s18, s13, $0xb8;
	[tilespmem:$0x1A800] =	vst v63  }
0x48: {  	s18 =	sadd.s32 $0x180, s19  }
0x49: {  	[spmem:s2] =	stream.indirect.scatter.add.f32 [tilespmem:s9], [sflag:$0x1], $0x80, s18, s13, $0xb8;
	[tilespmem:$0x1A800] =	vst v63  }
0x4a: {  	s18 =	sadd.s32 $0x200, s19  }
0x4b: {  	[spmem:s2] =	stream.indirect.scatter.add.f32 [tilespmem:s9], [sflag:$0x1], $0x80, s18, s13, $0xb8;
	[tilespmem:$0x1A800] =	vst v63  }
0x4c: {  	s18 =	sadd.s32 $0x280, s19  }
0x4d: {  	[spmem:s2] =	stream.indirect.scatter.add.f32 [tilespmem:s9], [sflag:$0x1], $0x80, s18, s13, $0xb8;
	[tilespmem:$0x1A800] =	vst v63  }
0x4e: {  	s18 =	sadd.s32 $0x300, s19  }
0x4f: {  	[spmem:s2] =	stream.indirect.scatter.add.f32 [tilespmem:s9], [sflag:$0x1], $0x80, s18, s13, $0xb8;
	[tilespmem:$0x1A800] =	vst v63  }
0x50: {  	s18 =	sadd.s32 $0x380, s19  }
0x51: {  	[spmem:s2] =	stream.indirect.scatter.add.f32 [tilespmem:s9], [sflag:$0x1], $0x80, s18, s13, $0xb8;
	[tilespmem:$0x1A800] =	vst v63  }
0x52: {  	_ =	swait.ge [sflag:s14], $0x4000  }
0x53: {  	[sflag:s14] =	ssyncset.done $0x0  }
0x54: {  	[sflag:s14] =	ssyncadd.s32 $0xFFFFC000  }
0x55: {  	_ =	swait.ge [sflag:s14], $0x4000  }
0x56: {  	[sflag:s14] =	ssyncset.done $0x0  }
0x57: {  	[sflag:s14] =	ssyncadd.s32 $0xFFFFC000  }
0x58: {  	_ =	swait.ge [sflag:s14], $0x4000  }
0x59: {  	[sflag:s14] =	ssyncset.done $0x0  }
0x5a: {  	[sflag:s14] =	ssyncadd.s32 $0xFFFFC000  }
0x5b: {  	_ =	swait.ge [sflag:s14], $0x4000  }
0x5c: {  	[sflag:s14] =	ssyncset.done $0x0  }
0x5d: {  	[sflag:s14] =	ssyncadd.s32 $0xFFFFC000  }
0x5e: {  	_ =	swait.ge [sflag:s14], $0x4000  }
0x5f: {  	[sflag:s14] =	ssyncset.done $0x0  }
0x60: {  	[sflag:s14] =	ssyncadd.s32 $0xFFFFC000  }
0x61: {  	_ =	swait.ge [sflag:s14], $0x4000  }
0x62: {  	[sflag:s14] =	ssyncset.done $0x0  }
0x63: {  	[sflag:s14] =	ssyncadd.s32 $0xFFFFC000  }
.Ltmp0:
0x64: {  	_ =	swait.ge [sflag:s14], $0x4000;
	(pc) =	sbr.rel @p0 .LBB2_2-.Ltmp0, $4  }
0x65: {  	[sflag:s14] =	ssyncset.done $0x0  }
0x66: {  	[sflag:s14] =	ssyncadd.s32 $0xFFFFC000  }
0x67: {  	_ =	swait.ge [sflag:s14], $0x4000  }
0x68: {  	s18 =	smov.u32 s17;
	[sflag:s14] =	ssyncset.done $0x0  }
0x69: {  	s16 =	sshra.s32 s16, $0x2;
	[sflag:s14] =	ssyncadd.s32 $0xFFFFC000  }
0x6a: {  	[spmem:s2] =	stream.indirect.scatter.add.f32 [tilespmem:s9], [sflag:$0x1], $0x80, s16, s13, $0xb8;
	[tilespmem:$0x1A800] =	vst v63  }
0x6b: {  	s17 =	sadd.s32 $0x80, s16  }
0x6c: {  	[spmem:s2] =	stream.indirect.scatter.add.f32 [tilespmem:s9], [sflag:$0x1], $0x80, s17, s13, $0xb8;
	[tilespmem:$0x1A800] =	vst v63  }
0x6d: {  	s26 =	sadd.s32 $0x100, s16  }
0x6e: {  	[spmem:s2] =	stream.indirect.scatter.add.f32 [tilespmem:s9], [sflag:$0x1], $0x80, s26, s13, $0xb8;
	[tilespmem:$0x1A800] =	vst v63  }
0x6f: {  	s28 =	sadd.s32 $0x180, s16  }
0x70: {  	[spmem:s2] =	stream.indirect.scatter.add.f32 [tilespmem:s9], [sflag:$0x1], $0x80, s28, s13, $0xb8;
	[tilespmem:$0x1A800] =	vst v63  }
0x71: {  	s29 =	sadd.s32 $0x200, s16  }
0x72: {  	[spmem:s2] =	stream.indirect.scatter.add.f32 [tilespmem:s9], [sflag:$0x1], $0x80, s29, s13, $0xb8;
	[tilespmem:$0x1A800] =	vst v63  }
0x73: {  	s30 =	sadd.s32 $0x280, s16  }
0x74: {  	[spmem:s2] =	stream.indirect.scatter.add.f32 [tilespmem:s9], [sflag:$0x1], $0x80, s30, s13, $0xb8;
	[tilespmem:$0x1A800] =	vst v63  }
0x75: {  	s31 =	sadd.s32 $0x300, s16  }
0x76: {  	[spmem:s2] =	stream.indirect.scatter.add.f32 [tilespmem:s9], [sflag:$0x1], $0x80, s31, s13, $0xb8;
	[tilespmem:$0x1A800] =	vst v63  }
0x77: {  	s16 =	sadd.s32 $0x380, s16  }
0x78: {  	[spmem:s2] =	stream.indirect.scatter.add.f32 [tilespmem:s9], [sflag:$0x1], $0x80, s16, s13, $0xb8;
	[tilespmem:$0x1A800] =	vst v63  }
0x79: {  	_ =	swait.ge [sflag:s14], $0x4000  }
0x7a: {  	[sflag:s14] =	ssyncset.done $0x0  }
0x7b: {  	[sflag:s14] =	ssyncadd.s32 $0xFFFFC000  }
0x7c: {  	_ =	swait.ge [sflag:s14], $0x4000  }
0x7d: {  	[sflag:s14] =	ssyncset.done $0x0  }
0x7e: {  	[sflag:s14] =	ssyncadd.s32 $0xFFFFC000  }
0x7f: {  	_ =	swait.ge [sflag:s14], $0x4000  }
0x80: {  	[sflag:s14] =	ssyncset.done $0x0  }
0x81: {  	[sflag:s14] =	ssyncadd.s32 $0xFFFFC000  }
0x82: {  	_ =	swait.ge [sflag:s14], $0x4000  }
0x83: {  	[sflag:s14] =	ssyncset.done $0x0  }
0x84: {  	[sflag:s14] =	ssyncadd.s32 $0xFFFFC000  }
0x85: {  	_ =	swait.ge [sflag:s14], $0x4000  }
0x86: {  	[sflag:s14] =	ssyncset.done $0x0  }
0x87: {  	[sflag:s14] =	ssyncadd.s32 $0xFFFFC000  }
0x88: {  	_ =	swait.ge [sflag:s14], $0x4000  }
0x89: {  	[sflag:s14] =	ssyncset.done $0x0  }
0x8a: {  	[sflag:s14] =	ssyncadd.s32 $0xFFFFC000  }
0x8b: {  	_ =	swait.ge [sflag:s14], $0x4000  }
0x8c: {  	[sflag:s14] =	ssyncset.done $0x0  }
0x8d: {  	[sflag:s14] =	ssyncadd.s32 $0xFFFFC000  }
0x8e: {  	_ =	swait.ge [sflag:s14], $0x4000  }
0x8f: {  	s15 =	sadd.s32 $0x1, s15;
	[sflag:s14] =	ssyncset.done $0x0  }
0x90: {  	p0 =	sne.s32 s15, s8;
	[sflag:s14] =	ssyncadd.s32 $0xFFFFC000  }
.Ltmp1:
0x91: {  	[bflag:$0x0] =	sbarrier.arrive $0xFFFF;
	(pc) =	sbr.rel @p0 .LBB2_1-.Ltmp1, $4  }
0x92: {  	[hbm:s7], [sflag:s11] =	dma.local [spmem:s12], $0x2800  }
0x93: {  	_ =	swait.ge [sflag:s10], $0x2800  }
0x94: {  	[sflag:s10] =	ssyncset.done $0x0  }
0x95: {  	[sflag:s10] =	ssyncadd.s32 $0xFFFFD800  }
0x96: {  	_ =	sfence.sel $0x180000  }
0x97: {  	[bflag:$0x0] =	sbarrier.arrive $0xFFFF  }
0x98: {  	p0 =	sne.s32 s0, $0x0;
	_ =	strace $0x90000047  }
0x99: {  	s0 =	sadd.s32 @!p0 $0x100000, s1;
	[bflag:$0x2] =	sbarrier.arrive $0xFFFF  }
0x9a: {  	[sflag:s0] =	ssyncadd.tile.s32 @!p0 $0x1;
	_ =	shalt  }
.Lfunc_end2:
_tile_overlayer_lowered:
.L_overlay_start_2:
0x9b: {  	(tag) =	ssettag $0x2  }
0x9c: {  	s0 =	rddreg [dreg:$0x0];
	s2 =	stileid.u32  }
0x9d: {  	s1 =	rddreg [dreg:$0x1];
	p0 =	sne.s32 s2, $0x0  }
0x9e: {  	s3 =	rddreg [dreg:$0x2];
	[bflag:$0x3] =	sbarrier.arrive $0xFFFF;
	s2 =	simm.s32 @!p0 $0x1C02  }
0x9f: {  	[timem:s3], [sflag:s2] =	dma.local @!p0 [hbm:s0], s1  }
0xa0: {  	s0 =	simm.s32 @!p0 $0x2  }
0xa1: {  	_ =	swait.ge @!p0 [sflag:s0], s1  }
0xa2: {  	s1 =	ssub.s32 @!p0 $0x0, s1;
	[sflag:s0] =	ssyncset.done @!p0 $0x0  }
0xa3: {  	[sflag:s0] =	ssyncadd.s32 @!p0 s1  }
0xa4: {  	[bflag:$0x3] =	sbarrier.arrive $0xFFFF  }
0xa5: {  	_ =	shalt  }

// kernel: kernel.15.cloned.1.call-start
scs
__scs_entry_jumppad:
0x0: {  	(pc) =	sbr.rel $0x88, $3  }
0x1: {  	(tag) =	ssettag $0x0;
	lr =	simm.s32 $0x1  }
0x2: {  	[smem:$0x3F82] =	sst lr;
	_ =	strace $0xD0000000  }
0x3: {  	_ = 	snop  }
0x4: {  	_ = 	snop  }
0x5: {  	_ = 	snop  }
0x6: {  	_ = 	snop  }
0x7: {  	_ = 	snop  }
__scs_overlays_trampoline_lowered:
0x8: {  	[smem:$0x3F91] =	sst s0  }
0x9: {  	[smem:$0x3F92] =	sst s1  }
0xa: {  	[smem:$0x3F93] =	sst s2  }
0xb: {  	[smem:$0x3F94] =	sst s3  }
0xc: {  	[smem:$0x3F95] =	sst s4  }
0xd: {  	[smem:$0x3F96] =	sst s5  }
0xe: {  	[smem:$0x3F97] =	sst s6  }
0xf: {  	[smem:$0x3F98] =	sst s7  }
0x10: {  	[smem:$0x3F99] =	sst s8  }
0x11: {  	[smem:$0x3F9A] =	sst s9;
	s0 =	simm.s32 @!p0 $0x0  }
0x12: {  	s1 =	sld [smem:$0x3F80];
	s0 =	simm.s32 @p0 $0x1  }
0x13: {  	[smem:$0x3F9B] =	sst s0;
	s0 =	simm.s32 @!p1 $0x0  }
0x14: {  	s2 =	sld [smem:$0x3F7F];
	s0 =	simm.s32 @p1 $0x1  }
0x15: {  	[smem:$0x3F9C] =	sst s0;
	s0 =	simm.s32 @!p2 $0x0  }
0x16: {  	s3 =	sld [smem:$0x3FDB];
	s0 =	simm.s32 @p2 $0x1  }
0x17: {  	s4 =	simm.s32 $0x1BF5;
	[smem:$0x3F9E] =	sst s0  }
0x18: {  	s0 =	sld [smem:$0x3F81];
	_ =	swait.ge [sflag:s4], $0x0  }
0x19: {  	s7 =	sld [smem:$0x3F82]  }
0x1a: {  	s8 =	sadd.s32 $0xFFFFE003, lr  }
0x1b: {  	s9 =	sadd.s32 $0xFFFFFEF7, lr;
	s5 =	simm.s32 $0xFFFFFFFF;
	p2 =	slt.u32 s8, $0xFFFFF086  }
0x1c: {  	p1 =	slt.u32 s9, $0xF7A;
	s5 =	simm.s32 @!p2 $0x0  }
0x1d: {  	s5 =	simm.s32 @p1 $0x1;
	p0 =	seq.s32 s7, s2  }
0x1e: {  	s7 =	smul.u32 @!p0 $0xF7A, s2;
	p2 =	seq.s32 @!p0 s5, $0x0  }
0x1f: {  	s9 =	smul.u32 $0xF7A, s1;
	s8 =	simm.s32 @!p0 $0x1BF5;
	p2 =	por !p2, p0  }
0x20: {  	[sflag:s8] =	ssyncset.s32 @!p0 $0xFFFFF086;
	s6 =	sadd.s32 @!p0 s3, s7;
	s7 =	simm.s32 @!p0 $0x108  }
0x21: {  	s3 =	sadd.s32 s3, s9;
	s6 =	sadd.s32 @!p0 $0x88, s6;
	s7 =	simm.s32 @p2 $0x1082  }
0x22: {  	[simem:s7], [sflag:s8] =	dma.local @!p0 [hbm:s6], $0xF7A  }
0x23: {  	s9 =	sor.u32 $0xD0000000, s2;
	s6 =	simm.s32 $0x108;
	_ =	swait.ge @!p0 [sflag:s8], $0x0  }
0x24: {  	s3 =	sadd.s32 $0x88, s3;
	s6 =	simm.s32 @!p1 $0x1082;
	[sflag:s4] =	ssyncset.s32 $0xFFFFF086  }
0x25: {  	[simem:s6], [sflag:s4] =	dma.local [hbm:s3], $0xF7A  }
0x26: {  	[smem:$0x3F82] =	sst s1;
	(tag) =	ssettag s2;
	_ =	strace s9  }
0x27: {  	s1 =	sld [smem:$0x3F92]  }
0x28: {  	s2 =	sld [smem:$0x3F93]  }
0x29: {  	s4 =	sld [smem:$0x3F95]  }
0x2a: {  	p0 =	seq.s32 s5, $0x0;
	s5 =	sld [smem:$0x3F96]  }
0x2b: {  	s6 =	sld [smem:$0x3F97]  }
0x2c: {  	s7 =	sld [smem:$0x3F98]  }
0x2d: {  	s3 =	simm.s32 $0x108;
	s8 =	sld [smem:$0x3F99]  }
0x2e: {  	s3 =	simm.s32 @!p0 $0x1082;
	s9 =	sld [smem:$0x3F9A]  }
0x2f: {  	lr =	sadd.s32 s0, s3;
	s0 =	sld [smem:$0x3F91]  }
0x30: {  	s3 =	sld [smem:$0x3F94]  }
0x31: {  	[smem:$0x3F9D] =	sst s10  }
0x32: {  	s10 =	sld [smem:$0x3F9B];
	_ =	sdelay $0x3  }
0x33: {  	p0 =	seq.s32 s10, $0x1;
	s10 =	sld [smem:$0x3F9D];
	_ =	sdelay $0x3  }
0x34: {  	[smem:$0x3F9D] =	sst s10  }
0x35: {  	s10 =	sld [smem:$0x3F9C];
	_ =	sdelay $0x3  }
0x36: {  	p1 =	seq.s32 s10, $0x1;
	s10 =	sld [smem:$0x3F9D];
	_ =	sdelay $0x3  }
0x37: {  	[smem:$0x3F9D] =	sst s10  }
0x38: {  	s10 =	sld [smem:$0x3F9E]  }
0x39: {  	_ = 	snop;
	(pc) =	sbr.ind lr, $3  }
0x3a: {  	_ = 	snop  }
0x3b: {  	_ = 	snop  }
0x3c: {  	p2 =	seq.s32 s10, $0x1;
	s10 =	sld [smem:$0x3F9D]  }
0x3d: {  	_ =	shalt  }
0x3e: {  	_ =	shalt  }
0x3f: {  	_ =	shalt  }
0x40: {  	_ =	shalt  }
0x41: {  	_ =	shalt  }
0x42: {  	_ =	shalt  }
0x43: {  	_ =	shalt  }
0x44: {  	_ =	shalt  }
0x45: {  	_ =	shalt  }
0x46: {  	_ =	shalt  }
0x47: {  	_ =	shalt  }
0x48: {  	_ =	shalt  }
0x49: {  	_ =	shalt  }
0x4a: {  	_ =	shalt  }
0x4b: {  	_ =	shalt  }
0x4c: {  	_ =	shalt  }
0x4d: {  	_ =	shalt  }
0x4e: {  	_ =	shalt  }
0x4f: {  	_ =	shalt  }
0x50: {  	_ =	shalt  }
0x51: {  	_ =	shalt  }
0x52: {  	_ =	shalt  }
0x53: {  	_ =	shalt  }
0x54: {  	_ =	shalt  }
0x55: {  	_ =	shalt  }
0x56: {  	_ =	shalt  }
0x57: {  	_ =	shalt  }
0x58: {  	_ =	shalt  }
0x59: {  	_ =	shalt  }
0x5a: {  	_ =	shalt  }
0x5b: {  	_ =	shalt  }
0x5c: {  	_ =	shalt  }
0x5d: {  	_ =	shalt  }
0x5e: {  	_ =	shalt  }
0x5f: {  	_ =	shalt  }
0x60: {  	_ =	shalt  }
0x61: {  	_ =	shalt  }
0x62: {  	_ =	shalt  }
0x63: {  	_ =	shalt  }
0x64: {  	_ =	shalt  }
0x65: {  	_ =	shalt  }
0x66: {  	_ =	shalt  }
0x67: {  	_ =	shalt  }
0x68: {  	_ =	shalt  }
0x69: {  	_ =	shalt  }
0x6a: {  	_ =	shalt  }
0x6b: {  	_ =	shalt  }
0x6c: {  	_ =	shalt  }
0x6d: {  	_ =	shalt  }
0x6e: {  	_ =	shalt  }
0x6f: {  	_ =	shalt  }
0x70: {  	_ =	shalt  }
0x71: {  	_ =	shalt  }
0x72: {  	_ =	shalt  }
0x73: {  	_ =	shalt  }
0x74: {  	_ =	shalt  }
0x75: {  	_ =	shalt  }
0x76: {  	_ =	shalt  }
0x77: {  	_ =	shalt  }
0x78: {  	_ =	shalt  }
0x79: {  	_ =	shalt  }
0x7a: {  	_ =	shalt  }
0x7b: {  	_ =	shalt  }
0x7c: {  	_ =	shalt  }
0x7d: {  	_ =	shalt  }
0x7e: {  	_ =	shalt  }
0x7f: {  	_ =	shalt  }
0x80: {  	_ =	shalt  }
0x81: {  	_ =	shalt  }
0x82: {  	_ =	shalt  }
0x83: {  	_ =	shalt  }
0x84: {  	_ =	shalt  }
0x85: {  	_ =	shalt  }
0x86: {  	_ =	shalt  }
0x87: {  	_ =	shalt  }
.Lfunc_end0:
.L_simem_size_0:
called_computation.1_lowered:
.L_overlay_start_0:
0x88: {  	s2 =	sld [smem:$0x3FD9]  }
0x89: {  	s3 =	sld [smem:$0x3FFE];
	_ =	sdelay $0x1  }
0x8a: {  	s1 =	srdreg.scid  }
0x8b: {  	s0 =	sand.u32 $0x1, s1  }
0x8c: {  	s17 =	sshll.u32 s0, $0xA;
	s2 =	sadd.s32 s3, s2  }
0x8d: {  	s2 =	sadd.s32 s2, s17  }
0x8e: {  	[smem:$0x3FA9] =	sst s2  }
0x8f: {  	_ = 	snop  }
0x90: {  	s2 =	sld [smem:$0x3FD0];
	(tm) =	ssettm $0x1  }
0x91: {  	s18 =	sld [smem:$0x3FFB];
	_ =	sdelay $0x3  }
0x92: {  	_ =	strace s18  }
0x93: {  	s3 =	sld [smem:$0x3FFC];
	_ =	sdelay $0x3  }
0x94: {  	_ =	strace s3  }
0x95: {  	s3 =	sld [smem:$0x3FFD];
	_ =	sdelay $0x3  }
0x96: {  	_ =	strace s3  }
0x97: {  	_ =	strace $0x8FFFFFFF  }
0x98: {  	s19 =	sld [smem:$0x3FDB];
	_ =	sdelay $0x1  }
0x99: {  	s4 =	simm.s32 $_scs_section_size  }
0x9a: {  	s5 =	simm.s32 $_size__tile_overlayer_lowered;
	s6 =	simm.s32 $_tile_overlayer_lowered  }
0x9b: {  	s22 =	simm.s32 $0x1BFF;
	s21 =	sshll.u32 s6, $0x1;
	s3 =	sadd.s32 s4, s19  }
0x9c: {  	s7 =	simm.s32 $0x0;
	s20 =	sshll.u32 s5, $0x1;
	s5 =	sadd.s32 s21, s3  }
0x9d: {  	[timem:s7], [sflag:s22] =	dma.local [hbm:s5], s20  }
0x9e: {  	_ =	swait.ge [sflag:s22], s20  }
0x9f: {  	s4 =	ssub.s32 $0x0, s20;
	[sflag:s22] =	ssyncset.done $0x0  }
0xa0: {  	[sflag:s22] =	ssyncadd.s32 s4;
	_ =	sdelay $0x1  }
0xa1: {  	s23 =	simm.s32 $0x1B8B  }
0xa2: {  	_ =	swait.ge [sflag:s23], $0x1  }
0xa3: {  	[sflag:s23] =	ssyncset.done $0x0  }
0xa4: {  	s25 =	simm.s32 $0x1B8E;
	s24 =	sld [smem:$0x3FFE];
	[sflag:s23] =	ssyncadd.s32 $0xFFFFFFFF  }
0xa5: {  	s26 =	simm.s32 $execute0_lowered;
	[smem:$0x3FD2] =	sst s25  }
0xa6: {  	s5 =	sshll.u32 s26, $0x1;
	_ =	strace $0x80000049;
	[dreg:$0x1] =	wrdreg $0xFFFFFFFF  }
0xa7: {  	s28 =	simm.s32 $_size_execute0_lowered;
	s3 =	sadd.s32 s3, s5;
	[dreg:$0x0] =	wrdreg $0x0  }
0xa8: {  	s5 =	sshll.u32 s28, $0x1;
	[dreg:$0x2] =	wrdreg s3  }
0xa9: {  	[dreg:$0x3] =	wrdreg s5  }
0xaa: {  	[dreg:$0x4] =	wrdreg $0xC0  }
0xab: {  	_ =	task [dreg:s7], $0x5FFFF  }
0xac: {  	[dreg:$0x1] =	wrdreg $0xFFFFFFFF  }
0xad: {  	[dreg:$0x0] =	wrdreg $0x60  }
0xae: {  	[dreg:$0x2] =	wrdreg s2  }
0xaf: {  	[dreg:$0x3] =	wrdreg s24  }
0xb0: {  	[dreg:$0x4] =	wrdreg $0xA8000  }
0xb1: {  	[dreg:$0x5] =	wrdreg $0x9  }
0xb2: {  	_ =	task.clear_ibuf [dreg:s7], $0x6FFFF;
	_ =	strace $0x90000049  }
0xb3: {  	s29 =	simm.s32 $0x9;
	_ =	strace $0x8000004B  }
0xb4: {  	_ =	swait.ge [sflag:s29], $0x1  }
0xb5: {  	[sflag:s29] =	ssyncadd.s32 $0xFFFFFFFF  }
0xb6: {  	_ =	strace $0x9000004B  }
0xb7: {  	_ =	sfence  }
0xb8: {  	s30 =	sld [smem:$0x0];
	_ =	sdelay $0x2  }
0xb9: {  	s31 =	sshll.u32 s1, $0xD;
	s1 =	sshrl.u32 s1, $0x2  }
0xba: {  	s3 =	sand.u32 $0x4000, s31;
	s1 =	sadd.s32 s1, s30  }
0xbb: {  	s0 =	sor.u32 s3, s0;
	s1 =	sshll.u32 s1, $0x11  }
0xbc: {  	s0 =	sor.u32 s1, s0  }
0xbd: {  	s0 =	sadd.s32 $0x8F2B, s0  }
0xbe: {  	[sflag:s0] =	ssyncadd.remote.s32 $0x1  }
0xbf: {  	_ =	sfence.sel $0xFFFF  }
0xc0: {  	[dreg:$0x0] =	wrdreg $0xFFFFFFFF;
	(pc) =	sbr.abs _section_cstart, $3  }
0xc1: {  	[dreg:$0x1] =	wrdreg $0xFFFFFFFF  }
0xc2: {  	_ =	task.clear_ibuf [dreg:s7], $0x2FFFF;
	_ =	strace $0x9FFFFFFF  }
0xc3: {  	(tm) =	ssettm $0x7FFFFFFF  }
tec
execute0_lowered:
.L_overlay_start_1:
0x0: {  	(tag) =	ssettag $0x1  }
0x1: {  	s12 =	rddreg [dreg:$0x0]  }
0x2: {  	s3 =	rddreg [dreg:$0x1]  }
0x3: {  	s1 =	rddreg [dreg:$0x2]  }
0x4: {  	s0 =	rddreg [dreg:$0x3];
	s6 =	srdreg.scid;
	s9 =	sadd.s32 $0xB3200, s3  }
0x5: {  	s4 =	sadd.s32 $0xB8200, s3;
	s5 =	sadd.s32 $0x10200, s3;
	s8 =	sand.u32 $0x1, s6  }
0x6: {  	s14 =	sadd.s32 $0x158200, s3;
	s3 =	stileid.u32;
	s10 =	smul.u32 $0x5000, s8  }
0x7: {  	s2 =	simm.s32 $0x0;
	s22 =	simm.s32 $0x6800;
	s7 =	smul.u32 $0x50000, s3  }
0x8: {  	s23 =	simm.s32 $0x1480;
	[smem:$0x7FF] =	sst s2;
	s15 =	smul.u32 $0x280, s3  }
0x9: {  	_ =	strace $0x8000004A;
	s6 =	ssub.s32 $0x2, s8;
	s28 =	smul.u32 $0x500, s3  }
0xa: {  	s11 =	sshll.u32 s8, $0x5;
	s18 =	smul.u32 $0x2800, s3;
	s19 =	sshllo.u32 s8, $0x1  }
0xb: {  	s11 =	sor.u32 s3, s11;
	s29 =	sshll.u32 s19, $0x4;
	s19 =	smul.u32 $0x2800, s19  }
0xc: {  	s26 =	sshll.u32 s3, $0x6;
	s13 =	sshrl.u32 s6, $0x1;
	s25 =	smul.u32 $0x500, s11  }
0xd: {  	s16 =	ssub.s32 s6, s13;
	s24 =	sshrl.u32 s7, $0x2;
	s11 =	smul.u32 $0x2800, s11  }
0xe: {  	s6 =	sor.u32 $0x1C04, s26;
	s8 =	sadd.s32 s9, s28;
	s18 =	sshrl.u32 s18, $0x3  }
0xf: {  	s13 =	sor.u32 s3, s29;
	s20 =	sadd.s32 s15, s10;
	s26 =	simm.s32 $0x0  }
0x10: {  	s17 =	sadd.s32 s24, s1;
	s18 =	sadd.s32 s9, s18;
	s21 =	smul.u32 $0x2800, s13  }
0x11: {  	s30 =	sshll.u32 s20, $0x4;
	s13 =	smul.u32 $0x500, s13;
	s15 =	sadd.s32 s15, s19  }
0x12: {  	s19 =	simm.s32 $0x80;
	s20 =	simm.s32 $0x2800;
	s24 =	simm.s32 $0x2  }
0x13: {  	s7 =	sadd.s32 s12, s25;
	s11 =	sshrl.u32 s11, $0x3;
	s10 =	sadd.s32 $0x280, s18  }
0x14: {  	s15 =	sshll.u32 s15, $0x4;
	s25 =	simm.s32 $0x3;
	s11 =	sadd.s32 s12, s11  }
0x15: {  	s31 =	sshrl.u32 s21, $0x3;
	s21 =	simm.s32 $0x1;
	s9 =	sadd.s32 $0x280, s11  }
0x16: {  	s11 =	sadd.s32 s14, s30;
	s18 =	sadd.s32 s12, s31;
	s12 =	sadd.s32 s12, s13  }
0x17: {  	s14 =	sadd.s32 s14, s15;
	s15 =	smax.u32 s16, $0x1;
	s16 =	sshrl.u32 s17, $0x3  }
0x18: {  	s17 =	simm.s32 $0x4;
	s13 =	sadd.s32 $0x280, s18;
	s18 =	simm.s32 $0x1400  }
.LBB2_1:
0x19: {  	[spmem:s16], [sflag:s6] =	dma.local [hbm:s5], $0x2800  }
0x1a: {  	_ =	swait.ge [sflag:s17], $0x2800  }
0x1b: {  	[sflag:s17] =	ssyncset.done $0x0  }
0x1c: {  	[sflag:s17] =	ssyncadd.s32 $0xFFFFD800  }
0x1d: {  	[bflag:$0x0] =	sbarrier.arrive $0xFFFF  }
0x1e: {  	[tilespmem:s2], [sflag:$0x4] =	stream.linear.gather [hbm4b:s7+s2], $0x1400, $0x38;
	[tilespmem:$0x1E800] =	vst v63  }
0x1f: {  	_ =	swait.ge [sflag:s17], $0x1400  }
0x20: {  	[sflag:s17] =	ssyncset.done $0x0  }
0x21: {  	[sflag:s17] =	ssyncadd.s32 $0xFFFFEC00  }
0x22: {  	[tilespmem:s18], [sflag:$0x4] =	stream.linear.gather [hbm4b:s8+s2], $0x1400, $0x38;
	[tilespmem:$0x1E800] =	vst v63  }
0x23: {  	_ =	swait.ge [sflag:s17], $0x1400  }
0x24: {  	[sflag:s17] =	ssyncset.done $0x0  }
0x25: {  	[sflag:s17] =	ssyncadd.s32 $0xFFFFEC00  }
0x26: {  	[tilespmem:s20], [sflag:$0x1] =	stream.indirect.gather [hbm4b:s4+s19], $0x80, s2, s19, $0xb8;
	[tilespmem:$0x1E800] =	vst v63  }
0x27: {  	_ =	swait.ge [sflag:s21], $0x4000  }
0x28: {  	[sflag:s21] =	ssyncset.done $0x0  }
0x29: {  	[sflag:s21] =	ssyncadd.s32 $0xFFFFC000  }
0x2a: {  	[spmem:s1] =	stream.indirect.scatter.add.f32 [tilespmem:s20], [sflag:$0x2], $0x80, s18, s19, $0xb8;
	[tilespmem:$0x1E800] =	vst v63  }
0x2b: {  	_ = 	snop  }
0x2c: {  	[tilespmem:s22], [sflag:$0x1] =	stream.indirect.gather [hbm4b:s4+s19], $0x80, s19, s19, $0xb8;
	[tilespmem:$0x1E800] =	vst v63  }
0x2d: {  	_ =	swait.ge [sflag:s21], $0x4000  }
0x2e: {  	[sflag:s21] =	ssyncset.done $0x0  }
0x2f: {  	[sflag:s21] =	ssyncadd.s32 $0xFFFFC000  }
0x30: {  	[spmem:s1] =	stream.indirect.scatter.add.f32 [tilespmem:s22], [sflag:$0x3], $0x80, s23, s19, $0xb8;
	[tilespmem:$0x1E800] =	vst v63  }
0x31: {  	_ =	swait.ge [sflag:s24], $0x4000  }
0x32: {  	[sflag:s24] =	ssyncset.done $0x0  }
0x33: {  	s28 =	simm.s32 $0x100;
	[sflag:s24] =	ssyncadd.s32 $0xFFFFC000  }
0x34: {  	[tilespmem:s20], [sflag:$0x1] =	stream.indirect.gather [hbm4b:s4+s19], $0x80, s28, s19, $0xb8;
	[tilespmem:$0x1E800] =	vst v63  }
0x35: {  	_ =	swait.ge [sflag:s21], $0x4000  }
0x36: {  	[sflag:s21] =	ssyncset.done $0x0  }
0x37: {  	s28 =	simm.s32 $0x1500;
	[sflag:s21] =	ssyncadd.s32 $0xFFFFC000  }
0x38: {  	[spmem:s1] =	stream.indirect.scatter.add.f32 [tilespmem:s20], [sflag:$0x2], $0x80, s28, s19, $0xb8;
	[tilespmem:$0x1E800] =	vst v63  }
0x39: {  	_ =	swait.ge [sflag:s25], $0x4000  }
0x3a: {  	[sflag:s25] =	ssyncset.done $0x0  }
0x3b: {  	s28 =	simm.s32 $0x180;
	[sflag:s25] =	ssyncadd.s32 $0xFFFFC000  }
0x3c: {  	[tilespmem:s22], [sflag:$0x1] =	stream.indirect.gather [hbm4b:s4+s19], $0x80, s28, s19, $0xb8;
	[tilespmem:$0x1E800] =	vst v63  }
0x3d: {  	_ =	swait.ge [sflag:s21], $0x4000  }
0x3e: {  	[sflag:s21] =	ssyncset.done $0x0  }
0x3f: {  	s29 =	simm.s32 $0x1580;
	s28 =	simm.s32 $0xFFFFB800;
	[sflag:s21] =	ssyncadd.s32 $0xFFFFC000  }
.LBB2_2:
0x40: {  	[spmem:s1] =	stream.indirect.scatter.add.f32 [tilespmem:s22], [sflag:$0x3], $0x80, s29, s19, $0xb8;
	[tilespmem:$0x1E800] =	vst v63  }
0x41: {  	s29 =	smov.u32 s28  }
0x42: {  	p0 =	sne.s32 s28, $0xFFFFFC00;
	s28 =	sadd.s32 $0x400, s28;
	_ =	swait.ge [sflag:s24], $0x4000  }
0x43: {  	s29 =	sshra.s32 s29, $0x2;
	[sflag:s24] =	ssyncset.done $0x0  }
0x44: {  	s30 =	sadd.s32 $0x1400, s29;
	[sflag:s24] =	ssyncadd.s32 $0xFFFFC000  }
0x45: {  	[tilespmem:s20], [sflag:$0x1] =	stream.indirect.gather [hbm4b:s4+s19], $0x80, s30, s19, $0xb8;
	[tilespmem:$0x1E800] =	vst v63  }
0x46: {  	_ =	swait.ge [sflag:s21], $0x4000  }
0x47: {  	[sflag:s21] =	ssyncset.done $0x0  }
0x48: {  	s30 =	sadd.s32 $0x2800, s29;
	[sflag:s21] =	ssyncadd.s32 $0xFFFFC000  }
0x49: {  	[spmem:s1] =	stream.indirect.scatter.add.f32 [tilespmem:s20], [sflag:$0x2], $0x80, s30, s19, $0xb8;
	[tilespmem:$0x1E800] =	vst v63  }
0x4a: {  	_ =	swait.ge [sflag:s25], $0x4000  }
0x4b: {  	[sflag:s25] =	ssyncset.done $0x0  }
.Ltmp0:
0x4c: {  	s30 =	sadd.s32 $0x1480, s29;
	[sflag:s25] =	ssyncadd.s32 $0xFFFFC000;
	(pc) =	sbr.rel @p0 .LBB2_2-.Ltmp0, $4  }
0x4d: {  	[tilespmem:s22], [sflag:$0x1] =	stream.indirect.gather [hbm4b:s4+s19], $0x80, s30, s19, $0xb8;
	[tilespmem:$0x1E800] =	vst v63  }
0x4e: {  	_ =	swait.ge [sflag:s21], $0x4000  }
0x4f: {  	[sflag:s21] =	ssyncset.done $0x0  }
0x50: {  	s29 =	sadd.s32 $0x2880, s29;
	[sflag:s21] =	ssyncadd.s32 $0xFFFFC000  }
0x51: {  	[spmem:s1] =	stream.indirect.scatter.add.f32 [tilespmem:s22], [sflag:$0x3], $0x80, s29, s19, $0xb8;
	[tilespmem:$0x1E800] =	vst v63  }
0x52: {  	_ =	swait.ge [sflag:s24], $0x4000  }
0x53: {  	[sflag:s24] =	ssyncset.done $0x0  }
0x54: {  	[sflag:s24] =	ssyncadd.s32 $0xFFFFC000  }
0x55: {  	_ =	swait.ge [sflag:s25], $0x4000  }
0x56: {  	[sflag:s25] =	ssyncset.done $0x0  }
0x57: {  	[sflag:s25] =	ssyncadd.s32 $0xFFFFC000  }
0x58: {  	[tilespmem:s2], [sflag:$0x4] =	stream.linear.gather [hbm4b:s9+s2], $0x1400, $0x38;
	[tilespmem:$0x1E800] =	vst v63  }
0x59: {  	_ =	swait.ge [sflag:s17], $0x1400  }
0x5a: {  	[sflag:s17] =	ssyncset.done $0x0  }
0x5b: {  	[sflag:s17] =	ssyncadd.s32 $0xFFFFEC00  }
0x5c: {  	[tilespmem:s18], [sflag:$0x4] =	stream.linear.gather [hbm4b:s10+s2], $0x1400, $0x38;
	[tilespmem:$0x1E800] =	vst v63  }
0x5d: {  	_ =	swait.ge [sflag:s17], $0x1400  }
0x5e: {  	[sflag:s17] =	ssyncset.done $0x0  }
0x5f: {  	[sflag:s17] =	ssyncadd.s32 $0xFFFFEC00  }
0x60: {  	[tilespmem:s20], [sflag:$0x1] =	stream.indirect.gather [hbm4b:s4+s19], $0x80, s2, s19, $0xb8;
	[tilespmem:$0x1E800] =	vst v63  }
0x61: {  	_ =	swait.ge [sflag:s21], $0x4000  }
0x62: {  	[sflag:s21] =	ssyncset.done $0x0  }
0x63: {  	[sflag:s21] =	ssyncadd.s32 $0xFFFFC000  }
0x64: {  	[spmem:s1] =	stream.indirect.scatter.add.f32 [tilespmem:s20], [sflag:$0x2], $0x80, s18, s19, $0xb8;
	[tilespmem:$0x1E800] =	vst v63  }
0x65: {  	_ = 	snop  }
0x66: {  	[tilespmem:s22], [sflag:$0x1] =	stream.indirect.gather [hbm4b:s4+s19], $0x80, s19, s19, $0xb8;
	[tilespmem:$0x1E800] =	vst v63  }
0x67: {  	_ =	swait.ge [sflag:s21], $0x4000  }
0x68: {  	[sflag:s21] =	ssyncset.done $0x0  }
0x69: {  	[sflag:s21] =	ssyncadd.s32 $0xFFFFC000  }
0x6a: {  	[spmem:s1] =	stream.indirect.scatter.add.f32 [tilespmem:s22], [sflag:$0x3], $0x80, s23, s19, $0xb8;
	[tilespmem:$0x1E800] =	vst v63  }
0x6b: {  	_ =	swait.ge [sflag:s24], $0x4000  }
0x6c: {  	[sflag:s24] =	ssyncset.done $0x0  }
0x6d: {  	s28 =	simm.s32 $0x100;
	[sflag:s24] =	ssyncadd.s32 $0xFFFFC000  }
0x6e: {  	[tilespmem:s20], [sflag:$0x1] =	stream.indirect.gather [hbm4b:s4+s19], $0x80, s28, s19, $0xb8;
	[tilespmem:$0x1E800] =	vst v63  }
0x6f: {  	_ =	swait.ge [sflag:s21], $0x4000  }
0x70: {  	[sflag:s21] =	ssyncset.done $0x0  }
0x71: {  	s28 =	simm.s32 $0x1500;
	[sflag:s21] =	ssyncadd.s32 $0xFFFFC000  }
0x72: {  	[spmem:s1] =	stream.indirect.scatter.add.f32 [tilespmem:s20], [sflag:$0x2], $0x80, s28, s19, $0xb8;
	[tilespmem:$0x1E800] =	vst v63  }
0x73: {  	_ =	swait.ge [sflag:s25], $0x4000  }
0x74: {  	[sflag:s25] =	ssyncset.done $0x0  }
0x75: {  	s28 =	simm.s32 $0x180;
	[sflag:s25] =	ssyncadd.s32 $0xFFFFC000  }
0x76: {  	[tilespmem:s22], [sflag:$0x1] =	stream.indirect.gather [hbm4b:s4+s19], $0x80, s28, s19, $0xb8;
	[tilespmem:$0x1E800] =	vst v63  }
0x77: {  	_ =	swait.ge [sflag:s21], $0x4000  }
0x78: {  	[sflag:s21] =	ssyncset.done $0x0  }
0x79: {  	s29 =	simm.s32 $0x1580;
	s28 =	simm.s32 $0xFFFFB800;
	[sflag:s21] =	ssyncadd.s32 $0xFFFFC000  }
.LBB2_4:
0x7a: {  	[spmem:s1] =	stream.indirect.scatter.add.f32 [tilespmem:s22], [sflag:$0x3], $0x80, s29, s19, $0xb8;
	[tilespmem:$0x1E800] =	vst v63  }
0x7b: {  	s29 =	smov.u32 s28  }
0x7c: {  	p0 =	sne.s32 s28, $0xFFFFFC00;
	s28 =	sadd.s32 $0x400, s28;
	_ =	swait.ge [sflag:s24], $0x4000  }
0x7d: {  	s29 =	sshra.s32 s29, $0x2;
	[sflag:s24] =	ssyncset.done $0x0  }
0x7e: {  	s30 =	sadd.s32 $0x1400, s29;
	[sflag:s24] =	ssyncadd.s32 $0xFFFFC000  }
0x7f: {  	[tilespmem:s20], [sflag:$0x1] =	stream.indirect.gather [hbm4b:s4+s19], $0x80, s30, s19, $0xb8;
	[tilespmem:$0x1E800] =	vst v63  }
0x80: {  	_ =	swait.ge [sflag:s21], $0x4000  }
0x81: {  	[sflag:s21] =	ssyncset.done $0x0  }
0x82: {  	s30 =	sadd.s32 $0x2800, s29;
	[sflag:s21] =	ssyncadd.s32 $0xFFFFC000  }
0x83: {  	[spmem:s1] =	stream.indirect.scatter.add.f32 [tilespmem:s20], [sflag:$0x2], $0x80, s30, s19, $0xb8;
	[tilespmem:$0x1E800] =	vst v63  }
0x84: {  	_ =	swait.ge [sflag:s25], $0x4000  }
0x85: {  	[sflag:s25] =	ssyncset.done $0x0  }
.Ltmp1:
0x86: {  	s30 =	sadd.s32 $0x1480, s29;
	[sflag:s25] =	ssyncadd.s32 $0xFFFFC000;
	(pc) =	sbr.rel @p0 .LBB2_4-.Ltmp1, $4  }
0x87: {  	[tilespmem:s22], [sflag:$0x1] =	stream.indirect.gather [hbm4b:s4+s19], $0x80, s30, s19, $0xb8;
	[tilespmem:$0x1E800] =	vst v63  }
0x88: {  	_ =	swait.ge [sflag:s21], $0x4000  }
0x89: {  	[sflag:s21] =	ssyncset.done $0x0  }
0x8a: {  	s29 =	sadd.s32 $0x2880, s29;
	[sflag:s21] =	ssyncadd.s32 $0xFFFFC000  }
0x8b: {  	[spmem:s1] =	stream.indirect.scatter.add.f32 [tilespmem:s22], [sflag:$0x3], $0x80, s29, s19, $0xb8;
	[tilespmem:$0x1E800] =	vst v63  }
0x8c: {  	_ =	swait.ge [sflag:s24], $0x4000  }
0x8d: {  	[sflag:s24] =	ssyncset.done $0x0  }
0x8e: {  	[sflag:s24] =	ssyncadd.s32 $0xFFFFC000  }
0x8f: {  	_ =	swait.ge [sflag:s25], $0x4000  }
0x90: {  	[sflag:s25] =	ssyncset.done $0x0  }
0x91: {  	[sflag:s25] =	ssyncadd.s32 $0xFFFFC000  }
0x92: {  	[bflag:$0x0] =	sbarrier.arrive $0xFFFF  }
0x93: {  	[hbm:s11], [sflag:s6] =	dma.local [spmem:s16], $0x2800  }
0x94: {  	_ =	swait.ge [sflag:s17], $0x2800  }
0x95: {  	[sflag:s17] =	ssyncset.done $0x0  }
0x96: {  	[sflag:s17] =	ssyncadd.s32 $0xFFFFD800  }
0x97: {  	[spmem:s16], [sflag:s6] =	dma.local [hbm:s5], $0x2800  }
0x98: {  	_ =	swait.ge [sflag:s17], $0x2800  }
0x99: {  	[sflag:s17] =	ssyncset.done $0x0  }
0x9a: {  	[sflag:s17] =	ssyncadd.s32 $0xFFFFD800  }
0x9b: {  	[bflag:$0x0] =	sbarrier.arrive $0xFFFF  }
0x9c: {  	[tilespmem:s2], [sflag:$0x4] =	stream.linear.gather [hbm4b:s12+s2], $0x1400, $0x38;
	[tilespmem:$0x1E800] =	vst v63  }
0x9d: {  	_ =	swait.ge [sflag:s17], $0x1400  }
0x9e: {  	[sflag:s17] =	ssyncset.done $0x0  }
0x9f: {  	[sflag:s17] =	ssyncadd.s32 $0xFFFFEC00  }
0xa0: {  	[tilespmem:s18], [sflag:$0x4] =	stream.linear.gather [hbm4b:s8+s2], $0x1400, $0x38;
	[tilespmem:$0x1E800] =	vst v63  }
0xa1: {  	_ =	swait.ge [sflag:s17], $0x1400  }
0xa2: {  	[sflag:s17] =	ssyncset.done $0x0  }
0xa3: {  	[sflag:s17] =	ssyncadd.s32 $0xFFFFEC00  }
0xa4: {  	[tilespmem:s20], [sflag:$0x1] =	stream.indirect.gather [hbm4b:s4+s19], $0x80, s2, s19, $0xb8;
	[tilespmem:$0x1E800] =	vst v63  }
0xa5: {  	_ =	swait.ge [sflag:s21], $0x4000  }
0xa6: {  	[sflag:s21] =	ssyncset.done $0x0  }
0xa7: {  	[sflag:s21] =	ssyncadd.s32 $0xFFFFC000  }
0xa8: {  	[spmem:s1] =	stream.indirect.scatter.add.f32 [tilespmem:s20], [sflag:$0x2], $0x80, s18, s19, $0xb8;
	[tilespmem:$0x1E800] =	vst v63  }
0xa9: {  	_ = 	snop  }
0xaa: {  	[tilespmem:s22], [sflag:$0x1] =	stream.indirect.gather [hbm4b:s4+s19], $0x80, s19, s19, $0xb8;
	[tilespmem:$0x1E800] =	vst v63  }
0xab: {  	_ =	swait.ge [sflag:s21], $0x4000  }
0xac: {  	[sflag:s21] =	ssyncset.done $0x0  }
0xad: {  	[sflag:s21] =	ssyncadd.s32 $0xFFFFC000  }
0xae: {  	[spmem:s1] =	stream.indirect.scatter.add.f32 [tilespmem:s22], [sflag:$0x3], $0x80, s23, s19, $0xb8;
	[tilespmem:$0x1E800] =	vst v63  }
0xaf: {  	_ =	swait.ge [sflag:s24], $0x4000  }
0xb0: {  	[sflag:s24] =	ssyncset.done $0x0  }
0xb1: {  	s28 =	simm.s32 $0x100;
	[sflag:s24] =	ssyncadd.s32 $0xFFFFC000  }
0xb2: {  	[tilespmem:s20], [sflag:$0x1] =	stream.indirect.gather [hbm4b:s4+s19], $0x80, s28, s19, $0xb8;
	[tilespmem:$0x1E800] =	vst v63  }
0xb3: {  	_ =	swait.ge [sflag:s21], $0x4000  }
0xb4: {  	[sflag:s21] =	ssyncset.done $0x0  }
0xb5: {  	s28 =	simm.s32 $0x1500;
	[sflag:s21] =	ssyncadd.s32 $0xFFFFC000  }
0xb6: {  	[spmem:s1] =	stream.indirect.scatter.add.f32 [tilespmem:s20], [sflag:$0x2], $0x80, s28, s19, $0xb8;
	[tilespmem:$0x1E800] =	vst v63  }
0xb7: {  	_ =	swait.ge [sflag:s25], $0x4000  }
0xb8: {  	[sflag:s25] =	ssyncset.done $0x0  }
0xb9: {  	s28 =	simm.s32 $0x180;
	[sflag:s25] =	ssyncadd.s32 $0xFFFFC000  }
0xba: {  	[tilespmem:s22], [sflag:$0x1] =	stream.indirect.gather [hbm4b:s4+s19], $0x80, s28, s19, $0xb8;
	[tilespmem:$0x1E800] =	vst v63  }
0xbb: {  	_ =	swait.ge [sflag:s21], $0x4000  }
0xbc: {  	[sflag:s21] =	ssyncset.done $0x0  }
0xbd: {  	s29 =	simm.s32 $0x1580;
	s28 =	simm.s32 $0xFFFFB800;
	[sflag:s21] =	ssyncadd.s32 $0xFFFFC000  }
.LBB2_6:
0xbe: {  	[spmem:s1] =	stream.indirect.scatter.add.f32 [tilespmem:s22], [sflag:$0x3], $0x80, s29, s19, $0xb8;
	[tilespmem:$0x1E800] =	vst v63  }
0xbf: {  	s29 =	smov.u32 s28  }
0xc0: {  	p0 =	sne.s32 s28, $0xFFFFFC00;
	s28 =	sadd.s32 $0x400, s28;
	_ =	swait.ge [sflag:s24], $0x4000  }
0xc1: {  	s29 =	sshra.s32 s29, $0x2;
	[sflag:s24] =	ssyncset.done $0x0  }
0xc2: {  	s30 =	sadd.s32 $0x1400, s29;
	[sflag:s24] =	ssyncadd.s32 $0xFFFFC000  }
0xc3: {  	[tilespmem:s20], [sflag:$0x1] =	stream.indirect.gather [hbm4b:s4+s19], $0x80, s30, s19, $0xb8;
	[tilespmem:$0x1E800] =	vst v63  }
0xc4: {  	_ =	swait.ge [sflag:s21], $0x4000  }
0xc5: {  	[sflag:s21] =	ssyncset.done $0x0  }
0xc6: {  	s30 =	sadd.s32 $0x2800, s29;
	[sflag:s21] =	ssyncadd.s32 $0xFFFFC000  }
0xc7: {  	[spmem:s1] =	stream.indirect.scatter.add.f32 [tilespmem:s20], [sflag:$0x2], $0x80, s30, s19, $0xb8;
	[tilespmem:$0x1E800] =	vst v63  }
0xc8: {  	_ =	swait.ge [sflag:s25], $0x4000  }
0xc9: {  	[sflag:s25] =	ssyncset.done $0x0  }
.Ltmp2:
0xca: {  	s30 =	sadd.s32 $0x1480, s29;
	[sflag:s25] =	ssyncadd.s32 $0xFFFFC000;
	(pc) =	sbr.rel @p0 .LBB2_6-.Ltmp2, $4  }
0xcb: {  	[tilespmem:s22], [sflag:$0x1] =	stream.indirect.gather [hbm4b:s4+s19], $0x80, s30, s19, $0xb8;
	[tilespmem:$0x1E800] =	vst v63  }
0xcc: {  	_ =	swait.ge [sflag:s21], $0x4000  }
0xcd: {  	[sflag:s21] =	ssyncset.done $0x0  }
0xce: {  	s29 =	sadd.s32 $0x2880, s29;
	[sflag:s21] =	ssyncadd.s32 $0xFFFFC000  }
0xcf: {  	[spmem:s1] =	stream.indirect.scatter.add.f32 [tilespmem:s22], [sflag:$0x3], $0x80, s29, s19, $0xb8;
	[tilespmem:$0x1E800] =	vst v63  }
0xd0: {  	_ =	swait.ge [sflag:s24], $0x4000  }
0xd1: {  	[sflag:s24] =	ssyncset.done $0x0  }
0xd2: {  	[sflag:s24] =	ssyncadd.s32 $0xFFFFC000  }
0xd3: {  	_ =	swait.ge [sflag:s25], $0x4000  }
0xd4: {  	[sflag:s25] =	ssyncset.done $0x0  }
0xd5: {  	[sflag:s25] =	ssyncadd.s32 $0xFFFFC000  }
0xd6: {  	[tilespmem:s2], [sflag:$0x4] =	stream.linear.gather [hbm4b:s13+s2], $0x1400, $0x38;
	[tilespmem:$0x1E800] =	vst v63  }
0xd7: {  	_ =	swait.ge [sflag:s17], $0x1400  }
0xd8: {  	[sflag:s17] =	ssyncset.done $0x0  }
0xd9: {  	[sflag:s17] =	ssyncadd.s32 $0xFFFFEC00  }
0xda: {  	[tilespmem:s18], [sflag:$0x4] =	stream.linear.gather [hbm4b:s10+s2], $0x1400, $0x38;
	[tilespmem:$0x1E800] =	vst v63  }
0xdb: {  	_ =	swait.ge [sflag:s17], $0x1400  }
0xdc: {  	[sflag:s17] =	ssyncset.done $0x0  }
0xdd: {  	[sflag:s17] =	ssyncadd.s32 $0xFFFFEC00  }
0xde: {  	[tilespmem:s20], [sflag:$0x1] =	stream.indirect.gather [hbm4b:s4+s19], $0x80, s2, s19, $0xb8;
	[tilespmem:$0x1E800] =	vst v63  }
0xdf: {  	_ =	swait.ge [sflag:s21], $0x4000  }
0xe0: {  	[sflag:s21] =	ssyncset.done $0x0  }
0xe1: {  	[sflag:s21] =	ssyncadd.s32 $0xFFFFC000  }
0xe2: {  	[spmem:s1] =	stream.indirect.scatter.add.f32 [tilespmem:s20], [sflag:$0x2], $0x80, s18, s19, $0xb8;
	[tilespmem:$0x1E800] =	vst v63  }
0xe3: {  	_ = 	snop  }
0xe4: {  	[tilespmem:s22], [sflag:$0x1] =	stream.indirect.gather [hbm4b:s4+s19], $0x80, s19, s19, $0xb8;
	[tilespmem:$0x1E800] =	vst v63  }
0xe5: {  	_ =	swait.ge [sflag:s21], $0x4000  }
0xe6: {  	[sflag:s21] =	ssyncset.done $0x0  }
0xe7: {  	[sflag:s21] =	ssyncadd.s32 $0xFFFFC000  }
0xe8: {  	[spmem:s1] =	stream.indirect.scatter.add.f32 [tilespmem:s22], [sflag:$0x3], $0x80, s23, s19, $0xb8;
	[tilespmem:$0x1E800] =	vst v63  }
0xe9: {  	_ =	swait.ge [sflag:s24], $0x4000  }
0xea: {  	[sflag:s24] =	ssyncset.done $0x0  }
0xeb: {  	s28 =	simm.s32 $0x100;
	[sflag:s24] =	ssyncadd.s32 $0xFFFFC000  }
0xec: {  	[tilespmem:s20], [sflag:$0x1] =	stream.indirect.gather [hbm4b:s4+s19], $0x80, s28, s19, $0xb8;
	[tilespmem:$0x1E800] =	vst v63  }
0xed: {  	_ =	swait.ge [sflag:s21], $0x4000  }
0xee: {  	[sflag:s21] =	ssyncset.done $0x0  }
0xef: {  	s28 =	simm.s32 $0x1500;
	[sflag:s21] =	ssyncadd.s32 $0xFFFFC000  }
0xf0: {  	[spmem:s1] =	stream.indirect.scatter.add.f32 [tilespmem:s20], [sflag:$0x2], $0x80, s28, s19, $0xb8;
	[tilespmem:$0x1E800] =	vst v63  }
0xf1: {  	_ =	swait.ge [sflag:s25], $0x4000  }
0xf2: {  	[sflag:s25] =	ssyncset.done $0x0  }
0xf3: {  	s28 =	simm.s32 $0x180;
	[sflag:s25] =	ssyncadd.s32 $0xFFFFC000  }
0xf4: {  	[tilespmem:s22], [sflag:$0x1] =	stream.indirect.gather [hbm4b:s4+s19], $0x80, s28, s19, $0xb8;
	[tilespmem:$0x1E800] =	vst v63  }
0xf5: {  	_ =	swait.ge [sflag:s21], $0x4000  }
0xf6: {  	[sflag:s21] =	ssyncset.done $0x0  }
0xf7: {  	s29 =	simm.s32 $0x1580;
	s28 =	simm.s32 $0xFFFFB800;
	[sflag:s21] =	ssyncadd.s32 $0xFFFFC000  }
.LBB2_8:
0xf8: {  	[spmem:s1] =	stream.indirect.scatter.add.f32 [tilespmem:s22], [sflag:$0x3], $0x80, s29, s19, $0xb8;
	[tilespmem:$0x1E800] =	vst v63  }
0xf9: {  	s29 =	smov.u32 s28  }
0xfa: {  	p0 =	sne.s32 s28, $0xFFFFFC00;
	s28 =	sadd.s32 $0x400, s28;
	_ =	swait.ge [sflag:s24], $0x4000  }
0xfb: {  	s29 =	sshra.s32 s29, $0x2;
	[sflag:s24] =	ssyncset.done $0x0  }
0xfc: {  	s30 =	sadd.s32 $0x1400, s29;
	[sflag:s24] =	ssyncadd.s32 $0xFFFFC000  }
0xfd: {  	[tilespmem:s20], [sflag:$0x1] =	stream.indirect.gather [hbm4b:s4+s19], $0x80, s30, s19, $0xb8;
	[tilespmem:$0x1E800] =	vst v63  }
0xfe: {  	_ =	swait.ge [sflag:s21], $0x4000  }
0xff: {  	[sflag:s21] =	ssyncset.done $0x0  }
0x100: {  	s30 =	sadd.s32 $0x2800, s29;
	[sflag:s21] =	ssyncadd.s32 $0xFFFFC000  }
0x101: {  	[spmem:s1] =	stream.indirect.scatter.add.f32 [tilespmem:s20], [sflag:$0x2], $0x80, s30, s19, $0xb8;
	[tilespmem:$0x1E800] =	vst v63  }
0x102: {  	_ =	swait.ge [sflag:s25], $0x4000  }
0x103: {  	[sflag:s25] =	ssyncset.done $0x0  }
.Ltmp3:
0x104: {  	s30 =	sadd.s32 $0x1480, s29;
	[sflag:s25] =	ssyncadd.s32 $0xFFFFC000;
	(pc) =	sbr.rel @p0 .LBB2_8-.Ltmp3, $4  }
0x105: {  	[tilespmem:s22], [sflag:$0x1] =	stream.indirect.gather [hbm4b:s4+s19], $0x80, s30, s19, $0xb8;
	[tilespmem:$0x1E800] =	vst v63  }
0x106: {  	_ =	swait.ge [sflag:s21], $0x4000  }
0x107: {  	[sflag:s21] =	ssyncset.done $0x0  }
0x108: {  	s29 =	sadd.s32 $0x2880, s29;
	[sflag:s21] =	ssyncadd.s32 $0xFFFFC000  }
0x109: {  	[spmem:s1] =	stream.indirect.scatter.add.f32 [tilespmem:s22], [sflag:$0x3], $0x80, s29, s19, $0xb8;
	[tilespmem:$0x1E800] =	vst v63  }
0x10a: {  	_ =	swait.ge [sflag:s24], $0x4000  }
0x10b: {  	[sflag:s24] =	ssyncset.done $0x0  }
0x10c: {  	[sflag:s24] =	ssyncadd.s32 $0xFFFFC000  }
0x10d: {  	_ =	swait.ge [sflag:s25], $0x4000  }
0x10e: {  	s26 =	sadd.s32 $0x1, s26;
	[sflag:s25] =	ssyncset.done $0x0  }
0x10f: {  	p0 =	sne.s32 s26, s15;
	[sflag:s25] =	ssyncadd.s32 $0xFFFFC000  }
.Ltmp4:
0x110: {  	[bflag:$0x0] =	sbarrier.arrive $0xFFFF;
	(pc) =	sbr.rel @p0 .LBB2_1-.Ltmp4, $4  }
0x111: {  	[hbm:s14], [sflag:s6] =	dma.local [spmem:s16], $0x2800  }
0x112: {  	_ =	swait.ge [sflag:s17], $0x2800  }
0x113: {  	[sflag:s17] =	ssyncset.done $0x0  }
0x114: {  	[sflag:s17] =	ssyncadd.s32 $0xFFFFD800  }
0x115: {  	_ =	sfence.sel $0x180000  }
0x116: {  	[bflag:$0x0] =	sbarrier.arrive $0xFFFF  }
0x117: {  	p0 =	sne.s32 s3, $0x0;
	_ =	strace $0x9000004A  }
0x118: {  	s0 =	sadd.s32 @!p0 $0x100000, s0;
	[bflag:$0x2] =	sbarrier.arrive $0xFFFF  }
0x119: {  	[sflag:s0] =	ssyncadd.tile.s32 @!p0 $0x1;
	_ =	shalt  }
.Lfunc_end2:
_tile_overlayer_lowered:
.L_overlay_start_2:
0x11a: {  	(tag) =	ssettag $0x2  }
0x11b: {  	s0 =	rddreg [dreg:$0x0];
	s2 =	stileid.u32  }
0x11c: {  	s1 =	rddreg [dreg:$0x1];
	p0 =	sne.s32 s2, $0x0  }
0x11d: {  	s3 =	rddreg [dreg:$0x2];
	[bflag:$0x3] =	sbarrier.arrive $0xFFFF;
	s2 =	simm.s32 @!p0 $0x1C04  }
0x11e: {  	[timem:s3], [sflag:s2] =	dma.local @!p0 [hbm:s0], s1  }
0x11f: {  	s0 =	simm.s32 @!p0 $0x4  }
0x120: {  	_ =	swait.ge @!p0 [sflag:s0], s1  }
0x121: {  	s1 =	ssub.s32 @!p0 $0x0, s1;
	[sflag:s0] =	ssyncset.done @!p0 $0x0  }
0x122: {  	[sflag:s0] =	ssyncadd.s32 @!p0 s1  }
0x123: {  	[bflag:$0x3] =	sbarrier.arrive $0xFFFF  }
0x124: {  	_ =	shalt  }

// kernel: kernel.18.cloned.1.call-start
scs
__scs_entry_jumppad:
0x0: {  	(pc) =	sbr.rel $0x88, $3  }
0x1: {  	(tag) =	ssettag $0x0;
	lr =	simm.s32 $0x1  }
0x2: {  	[smem:$0x3F82] =	sst lr;
	_ =	strace $0xD0000000  }
0x3: {  	_ = 	snop  }
0x4: {  	_ = 	snop  }
0x5: {  	_ = 	snop  }
0x6: {  	_ = 	snop  }
0x7: {  	_ = 	snop  }
__scs_overlays_trampoline_lowered:
0x8: {  	[smem:$0x3F91] =	sst s0  }
0x9: {  	[smem:$0x3F92] =	sst s1  }
0xa: {  	[smem:$0x3F93] =	sst s2  }
0xb: {  	[smem:$0x3F94] =	sst s3  }
0xc: {  	[smem:$0x3F95] =	sst s4  }
0xd: {  	[smem:$0x3F96] =	sst s5  }
0xe: {  	[smem:$0x3F97] =	sst s6  }
0xf: {  	[smem:$0x3F98] =	sst s7  }
0x10: {  	[smem:$0x3F99] =	sst s8  }
0x11: {  	[smem:$0x3F9A] =	sst s9;
	s0 =	simm.s32 @!p0 $0x0  }
0x12: {  	s1 =	sld [smem:$0x3F80];
	s0 =	simm.s32 @p0 $0x1  }
0x13: {  	[smem:$0x3F9B] =	sst s0;
	s0 =	simm.s32 @!p1 $0x0  }
0x14: {  	s2 =	sld [smem:$0x3F7F];
	s0 =	simm.s32 @p1 $0x1  }
0x15: {  	[smem:$0x3F9C] =	sst s0;
	s0 =	simm.s32 @!p2 $0x0  }
0x16: {  	s3 =	sld [smem:$0x3FDB];
	s0 =	simm.s32 @p2 $0x1  }
0x17: {  	s4 =	simm.s32 $0x1BF5;
	[smem:$0x3F9E] =	sst s0  }
0x18: {  	s0 =	sld [smem:$0x3F81];
	_ =	swait.ge [sflag:s4], $0x0  }
0x19: {  	s7 =	sld [smem:$0x3F82]  }
0x1a: {  	s8 =	sadd.s32 $0xFFFFE003, lr  }
0x1b: {  	s9 =	sadd.s32 $0xFFFFFEF7, lr;
	s5 =	simm.s32 $0xFFFFFFFF;
	p2 =	slt.u32 s8, $0xFFFFF086  }
0x1c: {  	p1 =	slt.u32 s9, $0xF7A;
	s5 =	simm.s32 @!p2 $0x0  }
0x1d: {  	s5 =	simm.s32 @p1 $0x1;
	p0 =	seq.s32 s7, s2  }
0x1e: {  	s7 =	smul.u32 @!p0 $0xF7A, s2;
	p2 =	seq.s32 @!p0 s5, $0x0  }
0x1f: {  	s9 =	smul.u32 $0xF7A, s1;
	s8 =	simm.s32 @!p0 $0x1BF5;
	p2 =	por !p2, p0  }
0x20: {  	[sflag:s8] =	ssyncset.s32 @!p0 $0xFFFFF086;
	s6 =	sadd.s32 @!p0 s3, s7;
	s7 =	simm.s32 @!p0 $0x108  }
0x21: {  	s3 =	sadd.s32 s3, s9;
	s6 =	sadd.s32 @!p0 $0x88, s6;
	s7 =	simm.s32 @p2 $0x1082  }
0x22: {  	[simem:s7], [sflag:s8] =	dma.local @!p0 [hbm:s6], $0xF7A  }
0x23: {  	s9 =	sor.u32 $0xD0000000, s2;
	s6 =	simm.s32 $0x108;
	_ =	swait.ge @!p0 [sflag:s8], $0x0  }
0x24: {  	s3 =	sadd.s32 $0x88, s3;
	s6 =	simm.s32 @!p1 $0x1082;
	[sflag:s4] =	ssyncset.s32 $0xFFFFF086  }
0x25: {  	[simem:s6], [sflag:s4] =	dma.local [hbm:s3], $0xF7A  }
0x26: {  	[smem:$0x3F82] =	sst s1;
	(tag) =	ssettag s2;
	_ =	strace s9  }
0x27: {  	s1 =	sld [smem:$0x3F92]  }
0x28: {  	s2 =	sld [smem:$0x3F93]  }
0x29: {  	s4 =	sld [smem:$0x3F95]  }
0x2a: {  	p0 =	seq.s32 s5, $0x0;
	s5 =	sld [smem:$0x3F96]  }
0x2b: {  	s6 =	sld [smem:$0x3F97]  }
0x2c: {  	s7 =	sld [smem:$0x3F98]  }
0x2d: {  	s3 =	simm.s32 $0x108;
	s8 =	sld [smem:$0x3F99]  }
0x2e: {  	s3 =	simm.s32 @!p0 $0x1082;
	s9 =	sld [smem:$0x3F9A]  }
0x2f: {  	lr =	sadd.s32 s0, s3;
	s0 =	sld [smem:$0x3F91]  }
0x30: {  	s3 =	sld [smem:$0x3F94]  }
0x31: {  	[smem:$0x3F9D] =	sst s10  }
0x32: {  	s10 =	sld [smem:$0x3F9B];
	_ =	sdelay $0x3  }
0x33: {  	p0 =	seq.s32 s10, $0x1;
	s10 =	sld [smem:$0x3F9D];
	_ =	sdelay $0x3  }
0x34: {  	[smem:$0x3F9D] =	sst s10  }
0x35: {  	s10 =	sld [smem:$0x3F9C];
	_ =	sdelay $0x3  }
0x36: {  	p1 =	seq.s32 s10, $0x1;
	s10 =	sld [smem:$0x3F9D];
	_ =	sdelay $0x3  }
0x37: {  	[smem:$0x3F9D] =	sst s10  }
0x38: {  	s10 =	sld [smem:$0x3F9E]  }
0x39: {  	_ = 	snop;
	(pc) =	sbr.ind lr, $3  }
0x3a: {  	_ = 	snop  }
0x3b: {  	_ = 	snop  }
0x3c: {  	p2 =	seq.s32 s10, $0x1;
	s10 =	sld [smem:$0x3F9D]  }
0x3d: {  	_ =	shalt  }
0x3e: {  	_ =	shalt  }
0x3f: {  	_ =	shalt  }
0x40: {  	_ =	shalt  }
0x41: {  	_ =	shalt  }
0x42: {  	_ =	shalt  }
0x43: {  	_ =	shalt  }
0x44: {  	_ =	shalt  }
0x45: {  	_ =	shalt  }
0x46: {  	_ =	shalt  }
0x47: {  	_ =	shalt  }
0x48: {  	_ =	shalt  }
0x49: {  	_ =	shalt  }
0x4a: {  	_ =	shalt  }
0x4b: {  	_ =	shalt  }
0x4c: {  	_ =	shalt  }
0x4d: {  	_ =	shalt  }
0x4e: {  	_ =	shalt  }
0x4f: {  	_ =	shalt  }
0x50: {  	_ =	shalt  }
0x51: {  	_ =	shalt  }
0x52: {  	_ =	shalt  }
0x53: {  	_ =	shalt  }
0x54: {  	_ =	shalt  }
0x55: {  	_ =	shalt  }
0x56: {  	_ =	shalt  }
0x57: {  	_ =	shalt  }
0x58: {  	_ =	shalt  }
0x59: {  	_ =	shalt  }
0x5a: {  	_ =	shalt  }
0x5b: {  	_ =	shalt  }
0x5c: {  	_ =	shalt  }
0x5d: {  	_ =	shalt  }
0x5e: {  	_ =	shalt  }
0x5f: {  	_ =	shalt  }
0x60: {  	_ =	shalt  }
0x61: {  	_ =	shalt  }
0x62: {  	_ =	shalt  }
0x63: {  	_ =	shalt  }
0x64: {  	_ =	shalt  }
0x65: {  	_ =	shalt  }
0x66: {  	_ =	shalt  }
0x67: {  	_ =	shalt  }
0x68: {  	_ =	shalt  }
0x69: {  	_ =	shalt  }
0x6a: {  	_ =	shalt  }
0x6b: {  	_ =	shalt  }
0x6c: {  	_ =	shalt  }
0x6d: {  	_ =	shalt  }
0x6e: {  	_ =	shalt  }
0x6f: {  	_ =	shalt  }
0x70: {  	_ =	shalt  }
0x71: {  	_ =	shalt  }
0x72: {  	_ =	shalt  }
0x73: {  	_ =	shalt  }
0x74: {  	_ =	shalt  }
0x75: {  	_ =	shalt  }
0x76: {  	_ =	shalt  }
0x77: {  	_ =	shalt  }
0x78: {  	_ =	shalt  }
0x79: {  	_ =	shalt  }
0x7a: {  	_ =	shalt  }
0x7b: {  	_ =	shalt  }
0x7c: {  	_ =	shalt  }
0x7d: {  	_ =	shalt  }
0x7e: {  	_ =	shalt  }
0x7f: {  	_ =	shalt  }
0x80: {  	_ =	shalt  }
0x81: {  	_ =	shalt  }
0x82: {  	_ =	shalt  }
0x83: {  	_ =	shalt  }
0x84: {  	_ =	shalt  }
0x85: {  	_ =	shalt  }
0x86: {  	_ =	shalt  }
0x87: {  	_ =	shalt  }
.Lfunc_end0:
.L_simem_size_0:
called_computation.2_lowered:
.L_overlay_start_0:
0x88: {  	s2 =	sld [smem:$0x3FD9]  }
0x89: {  	s3 =	sld [smem:$0x3FFE];
	_ =	sdelay $0x1  }
0x8a: {  	s1 =	srdreg.scid  }
0x8b: {  	s0 =	sand.u32 $0x1, s1  }
0x8c: {  	s17 =	sshll.u32 s0, $0xA;
	s2 =	sadd.s32 s3, s2  }
0x8d: {  	s2 =	sadd.s32 s2, s17  }
0x8e: {  	[smem:$0x3FA9] =	sst s2  }
0x8f: {  	_ = 	snop  }
0x90: {  	s2 =	sld [smem:$0x3FD0];
	(tm) =	ssettm $0x1  }
0x91: {  	s18 =	sld [smem:$0x3FFB];
	_ =	sdelay $0x3  }
0x92: {  	_ =	strace s18  }
0x93: {  	s3 =	sld [smem:$0x3FFC];
	_ =	sdelay $0x3  }
0x94: {  	_ =	strace s3  }
0x95: {  	s3 =	sld [smem:$0x3FFD];
	_ =	sdelay $0x3  }
0x96: {  	_ =	strace s3  }
0x97: {  	_ =	strace $0x8FFFFFFF  }
0x98: {  	s19 =	sld [smem:$0x3FDB];
	_ =	sdelay $0x1  }
0x99: {  	s4 =	simm.s32 $_scs_section_size  }
0x9a: {  	s5 =	simm.s32 $_size__tile_overlayer_lowered;
	s6 =	simm.s32 $_tile_overlayer_lowered  }
0x9b: {  	s22 =	simm.s32 $0x1BFF;
	s21 =	sshll.u32 s6, $0x1;
	s3 =	sadd.s32 s4, s19  }
0x9c: {  	s7 =	simm.s32 $0x0;
	s20 =	sshll.u32 s5, $0x1;
	s5 =	sadd.s32 s21, s3  }
0x9d: {  	[timem:s7], [sflag:s22] =	dma.local [hbm:s5], s20  }
0x9e: {  	_ =	swait.ge [sflag:s22], s20  }
0x9f: {  	s4 =	ssub.s32 $0x0, s20;
	[sflag:s22] =	ssyncset.done $0x0  }
0xa0: {  	[sflag:s22] =	ssyncadd.s32 s4;
	_ =	sdelay $0x1  }
0xa1: {  	s23 =	simm.s32 $0x1B8B  }
0xa2: {  	_ =	swait.ge [sflag:s23], $0x1  }
0xa3: {  	[sflag:s23] =	ssyncset.done $0x0  }
0xa4: {  	s25 =	simm.s32 $0x1B8E;
	s24 =	sld [smem:$0x3FFE];
	[sflag:s23] =	ssyncadd.s32 $0xFFFFFFFF  }
0xa5: {  	s26 =	simm.s32 $execute0_lowered;
	[smem:$0x3FD2] =	sst s25  }
0xa6: {  	s5 =	sshll.u32 s26, $0x1;
	_ =	strace $0x8000004C;
	[dreg:$0x1] =	wrdreg $0xFFFFFFFF  }
0xa7: {  	s28 =	simm.s32 $_size_execute0_lowered;
	s3 =	sadd.s32 s3, s5;
	[dreg:$0x0] =	wrdreg $0x0  }
0xa8: {  	s5 =	sshll.u32 s28, $0x1;
	[dreg:$0x2] =	wrdreg s3  }
0xa9: {  	[dreg:$0x3] =	wrdreg s5  }
0xaa: {  	[dreg:$0x4] =	wrdreg $0xC0  }
0xab: {  	_ =	task [dreg:s7], $0x5FFFF  }
0xac: {  	[dreg:$0x1] =	wrdreg $0xFFFFFFFF  }
0xad: {  	[dreg:$0x0] =	wrdreg $0x60  }
0xae: {  	[dreg:$0x2] =	wrdreg s2  }
0xaf: {  	[dreg:$0x3] =	wrdreg s24  }
0xb0: {  	[dreg:$0x4] =	wrdreg $0xA8000  }
0xb1: {  	[dreg:$0x5] =	wrdreg $0x9  }
0xb2: {  	_ =	task.clear_ibuf [dreg:s7], $0x6FFFF;
	_ =	strace $0x9000004C  }
0xb3: {  	s29 =	simm.s32 $0x9;
	_ =	strace $0x8000004E  }
0xb4: {  	_ =	swait.ge [sflag:s29], $0x1  }
0xb5: {  	[sflag:s29] =	ssyncadd.s32 $0xFFFFFFFF  }
0xb6: {  	_ =	strace $0x9000004E  }
0xb7: {  	_ =	sfence  }
0xb8: {  	s30 =	sld [smem:$0x0];
	_ =	sdelay $0x2  }
0xb9: {  	s31 =	sshll.u32 s1, $0xD;
	s1 =	sshrl.u32 s1, $0x2  }
0xba: {  	s3 =	sand.u32 $0x4000, s31;
	s1 =	sadd.s32 s1, s30  }
0xbb: {  	s0 =	sor.u32 s3, s0;
	s1 =	sshll.u32 s1, $0x11  }
0xbc: {  	s0 =	sor.u32 s1, s0  }
0xbd: {  	s0 =	sadd.s32 $0x8F2B, s0  }
0xbe: {  	[sflag:s0] =	ssyncadd.remote.s32 $0x1  }
0xbf: {  	_ =	sfence.sel $0xFFFF  }
0xc0: {  	[dreg:$0x0] =	wrdreg $0xFFFFFFFF;
	(pc) =	sbr.abs _section_cstart, $3  }
0xc1: {  	[dreg:$0x1] =	wrdreg $0xFFFFFFFF  }
0xc2: {  	_ =	task.clear_ibuf [dreg:s7], $0x2FFFF;
	_ =	strace $0x9FFFFFFF  }
0xc3: {  	(tm) =	ssettm $0x7FFFFFFF  }
tec
execute0_lowered:
.L_overlay_start_1:
0x0: {  	(tag) =	ssettag $0x1  }
0x1: {  	s12 =	rddreg [dreg:$0x0]  }
0x2: {  	s3 =	rddreg [dreg:$0x1]  }
0x3: {  	s1 =	rddreg [dreg:$0x2]  }
0x4: {  	s0 =	rddreg [dreg:$0x3];
	s6 =	srdreg.scid;
	s9 =	sadd.s32 $0xB3200, s3  }
0x5: {  	s4 =	sadd.s32 $0xB8200, s3;
	s5 =	sadd.s32 $0x10200, s3;
	s8 =	sand.u32 $0x1, s6  }
0x6: {  	s14 =	sadd.s32 $0x12A00, s3;
	s3 =	stileid.u32;
	s10 =	smul.u32 $0x5000, s8  }
0x7: {  	s2 =	simm.s32 $0x0;
	s22 =	simm.s32 $0x6800;
	s7 =	smul.u32 $0x50000, s3  }
0x8: {  	s23 =	simm.s32 $0x1480;
	[smem:$0x7FF] =	sst s2;
	s15 =	smul.u32 $0x280, s3  }
0x9: {  	_ =	strace $0x8000004D;
	s6 =	ssub.s32 $0x2, s8;
	s28 =	smul.u32 $0x500, s3  }
0xa: {  	s11 =	sshll.u32 s8, $0x5;
	s18 =	smul.u32 $0x2800, s3;
	s19 =	sshllo.u32 s8, $0x1  }
0xb: {  	s11 =	sor.u32 s3, s11;
	s29 =	sshll.u32 s19, $0x4;
	s19 =	smul.u32 $0x2800, s19  }
0xc: {  	s26 =	sshll.u32 s3, $0x6;
	s13 =	sshrl.u32 s6, $0x1;
	s25 =	smul.u32 $0x500, s11  }
0xd: {  	s16 =	ssub.s32 s6, s13;
	s24 =	sshrl.u32 s7, $0x2;
	s11 =	smul.u32 $0x2800, s11  }
0xe: {  	s6 =	sor.u32 $0x1C04, s26;
	s8 =	sadd.s32 s9, s28;
	s18 =	sshrl.u32 s18, $0x3  }
0xf: {  	s13 =	sor.u32 s3, s29;
	s20 =	sadd.s32 s15, s10;
	s26 =	simm.s32 $0x0  }
0x10: {  	s17 =	sadd.s32 s24, s1;
	s18 =	sadd.s32 s9, s18;
	s21 =	smul.u32 $0x2800, s13  }
0x11: {  	s30 =	sshll.u32 s20, $0x4;
	s13 =	smul.u32 $0x500, s13;
	s15 =	sadd.s32 s15, s19  }
0x12: {  	s19 =	simm.s32 $0x80;
	s20 =	simm.s32 $0x2800;
	s24 =	simm.s32 $0x2  }
0x13: {  	s7 =	sadd.s32 s12, s25;
	s11 =	sshrl.u32 s11, $0x3;
	s10 =	sadd.s32 $0x280, s18  }
0x14: {  	s15 =	sshll.u32 s15, $0x4;
	s25 =	simm.s32 $0x3;
	s11 =	sadd.s32 s12, s11  }
0x15: {  	s31 =	sshrl.u32 s21, $0x3;
	s21 =	simm.s32 $0x1;
	s9 =	sadd.s32 $0x280, s11  }
0x16: {  	s11 =	sadd.s32 s14, s30;
	s18 =	sadd.s32 s12, s31;
	s12 =	sadd.s32 s12, s13  }
0x17: {  	s14 =	sadd.s32 s14, s15;
	s15 =	smax.u32 s16, $0x1;
	s16 =	sshrl.u32 s17, $0x3  }
0x18: {  	s17 =	simm.s32 $0x4;
	s13 =	sadd.s32 $0x280, s18;
	s18 =	simm.s32 $0x1400  }
.LBB2_1:
0x19: {  	[spmem:s16], [sflag:s6] =	dma.local [hbm:s5], $0x2800  }
0x1a: {  	_ =	swait.ge [sflag:s17], $0x2800  }
0x1b: {  	[sflag:s17] =	ssyncset.done $0x0  }
0x1c: {  	[sflag:s17] =	ssyncadd.s32 $0xFFFFD800  }
0x1d: {  	[bflag:$0x0] =	sbarrier.arrive $0xFFFF  }
0x1e: {  	[tilespmem:s2], [sflag:$0x4] =	stream.linear.gather [hbm4b:s7+s2], $0x1400, $0x38;
	[tilespmem:$0x1E800] =	vst v63  }
0x1f: {  	_ =	swait.ge [sflag:s17], $0x1400  }
0x20: {  	[sflag:s17] =	ssyncset.done $0x0  }
0x21: {  	[sflag:s17] =	ssyncadd.s32 $0xFFFFEC00  }
0x22: {  	[tilespmem:s18], [sflag:$0x4] =	stream.linear.gather [hbm4b:s8+s2], $0x1400, $0x38;
	[tilespmem:$0x1E800] =	vst v63  }
0x23: {  	_ =	swait.ge [sflag:s17], $0x1400  }
0x24: {  	[sflag:s17] =	ssyncset.done $0x0  }
0x25: {  	[sflag:s17] =	ssyncadd.s32 $0xFFFFEC00  }
0x26: {  	[tilespmem:s20], [sflag:$0x1] =	stream.indirect.gather [hbm4b:s4+s19], $0x80, s2, s19, $0xb8;
	[tilespmem:$0x1E800] =	vst v63  }
0x27: {  	_ =	swait.ge [sflag:s21], $0x4000  }
0x28: {  	[sflag:s21] =	ssyncset.done $0x0  }
0x29: {  	[sflag:s21] =	ssyncadd.s32 $0xFFFFC000  }
0x2a: {  	[spmem:s1] =	stream.indirect.scatter.add.f32 [tilespmem:s20], [sflag:$0x2], $0x80, s18, s19, $0xb8;
	[tilespmem:$0x1E800] =	vst v63  }
0x2b: {  	_ = 	snop  }
0x2c: {  	[tilespmem:s22], [sflag:$0x1] =	stream.indirect.gather [hbm4b:s4+s19], $0x80, s19, s19, $0xb8;
	[tilespmem:$0x1E800] =	vst v63  }
0x2d: {  	_ =	swait.ge [sflag:s21], $0x4000  }
0x2e: {  	[sflag:s21] =	ssyncset.done $0x0  }
0x2f: {  	[sflag:s21] =	ssyncadd.s32 $0xFFFFC000  }
0x30: {  	[spmem:s1] =	stream.indirect.scatter.add.f32 [tilespmem:s22], [sflag:$0x3], $0x80, s23, s19, $0xb8;
	[tilespmem:$0x1E800] =	vst v63  }
0x31: {  	_ =	swait.ge [sflag:s24], $0x4000  }
0x32: {  	[sflag:s24] =	ssyncset.done $0x0  }
0x33: {  	s28 =	simm.s32 $0x100;
	[sflag:s24] =	ssyncadd.s32 $0xFFFFC000  }
0x34: {  	[tilespmem:s20], [sflag:$0x1] =	stream.indirect.gather [hbm4b:s4+s19], $0x80, s28, s19, $0xb8;
	[tilespmem:$0x1E800] =	vst v63  }
0x35: {  	_ =	swait.ge [sflag:s21], $0x4000  }
0x36: {  	[sflag:s21] =	ssyncset.done $0x0  }
0x37: {  	s28 =	simm.s32 $0x1500;
	[sflag:s21] =	ssyncadd.s32 $0xFFFFC000  }
0x38: {  	[spmem:s1] =	stream.indirect.scatter.add.f32 [tilespmem:s20], [sflag:$0x2], $0x80, s28, s19, $0xb8;
	[tilespmem:$0x1E800] =	vst v63  }
0x39: {  	_ =	swait.ge [sflag:s25], $0x4000  }
0x3a: {  	[sflag:s25] =	ssyncset.done $0x0  }
0x3b: {  	s28 =	simm.s32 $0x180;
	[sflag:s25] =	ssyncadd.s32 $0xFFFFC000  }
0x3c: {  	[tilespmem:s22], [sflag:$0x1] =	stream.indirect.gather [hbm4b:s4+s19], $0x80, s28, s19, $0xb8;
	[tilespmem:$0x1E800] =	vst v63  }
0x3d: {  	_ =	swait.ge [sflag:s21], $0x4000  }
0x3e: {  	[sflag:s21] =	ssyncset.done $0x0  }
0x3f: {  	s29 =	simm.s32 $0x1580;
	s28 =	simm.s32 $0xFFFFB800;
	[sflag:s21] =	ssyncadd.s32 $0xFFFFC000  }
.LBB2_2:
0x40: {  	[spmem:s1] =	stream.indirect.scatter.add.f32 [tilespmem:s22], [sflag:$0x3], $0x80, s29, s19, $0xb8;
	[tilespmem:$0x1E800] =	vst v63  }
0x41: {  	s29 =	smov.u32 s28  }
0x42: {  	p0 =	sne.s32 s28, $0xFFFFFC00;
	s28 =	sadd.s32 $0x400, s28;
	_ =	swait.ge [sflag:s24], $0x4000  }
0x43: {  	s29 =	sshra.s32 s29, $0x2;
	[sflag:s24] =	ssyncset.done $0x0  }
0x44: {  	s30 =	sadd.s32 $0x1400, s29;
	[sflag:s24] =	ssyncadd.s32 $0xFFFFC000  }
0x45: {  	[tilespmem:s20], [sflag:$0x1] =	stream.indirect.gather [hbm4b:s4+s19], $0x80, s30, s19, $0xb8;
	[tilespmem:$0x1E800] =	vst v63  }
0x46: {  	_ =	swait.ge [sflag:s21], $0x4000  }
0x47: {  	[sflag:s21] =	ssyncset.done $0x0  }
0x48: {  	s30 =	sadd.s32 $0x2800, s29;
	[sflag:s21] =	ssyncadd.s32 $0xFFFFC000  }
0x49: {  	[spmem:s1] =	stream.indirect.scatter.add.f32 [tilespmem:s20], [sflag:$0x2], $0x80, s30, s19, $0xb8;
	[tilespmem:$0x1E800] =	vst v63  }
0x4a: {  	_ =	swait.ge [sflag:s25], $0x4000  }
0x4b: {  	[sflag:s25] =	ssyncset.done $0x0  }
.Ltmp0:
0x4c: {  	s30 =	sadd.s32 $0x1480, s29;
	[sflag:s25] =	ssyncadd.s32 $0xFFFFC000;
	(pc) =	sbr.rel @p0 .LBB2_2-.Ltmp0, $4  }
0x4d: {  	[tilespmem:s22], [sflag:$0x1] =	stream.indirect.gather [hbm4b:s4+s19], $0x80, s30, s19, $0xb8;
	[tilespmem:$0x1E800] =	vst v63  }
0x4e: {  	_ =	swait.ge [sflag:s21], $0x4000  }
0x4f: {  	[sflag:s21] =	ssyncset.done $0x0  }
0x50: {  	s29 =	sadd.s32 $0x2880, s29;
	[sflag:s21] =	ssyncadd.s32 $0xFFFFC000  }
0x51: {  	[spmem:s1] =	stream.indirect.scatter.add.f32 [tilespmem:s22], [sflag:$0x3], $0x80, s29, s19, $0xb8;
	[tilespmem:$0x1E800] =	vst v63  }
0x52: {  	_ =	swait.ge [sflag:s24], $0x4000  }
0x53: {  	[sflag:s24] =	ssyncset.done $0x0  }
0x54: {  	[sflag:s24] =	ssyncadd.s32 $0xFFFFC000  }
0x55: {  	_ =	swait.ge [sflag:s25], $0x4000  }
0x56: {  	[sflag:s25] =	ssyncset.done $0x0  }
0x57: {  	[sflag:s25] =	ssyncadd.s32 $0xFFFFC000  }
0x58: {  	[tilespmem:s2], [sflag:$0x4] =	stream.linear.gather [hbm4b:s9+s2], $0x1400, $0x38;
	[tilespmem:$0x1E800] =	vst v63  }
0x59: {  	_ =	swait.ge [sflag:s17], $0x1400  }
0x5a: {  	[sflag:s17] =	ssyncset.done $0x0  }
0x5b: {  	[sflag:s17] =	ssyncadd.s32 $0xFFFFEC00  }
0x5c: {  	[tilespmem:s18], [sflag:$0x4] =	stream.linear.gather [hbm4b:s10+s2], $0x1400, $0x38;
	[tilespmem:$0x1E800] =	vst v63  }
0x5d: {  	_ =	swait.ge [sflag:s17], $0x1400  }
0x5e: {  	[sflag:s17] =	ssyncset.done $0x0  }
0x5f: {  	[sflag:s17] =	ssyncadd.s32 $0xFFFFEC00  }
0x60: {  	[tilespmem:s20], [sflag:$0x1] =	stream.indirect.gather [hbm4b:s4+s19], $0x80, s2, s19, $0xb8;
	[tilespmem:$0x1E800] =	vst v63  }
0x61: {  	_ =	swait.ge [sflag:s21], $0x4000  }
0x62: {  	[sflag:s21] =	ssyncset.done $0x0  }
0x63: {  	[sflag:s21] =	ssyncadd.s32 $0xFFFFC000  }
0x64: {  	[spmem:s1] =	stream.indirect.scatter.add.f32 [tilespmem:s20], [sflag:$0x2], $0x80, s18, s19, $0xb8;
	[tilespmem:$0x1E800] =	vst v63  }
0x65: {  	_ = 	snop  }
0x66: {  	[tilespmem:s22], [sflag:$0x1] =	stream.indirect.gather [hbm4b:s4+s19], $0x80, s19, s19, $0xb8;
	[tilespmem:$0x1E800] =	vst v63  }
0x67: {  	_ =	swait.ge [sflag:s21], $0x4000  }
0x68: {  	[sflag:s21] =	ssyncset.done $0x0  }
0x69: {  	[sflag:s21] =	ssyncadd.s32 $0xFFFFC000  }
0x6a: {  	[spmem:s1] =	stream.indirect.scatter.add.f32 [tilespmem:s22], [sflag:$0x3], $0x80, s23, s19, $0xb8;
	[tilespmem:$0x1E800] =	vst v63  }
0x6b: {  	_ =	swait.ge [sflag:s24], $0x4000  }
0x6c: {  	[sflag:s24] =	ssyncset.done $0x0  }
0x6d: {  	s28 =	simm.s32 $0x100;
	[sflag:s24] =	ssyncadd.s32 $0xFFFFC000  }
0x6e: {  	[tilespmem:s20], [sflag:$0x1] =	stream.indirect.gather [hbm4b:s4+s19], $0x80, s28, s19, $0xb8;
	[tilespmem:$0x1E800] =	vst v63  }
0x6f: {  	_ =	swait.ge [sflag:s21], $0x4000  }
0x70: {  	[sflag:s21] =	ssyncset.done $0x0  }
0x71: {  	s28 =	simm.s32 $0x1500;
	[sflag:s21] =	ssyncadd.s32 $0xFFFFC000  }
0x72: {  	[spmem:s1] =	stream.indirect.scatter.add.f32 [tilespmem:s20], [sflag:$0x2], $0x80, s28, s19, $0xb8;
	[tilespmem:$0x1E800] =	vst v63  }
0x73: {  	_ =	swait.ge [sflag:s25], $0x4000  }
0x74: {  	[sflag:s25] =	ssyncset.done $0x0  }
0x75: {  	s28 =	simm.s32 $0x180;
	[sflag:s25] =	ssyncadd.s32 $0xFFFFC000  }
0x76: {  	[tilespmem:s22], [sflag:$0x1] =	stream.indirect.gather [hbm4b:s4+s19], $0x80, s28, s19, $0xb8;
	[tilespmem:$0x1E800] =	vst v63  }
0x77: {  	_ =	swait.ge [sflag:s21], $0x4000  }
0x78: {  	[sflag:s21] =	ssyncset.done $0x0  }
0x79: {  	s29 =	simm.s32 $0x1580;
	s28 =	simm.s32 $0xFFFFB800;
	[sflag:s21] =	ssyncadd.s32 $0xFFFFC000  }
.LBB2_4:
0x7a: {  	[spmem:s1] =	stream.indirect.scatter.add.f32 [tilespmem:s22], [sflag:$0x3], $0x80, s29, s19, $0xb8;
	[tilespmem:$0x1E800] =	vst v63  }
0x7b: {  	s29 =	smov.u32 s28  }
0x7c: {  	p0 =	sne.s32 s28, $0xFFFFFC00;
	s28 =	sadd.s32 $0x400, s28;
	_ =	swait.ge [sflag:s24], $0x4000  }
0x7d: {  	s29 =	sshra.s32 s29, $0x2;
	[sflag:s24] =	ssyncset.done $0x0  }
0x7e: {  	s30 =	sadd.s32 $0x1400, s29;
	[sflag:s24] =	ssyncadd.s32 $0xFFFFC000  }
0x7f: {  	[tilespmem:s20], [sflag:$0x1] =	stream.indirect.gather [hbm4b:s4+s19], $0x80, s30, s19, $0xb8;
	[tilespmem:$0x1E800] =	vst v63  }
0x80: {  	_ =	swait.ge [sflag:s21], $0x4000  }
0x81: {  	[sflag:s21] =	ssyncset.done $0x0  }
0x82: {  	s30 =	sadd.s32 $0x2800, s29;
	[sflag:s21] =	ssyncadd.s32 $0xFFFFC000  }
0x83: {  	[spmem:s1] =	stream.indirect.scatter.add.f32 [tilespmem:s20], [sflag:$0x2], $0x80, s30, s19, $0xb8;
	[tilespmem:$0x1E800] =	vst v63  }
0x84: {  	_ =	swait.ge [sflag:s25], $0x4000  }
0x85: {  	[sflag:s25] =	ssyncset.done $0x0  }
.Ltmp1:
0x86: {  	s30 =	sadd.s32 $0x1480, s29;
	[sflag:s25] =	ssyncadd.s32 $0xFFFFC000;
	(pc) =	sbr.rel @p0 .LBB2_4-.Ltmp1, $4  }
0x87: {  	[tilespmem:s22], [sflag:$0x1] =	stream.indirect.gather [hbm4b:s4+s19], $0x80, s30, s19, $0xb8;
	[tilespmem:$0x1E800] =	vst v63  }
0x88: {  	_ =	swait.ge [sflag:s21], $0x4000  }
0x89: {  	[sflag:s21] =	ssyncset.done $0x0  }
0x8a: {  	s29 =	sadd.s32 $0x2880, s29;
	[sflag:s21] =	ssyncadd.s32 $0xFFFFC000  }
0x8b: {  	[spmem:s1] =	stream.indirect.scatter.add.f32 [tilespmem:s22], [sflag:$0x3], $0x80, s29, s19, $0xb8;
	[tilespmem:$0x1E800] =	vst v63  }
0x8c: {  	_ =	swait.ge [sflag:s24], $0x4000  }
0x8d: {  	[sflag:s24] =	ssyncset.done $0x0  }
0x8e: {  	[sflag:s24] =	ssyncadd.s32 $0xFFFFC000  }
0x8f: {  	_ =	swait.ge [sflag:s25], $0x4000  }
0x90: {  	[sflag:s25] =	ssyncset.done $0x0  }
0x91: {  	[sflag:s25] =	ssyncadd.s32 $0xFFFFC000  }
0x92: {  	[bflag:$0x0] =	sbarrier.arrive $0xFFFF  }
0x93: {  	[hbm:s11], [sflag:s6] =	dma.local [spmem:s16], $0x2800  }
0x94: {  	_ =	swait.ge [sflag:s17], $0x2800  }
0x95: {  	[sflag:s17] =	ssyncset.done $0x0  }
0x96: {  	[sflag:s17] =	ssyncadd.s32 $0xFFFFD800  }
0x97: {  	[spmem:s16], [sflag:s6] =	dma.local [hbm:s5], $0x2800  }
0x98: {  	_ =	swait.ge [sflag:s17], $0x2800  }
0x99: {  	[sflag:s17] =	ssyncset.done $0x0  }
0x9a: {  	[sflag:s17] =	ssyncadd.s32 $0xFFFFD800  }
0x9b: {  	[bflag:$0x0] =	sbarrier.arrive $0xFFFF  }
0x9c: {  	[tilespmem:s2], [sflag:$0x4] =	stream.linear.gather [hbm4b:s12+s2], $0x1400, $0x38;
	[tilespmem:$0x1E800] =	vst v63  }
0x9d: {  	_ =	swait.ge [sflag:s17], $0x1400  }
0x9e: {  	[sflag:s17] =	ssyncset.done $0x0  }
0x9f: {  	[sflag:s17] =	ssyncadd.s32 $0xFFFFEC00  }
0xa0: {  	[tilespmem:s18], [sflag:$0x4] =	stream.linear.gather [hbm4b:s8+s2], $0x1400, $0x38;
	[tilespmem:$0x1E800] =	vst v63  }
0xa1: {  	_ =	swait.ge [sflag:s17], $0x1400  }
0xa2: {  	[sflag:s17] =	ssyncset.done $0x0  }
0xa3: {  	[sflag:s17] =	ssyncadd.s32 $0xFFFFEC00  }
0xa4: {  	[tilespmem:s20], [sflag:$0x1] =	stream.indirect.gather [hbm4b:s4+s19], $0x80, s2, s19, $0xb8;
	[tilespmem:$0x1E800] =	vst v63  }
0xa5: {  	_ =	swait.ge [sflag:s21], $0x4000  }
0xa6: {  	[sflag:s21] =	ssyncset.done $0x0  }
0xa7: {  	[sflag:s21] =	ssyncadd.s32 $0xFFFFC000  }
0xa8: {  	[spmem:s1] =	stream.indirect.scatter.add.f32 [tilespmem:s20], [sflag:$0x2], $0x80, s18, s19, $0xb8;
	[tilespmem:$0x1E800] =	vst v63  }
0xa9: {  	_ = 	snop  }
0xaa: {  	[tilespmem:s22], [sflag:$0x1] =	stream.indirect.gather [hbm4b:s4+s19], $0x80, s19, s19, $0xb8;
	[tilespmem:$0x1E800] =	vst v63  }
0xab: {  	_ =	swait.ge [sflag:s21], $0x4000  }
0xac: {  	[sflag:s21] =	ssyncset.done $0x0  }
0xad: {  	[sflag:s21] =	ssyncadd.s32 $0xFFFFC000  }
0xae: {  	[spmem:s1] =	stream.indirect.scatter.add.f32 [tilespmem:s22], [sflag:$0x3], $0x80, s23, s19, $0xb8;
	[tilespmem:$0x1E800] =	vst v63  }
0xaf: {  	_ =	swait.ge [sflag:s24], $0x4000  }
0xb0: {  	[sflag:s24] =	ssyncset.done $0x0  }
0xb1: {  	s28 =	simm.s32 $0x100;
	[sflag:s24] =	ssyncadd.s32 $0xFFFFC000  }
0xb2: {  	[tilespmem:s20], [sflag:$0x1] =	stream.indirect.gather [hbm4b:s4+s19], $0x80, s28, s19, $0xb8;
	[tilespmem:$0x1E800] =	vst v63  }
0xb3: {  	_ =	swait.ge [sflag:s21], $0x4000  }
0xb4: {  	[sflag:s21] =	ssyncset.done $0x0  }
0xb5: {  	s28 =	simm.s32 $0x1500;
	[sflag:s21] =	ssyncadd.s32 $0xFFFFC000  }
0xb6: {  	[spmem:s1] =	stream.indirect.scatter.add.f32 [tilespmem:s20], [sflag:$0x2], $0x80, s28, s19, $0xb8;
	[tilespmem:$0x1E800] =	vst v63  }
0xb7: {  	_ =	swait.ge [sflag:s25], $0x4000  }
0xb8: {  	[sflag:s25] =	ssyncset.done $0x0  }
0xb9: {  	s28 =	simm.s32 $0x180;
	[sflag:s25] =	ssyncadd.s32 $0xFFFFC000  }
0xba: {  	[tilespmem:s22], [sflag:$0x1] =	stream.indirect.gather [hbm4b:s4+s19], $0x80, s28, s19, $0xb8;
	[tilespmem:$0x1E800] =	vst v63  }
0xbb: {  	_ =	swait.ge [sflag:s21], $0x4000  }
0xbc: {  	[sflag:s21] =	ssyncset.done $0x0  }
0xbd: {  	s29 =	simm.s32 $0x1580;
	s28 =	simm.s32 $0xFFFFB800;
	[sflag:s21] =	ssyncadd.s32 $0xFFFFC000  }
.LBB2_6:
0xbe: {  	[spmem:s1] =	stream.indirect.scatter.add.f32 [tilespmem:s22], [sflag:$0x3], $0x80, s29, s19, $0xb8;
	[tilespmem:$0x1E800] =	vst v63  }
0xbf: {  	s29 =	smov.u32 s28  }
0xc0: {  	p0 =	sne.s32 s28, $0xFFFFFC00;
	s28 =	sadd.s32 $0x400, s28;
	_ =	swait.ge [sflag:s24], $0x4000  }
0xc1: {  	s29 =	sshra.s32 s29, $0x2;
	[sflag:s24] =	ssyncset.done $0x0  }
0xc2: {  	s30 =	sadd.s32 $0x1400, s29;
	[sflag:s24] =	ssyncadd.s32 $0xFFFFC000  }
0xc3: {  	[tilespmem:s20], [sflag:$0x1] =	stream.indirect.gather [hbm4b:s4+s19], $0x80, s30, s19, $0xb8;
	[tilespmem:$0x1E800] =	vst v63  }
0xc4: {  	_ =	swait.ge [sflag:s21], $0x4000  }
0xc5: {  	[sflag:s21] =	ssyncset.done $0x0  }
0xc6: {  	s30 =	sadd.s32 $0x2800, s29;
	[sflag:s21] =	ssyncadd.s32 $0xFFFFC000  }
0xc7: {  	[spmem:s1] =	stream.indirect.scatter.add.f32 [tilespmem:s20], [sflag:$0x2], $0x80, s30, s19, $0xb8;
	[tilespmem:$0x1E800] =	vst v63  }
0xc8: {  	_ =	swait.ge [sflag:s25], $0x4000  }
0xc9: {  	[sflag:s25] =	ssyncset.done $0x0  }
.Ltmp2:
0xca: {  	s30 =	sadd.s32 $0x1480, s29;
	[sflag:s25] =	ssyncadd.s32 $0xFFFFC000;
	(pc) =	sbr.rel @p0 .LBB2_6-.Ltmp2, $4  }
0xcb: {  	[tilespmem:s22], [sflag:$0x1] =	stream.indirect.gather [hbm4b:s4+s19], $0x80, s30, s19, $0xb8;
	[tilespmem:$0x1E800] =	vst v63  }
0xcc: {  	_ =	swait.ge [sflag:s21], $0x4000  }
0xcd: {  	[sflag:s21] =	ssyncset.done $0x0  }
0xce: {  	s29 =	sadd.s32 $0x2880, s29;
	[sflag:s21] =	ssyncadd.s32 $0xFFFFC000  }
0xcf: {  	[spmem:s1] =	stream.indirect.scatter.add.f32 [tilespmem:s22], [sflag:$0x3], $0x80, s29, s19, $0xb8;
	[tilespmem:$0x1E800] =	vst v63  }
0xd0: {  	_ =	swait.ge [sflag:s24], $0x4000  }
0xd1: {  	[sflag:s24] =	ssyncset.done $0x0  }
0xd2: {  	[sflag:s24] =	ssyncadd.s32 $0xFFFFC000  }
0xd3: {  	_ =	swait.ge [sflag:s25], $0x4000  }
0xd4: {  	[sflag:s25] =	ssyncset.done $0x0  }
0xd5: {  	[sflag:s25] =	ssyncadd.s32 $0xFFFFC000  }
0xd6: {  	[tilespmem:s2], [sflag:$0x4] =	stream.linear.gather [hbm4b:s13+s2], $0x1400, $0x38;
	[tilespmem:$0x1E800] =	vst v63  }
0xd7: {  	_ =	swait.ge [sflag:s17], $0x1400  }
0xd8: {  	[sflag:s17] =	ssyncset.done $0x0  }
0xd9: {  	[sflag:s17] =	ssyncadd.s32 $0xFFFFEC00  }
0xda: {  	[tilespmem:s18], [sflag:$0x4] =	stream.linear.gather [hbm4b:s10+s2], $0x1400, $0x38;
	[tilespmem:$0x1E800] =	vst v63  }
0xdb: {  	_ =	swait.ge [sflag:s17], $0x1400  }
0xdc: {  	[sflag:s17] =	ssyncset.done $0x0  }
0xdd: {  	[sflag:s17] =	ssyncadd.s32 $0xFFFFEC00  }
0xde: {  	[tilespmem:s20], [sflag:$0x1] =	stream.indirect.gather [hbm4b:s4+s19], $0x80, s2, s19, $0xb8;
	[tilespmem:$0x1E800] =	vst v63  }
0xdf: {  	_ =	swait.ge [sflag:s21], $0x4000  }
0xe0: {  	[sflag:s21] =	ssyncset.done $0x0  }
0xe1: {  	[sflag:s21] =	ssyncadd.s32 $0xFFFFC000  }
0xe2: {  	[spmem:s1] =	stream.indirect.scatter.add.f32 [tilespmem:s20], [sflag:$0x2], $0x80, s18, s19, $0xb8;
	[tilespmem:$0x1E800] =	vst v63  }
0xe3: {  	_ = 	snop  }
0xe4: {  	[tilespmem:s22], [sflag:$0x1] =	stream.indirect.gather [hbm4b:s4+s19], $0x80, s19, s19, $0xb8;
	[tilespmem:$0x1E800] =	vst v63  }
0xe5: {  	_ =	swait.ge [sflag:s21], $0x4000  }
0xe6: {  	[sflag:s21] =	ssyncset.done $0x0  }
0xe7: {  	[sflag:s21] =	ssyncadd.s32 $0xFFFFC000  }
0xe8: {  	[spmem:s1] =	stream.indirect.scatter.add.f32 [tilespmem:s22], [sflag:$0x3], $0x80, s23, s19, $0xb8;
	[tilespmem:$0x1E800] =	vst v63  }
0xe9: {  	_ =	swait.ge [sflag:s24], $0x4000  }
0xea: {  	[sflag:s24] =	ssyncset.done $0x0  }
0xeb: {  	s28 =	simm.s32 $0x100;
	[sflag:s24] =	ssyncadd.s32 $0xFFFFC000  }
0xec: {  	[tilespmem:s20], [sflag:$0x1] =	stream.indirect.gather [hbm4b:s4+s19], $0x80, s28, s19, $0xb8;
	[tilespmem:$0x1E800] =	vst v63  }
0xed: {  	_ =	swait.ge [sflag:s21], $0x4000  }
0xee: {  	[sflag:s21] =	ssyncset.done $0x0  }
0xef: {  	s28 =	simm.s32 $0x1500;
	[sflag:s21] =	ssyncadd.s32 $0xFFFFC000  }
0xf0: {  	[spmem:s1] =	stream.indirect.scatter.add.f32 [tilespmem:s20], [sflag:$0x2], $0x80, s28, s19, $0xb8;
	[tilespmem:$0x1E800] =	vst v63  }
0xf1: {  	_ =	swait.ge [sflag:s25], $0x4000  }
0xf2: {  	[sflag:s25] =	ssyncset.done $0x0  }
0xf3: {  	s28 =	simm.s32 $0x180;
	[sflag:s25] =	ssyncadd.s32 $0xFFFFC000  }
0xf4: {  	[tilespmem:s22], [sflag:$0x1] =	stream.indirect.gather [hbm4b:s4+s19], $0x80, s28, s19, $0xb8;
	[tilespmem:$0x1E800] =	vst v63  }
0xf5: {  	_ =	swait.ge [sflag:s21], $0x4000  }
0xf6: {  	[sflag:s21] =	ssyncset.done $0x0  }
0xf7: {  	s29 =	simm.s32 $0x1580;
	s28 =	simm.s32 $0xFFFFB800;
	[sflag:s21] =	ssyncadd.s32 $0xFFFFC000  }
.LBB2_8:
0xf8: {  	[spmem:s1] =	stream.indirect.scatter.add.f32 [tilespmem:s22], [sflag:$0x3], $0x80, s29, s19, $0xb8;
	[tilespmem:$0x1E800] =	vst v63  }
0xf9: {  	s29 =	smov.u32 s28  }
0xfa: {  	p0 =	sne.s32 s28, $0xFFFFFC00;
	s28 =	sadd.s32 $0x400, s28;
	_ =	swait.ge [sflag:s24], $0x4000  }
0xfb: {  	s29 =	sshra.s32 s29, $0x2;
	[sflag:s24] =	ssyncset.done $0x0  }
0xfc: {  	s30 =	sadd.s32 $0x1400, s29;
	[sflag:s24] =	ssyncadd.s32 $0xFFFFC000  }
0xfd: {  	[tilespmem:s20], [sflag:$0x1] =	stream.indirect.gather [hbm4b:s4+s19], $0x80, s30, s19, $0xb8;
	[tilespmem:$0x1E800] =	vst v63  }
0xfe: {  	_ =	swait.ge [sflag:s21], $0x4000  }
0xff: {  	[sflag:s21] =	ssyncset.done $0x0  }
0x100: {  	s30 =	sadd.s32 $0x2800, s29;
	[sflag:s21] =	ssyncadd.s32 $0xFFFFC000  }
0x101: {  	[spmem:s1] =	stream.indirect.scatter.add.f32 [tilespmem:s20], [sflag:$0x2], $0x80, s30, s19, $0xb8;
	[tilespmem:$0x1E800] =	vst v63  }
0x102: {  	_ =	swait.ge [sflag:s25], $0x4000  }
0x103: {  	[sflag:s25] =	ssyncset.done $0x0  }
.Ltmp3:
0x104: {  	s30 =	sadd.s32 $0x1480, s29;
	[sflag:s25] =	ssyncadd.s32 $0xFFFFC000;
	(pc) =	sbr.rel @p0 .LBB2_8-.Ltmp3, $4  }
0x105: {  	[tilespmem:s22], [sflag:$0x1] =	stream.indirect.gather [hbm4b:s4+s19], $0x80, s30, s19, $0xb8;
	[tilespmem:$0x1E800] =	vst v63  }
0x106: {  	_ =	swait.ge [sflag:s21], $0x4000  }
0x107: {  	[sflag:s21] =	ssyncset.done $0x0  }
0x108: {  	s29 =	sadd.s32 $0x2880, s29;
	[sflag:s21] =	ssyncadd.s32 $0xFFFFC000  }
0x109: {  	[spmem:s1] =	stream.indirect.scatter.add.f32 [tilespmem:s22], [sflag:$0x3], $0x80, s29, s19, $0xb8;
	[tilespmem:$0x1E800] =	vst v63  }
0x10a: {  	_ =	swait.ge [sflag:s24], $0x4000  }
0x10b: {  	[sflag:s24] =	ssyncset.done $0x0  }
0x10c: {  	[sflag:s24] =	ssyncadd.s32 $0xFFFFC000  }
0x10d: {  	_ =	swait.ge [sflag:s25], $0x4000  }
0x10e: {  	s26 =	sadd.s32 $0x1, s26;
	[sflag:s25] =	ssyncset.done $0x0  }
0x10f: {  	p0 =	sne.s32 s26, s15;
	[sflag:s25] =	ssyncadd.s32 $0xFFFFC000  }
.Ltmp4:
0x110: {  	[bflag:$0x0] =	sbarrier.arrive $0xFFFF;
	(pc) =	sbr.rel @p0 .LBB2_1-.Ltmp4, $4  }
0x111: {  	[hbm:s14], [sflag:s6] =	dma.local [spmem:s16], $0x2800  }
0x112: {  	_ =	swait.ge [sflag:s17], $0x2800  }
0x113: {  	[sflag:s17] =	ssyncset.done $0x0  }
0x114: {  	[sflag:s17] =	ssyncadd.s32 $0xFFFFD800  }
0x115: {  	_ =	sfence.sel $0x180000  }
0x116: {  	[bflag:$0x0] =	sbarrier.arrive $0xFFFF  }
0x117: {  	p0 =	sne.s32 s3, $0x0;
	_ =	strace $0x9000004D  }
0x118: {  	s0 =	sadd.s32 @!p0 $0x100000, s0;
	[bflag:$0x2] =	sbarrier.arrive $0xFFFF  }
0x119: {  	[sflag:s0] =	ssyncadd.tile.s32 @!p0 $0x1;
	_ =	shalt  }
.Lfunc_end2:
_tile_overlayer_lowered:
.L_overlay_start_2:
0x11a: {  	(tag) =	ssettag $0x2  }
0x11b: {  	s0 =	rddreg [dreg:$0x0];
	s2 =	stileid.u32  }
0x11c: {  	s1 =	rddreg [dreg:$0x1];
	p0 =	sne.s32 s2, $0x0  }
0x11d: {  	s3 =	rddreg [dreg:$0x2];
	[bflag:$0x3] =	sbarrier.arrive $0xFFFF;
	s2 =	simm.s32 @!p0 $0x1C04  }
0x11e: {  	[timem:s3], [sflag:s2] =	dma.local @!p0 [hbm:s0], s1  }
0x11f: {  	s0 =	simm.s32 @!p0 $0x4  }
0x120: {  	_ =	swait.ge @!p0 [sflag:s0], s1  }
0x121: {  	s1 =	ssub.s32 @!p0 $0x0, s1;
	[sflag:s0] =	ssyncset.done @!p0 $0x0  }
0x122: {  	[sflag:s0] =	ssyncadd.s32 @!p0 s1  }
0x123: {  	[bflag:$0x3] =	sbarrier.arrive $0xFFFF  }
0x124: {  	_ =	shalt  }

// kernel: kernel.21.cloned.1.call-start
scs
__scs_entry_jumppad:
0x0: {  	(pc) =	sbr.rel $0x88, $3  }
0x1: {  	(tag) =	ssettag $0x0;
	lr =	simm.s32 $0x1  }
0x2: {  	[smem:$0x3F82] =	sst lr;
	_ =	strace $0xD0000000  }
0x3: {  	_ = 	snop  }
0x4: {  	_ = 	snop  }
0x5: {  	_ = 	snop  }
0x6: {  	_ = 	snop  }
0x7: {  	_ = 	snop  }
__scs_overlays_trampoline_lowered:
0x8: {  	[smem:$0x3F91] =	sst s0  }
0x9: {  	[smem:$0x3F92] =	sst s1  }
0xa: {  	[smem:$0x3F93] =	sst s2  }
0xb: {  	[smem:$0x3F94] =	sst s3  }
0xc: {  	[smem:$0x3F95] =	sst s4  }
0xd: {  	[smem:$0x3F96] =	sst s5  }
0xe: {  	[smem:$0x3F97] =	sst s6  }
0xf: {  	[smem:$0x3F98] =	sst s7  }
0x10: {  	[smem:$0x3F99] =	sst s8  }
0x11: {  	[smem:$0x3F9A] =	sst s9;
	s0 =	simm.s32 @!p0 $0x0  }
0x12: {  	s1 =	sld [smem:$0x3F80];
	s0 =	simm.s32 @p0 $0x1  }
0x13: {  	[smem:$0x3F9B] =	sst s0;
	s0 =	simm.s32 @!p1 $0x0  }
0x14: {  	s2 =	sld [smem:$0x3F7F];
	s0 =	simm.s32 @p1 $0x1  }
0x15: {  	[smem:$0x3F9C] =	sst s0;
	s0 =	simm.s32 @!p2 $0x0  }
0x16: {  	s3 =	sld [smem:$0x3FDB];
	s0 =	simm.s32 @p2 $0x1  }
0x17: {  	s4 =	simm.s32 $0x1BF5;
	[smem:$0x3F9E] =	sst s0  }
0x18: {  	s0 =	sld [smem:$0x3F81];
	_ =	swait.ge [sflag:s4], $0x0  }
0x19: {  	s7 =	sld [smem:$0x3F82]  }
0x1a: {  	s8 =	sadd.s32 $0xFFFFE003, lr  }
0x1b: {  	s9 =	sadd.s32 $0xFFFFFEF7, lr;
	s5 =	simm.s32 $0xFFFFFFFF;
	p2 =	slt.u32 s8, $0xFFFFF086  }
0x1c: {  	p1 =	slt.u32 s9, $0xF7A;
	s5 =	simm.s32 @!p2 $0x0  }
0x1d: {  	s5 =	simm.s32 @p1 $0x1;
	p0 =	seq.s32 s7, s2  }
0x1e: {  	s7 =	smul.u32 @!p0 $0xF7A, s2;
	p2 =	seq.s32 @!p0 s5, $0x0  }
0x1f: {  	s9 =	smul.u32 $0xF7A, s1;
	s8 =	simm.s32 @!p0 $0x1BF5;
	p2 =	por !p2, p0  }
0x20: {  	[sflag:s8] =	ssyncset.s32 @!p0 $0xFFFFF086;
	s6 =	sadd.s32 @!p0 s3, s7;
	s7 =	simm.s32 @!p0 $0x108  }
0x21: {  	s3 =	sadd.s32 s3, s9;
	s6 =	sadd.s32 @!p0 $0x88, s6;
	s7 =	simm.s32 @p2 $0x1082  }
0x22: {  	[simem:s7], [sflag:s8] =	dma.local @!p0 [hbm:s6], $0xF7A  }
0x23: {  	s9 =	sor.u32 $0xD0000000, s2;
	s6 =	simm.s32 $0x108;
	_ =	swait.ge @!p0 [sflag:s8], $0x0  }
0x24: {  	s3 =	sadd.s32 $0x88, s3;
	s6 =	simm.s32 @!p1 $0x1082;
	[sflag:s4] =	ssyncset.s32 $0xFFFFF086  }
0x25: {  	[simem:s6], [sflag:s4] =	dma.local [hbm:s3], $0xF7A  }
0x26: {  	[smem:$0x3F82] =	sst s1;
	(tag) =	ssettag s2;
	_ =	strace s9  }
0x27: {  	s1 =	sld [smem:$0x3F92]  }
0x28: {  	s2 =	sld [smem:$0x3F93]  }
0x29: {  	s4 =	sld [smem:$0x3F95]  }
0x2a: {  	p0 =	seq.s32 s5, $0x0;
	s5 =	sld [smem:$0x3F96]  }
0x2b: {  	s6 =	sld [smem:$0x3F97]  }
0x2c: {  	s7 =	sld [smem:$0x3F98]  }
0x2d: {  	s3 =	simm.s32 $0x108;
	s8 =	sld [smem:$0x3F99]  }
0x2e: {  	s3 =	simm.s32 @!p0 $0x1082;
	s9 =	sld [smem:$0x3F9A]  }
0x2f: {  	lr =	sadd.s32 s0, s3;
	s0 =	sld [smem:$0x3F91]  }
0x30: {  	s3 =	sld [smem:$0x3F94]  }
0x31: {  	[smem:$0x3F9D] =	sst s10  }
0x32: {  	s10 =	sld [smem:$0x3F9B];
	_ =	sdelay $0x3  }
0x33: {  	p0 =	seq.s32 s10, $0x1;
	s10 =	sld [smem:$0x3F9D];
	_ =	sdelay $0x3  }
0x34: {  	[smem:$0x3F9D] =	sst s10  }
0x35: {  	s10 =	sld [smem:$0x3F9C];
	_ =	sdelay $0x3  }
0x36: {  	p1 =	seq.s32 s10, $0x1;
	s10 =	sld [smem:$0x3F9D];
	_ =	sdelay $0x3  }
0x37: {  	[smem:$0x3F9D] =	sst s10  }
0x38: {  	s10 =	sld [smem:$0x3F9E]  }
0x39: {  	_ = 	snop;
	(pc) =	sbr.ind lr, $3  }
0x3a: {  	_ = 	snop  }
0x3b: {  	_ = 	snop  }
0x3c: {  	p2 =	seq.s32 s10, $0x1;
	s10 =	sld [smem:$0x3F9D]  }
0x3d: {  	_ =	shalt  }
0x3e: {  	_ =	shalt  }
0x3f: {  	_ =	shalt  }
0x40: {  	_ =	shalt  }
0x41: {  	_ =	shalt  }
0x42: {  	_ =	shalt  }
0x43: {  	_ =	shalt  }
0x44: {  	_ =	shalt  }
0x45: {  	_ =	shalt  }
0x46: {  	_ =	shalt  }
0x47: {  	_ =	shalt  }
0x48: {  	_ =	shalt  }
0x49: {  	_ =	shalt  }
0x4a: {  	_ =	shalt  }
0x4b: {  	_ =	shalt  }
0x4c: {  	_ =	shalt  }
0x4d: {  	_ =	shalt  }
0x4e: {  	_ =	shalt  }
0x4f: {  	_ =	shalt  }
0x50: {  	_ =	shalt  }
0x51: {  	_ =	shalt  }
0x52: {  	_ =	shalt  }
0x53: {  	_ =	shalt  }
0x54: {  	_ =	shalt  }
0x55: {  	_ =	shalt  }
0x56: {  	_ =	shalt  }
0x57: {  	_ =	shalt  }
0x58: {  	_ =	shalt  }
0x59: {  	_ =	shalt  }
0x5a: {  	_ =	shalt  }
0x5b: {  	_ =	shalt  }
0x5c: {  	_ =	shalt  }
0x5d: {  	_ =	shalt  }
0x5e: {  	_ =	shalt  }
0x5f: {  	_ =	shalt  }
0x60: {  	_ =	shalt  }
0x61: {  	_ =	shalt  }
0x62: {  	_ =	shalt  }
0x63: {  	_ =	shalt  }
0x64: {  	_ =	shalt  }
0x65: {  	_ =	shalt  }
0x66: {  	_ =	shalt  }
0x67: {  	_ =	shalt  }
0x68: {  	_ =	shalt  }
0x69: {  	_ =	shalt  }
0x6a: {  	_ =	shalt  }
0x6b: {  	_ =	shalt  }
0x6c: {  	_ =	shalt  }
0x6d: {  	_ =	shalt  }
0x6e: {  	_ =	shalt  }
0x6f: {  	_ =	shalt  }
0x70: {  	_ =	shalt  }
0x71: {  	_ =	shalt  }
0x72: {  	_ =	shalt  }
0x73: {  	_ =	shalt  }
0x74: {  	_ =	shalt  }
0x75: {  	_ =	shalt  }
0x76: {  	_ =	shalt  }
0x77: {  	_ =	shalt  }
0x78: {  	_ =	shalt  }
0x79: {  	_ =	shalt  }
0x7a: {  	_ =	shalt  }
0x7b: {  	_ =	shalt  }
0x7c: {  	_ =	shalt  }
0x7d: {  	_ =	shalt  }
0x7e: {  	_ =	shalt  }
0x7f: {  	_ =	shalt  }
0x80: {  	_ =	shalt  }
0x81: {  	_ =	shalt  }
0x82: {  	_ =	shalt  }
0x83: {  	_ =	shalt  }
0x84: {  	_ =	shalt  }
0x85: {  	_ =	shalt  }
0x86: {  	_ =	shalt  }
0x87: {  	_ =	shalt  }
.Lfunc_end0:
.L_simem_size_0:
called_computation.3_lowered:
.L_overlay_start_0:
0x88: {  	s2 =	sld [smem:$0x3FD9]  }
0x89: {  	s3 =	sld [smem:$0x3FFE];
	_ =	sdelay $0x1  }
0x8a: {  	s1 =	srdreg.scid  }
0x8b: {  	s0 =	sand.u32 $0x1, s1  }
0x8c: {  	s17 =	sshll.u32 s0, $0xA;
	s2 =	sadd.s32 s3, s2  }
0x8d: {  	s2 =	sadd.s32 s2, s17  }
0x8e: {  	[smem:$0x3FA9] =	sst s2  }
0x8f: {  	_ = 	snop  }
0x90: {  	s2 =	sld [smem:$0x3FD0];
	(tm) =	ssettm $0x1  }
0x91: {  	s18 =	sld [smem:$0x3FFB];
	_ =	sdelay $0x3  }
0x92: {  	_ =	strace s18  }
0x93: {  	s3 =	sld [smem:$0x3FFC];
	_ =	sdelay $0x3  }
0x94: {  	_ =	strace s3  }
0x95: {  	s3 =	sld [smem:$0x3FFD];
	_ =	sdelay $0x3  }
0x96: {  	_ =	strace s3  }
0x97: {  	_ =	strace $0x8FFFFFFF  }
0x98: {  	s19 =	sld [smem:$0x3FDB];
	_ =	sdelay $0x1  }
0x99: {  	s4 =	simm.s32 $_scs_section_size  }
0x9a: {  	s5 =	simm.s32 $_size__tile_overlayer_lowered;
	s6 =	simm.s32 $_tile_overlayer_lowered  }
0x9b: {  	s22 =	simm.s32 $0x1BFF;
	s21 =	sshll.u32 s6, $0x1;
	s3 =	sadd.s32 s4, s19  }
0x9c: {  	s7 =	simm.s32 $0x0;
	s20 =	sshll.u32 s5, $0x1;
	s5 =	sadd.s32 s21, s3  }
0x9d: {  	[timem:s7], [sflag:s22] =	dma.local [hbm:s5], s20  }
0x9e: {  	_ =	swait.ge [sflag:s22], s20  }
0x9f: {  	s4 =	ssub.s32 $0x0, s20;
	[sflag:s22] =	ssyncset.done $0x0  }
0xa0: {  	[sflag:s22] =	ssyncadd.s32 s4;
	_ =	sdelay $0x1  }
0xa1: {  	s23 =	simm.s32 $0x1B8B  }
0xa2: {  	_ =	swait.ge [sflag:s23], $0x1  }
0xa3: {  	[sflag:s23] =	ssyncset.done $0x0  }
0xa4: {  	s25 =	simm.s32 $0x1B8E;
	s24 =	sld [smem:$0x3FFE];
	[sflag:s23] =	ssyncadd.s32 $0xFFFFFFFF  }
0xa5: {  	s26 =	simm.s32 $execute0_lowered;
	[smem:$0x3FD2] =	sst s25  }
0xa6: {  	s5 =	sshll.u32 s26, $0x1;
	_ =	strace $0x8000004F;
	[dreg:$0x1] =	wrdreg $0xFFFFFFFF  }
0xa7: {  	s28 =	simm.s32 $_size_execute0_lowered;
	s3 =	sadd.s32 s3, s5;
	[dreg:$0x0] =	wrdreg $0x0  }
0xa8: {  	s5 =	sshll.u32 s28, $0x1;
	[dreg:$0x2] =	wrdreg s3  }
0xa9: {  	[dreg:$0x3] =	wrdreg s5  }
0xaa: {  	[dreg:$0x4] =	wrdreg $0xC0  }
0xab: {  	_ =	task [dreg:s7], $0x5FFFF  }
0xac: {  	[dreg:$0x1] =	wrdreg $0xFFFFFFFF  }
0xad: {  	[dreg:$0x0] =	wrdreg $0x60  }
0xae: {  	[dreg:$0x2] =	wrdreg s2  }
0xaf: {  	[dreg:$0x3] =	wrdreg s24  }
0xb0: {  	[dreg:$0x4] =	wrdreg $0xA8000  }
0xb1: {  	[dreg:$0x5] =	wrdreg $0x9  }
0xb2: {  	_ =	task.clear_ibuf [dreg:s7], $0x6FFFF;
	_ =	strace $0x9000004F  }
0xb3: {  	s29 =	simm.s32 $0x9;
	_ =	strace $0x80000051  }
0xb4: {  	_ =	swait.ge [sflag:s29], $0x1  }
0xb5: {  	[sflag:s29] =	ssyncadd.s32 $0xFFFFFFFF  }
0xb6: {  	_ =	strace $0x90000051  }
0xb7: {  	_ =	sfence  }
0xb8: {  	s30 =	sld [smem:$0x0];
	_ =	sdelay $0x2  }
0xb9: {  	s31 =	sshll.u32 s1, $0xD;
	s1 =	sshrl.u32 s1, $0x2  }
0xba: {  	s3 =	sand.u32 $0x4000, s31;
	s1 =	sadd.s32 s1, s30  }
0xbb: {  	s0 =	sor.u32 s3, s0;
	s1 =	sshll.u32 s1, $0x11  }
0xbc: {  	s0 =	sor.u32 s1, s0  }
0xbd: {  	s0 =	sadd.s32 $0x8F2B, s0  }
0xbe: {  	[sflag:s0] =	ssyncadd.remote.s32 $0x1  }
0xbf: {  	_ =	sfence.sel $0xFFFF  }
0xc0: {  	[dreg:$0x0] =	wrdreg $0xFFFFFFFF;
	(pc) =	sbr.abs _section_cstart, $3  }
0xc1: {  	[dreg:$0x1] =	wrdreg $0xFFFFFFFF  }
0xc2: {  	_ =	task.clear_ibuf [dreg:s7], $0x2FFFF;
	_ =	strace $0x9FFFFFFF  }
0xc3: {  	(tm) =	ssettm $0x7FFFFFFF  }
tec
execute0_lowered:
.L_overlay_start_1:
0x0: {  	(tag) =	ssettag $0x1  }
0x1: {  	s12 =	rddreg [dreg:$0x0]  }
0x2: {  	s3 =	rddreg [dreg:$0x1]  }
0x3: {  	s1 =	rddreg [dreg:$0x2]  }
0x4: {  	s0 =	rddreg [dreg:$0x3];
	s6 =	srdreg.scid;
	s9 =	sadd.s32 $0xB3200, s3  }
0x5: {  	s4 =	sadd.s32 $0xB8200, s3;
	s5 =	sadd.s32 $0x10200, s3;
	s8 =	sand.u32 $0x1, s6  }
0x6: {  	s14 =	sadd.s32 $0x12A00, s3;
	s3 =	stileid.u32;
	s10 =	smul.u32 $0x5000, s8  }
0x7: {  	s2 =	simm.s32 $0x0;
	s22 =	simm.s32 $0x6800;
	s7 =	smul.u32 $0x50000, s3  }
0x8: {  	s23 =	simm.s32 $0x1480;
	[smem:$0x7FF] =	sst s2;
	s15 =	smul.u32 $0x280, s3  }
0x9: {  	_ =	strace $0x80000050;
	s6 =	ssub.s32 $0x2, s8;
	s28 =	smul.u32 $0x500, s3  }
0xa: {  	s11 =	sshll.u32 s8, $0x5;
	s18 =	smul.u32 $0x2800, s3;
	s19 =	sshllo.u32 s8, $0x1  }
0xb: {  	s11 =	sor.u32 s3, s11;
	s29 =	sshll.u32 s19, $0x4;
	s19 =	smul.u32 $0x2800, s19  }
0xc: {  	s26 =	sshll.u32 s3, $0x6;
	s13 =	sshrl.u32 s6, $0x1;
	s25 =	smul.u32 $0x500, s11  }
0xd: {  	s16 =	ssub.s32 s6, s13;
	s24 =	sshrl.u32 s7, $0x2;
	s11 =	smul.u32 $0x2800, s11  }
0xe: {  	s6 =	sor.u32 $0x1C04, s26;
	s8 =	sadd.s32 s9, s28;
	s18 =	sshrl.u32 s18, $0x3  }
0xf: {  	s13 =	sor.u32 s3, s29;
	s20 =	sadd.s32 s15, s10;
	s26 =	simm.s32 $0x0  }
0x10: {  	s17 =	sadd.s32 s24, s1;
	s18 =	sadd.s32 s9, s18;
	s21 =	smul.u32 $0x2800, s13  }
0x11: {  	s30 =	sshll.u32 s20, $0x4;
	s13 =	smul.u32 $0x500, s13;
	s15 =	sadd.s32 s15, s19  }
0x12: {  	s19 =	simm.s32 $0x80;
	s20 =	simm.s32 $0x2800;
	s24 =	simm.s32 $0x2  }
0x13: {  	s7 =	sadd.s32 s12, s25;
	s11 =	sshrl.u32 s11, $0x3;
	s10 =	sadd.s32 $0x280, s18  }
0x14: {  	s15 =	sshll.u32 s15, $0x4;
	s25 =	simm.s32 $0x3;
	s11 =	sadd.s32 s12, s11  }
0x15: {  	s31 =	sshrl.u32 s21, $0x3;
	s21 =	simm.s32 $0x1;
	s9 =	sadd.s32 $0x280, s11  }
0x16: {  	s11 =	sadd.s32 s14, s30;
	s18 =	sadd.s32 s12, s31;
	s12 =	sadd.s32 s12, s13  }
0x17: {  	s14 =	sadd.s32 s14, s15;
	s15 =	smax.u32 s16, $0x1;
	s16 =	sshrl.u32 s17, $0x3  }
0x18: {  	s17 =	simm.s32 $0x4;
	s13 =	sadd.s32 $0x280, s18;
	s18 =	simm.s32 $0x1400  }
.LBB2_1:
0x19: {  	[spmem:s16], [sflag:s6] =	dma.local [hbm:s5], $0x2800  }
0x1a: {  	_ =	swait.ge [sflag:s17], $0x2800  }
0x1b: {  	[sflag:s17] =	ssyncset.done $0x0  }
0x1c: {  	[sflag:s17] =	ssyncadd.s32 $0xFFFFD800  }
0x1d: {  	[bflag:$0x0] =	sbarrier.arrive $0xFFFF  }
0x1e: {  	[tilespmem:s2], [sflag:$0x4] =	stream.linear.gather [hbm4b:s7+s2], $0x1400, $0x38;
	[tilespmem:$0x1E800] =	vst v63  }
0x1f: {  	_ =	swait.ge [sflag:s17], $0x1400  }
0x20: {  	[sflag:s17] =	ssyncset.done $0x0  }
0x21: {  	[sflag:s17] =	ssyncadd.s32 $0xFFFFEC00  }
0x22: {  	[tilespmem:s18], [sflag:$0x4] =	stream.linear.gather [hbm4b:s8+s2], $0x1400, $0x38;
	[tilespmem:$0x1E800] =	vst v63  }
0x23: {  	_ =	swait.ge [sflag:s17], $0x1400  }
0x24: {  	[sflag:s17] =	ssyncset.done $0x0  }
0x25: {  	[sflag:s17] =	ssyncadd.s32 $0xFFFFEC00  }
0x26: {  	[tilespmem:s20], [sflag:$0x1] =	stream.indirect.gather [hbm4b:s4+s19], $0x80, s2, s19, $0xb8;
	[tilespmem:$0x1E800] =	vst v63  }
0x27: {  	_ =	swait.ge [sflag:s21], $0x4000  }
0x28: {  	[sflag:s21] =	ssyncset.done $0x0  }
0x29: {  	[sflag:s21] =	ssyncadd.s32 $0xFFFFC000  }
0x2a: {  	[spmem:s1] =	stream.indirect.scatter.add.f32 [tilespmem:s20], [sflag:$0x2], $0x80, s18, s19, $0xb8;
	[tilespmem:$0x1E800] =	vst v63  }
0x2b: {  	_ = 	snop  }
0x2c: {  	[tilespmem:s22], [sflag:$0x1] =	stream.indirect.gather [hbm4b:s4+s19], $0x80, s19, s19, $0xb8;
	[tilespmem:$0x1E800] =	vst v63  }
0x2d: {  	_ =	swait.ge [sflag:s21], $0x4000  }
0x2e: {  	[sflag:s21] =	ssyncset.done $0x0  }
0x2f: {  	[sflag:s21] =	ssyncadd.s32 $0xFFFFC000  }
0x30: {  	[spmem:s1] =	stream.indirect.scatter.add.f32 [tilespmem:s22], [sflag:$0x3], $0x80, s23, s19, $0xb8;
	[tilespmem:$0x1E800] =	vst v63  }
0x31: {  	_ =	swait.ge [sflag:s24], $0x4000  }
0x32: {  	[sflag:s24] =	ssyncset.done $0x0  }
0x33: {  	s28 =	simm.s32 $0x100;
	[sflag:s24] =	ssyncadd.s32 $0xFFFFC000  }
0x34: {  	[tilespmem:s20], [sflag:$0x1] =	stream.indirect.gather [hbm4b:s4+s19], $0x80, s28, s19, $0xb8;
	[tilespmem:$0x1E800] =	vst v63  }
0x35: {  	_ =	swait.ge [sflag:s21], $0x4000  }
0x36: {  	[sflag:s21] =	ssyncset.done $0x0  }
0x37: {  	s28 =	simm.s32 $0x1500;
	[sflag:s21] =	ssyncadd.s32 $0xFFFFC000  }
0x38: {  	[spmem:s1] =	stream.indirect.scatter.add.f32 [tilespmem:s20], [sflag:$0x2], $0x80, s28, s19, $0xb8;
	[tilespmem:$0x1E800] =	vst v63  }
0x39: {  	_ =	swait.ge [sflag:s25], $0x4000  }
0x3a: {  	[sflag:s25] =	ssyncset.done $0x0  }
0x3b: {  	s28 =	simm.s32 $0x180;
	[sflag:s25] =	ssyncadd.s32 $0xFFFFC000  }
0x3c: {  	[tilespmem:s22], [sflag:$0x1] =	stream.indirect.gather [hbm4b:s4+s19], $0x80, s28, s19, $0xb8;
	[tilespmem:$0x1E800] =	vst v63  }
0x3d: {  	_ =	swait.ge [sflag:s21], $0x4000  }
0x3e: {  	[sflag:s21] =	ssyncset.done $0x0  }
0x3f: {  	s29 =	simm.s32 $0x1580;
	s28 =	simm.s32 $0xFFFFB800;
	[sflag:s21] =	ssyncadd.s32 $0xFFFFC000  }
.LBB2_2:
0x40: {  	[spmem:s1] =	stream.indirect.scatter.add.f32 [tilespmem:s22], [sflag:$0x3], $0x80, s29, s19, $0xb8;
	[tilespmem:$0x1E800] =	vst v63  }
0x41: {  	s29 =	smov.u32 s28  }
0x42: {  	p0 =	sne.s32 s28, $0xFFFFFC00;
	s28 =	sadd.s32 $0x400, s28;
	_ =	swait.ge [sflag:s24], $0x4000  }
0x43: {  	s29 =	sshra.s32 s29, $0x2;
	[sflag:s24] =	ssyncset.done $0x0  }
0x44: {  	s30 =	sadd.s32 $0x1400, s29;
	[sflag:s24] =	ssyncadd.s32 $0xFFFFC000  }
0x45: {  	[tilespmem:s20], [sflag:$0x1] =	stream.indirect.gather [hbm4b:s4+s19], $0x80, s30, s19, $0xb8;
	[tilespmem:$0x1E800] =	vst v63  }
0x46: {  	_ =	swait.ge [sflag:s21], $0x4000  }
0x47: {  	[sflag:s21] =	ssyncset.done $0x0  }
0x48: {  	s30 =	sadd.s32 $0x2800, s29;
	[sflag:s21] =	ssyncadd.s32 $0xFFFFC000  }
0x49: {  	[spmem:s1] =	stream.indirect.scatter.add.f32 [tilespmem:s20], [sflag:$0x2], $0x80, s30, s19, $0xb8;
	[tilespmem:$0x1E800] =	vst v63  }
0x4a: {  	_ =	swait.ge [sflag:s25], $0x4000  }
0x4b: {  	[sflag:s25] =	ssyncset.done $0x0  }
.Ltmp0:
0x4c: {  	s30 =	sadd.s32 $0x1480, s29;
	[sflag:s25] =	ssyncadd.s32 $0xFFFFC000;
	(pc) =	sbr.rel @p0 .LBB2_2-.Ltmp0, $4  }
0x4d: {  	[tilespmem:s22], [sflag:$0x1] =	stream.indirect.gather [hbm4b:s4+s19], $0x80, s30, s19, $0xb8;
	[tilespmem:$0x1E800] =	vst v63  }
0x4e: {  	_ =	swait.ge [sflag:s21], $0x4000  }
0x4f: {  	[sflag:s21] =	ssyncset.done $0x0  }
0x50: {  	s29 =	sadd.s32 $0x2880, s29;
	[sflag:s21] =	ssyncadd.s32 $0xFFFFC000  }
0x51: {  	[spmem:s1] =	stream.indirect.scatter.add.f32 [tilespmem:s22], [sflag:$0x3], $0x80, s29, s19, $0xb8;
	[tilespmem:$0x1E800] =	vst v63  }
0x52: {  	_ =	swait.ge [sflag:s24], $0x4000  }
0x53: {  	[sflag:s24] =	ssyncset.done $0x0  }
0x54: {  	[sflag:s24] =	ssyncadd.s32 $0xFFFFC000  }
0x55: {  	_ =	swait.ge [sflag:s25], $0x4000  }
0x56: {  	[sflag:s25] =	ssyncset.done $0x0  }
0x57: {  	[sflag:s25] =	ssyncadd.s32 $0xFFFFC000  }
0x58: {  	[tilespmem:s2], [sflag:$0x4] =	stream.linear.gather [hbm4b:s9+s2], $0x1400, $0x38;
	[tilespmem:$0x1E800] =	vst v63  }
0x59: {  	_ =	swait.ge [sflag:s17], $0x1400  }
0x5a: {  	[sflag:s17] =	ssyncset.done $0x0  }
0x5b: {  	[sflag:s17] =	ssyncadd.s32 $0xFFFFEC00  }
0x5c: {  	[tilespmem:s18], [sflag:$0x4] =	stream.linear.gather [hbm4b:s10+s2], $0x1400, $0x38;
	[tilespmem:$0x1E800] =	vst v63  }
0x5d: {  	_ =	swait.ge [sflag:s17], $0x1400  }
0x5e: {  	[sflag:s17] =	ssyncset.done $0x0  }
0x5f: {  	[sflag:s17] =	ssyncadd.s32 $0xFFFFEC00  }
0x60: {  	[tilespmem:s20], [sflag:$0x1] =	stream.indirect.gather [hbm4b:s4+s19], $0x80, s2, s19, $0xb8;
	[tilespmem:$0x1E800] =	vst v63  }
0x61: {  	_ =	swait.ge [sflag:s21], $0x4000  }
0x62: {  	[sflag:s21] =	ssyncset.done $0x0  }
0x63: {  	[sflag:s21] =	ssyncadd.s32 $0xFFFFC000  }
0x64: {  	[spmem:s1] =	stream.indirect.scatter.add.f32 [tilespmem:s20], [sflag:$0x2], $0x80, s18, s19, $0xb8;
	[tilespmem:$0x1E800] =	vst v63  }
0x65: {  	_ = 	snop  }
0x66: {  	[tilespmem:s22], [sflag:$0x1] =	stream.indirect.gather [hbm4b:s4+s19], $0x80, s19, s19, $0xb8;
	[tilespmem:$0x1E800] =	vst v63  }
0x67: {  	_ =	swait.ge [sflag:s21], $0x4000  }
0x68: {  	[sflag:s21] =	ssyncset.done $0x0  }
0x69: {  	[sflag:s21] =	ssyncadd.s32 $0xFFFFC000  }
0x6a: {  	[spmem:s1] =	stream.indirect.scatter.add.f32 [tilespmem:s22], [sflag:$0x3], $0x80, s23, s19, $0xb8;
	[tilespmem:$0x1E800] =	vst v63  }
0x6b: {  	_ =	swait.ge [sflag:s24], $0x4000  }
0x6c: {  	[sflag:s24] =	ssyncset.done $0x0  }
0x6d: {  	s28 =	simm.s32 $0x100;
	[sflag:s24] =	ssyncadd.s32 $0xFFFFC000  }
0x6e: {  	[tilespmem:s20], [sflag:$0x1] =	stream.indirect.gather [hbm4b:s4+s19], $0x80, s28, s19, $0xb8;
	[tilespmem:$0x1E800] =	vst v63  }
0x6f: {  	_ =	swait.ge [sflag:s21], $0x4000  }
0x70: {  	[sflag:s21] =	ssyncset.done $0x0  }
0x71: {  	s28 =	simm.s32 $0x1500;
	[sflag:s21] =	ssyncadd.s32 $0xFFFFC000  }
0x72: {  	[spmem:s1] =	stream.indirect.scatter.add.f32 [tilespmem:s20], [sflag:$0x2], $0x80, s28, s19, $0xb8;
	[tilespmem:$0x1E800] =	vst v63  }
0x73: {  	_ =	swait.ge [sflag:s25], $0x4000  }
0x74: {  	[sflag:s25] =	ssyncset.done $0x0  }
0x75: {  	s28 =	simm.s32 $0x180;
	[sflag:s25] =	ssyncadd.s32 $0xFFFFC000  }
0x76: {  	[tilespmem:s22], [sflag:$0x1] =	stream.indirect.gather [hbm4b:s4+s19], $0x80, s28, s19, $0xb8;
	[tilespmem:$0x1E800] =	vst v63  }
0x77: {  	_ =	swait.ge [sflag:s21], $0x4000  }
0x78: {  	[sflag:s21] =	ssyncset.done $0x0  }
0x79: {  	s29 =	simm.s32 $0x1580;
	s28 =	simm.s32 $0xFFFFB800;
	[sflag:s21] =	ssyncadd.s32 $0xFFFFC000  }
.LBB2_4:
0x7a: {  	[spmem:s1] =	stream.indirect.scatter.add.f32 [tilespmem:s22], [sflag:$0x3], $0x80, s29, s19, $0xb8;
	[tilespmem:$0x1E800] =	vst v63  }
0x7b: {  	s29 =	smov.u32 s28  }
0x7c: {  	p0 =	sne.s32 s28, $0xFFFFFC00;
	s28 =	sadd.s32 $0x400, s28;
	_ =	swait.ge [sflag:s24], $0x4000  }
0x7d: {  	s29 =	sshra.s32 s29, $0x2;
	[sflag:s24] =	ssyncset.done $0x0  }
0x7e: {  	s30 =	sadd.s32 $0x1400, s29;
	[sflag:s24] =	ssyncadd.s32 $0xFFFFC000  }
0x7f: {  	[tilespmem:s20], [sflag:$0x1] =	stream.indirect.gather [hbm4b:s4+s19], $0x80, s30, s19, $0xb8;
	[tilespmem:$0x1E800] =	vst v63  }
0x80: {  	_ =	swait.ge [sflag:s21], $0x4000  }
0x81: {  	[sflag:s21] =	ssyncset.done $0x0  }
0x82: {  	s30 =	sadd.s32 $0x2800, s29;
	[sflag:s21] =	ssyncadd.s32 $0xFFFFC000  }
0x83: {  	[spmem:s1] =	stream.indirect.scatter.add.f32 [tilespmem:s20], [sflag:$0x2], $0x80, s30, s19, $0xb8;
	[tilespmem:$0x1E800] =	vst v63  }
0x84: {  	_ =	swait.ge [sflag:s25], $0x4000  }
0x85: {  	[sflag:s25] =	ssyncset.done $0x0  }
.Ltmp1:
0x86: {  	s30 =	sadd.s32 $0x1480, s29;
	[sflag:s25] =	ssyncadd.s32 $0xFFFFC000;
	(pc) =	sbr.rel @p0 .LBB2_4-.Ltmp1, $4  }
0x87: {  	[tilespmem:s22], [sflag:$0x1] =	stream.indirect.gather [hbm4b:s4+s19], $0x80, s30, s19, $0xb8;
	[tilespmem:$0x1E800] =	vst v63  }
0x88: {  	_ =	swait.ge [sflag:s21], $0x4000  }
0x89: {  	[sflag:s21] =	ssyncset.done $0x0  }
0x8a: {  	s29 =	sadd.s32 $0x2880, s29;
	[sflag:s21] =	ssyncadd.s32 $0xFFFFC000  }
0x8b: {  	[spmem:s1] =	stream.indirect.scatter.add.f32 [tilespmem:s22], [sflag:$0x3], $0x80, s29, s19, $0xb8;
	[tilespmem:$0x1E800] =	vst v63  }
0x8c: {  	_ =	swait.ge [sflag:s24], $0x4000  }
0x8d: {  	[sflag:s24] =	ssyncset.done $0x0  }
0x8e: {  	[sflag:s24] =	ssyncadd.s32 $0xFFFFC000  }
0x8f: {  	_ =	swait.ge [sflag:s25], $0x4000  }
0x90: {  	[sflag:s25] =	ssyncset.done $0x0  }
0x91: {  	[sflag:s25] =	ssyncadd.s32 $0xFFFFC000  }
0x92: {  	[bflag:$0x0] =	sbarrier.arrive $0xFFFF  }
0x93: {  	[hbm:s11], [sflag:s6] =	dma.local [spmem:s16], $0x2800  }
0x94: {  	_ =	swait.ge [sflag:s17], $0x2800  }
0x95: {  	[sflag:s17] =	ssyncset.done $0x0  }
0x96: {  	[sflag:s17] =	ssyncadd.s32 $0xFFFFD800  }
0x97: {  	[spmem:s16], [sflag:s6] =	dma.local [hbm:s5], $0x2800  }
0x98: {  	_ =	swait.ge [sflag:s17], $0x2800  }
0x99: {  	[sflag:s17] =	ssyncset.done $0x0  }
0x9a: {  	[sflag:s17] =	ssyncadd.s32 $0xFFFFD800  }
0x9b: {  	[bflag:$0x0] =	sbarrier.arrive $0xFFFF  }
0x9c: {  	[tilespmem:s2], [sflag:$0x4] =	stream.linear.gather [hbm4b:s12+s2], $0x1400, $0x38;
	[tilespmem:$0x1E800] =	vst v63  }
0x9d: {  	_ =	swait.ge [sflag:s17], $0x1400  }
0x9e: {  	[sflag:s17] =	ssyncset.done $0x0  }
0x9f: {  	[sflag:s17] =	ssyncadd.s32 $0xFFFFEC00  }
0xa0: {  	[tilespmem:s18], [sflag:$0x4] =	stream.linear.gather [hbm4b:s8+s2], $0x1400, $0x38;
	[tilespmem:$0x1E800] =	vst v63  }
0xa1: {  	_ =	swait.ge [sflag:s17], $0x1400  }
0xa2: {  	[sflag:s17] =	ssyncset.done $0x0  }
0xa3: {  	[sflag:s17] =	ssyncadd.s32 $0xFFFFEC00  }
0xa4: {  	[tilespmem:s20], [sflag:$0x1] =	stream.indirect.gather [hbm4b:s4+s19], $0x80, s2, s19, $0xb8;
	[tilespmem:$0x1E800] =	vst v63  }
0xa5: {  	_ =	swait.ge [sflag:s21], $0x4000  }
0xa6: {  	[sflag:s21] =	ssyncset.done $0x0  }
0xa7: {  	[sflag:s21] =	ssyncadd.s32 $0xFFFFC000  }
0xa8: {  	[spmem:s1] =	stream.indirect.scatter.add.f32 [tilespmem:s20], [sflag:$0x2], $0x80, s18, s19, $0xb8;
	[tilespmem:$0x1E800] =	vst v63  }
0xa9: {  	_ = 	snop  }
0xaa: {  	[tilespmem:s22], [sflag:$0x1] =	stream.indirect.gather [hbm4b:s4+s19], $0x80, s19, s19, $0xb8;
	[tilespmem:$0x1E800] =	vst v63  }
0xab: {  	_ =	swait.ge [sflag:s21], $0x4000  }
0xac: {  	[sflag:s21] =	ssyncset.done $0x0  }
0xad: {  	[sflag:s21] =	ssyncadd.s32 $0xFFFFC000  }
0xae: {  	[spmem:s1] =	stream.indirect.scatter.add.f32 [tilespmem:s22], [sflag:$0x3], $0x80, s23, s19, $0xb8;
	[tilespmem:$0x1E800] =	vst v63  }
0xaf: {  	_ =	swait.ge [sflag:s24], $0x4000  }
0xb0: {  	[sflag:s24] =	ssyncset.done $0x0  }
0xb1: {  	s28 =	simm.s32 $0x100;
	[sflag:s24] =	ssyncadd.s32 $0xFFFFC000  }
0xb2: {  	[tilespmem:s20], [sflag:$0x1] =	stream.indirect.gather [hbm4b:s4+s19], $0x80, s28, s19, $0xb8;
	[tilespmem:$0x1E800] =	vst v63  }
0xb3: {  	_ =	swait.ge [sflag:s21], $0x4000  }
0xb4: {  	[sflag:s21] =	ssyncset.done $0x0  }
0xb5: {  	s28 =	simm.s32 $0x1500;
	[sflag:s21] =	ssyncadd.s32 $0xFFFFC000  }
0xb6: {  	[spmem:s1] =	stream.indirect.scatter.add.f32 [tilespmem:s20], [sflag:$0x2], $0x80, s28, s19, $0xb8;
	[tilespmem:$0x1E800] =	vst v63  }
0xb7: {  	_ =	swait.ge [sflag:s25], $0x4000  }
0xb8: {  	[sflag:s25] =	ssyncset.done $0x0  }
0xb9: {  	s28 =	simm.s32 $0x180;
	[sflag:s25] =	ssyncadd.s32 $0xFFFFC000  }
0xba: {  	[tilespmem:s22], [sflag:$0x1] =	stream.indirect.gather [hbm4b:s4+s19], $0x80, s28, s19, $0xb8;
	[tilespmem:$0x1E800] =	vst v63  }
0xbb: {  	_ =	swait.ge [sflag:s21], $0x4000  }
0xbc: {  	[sflag:s21] =	ssyncset.done $0x0  }
0xbd: {  	s29 =	simm.s32 $0x1580;
	s28 =	simm.s32 $0xFFFFB800;
	[sflag:s21] =	ssyncadd.s32 $0xFFFFC000  }
.LBB2_6:
0xbe: {  	[spmem:s1] =	stream.indirect.scatter.add.f32 [tilespmem:s22], [sflag:$0x3], $0x80, s29, s19, $0xb8;
	[tilespmem:$0x1E800] =	vst v63  }
0xbf: {  	s29 =	smov.u32 s28  }
0xc0: {  	p0 =	sne.s32 s28, $0xFFFFFC00;
	s28 =	sadd.s32 $0x400, s28;
	_ =	swait.ge [sflag:s24], $0x4000  }
0xc1: {  	s29 =	sshra.s32 s29, $0x2;
	[sflag:s24] =	ssyncset.done $0x0  }
0xc2: {  	s30 =	sadd.s32 $0x1400, s29;
	[sflag:s24] =	ssyncadd.s32 $0xFFFFC000  }
0xc3: {  	[tilespmem:s20], [sflag:$0x1] =	stream.indirect.gather [hbm4b:s4+s19], $0x80, s30, s19, $0xb8;
	[tilespmem:$0x1E800] =	vst v63  }
0xc4: {  	_ =	swait.ge [sflag:s21], $0x4000  }
0xc5: {  	[sflag:s21] =	ssyncset.done $0x0  }
0xc6: {  	s30 =	sadd.s32 $0x2800, s29;
	[sflag:s21] =	ssyncadd.s32 $0xFFFFC000  }
0xc7: {  	[spmem:s1] =	stream.indirect.scatter.add.f32 [tilespmem:s20], [sflag:$0x2], $0x80, s30, s19, $0xb8;
	[tilespmem:$0x1E800] =	vst v63  }
0xc8: {  	_ =	swait.ge [sflag:s25], $0x4000  }
0xc9: {  	[sflag:s25] =	ssyncset.done $0x0  }
.Ltmp2:
0xca: {  	s30 =	sadd.s32 $0x1480, s29;
	[sflag:s25] =	ssyncadd.s32 $0xFFFFC000;
	(pc) =	sbr.rel @p0 .LBB2_6-.Ltmp2, $4  }
0xcb: {  	[tilespmem:s22], [sflag:$0x1] =	stream.indirect.gather [hbm4b:s4+s19], $0x80, s30, s19, $0xb8;
	[tilespmem:$0x1E800] =	vst v63  }
0xcc: {  	_ =	swait.ge [sflag:s21], $0x4000  }
0xcd: {  	[sflag:s21] =	ssyncset.done $0x0  }
0xce: {  	s29 =	sadd.s32 $0x2880, s29;
	[sflag:s21] =	ssyncadd.s32 $0xFFFFC000  }
0xcf: {  	[spmem:s1] =	stream.indirect.scatter.add.f32 [tilespmem:s22], [sflag:$0x3], $0x80, s29, s19, $0xb8;
	[tilespmem:$0x1E800] =	vst v63  }
0xd0: {  	_ =	swait.ge [sflag:s24], $0x4000  }
0xd1: {  	[sflag:s24] =	ssyncset.done $0x0  }
0xd2: {  	[sflag:s24] =	ssyncadd.s32 $0xFFFFC000  }
0xd3: {  	_ =	swait.ge [sflag:s25], $0x4000  }
0xd4: {  	[sflag:s25] =	ssyncset.done $0x0  }
0xd5: {  	[sflag:s25] =	ssyncadd.s32 $0xFFFFC000  }
0xd6: {  	[tilespmem:s2], [sflag:$0x4] =	stream.linear.gather [hbm4b:s13+s2], $0x1400, $0x38;
	[tilespmem:$0x1E800] =	vst v63  }
0xd7: {  	_ =	swait.ge [sflag:s17], $0x1400  }
0xd8: {  	[sflag:s17] =	ssyncset.done $0x0  }
0xd9: {  	[sflag:s17] =	ssyncadd.s32 $0xFFFFEC00  }
0xda: {  	[tilespmem:s18], [sflag:$0x4] =	stream.linear.gather [hbm4b:s10+s2], $0x1400, $0x38;
	[tilespmem:$0x1E800] =	vst v63  }
0xdb: {  	_ =	swait.ge [sflag:s17], $0x1400  }
0xdc: {  	[sflag:s17] =	ssyncset.done $0x0  }
0xdd: {  	[sflag:s17] =	ssyncadd.s32 $0xFFFFEC00  }
0xde: {  	[tilespmem:s20], [sflag:$0x1] =	stream.indirect.gather [hbm4b:s4+s19], $0x80, s2, s19, $0xb8;
	[tilespmem:$0x1E800] =	vst v63  }
0xdf: {  	_ =	swait.ge [sflag:s21], $0x4000  }
0xe0: {  	[sflag:s21] =	ssyncset.done $0x0  }
0xe1: {  	[sflag:s21] =	ssyncadd.s32 $0xFFFFC000  }
0xe2: {  	[spmem:s1] =	stream.indirect.scatter.add.f32 [tilespmem:s20], [sflag:$0x2], $0x80, s18, s19, $0xb8;
	[tilespmem:$0x1E800] =	vst v63  }
0xe3: {  	_ = 	snop  }
0xe4: {  	[tilespmem:s22], [sflag:$0x1] =	stream.indirect.gather [hbm4b:s4+s19], $0x80, s19, s19, $0xb8;
	[tilespmem:$0x1E800] =	vst v63  }
0xe5: {  	_ =	swait.ge [sflag:s21], $0x4000  }
0xe6: {  	[sflag:s21] =	ssyncset.done $0x0  }
0xe7: {  	[sflag:s21] =	ssyncadd.s32 $0xFFFFC000  }
0xe8: {  	[spmem:s1] =	stream.indirect.scatter.add.f32 [tilespmem:s22], [sflag:$0x3], $0x80, s23, s19, $0xb8;
	[tilespmem:$0x1E800] =	vst v63  }
0xe9: {  	_ =	swait.ge [sflag:s24], $0x4000  }
0xea: {  	[sflag:s24] =	ssyncset.done $0x0  }
0xeb: {  	s28 =	simm.s32 $0x100;
	[sflag:s24] =	ssyncadd.s32 $0xFFFFC000  }
0xec: {  	[tilespmem:s20], [sflag:$0x1] =	stream.indirect.gather [hbm4b:s4+s19], $0x80, s28, s19, $0xb8;
	[tilespmem:$0x1E800] =	vst v63  }
0xed: {  	_ =	swait.ge [sflag:s21], $0x4000  }
0xee: {  	[sflag:s21] =	ssyncset.done $0x0  }
0xef: {  	s28 =	simm.s32 $0x1500;
	[sflag:s21] =	ssyncadd.s32 $0xFFFFC000  }
0xf0: {  	[spmem:s1] =	stream.indirect.scatter.add.f32 [tilespmem:s20], [sflag:$0x2], $0x80, s28, s19, $0xb8;
	[tilespmem:$0x1E800] =	vst v63  }
0xf1: {  	_ =	swait.ge [sflag:s25], $0x4000  }
0xf2: {  	[sflag:s25] =	ssyncset.done $0x0  }
0xf3: {  	s28 =	simm.s32 $0x180;
	[sflag:s25] =	ssyncadd.s32 $0xFFFFC000  }
0xf4: {  	[tilespmem:s22], [sflag:$0x1] =	stream.indirect.gather [hbm4b:s4+s19], $0x80, s28, s19, $0xb8;
	[tilespmem:$0x1E800] =	vst v63  }
0xf5: {  	_ =	swait.ge [sflag:s21], $0x4000  }
0xf6: {  	[sflag:s21] =	ssyncset.done $0x0  }
0xf7: {  	s29 =	simm.s32 $0x1580;
	s28 =	simm.s32 $0xFFFFB800;
	[sflag:s21] =	ssyncadd.s32 $0xFFFFC000  }
.LBB2_8:
0xf8: {  	[spmem:s1] =	stream.indirect.scatter.add.f32 [tilespmem:s22], [sflag:$0x3], $0x80, s29, s19, $0xb8;
	[tilespmem:$0x1E800] =	vst v63  }
0xf9: {  	s29 =	smov.u32 s28  }
0xfa: {  	p0 =	sne.s32 s28, $0xFFFFFC00;
	s28 =	sadd.s32 $0x400, s28;
	_ =	swait.ge [sflag:s24], $0x4000  }
0xfb: {  	s29 =	sshra.s32 s29, $0x2;
	[sflag:s24] =	ssyncset.done $0x0  }
0xfc: {  	s30 =	sadd.s32 $0x1400, s29;
	[sflag:s24] =	ssyncadd.s32 $0xFFFFC000  }
0xfd: {  	[tilespmem:s20], [sflag:$0x1] =	stream.indirect.gather [hbm4b:s4+s19], $0x80, s30, s19, $0xb8;
	[tilespmem:$0x1E800] =	vst v63  }
0xfe: {  	_ =	swait.ge [sflag:s21], $0x4000  }
0xff: {  	[sflag:s21] =	ssyncset.done $0x0  }
0x100: {  	s30 =	sadd.s32 $0x2800, s29;
	[sflag:s21] =	ssyncadd.s32 $0xFFFFC000  }
0x101: {  	[spmem:s1] =	stream.indirect.scatter.add.f32 [tilespmem:s20], [sflag:$0x2], $0x80, s30, s19, $0xb8;
	[tilespmem:$0x1E800] =	vst v63  }
0x102: {  	_ =	swait.ge [sflag:s25], $0x4000  }
0x103: {  	[sflag:s25] =	ssyncset.done $0x0  }
.Ltmp3:
0x104: {  	s30 =	sadd.s32 $0x1480, s29;
	[sflag:s25] =	ssyncadd.s32 $0xFFFFC000;
	(pc) =	sbr.rel @p0 .LBB2_8-.Ltmp3, $4  }
0x105: {  	[tilespmem:s22], [sflag:$0x1] =	stream.indirect.gather [hbm4b:s4+s19], $0x80, s30, s19, $0xb8;
	[tilespmem:$0x1E800] =	vst v63  }
0x106: {  	_ =	swait.ge [sflag:s21], $0x4000  }
0x107: {  	[sflag:s21] =	ssyncset.done $0x0  }
0x108: {  	s29 =	sadd.s32 $0x2880, s29;
	[sflag:s21] =	ssyncadd.s32 $0xFFFFC000  }
0x109: {  	[spmem:s1] =	stream.indirect.scatter.add.f32 [tilespmem:s22], [sflag:$0x3], $0x80, s29, s19, $0xb8;
	[tilespmem:$0x1E800] =	vst v63  }
0x10a: {  	_ =	swait.ge [sflag:s24], $0x4000  }
0x10b: {  	[sflag:s24] =	ssyncset.done $0x0  }
0x10c: {  	[sflag:s24] =	ssyncadd.s32 $0xFFFFC000  }
0x10d: {  	_ =	swait.ge [sflag:s25], $0x4000  }
0x10e: {  	s26 =	sadd.s32 $0x1, s26;
	[sflag:s25] =	ssyncset.done $0x0  }
0x10f: {  	p0 =	sne.s32 s26, s15;
	[sflag:s25] =	ssyncadd.s32 $0xFFFFC000  }
.Ltmp4:
0x110: {  	[bflag:$0x0] =	sbarrier.arrive $0xFFFF;
	(pc) =	sbr.rel @p0 .LBB2_1-.Ltmp4, $4  }
0x111: {  	[hbm:s14], [sflag:s6] =	dma.local [spmem:s16], $0x2800  }
0x112: {  	_ =	swait.ge [sflag:s17], $0x2800  }
0x113: {  	[sflag:s17] =	ssyncset.done $0x0  }
0x114: {  	[sflag:s17] =	ssyncadd.s32 $0xFFFFD800  }
0x115: {  	_ =	sfence.sel $0x180000  }
0x116: {  	[bflag:$0x0] =	sbarrier.arrive $0xFFFF  }
0x117: {  	p0 =	sne.s32 s3, $0x0;
	_ =	strace $0x90000050  }
0x118: {  	s0 =	sadd.s32 @!p0 $0x100000, s0;
	[bflag:$0x2] =	sbarrier.arrive $0xFFFF  }
0x119: {  	[sflag:s0] =	ssyncadd.tile.s32 @!p0 $0x1;
	_ =	shalt  }
.Lfunc_end2:
_tile_overlayer_lowered:
.L_overlay_start_2:
0x11a: {  	(tag) =	ssettag $0x2  }
0x11b: {  	s0 =	rddreg [dreg:$0x0];
	s2 =	stileid.u32  }
0x11c: {  	s1 =	rddreg [dreg:$0x1];
	p0 =	sne.s32 s2, $0x0  }
0x11d: {  	s3 =	rddreg [dreg:$0x2];
	[bflag:$0x3] =	sbarrier.arrive $0xFFFF;
	s2 =	simm.s32 @!p0 $0x1C04  }
0x11e: {  	[timem:s3], [sflag:s2] =	dma.local @!p0 [hbm:s0], s1  }
0x11f: {  	s0 =	simm.s32 @!p0 $0x4  }
0x120: {  	_ =	swait.ge @!p0 [sflag:s0], s1  }
0x121: {  	s1 =	ssub.s32 @!p0 $0x0, s1;
	[sflag:s0] =	ssyncset.done @!p0 $0x0  }
0x122: {  	[sflag:s0] =	ssyncadd.s32 @!p0 s1  }
0x123: {  	[bflag:$0x3] =	sbarrier.arrive $0xFFFF  }
0x124: {  	_ =	shalt  }

// kernel: kernel.24.cloned.1.call-start
scs
__scs_entry_jumppad:
0x0: {  	(pc) =	sbr.rel $0x88, $3  }
0x1: {  	(tag) =	ssettag $0x0;
	lr =	simm.s32 $0x1  }
0x2: {  	[smem:$0x3F82] =	sst lr;
	_ =	strace $0xD0000000  }
0x3: {  	_ = 	snop  }
0x4: {  	_ = 	snop  }
0x5: {  	_ = 	snop  }
0x6: {  	_ = 	snop  }
0x7: {  	_ = 	snop  }
__scs_overlays_trampoline_lowered:
0x8: {  	[smem:$0x3F91] =	sst s0  }
0x9: {  	[smem:$0x3F92] =	sst s1  }
0xa: {  	[smem:$0x3F93] =	sst s2  }
0xb: {  	[smem:$0x3F94] =	sst s3  }
0xc: {  	[smem:$0x3F95] =	sst s4  }
0xd: {  	[smem:$0x3F96] =	sst s5  }
0xe: {  	[smem:$0x3F97] =	sst s6  }
0xf: {  	[smem:$0x3F98] =	sst s7  }
0x10: {  	[smem:$0x3F99] =	sst s8  }
0x11: {  	[smem:$0x3F9A] =	sst s9;
	s0 =	simm.s32 @!p0 $0x0  }
0x12: {  	s1 =	sld [smem:$0x3F80];
	s0 =	simm.s32 @p0 $0x1  }
0x13: {  	[smem:$0x3F9B] =	sst s0;
	s0 =	simm.s32 @!p1 $0x0  }
0x14: {  	s2 =	sld [smem:$0x3F7F];
	s0 =	simm.s32 @p1 $0x1  }
0x15: {  	[smem:$0x3F9C] =	sst s0;
	s0 =	simm.s32 @!p2 $0x0  }
0x16: {  	s3 =	sld [smem:$0x3FDB];
	s0 =	simm.s32 @p2 $0x1  }
0x17: {  	s4 =	simm.s32 $0x1BF5;
	[smem:$0x3F9E] =	sst s0  }
0x18: {  	s0 =	sld [smem:$0x3F81];
	_ =	swait.ge [sflag:s4], $0x0  }
0x19: {  	s7 =	sld [smem:$0x3F82]  }
0x1a: {  	s8 =	sadd.s32 $0xFFFFE003, lr  }
0x1b: {  	s9 =	sadd.s32 $0xFFFFFEF7, lr;
	s5 =	simm.s32 $0xFFFFFFFF;
	p2 =	slt.u32 s8, $0xFFFFF086  }
0x1c: {  	p1 =	slt.u32 s9, $0xF7A;
	s5 =	simm.s32 @!p2 $0x0  }
0x1d: {  	s5 =	simm.s32 @p1 $0x1;
	p0 =	seq.s32 s7, s2  }
0x1e: {  	s7 =	smul.u32 @!p0 $0xF7A, s2;
	p2 =	seq.s32 @!p0 s5, $0x0  }
0x1f: {  	s9 =	smul.u32 $0xF7A, s1;
	s8 =	simm.s32 @!p0 $0x1BF5;
	p2 =	por !p2, p0  }
0x20: {  	[sflag:s8] =	ssyncset.s32 @!p0 $0xFFFFF086;
	s6 =	sadd.s32 @!p0 s3, s7;
	s7 =	simm.s32 @!p0 $0x108  }
0x21: {  	s3 =	sadd.s32 s3, s9;
	s6 =	sadd.s32 @!p0 $0x88, s6;
	s7 =	simm.s32 @p2 $0x1082  }
0x22: {  	[simem:s7], [sflag:s8] =	dma.local @!p0 [hbm:s6], $0xF7A  }
0x23: {  	s9 =	sor.u32 $0xD0000000, s2;
	s6 =	simm.s32 $0x108;
	_ =	swait.ge @!p0 [sflag:s8], $0x0  }
0x24: {  	s3 =	sadd.s32 $0x88, s3;
	s6 =	simm.s32 @!p1 $0x1082;
	[sflag:s4] =	ssyncset.s32 $0xFFFFF086  }
0x25: {  	[simem:s6], [sflag:s4] =	dma.local [hbm:s3], $0xF7A  }
0x26: {  	[smem:$0x3F82] =	sst s1;
	(tag) =	ssettag s2;
	_ =	strace s9  }
0x27: {  	s1 =	sld [smem:$0x3F92]  }
0x28: {  	s2 =	sld [smem:$0x3F93]  }
0x29: {  	s4 =	sld [smem:$0x3F95]  }
0x2a: {  	p0 =	seq.s32 s5, $0x0;
	s5 =	sld [smem:$0x3F96]  }
0x2b: {  	s6 =	sld [smem:$0x3F97]  }
0x2c: {  	s7 =	sld [smem:$0x3F98]  }
0x2d: {  	s3 =	simm.s32 $0x108;
	s8 =	sld [smem:$0x3F99]  }
0x2e: {  	s3 =	simm.s32 @!p0 $0x1082;
	s9 =	sld [smem:$0x3F9A]  }
0x2f: {  	lr =	sadd.s32 s0, s3;
	s0 =	sld [smem:$0x3F91]  }
0x30: {  	s3 =	sld [smem:$0x3F94]  }
0x31: {  	[smem:$0x3F9D] =	sst s10  }
0x32: {  	s10 =	sld [smem:$0x3F9B];
	_ =	sdelay $0x3  }
0x33: {  	p0 =	seq.s32 s10, $0x1;
	s10 =	sld [smem:$0x3F9D];
	_ =	sdelay $0x3  }
0x34: {  	[smem:$0x3F9D] =	sst s10  }
0x35: {  	s10 =	sld [smem:$0x3F9C];
	_ =	sdelay $0x3  }
0x36: {  	p1 =	seq.s32 s10, $0x1;
	s10 =	sld [smem:$0x3F9D];
	_ =	sdelay $0x3  }
0x37: {  	[smem:$0x3F9D] =	sst s10  }
0x38: {  	s10 =	sld [smem:$0x3F9E]  }
0x39: {  	_ = 	snop;
	(pc) =	sbr.ind lr, $3  }
0x3a: {  	_ = 	snop  }
0x3b: {  	_ = 	snop  }
0x3c: {  	p2 =	seq.s32 s10, $0x1;
	s10 =	sld [smem:$0x3F9D]  }
0x3d: {  	_ =	shalt  }
0x3e: {  	_ =	shalt  }
0x3f: {  	_ =	shalt  }
0x40: {  	_ =	shalt  }
0x41: {  	_ =	shalt  }
0x42: {  	_ =	shalt  }
0x43: {  	_ =	shalt  }
0x44: {  	_ =	shalt  }
0x45: {  	_ =	shalt  }
0x46: {  	_ =	shalt  }
0x47: {  	_ =	shalt  }
0x48: {  	_ =	shalt  }
0x49: {  	_ =	shalt  }
0x4a: {  	_ =	shalt  }
0x4b: {  	_ =	shalt  }
0x4c: {  	_ =	shalt  }
0x4d: {  	_ =	shalt  }
0x4e: {  	_ =	shalt  }
0x4f: {  	_ =	shalt  }
0x50: {  	_ =	shalt  }
0x51: {  	_ =	shalt  }
0x52: {  	_ =	shalt  }
0x53: {  	_ =	shalt  }
0x54: {  	_ =	shalt  }
0x55: {  	_ =	shalt  }
0x56: {  	_ =	shalt  }
0x57: {  	_ =	shalt  }
0x58: {  	_ =	shalt  }
0x59: {  	_ =	shalt  }
0x5a: {  	_ =	shalt  }
0x5b: {  	_ =	shalt  }
0x5c: {  	_ =	shalt  }
0x5d: {  	_ =	shalt  }
0x5e: {  	_ =	shalt  }
0x5f: {  	_ =	shalt  }
0x60: {  	_ =	shalt  }
0x61: {  	_ =	shalt  }
0x62: {  	_ =	shalt  }
0x63: {  	_ =	shalt  }
0x64: {  	_ =	shalt  }
0x65: {  	_ =	shalt  }
0x66: {  	_ =	shalt  }
0x67: {  	_ =	shalt  }
0x68: {  	_ =	shalt  }
0x69: {  	_ =	shalt  }
0x6a: {  	_ =	shalt  }
0x6b: {  	_ =	shalt  }
0x6c: {  	_ =	shalt  }
0x6d: {  	_ =	shalt  }
0x6e: {  	_ =	shalt  }
0x6f: {  	_ =	shalt  }
0x70: {  	_ =	shalt  }
0x71: {  	_ =	shalt  }
0x72: {  	_ =	shalt  }
0x73: {  	_ =	shalt  }
0x74: {  	_ =	shalt  }
0x75: {  	_ =	shalt  }
0x76: {  	_ =	shalt  }
0x77: {  	_ =	shalt  }
0x78: {  	_ =	shalt  }
0x79: {  	_ =	shalt  }
0x7a: {  	_ =	shalt  }
0x7b: {  	_ =	shalt  }
0x7c: {  	_ =	shalt  }
0x7d: {  	_ =	shalt  }
0x7e: {  	_ =	shalt  }
0x7f: {  	_ =	shalt  }
0x80: {  	_ =	shalt  }
0x81: {  	_ =	shalt  }
0x82: {  	_ =	shalt  }
0x83: {  	_ =	shalt  }
0x84: {  	_ =	shalt  }
0x85: {  	_ =	shalt  }
0x86: {  	_ =	shalt  }
0x87: {  	_ =	shalt  }
.Lfunc_end0:
.L_simem_size_0:
called_computation.4_lowered:
.L_overlay_start_0:
0x88: {  	s2 =	sld [smem:$0x3FD9]  }
0x89: {  	s3 =	sld [smem:$0x3FFE];
	_ =	sdelay $0x1  }
0x8a: {  	s1 =	srdreg.scid  }
0x8b: {  	s0 =	sand.u32 $0x1, s1  }
0x8c: {  	s17 =	sshll.u32 s0, $0xA;
	s2 =	sadd.s32 s3, s2  }
0x8d: {  	s2 =	sadd.s32 s2, s17  }
0x8e: {  	[smem:$0x3FA9] =	sst s2  }
0x8f: {  	_ = 	snop  }
0x90: {  	s2 =	sld [smem:$0x3FD0];
	(tm) =	ssettm $0x1  }
0x91: {  	s18 =	sld [smem:$0x3FFB];
	_ =	sdelay $0x3  }
0x92: {  	_ =	strace s18  }
0x93: {  	s3 =	sld [smem:$0x3FFC];
	_ =	sdelay $0x3  }
0x94: {  	_ =	strace s3  }
0x95: {  	s3 =	sld [smem:$0x3FFD];
	_ =	sdelay $0x3  }
0x96: {  	_ =	strace s3  }
0x97: {  	_ =	strace $0x8FFFFFFF  }
0x98: {  	s19 =	sld [smem:$0x3FDB];
	_ =	sdelay $0x1  }
0x99: {  	s4 =	simm.s32 $_scs_section_size  }
0x9a: {  	s5 =	simm.s32 $_size__tile_overlayer_lowered;
	s6 =	simm.s32 $_tile_overlayer_lowered  }
0x9b: {  	s22 =	simm.s32 $0x1BFF;
	s21 =	sshll.u32 s6, $0x1;
	s3 =	sadd.s32 s4, s19  }
0x9c: {  	s7 =	simm.s32 $0x0;
	s20 =	sshll.u32 s5, $0x1;
	s5 =	sadd.s32 s21, s3  }
0x9d: {  	[timem:s7], [sflag:s22] =	dma.local [hbm:s5], s20  }
0x9e: {  	_ =	swait.ge [sflag:s22], s20  }
0x9f: {  	s4 =	ssub.s32 $0x0, s20;
	[sflag:s22] =	ssyncset.done $0x0  }
0xa0: {  	[sflag:s22] =	ssyncadd.s32 s4;
	_ =	sdelay $0x1  }
0xa1: {  	s23 =	simm.s32 $0x1B8B  }
0xa2: {  	_ =	swait.ge [sflag:s23], $0x1  }
0xa3: {  	[sflag:s23] =	ssyncset.done $0x0  }
0xa4: {  	s25 =	simm.s32 $0x1B8E;
	s24 =	sld [smem:$0x3FFE];
	[sflag:s23] =	ssyncadd.s32 $0xFFFFFFFF  }
0xa5: {  	s26 =	simm.s32 $execute0_lowered;
	[smem:$0x3FD2] =	sst s25  }
0xa6: {  	s5 =	sshll.u32 s26, $0x1;
	_ =	strace $0x80000052;
	[dreg:$0x1] =	wrdreg $0xFFFFFFFF  }
0xa7: {  	s28 =	simm.s32 $_size_execute0_lowered;
	s3 =	sadd.s32 s3, s5;
	[dreg:$0x0] =	wrdreg $0x0  }
0xa8: {  	s5 =	sshll.u32 s28, $0x1;
	[dreg:$0x2] =	wrdreg s3  }
0xa9: {  	[dreg:$0x3] =	wrdreg s5  }
0xaa: {  	[dreg:$0x4] =	wrdreg $0xC0  }
0xab: {  	_ =	task [dreg:s7], $0x5FFFF  }
0xac: {  	[dreg:$0x1] =	wrdreg $0xFFFFFFFF  }
0xad: {  	[dreg:$0x0] =	wrdreg $0x60  }
0xae: {  	[dreg:$0x2] =	wrdreg s2  }
0xaf: {  	[dreg:$0x3] =	wrdreg s24  }
0xb0: {  	[dreg:$0x4] =	wrdreg $0xA8000  }
0xb1: {  	[dreg:$0x5] =	wrdreg $0x9  }
0xb2: {  	_ =	task.clear_ibuf [dreg:s7], $0x6FFFF;
	_ =	strace $0x90000052  }
0xb3: {  	s29 =	simm.s32 $0x9;
	_ =	strace $0x80000054  }
0xb4: {  	_ =	swait.ge [sflag:s29], $0x1  }
0xb5: {  	[sflag:s29] =	ssyncadd.s32 $0xFFFFFFFF  }
0xb6: {  	_ =	strace $0x90000054  }
0xb7: {  	_ =	sfence  }
0xb8: {  	s30 =	sld [smem:$0x0];
	_ =	sdelay $0x2  }
0xb9: {  	s31 =	sshll.u32 s1, $0xD;
	s1 =	sshrl.u32 s1, $0x2  }
0xba: {  	s3 =	sand.u32 $0x4000, s31;
	s1 =	sadd.s32 s1, s30  }
0xbb: {  	s0 =	sor.u32 s3, s0;
	s1 =	sshll.u32 s1, $0x11  }
0xbc: {  	s0 =	sor.u32 s1, s0  }
0xbd: {  	s0 =	sadd.s32 $0x8F2B, s0  }
0xbe: {  	[sflag:s0] =	ssyncadd.remote.s32 $0x1  }
0xbf: {  	_ =	sfence.sel $0xFFFF  }
0xc0: {  	[dreg:$0x0] =	wrdreg $0xFFFFFFFF;
	(pc) =	sbr.abs _section_cstart, $3  }
0xc1: {  	[dreg:$0x1] =	wrdreg $0xFFFFFFFF  }
0xc2: {  	_ =	task.clear_ibuf [dreg:s7], $0x2FFFF;
	_ =	strace $0x9FFFFFFF  }
0xc3: {  	(tm) =	ssettm $0x7FFFFFFF  }
tec
execute0_lowered:
.L_overlay_start_1:
0x0: {  	(tag) =	ssettag $0x1  }
0x1: {  	s9 =	rddreg [dreg:$0x0]  }
0x2: {  	s6 =	rddreg [dreg:$0x1]  }
0x3: {  	s1 =	rddreg [dreg:$0x2]  }
0x4: {  	s0 =	rddreg [dreg:$0x3];
	s3 =	simm.s32 $0x0;
	s2 =	srdreg.scid  }
0x5: {  	s17 =	simm.s32 $0x2800;
	s18 =	simm.s32 $0x1;
	s19 =	simm.s32 $0x6800  }
0x6: {  	s20 =	simm.s32 $0x1480;
	s21 =	simm.s32 $0x2;
	s22 =	simm.s32 $0x3  }
0x7: {  	s23 =	simm.s32 $0x0;
	[smem:$0x7FF] =	sst s3;
	s7 =	sand.u32 $0x1, s2  }
0x8: {  	s2 =	stileid.u32;
	s11 =	sadd.s32 $0xB3200, s6;
	s8 =	smul.u32 $0x28000, s7  }
0x9: {  	s4 =	sadd.s32 $0x12A00, s6;
	s5 =	sadd.s32 $0x10200, s6;
	s10 =	smul.u32 $0x2800, s2  }
0xa: {  	_ =	strace $0x80000053;
	s12 =	ssub.s32 $0x2, s7;
	s14 =	smul.u32 $0x50000, s2  }
0xb: {  	s7 =	sshll.u32 s7, $0x4;
	s29 =	sshll.u32 s2, $0x6;
	s31 =	smul.u32 $0x500, s2  }
0xc: {  	s13 =	sshrl.u32 s12, $0x1;
	s7 =	sor.u32 s2, s7;
	s8 =	sadd.s32 s10, s8  }
0xd: {  	s12 =	ssub.s32 s12, s13;
	s26 =	smul.u32 $0x500, s7;
	s28 =	sshrl.u32 s14, $0x2  }
0xe: {  	s30 =	smul.u32 $0x2800, s7;
	s10 =	sshrl.u32 s10, $0x3;
	s15 =	sadd.s32 s8, s6  }
0xf: {  	s16 =	sadd.s32 s28, s1;
	s6 =	sor.u32 $0x1C04, s29;
	s8 =	sadd.s32 s11, s31  }
0x10: {  	s10 =	sadd.s32 s11, s10;
	s12 =	smax.u32 s12, $0x1;
	s7 =	sadd.s32 s9, s26  }
0x11: {  	s14 =	sshrl.u32 s30, $0x3;
	s10 =	sadd.s32 $0x280, s10;
	s11 =	sadd.s32 $0x62A00, s15  }
0x12: {  	s13 =	sshrl.u32 s16, $0x3;
	s15 =	simm.s32 $0x1400;
	s9 =	sadd.s32 s9, s14  }
0x13: {  	s16 =	simm.s32 $0x80;
	s14 =	simm.s32 $0x4;
	s9 =	sadd.s32 $0x280, s9  }
.LBB2_1:
0x14: {  	[spmem:s13], [sflag:s6] =	dma.local [hbm:s5], $0x2800  }
0x15: {  	_ =	swait.ge [sflag:s14], $0x2800  }
0x16: {  	[sflag:s14] =	ssyncset.done $0x0  }
0x17: {  	[sflag:s14] =	ssyncadd.s32 $0xFFFFD800  }
0x18: {  	[bflag:$0x0] =	sbarrier.arrive $0xFFFF  }
0x19: {  	[tilespmem:s3], [sflag:$0x4] =	stream.linear.gather [hbm4b:s7+s3], $0x1400, $0x38;
	[tilespmem:$0x1E800] =	vst v63  }
0x1a: {  	_ =	swait.ge [sflag:s14], $0x1400  }
0x1b: {  	[sflag:s14] =	ssyncset.done $0x0  }
0x1c: {  	[sflag:s14] =	ssyncadd.s32 $0xFFFFEC00  }
0x1d: {  	[tilespmem:s15], [sflag:$0x4] =	stream.linear.gather [hbm4b:s8+s3], $0x1400, $0x38;
	[tilespmem:$0x1E800] =	vst v63  }
0x1e: {  	_ =	swait.ge [sflag:s14], $0x1400  }
0x1f: {  	[sflag:s14] =	ssyncset.done $0x0  }
0x20: {  	[sflag:s14] =	ssyncadd.s32 $0xFFFFEC00  }
0x21: {  	[tilespmem:s17], [sflag:$0x1] =	stream.indirect.gather [hbm4b:s4+s16], $0x80, s3, s16, $0xb8;
	[tilespmem:$0x1E800] =	vst v63  }
0x22: {  	_ =	swait.ge [sflag:s18], $0x4000  }
0x23: {  	[sflag:s18] =	ssyncset.done $0x0  }
0x24: {  	[sflag:s18] =	ssyncadd.s32 $0xFFFFC000  }
0x25: {  	[spmem:s1] =	stream.indirect.scatter.add.f32 [tilespmem:s17], [sflag:$0x2], $0x80, s15, s16, $0xb8;
	[tilespmem:$0x1E800] =	vst v63  }
0x26: {  	_ = 	snop  }
0x27: {  	[tilespmem:s19], [sflag:$0x1] =	stream.indirect.gather [hbm4b:s4+s16], $0x80, s16, s16, $0xb8;
	[tilespmem:$0x1E800] =	vst v63  }
0x28: {  	_ =	swait.ge [sflag:s18], $0x4000  }
0x29: {  	[sflag:s18] =	ssyncset.done $0x0  }
0x2a: {  	[sflag:s18] =	ssyncadd.s32 $0xFFFFC000  }
0x2b: {  	[spmem:s1] =	stream.indirect.scatter.add.f32 [tilespmem:s19], [sflag:$0x3], $0x80, s20, s16, $0xb8;
	[tilespmem:$0x1E800] =	vst v63  }
0x2c: {  	_ =	swait.ge [sflag:s21], $0x4000  }
0x2d: {  	[sflag:s21] =	ssyncset.done $0x0  }
0x2e: {  	s24 =	simm.s32 $0x100;
	[sflag:s21] =	ssyncadd.s32 $0xFFFFC000  }
0x2f: {  	[tilespmem:s17], [sflag:$0x1] =	stream.indirect.gather [hbm4b:s4+s16], $0x80, s24, s16, $0xb8;
	[tilespmem:$0x1E800] =	vst v63  }
0x30: {  	_ =	swait.ge [sflag:s18], $0x4000  }
0x31: {  	[sflag:s18] =	ssyncset.done $0x0  }
0x32: {  	s30 =	simm.s32 $0x1500;
	[sflag:s18] =	ssyncadd.s32 $0xFFFFC000  }
0x33: {  	[spmem:s1] =	stream.indirect.scatter.add.f32 [tilespmem:s17], [sflag:$0x2], $0x80, s30, s16, $0xb8;
	[tilespmem:$0x1E800] =	vst v63  }
0x34: {  	_ =	swait.ge [sflag:s22], $0x4000  }
0x35: {  	[sflag:s22] =	ssyncset.done $0x0  }
0x36: {  	s31 =	simm.s32 $0x180;
	[sflag:s22] =	ssyncadd.s32 $0xFFFFC000  }
0x37: {  	[tilespmem:s19], [sflag:$0x1] =	stream.indirect.gather [hbm4b:s4+s16], $0x80, s31, s16, $0xb8;
	[tilespmem:$0x1E800] =	vst v63  }
0x38: {  	_ =	swait.ge [sflag:s18], $0x4000  }
0x39: {  	[sflag:s18] =	ssyncset.done $0x0  }
0x3a: {  	s25 =	simm.s32 $0x1580;
	s24 =	simm.s32 $0xFFFFB800;
	[sflag:s18] =	ssyncadd.s32 $0xFFFFC000  }
.LBB2_2:
0x3b: {  	[spmem:s1] =	stream.indirect.scatter.add.f32 [tilespmem:s19], [sflag:$0x3], $0x80, s25, s16, $0xb8;
	[tilespmem:$0x1E800] =	vst v63  }
0x3c: {  	s25 =	smov.u32 s24  }
0x3d: {  	p0 =	sne.s32 s24, $0xFFFFFC00;
	s24 =	sadd.s32 $0x400, s24;
	_ =	swait.ge [sflag:s21], $0x4000  }
0x3e: {  	s25 =	sshra.s32 s25, $0x2;
	[sflag:s21] =	ssyncset.done $0x0  }
0x3f: {  	s26 =	sadd.s32 $0x1400, s25;
	[sflag:s21] =	ssyncadd.s32 $0xFFFFC000  }
0x40: {  	[tilespmem:s17], [sflag:$0x1] =	stream.indirect.gather [hbm4b:s4+s16], $0x80, s26, s16, $0xb8;
	[tilespmem:$0x1E800] =	vst v63  }
0x41: {  	_ =	swait.ge [sflag:s18], $0x4000  }
0x42: {  	[sflag:s18] =	ssyncset.done $0x0  }
0x43: {  	s26 =	sadd.s32 $0x2800, s25;
	[sflag:s18] =	ssyncadd.s32 $0xFFFFC000  }
0x44: {  	[spmem:s1] =	stream.indirect.scatter.add.f32 [tilespmem:s17], [sflag:$0x2], $0x80, s26, s16, $0xb8;
	[tilespmem:$0x1E800] =	vst v63  }
0x45: {  	_ =	swait.ge [sflag:s22], $0x4000  }
0x46: {  	[sflag:s22] =	ssyncset.done $0x0  }
.Ltmp0:
0x47: {  	s26 =	sadd.s32 $0x1480, s25;
	[sflag:s22] =	ssyncadd.s32 $0xFFFFC000;
	(pc) =	sbr.rel @p0 .LBB2_2-.Ltmp0, $4  }
0x48: {  	[tilespmem:s19], [sflag:$0x1] =	stream.indirect.gather [hbm4b:s4+s16], $0x80, s26, s16, $0xb8;
	[tilespmem:$0x1E800] =	vst v63  }
0x49: {  	_ =	swait.ge [sflag:s18], $0x4000  }
0x4a: {  	[sflag:s18] =	ssyncset.done $0x0  }
0x4b: {  	s25 =	sadd.s32 $0x2880, s25;
	[sflag:s18] =	ssyncadd.s32 $0xFFFFC000  }
0x4c: {  	[spmem:s1] =	stream.indirect.scatter.add.f32 [tilespmem:s19], [sflag:$0x3], $0x80, s25, s16, $0xb8;
	[tilespmem:$0x1E800] =	vst v63  }
0x4d: {  	_ =	swait.ge [sflag:s21], $0x4000  }
0x4e: {  	[sflag:s21] =	ssyncset.done $0x0  }
0x4f: {  	[sflag:s21] =	ssyncadd.s32 $0xFFFFC000  }
0x50: {  	_ =	swait.ge [sflag:s22], $0x4000  }
0x51: {  	[sflag:s22] =	ssyncset.done $0x0  }
0x52: {  	[sflag:s22] =	ssyncadd.s32 $0xFFFFC000  }
0x53: {  	[tilespmem:s3], [sflag:$0x4] =	stream.linear.gather [hbm4b:s9+s3], $0x1400, $0x38;
	[tilespmem:$0x1E800] =	vst v63  }
0x54: {  	_ =	swait.ge [sflag:s14], $0x1400  }
0x55: {  	[sflag:s14] =	ssyncset.done $0x0  }
0x56: {  	[sflag:s14] =	ssyncadd.s32 $0xFFFFEC00  }
0x57: {  	[tilespmem:s15], [sflag:$0x4] =	stream.linear.gather [hbm4b:s10+s3], $0x1400, $0x38;
	[tilespmem:$0x1E800] =	vst v63  }
0x58: {  	_ =	swait.ge [sflag:s14], $0x1400  }
0x59: {  	[sflag:s14] =	ssyncset.done $0x0  }
0x5a: {  	[sflag:s14] =	ssyncadd.s32 $0xFFFFEC00  }
0x5b: {  	[tilespmem:s17], [sflag:$0x1] =	stream.indirect.gather [hbm4b:s4+s16], $0x80, s3, s16, $0xb8;
	[tilespmem:$0x1E800] =	vst v63  }
0x5c: {  	_ =	swait.ge [sflag:s18], $0x4000  }
0x5d: {  	[sflag:s18] =	ssyncset.done $0x0  }
0x5e: {  	[sflag:s18] =	ssyncadd.s32 $0xFFFFC000  }
0x5f: {  	[spmem:s1] =	stream.indirect.scatter.add.f32 [tilespmem:s17], [sflag:$0x2], $0x80, s15, s16, $0xb8;
	[tilespmem:$0x1E800] =	vst v63  }
0x60: {  	_ = 	snop  }
0x61: {  	[tilespmem:s19], [sflag:$0x1] =	stream.indirect.gather [hbm4b:s4+s16], $0x80, s16, s16, $0xb8;
	[tilespmem:$0x1E800] =	vst v63  }
0x62: {  	_ =	swait.ge [sflag:s18], $0x4000  }
0x63: {  	[sflag:s18] =	ssyncset.done $0x0  }
0x64: {  	[sflag:s18] =	ssyncadd.s32 $0xFFFFC000  }
0x65: {  	[spmem:s1] =	stream.indirect.scatter.add.f32 [tilespmem:s19], [sflag:$0x3], $0x80, s20, s16, $0xb8;
	[tilespmem:$0x1E800] =	vst v63  }
0x66: {  	_ =	swait.ge [sflag:s21], $0x4000  }
0x67: {  	[sflag:s21] =	ssyncset.done $0x0  }
0x68: {  	s24 =	simm.s32 $0x100;
	[sflag:s21] =	ssyncadd.s32 $0xFFFFC000  }
0x69: {  	[tilespmem:s17], [sflag:$0x1] =	stream.indirect.gather [hbm4b:s4+s16], $0x80, s24, s16, $0xb8;
	[tilespmem:$0x1E800] =	vst v63  }
0x6a: {  	_ =	swait.ge [sflag:s18], $0x4000  }
0x6b: {  	[sflag:s18] =	ssyncset.done $0x0  }
0x6c: {  	s30 =	simm.s32 $0x1500;
	[sflag:s18] =	ssyncadd.s32 $0xFFFFC000  }
0x6d: {  	[spmem:s1] =	stream.indirect.scatter.add.f32 [tilespmem:s17], [sflag:$0x2], $0x80, s30, s16, $0xb8;
	[tilespmem:$0x1E800] =	vst v63  }
0x6e: {  	_ =	swait.ge [sflag:s22], $0x4000  }
0x6f: {  	[sflag:s22] =	ssyncset.done $0x0  }
0x70: {  	s31 =	simm.s32 $0x180;
	[sflag:s22] =	ssyncadd.s32 $0xFFFFC000  }
0x71: {  	[tilespmem:s19], [sflag:$0x1] =	stream.indirect.gather [hbm4b:s4+s16], $0x80, s31, s16, $0xb8;
	[tilespmem:$0x1E800] =	vst v63  }
0x72: {  	_ =	swait.ge [sflag:s18], $0x4000  }
0x73: {  	[sflag:s18] =	ssyncset.done $0x0  }
0x74: {  	s25 =	simm.s32 $0x1580;
	s24 =	simm.s32 $0xFFFFB800;
	[sflag:s18] =	ssyncadd.s32 $0xFFFFC000  }
.LBB2_4:
0x75: {  	[spmem:s1] =	stream.indirect.scatter.add.f32 [tilespmem:s19], [sflag:$0x3], $0x80, s25, s16, $0xb8;
	[tilespmem:$0x1E800] =	vst v63  }
0x76: {  	s25 =	smov.u32 s24  }
0x77: {  	p0 =	sne.s32 s24, $0xFFFFFC00;
	s24 =	sadd.s32 $0x400, s24;
	_ =	swait.ge [sflag:s21], $0x4000  }
0x78: {  	s25 =	sshra.s32 s25, $0x2;
	[sflag:s21] =	ssyncset.done $0x0  }
0x79: {  	s26 =	sadd.s32 $0x1400, s25;
	[sflag:s21] =	ssyncadd.s32 $0xFFFFC000  }
0x7a: {  	[tilespmem:s17], [sflag:$0x1] =	stream.indirect.gather [hbm4b:s4+s16], $0x80, s26, s16, $0xb8;
	[tilespmem:$0x1E800] =	vst v63  }
0x7b: {  	_ =	swait.ge [sflag:s18], $0x4000  }
0x7c: {  	[sflag:s18] =	ssyncset.done $0x0  }
0x7d: {  	s26 =	sadd.s32 $0x2800, s25;
	[sflag:s18] =	ssyncadd.s32 $0xFFFFC000  }
0x7e: {  	[spmem:s1] =	stream.indirect.scatter.add.f32 [tilespmem:s17], [sflag:$0x2], $0x80, s26, s16, $0xb8;
	[tilespmem:$0x1E800] =	vst v63  }
0x7f: {  	_ =	swait.ge [sflag:s22], $0x4000  }
0x80: {  	[sflag:s22] =	ssyncset.done $0x0  }
.Ltmp1:
0x81: {  	s26 =	sadd.s32 $0x1480, s25;
	[sflag:s22] =	ssyncadd.s32 $0xFFFFC000;
	(pc) =	sbr.rel @p0 .LBB2_4-.Ltmp1, $4  }
0x82: {  	[tilespmem:s19], [sflag:$0x1] =	stream.indirect.gather [hbm4b:s4+s16], $0x80, s26, s16, $0xb8;
	[tilespmem:$0x1E800] =	vst v63  }
0x83: {  	_ =	swait.ge [sflag:s18], $0x4000  }
0x84: {  	[sflag:s18] =	ssyncset.done $0x0  }
0x85: {  	s25 =	sadd.s32 $0x2880, s25;
	[sflag:s18] =	ssyncadd.s32 $0xFFFFC000  }
0x86: {  	[spmem:s1] =	stream.indirect.scatter.add.f32 [tilespmem:s19], [sflag:$0x3], $0x80, s25, s16, $0xb8;
	[tilespmem:$0x1E800] =	vst v63  }
0x87: {  	_ =	swait.ge [sflag:s21], $0x4000  }
0x88: {  	[sflag:s21] =	ssyncset.done $0x0  }
0x89: {  	[sflag:s21] =	ssyncadd.s32 $0xFFFFC000  }
0x8a: {  	_ =	swait.ge [sflag:s22], $0x4000  }
0x8b: {  	s23 =	sadd.s32 $0x1, s23;
	[sflag:s22] =	ssyncset.done $0x0  }
0x8c: {  	p0 =	sne.s32 s23, s12;
	[sflag:s22] =	ssyncadd.s32 $0xFFFFC000  }
.Ltmp2:
0x8d: {  	[bflag:$0x0] =	sbarrier.arrive $0xFFFF;
	(pc) =	sbr.rel @p0 .LBB2_1-.Ltmp2, $4  }
0x8e: {  	[hbm:s11], [sflag:s6] =	dma.local [spmem:s13], $0x2800  }
0x8f: {  	_ =	swait.ge [sflag:s14], $0x2800  }
0x90: {  	[sflag:s14] =	ssyncset.done $0x0  }
0x91: {  	[sflag:s14] =	ssyncadd.s32 $0xFFFFD800  }
0x92: {  	_ =	sfence.sel $0x180000  }
0x93: {  	[bflag:$0x0] =	sbarrier.arrive $0xFFFF  }
0x94: {  	p0 =	sne.s32 s2, $0x0;
	_ =	strace $0x90000053  }
0x95: {  	s0 =	sadd.s32 @!p0 $0x100000, s0;
	[bflag:$0x2] =	sbarrier.arrive $0xFFFF  }
0x96: {  	[sflag:s0] =	ssyncadd.tile.s32 @!p0 $0x1;
	_ =	shalt  }
.Lfunc_end2:
_tile_overlayer_lowered:
.L_overlay_start_2:
0x97: {  	(tag) =	ssettag $0x2  }
0x98: {  	s0 =	rddreg [dreg:$0x0];
	s2 =	stileid.u32  }
0x99: {  	s1 =	rddreg [dreg:$0x1];
	p0 =	sne.s32 s2, $0x0  }
0x9a: {  	s3 =	rddreg [dreg:$0x2];
	[bflag:$0x3] =	sbarrier.arrive $0xFFFF;
	s2 =	simm.s32 @!p0 $0x1C04  }
0x9b: {  	[timem:s3], [sflag:s2] =	dma.local @!p0 [hbm:s0], s1  }
0x9c: {  	s0 =	simm.s32 @!p0 $0x4  }
0x9d: {  	_ =	swait.ge @!p0 [sflag:s0], s1  }
0x9e: {  	s1 =	ssub.s32 @!p0 $0x0, s1;
	[sflag:s0] =	ssyncset.done @!p0 $0x0  }
0x9f: {  	[sflag:s0] =	ssyncadd.s32 @!p0 s1  }
0xa0: {  	[bflag:$0x3] =	sbarrier.arrive $0xFFFF  }
0xa1: {  	_ =	shalt  }

</sc_bundles>
